<compile_context>
chip_gen: v7x
topology: tpu7x:2x2x1
jax: 0.10.2.dev20260603
libtpu: 0.0.44.dev20260713+nightly
codegen_flags: <defaults>
</compile_context>

<pallas_src>
import functools

import jax
import jax.numpy as jnp
from jax import lax
from jax.experimental import pallas as pl
from jax.experimental.pallas import tpu as pltpu
from jax.experimental.pallas import tpu_sc as plsc

N = 10000
E = 640000
IN_DIM = 128
HIDDEN = 64
EPS = 1e-5

NC = 2
NS = 16
NW = NC * NS
EPW = E // NW
CH = 128
EROWS = E // CH
SLOTS = 156
RPT = 632
RPT_LAST = N - (NS - 1) * RPT

_mesh = plsc.VectorSubcoreMesh(core_axis_name="c", subcore_axis_name="s")



@functools.partial(
    pl.kernel,
    out_type=jax.ShapeDtypeStruct((NW, N), jnp.float32),
    mesh=_mesh,
    scratch_types=[
        pltpu.VMEM((EPW,), jnp.int32),
        pltpu.VMEM((N,), jnp.float32),
        pltpu.SemaphoreType.DMA,
    ],
    compiler_params=pltpu.CompilerParams(needs_layout_passes=False,
                                         use_tc_tiling_on_sc=False),
)
def _deg_kernel(ei_hbm, out_hbm, idx_v, hist_v, sem):
    cid = lax.axis_index("c")
    sid = lax.axis_index("s")
    wid = cid * NS + sid

    pltpu.async_copy(ei_hbm.at[1, pl.ds(wid * EPW, EPW)], idx_v, sem)

    zero16 = jnp.zeros((16,), jnp.float32)

    def zbody(i, _):
        hist_v[pl.ds(i * 16, 16)] = zero16
        return 0

    lax.fori_loop(0, N // 16, zbody, 0)

    pltpu.make_async_copy(ei_hbm.at[1, pl.ds(0, EPW)], idx_v, sem).wait()

    ones16 = jnp.ones((16,), jnp.float32)

    def body(i, _):
        for u in range(10):
            idx16 = idx_v[pl.ds((i * 10 + u) * 16, 16)]
            plsc.addupdate_scatter(hist_v, [idx16], ones16)
        return 0

    lax.fori_loop(0, EPW // (16 * 10), body, 0)

    pltpu.sync_copy(hist_v, out_hbm.at[wid])



@functools.partial(
    pl.kernel,
    out_type=jax.ShapeDtypeStruct((N, NC * HIDDEN), jnp.float32),
    mesh=_mesh,
    scratch_types=[
        pltpu.VMEM((1, CH), jnp.int32),
        pltpu.VMEM((1, CH), jnp.int32),
        pltpu.VMEM((1, CH), jnp.int32),
        pltpu.VMEM((1, CH), jnp.int32),
        pltpu.VMEM((1, CH), jnp.int32),
        pltpu.VMEM((1, CH), jnp.int32),
        pltpu.VMEM((1, CH), jnp.int32),
        pltpu.VMEM((1, CH), jnp.int32),
        pltpu.VMEM((1, CH), jnp.int32),
        pltpu.VMEM((1, CH), jnp.int32),
        pltpu.VMEM((1, CH), jnp.int32),
        pltpu.VMEM((1, CH), jnp.int32),
        pltpu.VMEM((1, CH), jnp.int32),
        pltpu.VMEM((1, CH), jnp.int32),
        pltpu.VMEM((CH, HIDDEN), jnp.float32),
        pltpu.VMEM((CH, HIDDEN), jnp.float32),
        pltpu.VMEM((CH, HIDDEN), jnp.float32),
        pltpu.VMEM((CH, HIDDEN), jnp.float32),
        pltpu.VMEM((CH, HIDDEN), jnp.float32),
        pltpu.VMEM((CH, HIDDEN), jnp.float32),
        pltpu.VMEM((CH, HIDDEN), jnp.float32),
        pltpu.VMEM_SHARED((N, HIDDEN), jnp.float32),
        pltpu.SemaphoreType.DMA,
        pltpu.SemaphoreType.DMA,
        pltpu.SemaphoreType.DMA,
        pltpu.SemaphoreType.DMA,
        pltpu.SemaphoreType.DMA,
        pltpu.SemaphoreType.DMA,
        pltpu.SemaphoreType.DMA,
        pltpu.SemaphoreType.DMA,
        pltpu.SemaphoreType.DMA,
        pltpu.SemaphoreType.DMA,
        pltpu.SemaphoreType.DMA,
        pltpu.SemaphoreType.DMA,
        pltpu.SemaphoreType.DMA,
        pltpu.SemaphoreType.DMA,
        pltpu.SemaphoreType.DMA,
        pltpu.SemaphoreType.DMA,
        pltpu.SemaphoreType.DMA,
        pltpu.SemaphoreType.DMA,
    ],
    compiler_params=pltpu.CompilerParams(use_tc_tiling_on_sc=False),
)
def _msg_kernel(g_hbm, ei_hbm, out_hbm,
                src_v0, src_v1, src_v2, src_v3, src_v4, src_v5,
                dst_v0, dst_v1, dst_v2, dst_v3, dst_v4, dst_v5,
                srcx_v, dstx_v,
                msg_v0, msg_v1, msg_v2, msg_v3, msg_v4, msg_v5, msgx_v, acc_sh,
                sem_i0, sem_i1, sem_i2, sem_i3, sem_i4, sem_i5,
                sem_g0, sem_g1, sem_g2, sem_g3, sem_g4, sem_g5,
                sem_a0, sem_a1, sem_a2, sem_a3, sem_a4, sem_a5):
    cid = lax.axis_index("c")
    sid = lax.axis_index("s")
    wid = cid * NS + sid

    NB = 6
    src_v = (src_v0, src_v1, src_v2, src_v3, src_v4, src_v5)
    dst_v = (dst_v0, dst_v1, dst_v2, dst_v3, dst_v4, dst_v5)
    msg_v = (msg_v0, msg_v1, msg_v2, msg_v3, msg_v4, msg_v5)
    sem_i = (sem_i0, sem_i1, sem_i2, sem_i3, sem_i4, sem_i5)
    sem_g = (sem_g0, sem_g1, sem_g2, sem_g3, sem_g4, sem_g5)
    sem_a = (sem_a0, sem_a1, sem_a2, sem_a3, sem_a4, sem_a5)

    row_base = jnp.where(wid < 8, wid * 157, 1256 + (wid - 8) * 156)

    def start_idx(s, k):
        e0 = pl.multiple_of((row_base + s) * CH, 8)
        pltpu.async_copy(ei_hbm.at[0, pl.ds(e0, CH)], src_v[k].at[0], sem_i[k])
        pltpu.async_copy(ei_hbm.at[1, pl.ds(e0, CH)], dst_v[k].at[0], sem_i[k])

    def wait_idx(k):
        pltpu.make_async_copy(ei_hbm.at[0, pl.ds(0, CH)],
                              src_v[k].at[0], sem_i[k]).wait()
        pltpu.make_async_copy(ei_hbm.at[1, pl.ds(0, CH)],
                              dst_v[k].at[0], sem_i[k]).wait()

    def start_gather(k):
        pltpu.async_copy(g_hbm.at[src_v[k].at[0]], msg_v[k], sem_g[k])

    def wait_gather(k):
        pltpu.make_async_copy(g_hbm.at[src_v[k].at[0]], msg_v[k],
                              sem_g[k]).wait()

    def start_scatter(k):
        pltpu.async_copy(msg_v[k], acc_sh.at[dst_v[k].at[0]], sem_a[k],
                         add=True)

    def wait_scatter(k):
        pltpu.make_async_copy(msg_v[k], acc_sh.at[dst_v[k].at[0]],
                              sem_a[k]).wait()

    z16 = jnp.zeros((16,), jnp.float32)

    def zbody(i, _):
        for u in range(4):
            msg_v0[i, pl.ds(u * 16, 16)] = z16
        return 0

    lax.fori_loop(0, CH, zbody, 0)

    r0 = sid * RPT

    @pl.when((cid == 0) & (sid < NS - 1))
    def _():
        pltpu.sync_copy(g_hbm.at[pl.ds(r0, RPT)], acc_sh.at[pl.ds(r0, RPT)])

    @pl.when((cid == 0) & (sid == NS - 1))
    def _():
        pltpu.sync_copy(g_hbm.at[pl.ds((NS - 1) * RPT, RPT_LAST)],
                        acc_sh.at[pl.ds((NS - 1) * RPT, RPT_LAST)])

    @pl.when((cid == 1) & (sid < NS - 1))
    def _():
        for off, sz in ((0, 128), (128, 128), (256, 128), (384, 128),
                        (512, RPT - 512)):
            pltpu.sync_copy(msg_v0.at[pl.ds(0, sz)],
                            acc_sh.at[pl.ds(r0 + off, sz)])

    @pl.when((cid == 1) & (sid == NS - 1))
    def _():
        for off, sz in ((0, 128), (128, 128), (256, 128), (384, 128),
                        (512, RPT_LAST - 512)):
            pltpu.sync_copy(msg_v0.at[pl.ds(0, sz)],
                            acc_sh.at[pl.ds((NS - 1) * RPT + off, sz)])

    plsc.subcore_barrier()

    start_idx(0, 0)
    start_idx(1, 1)
    start_idx(2, 2)
    start_idx(3, 3)
    wait_idx(0)
    start_gather(0)
    wait_idx(1)
    start_gather(1)
    wait_idx(2)
    start_gather(2)

    def outer(m, _):
        for b in range(NB):
            s = NB * m + b

            @pl.when(s >= 2)
            def _():
                wait_scatter((b + 4) % NB)

            @pl.when(s < SLOTS - 4)
            def _():
                start_idx(s + 4, (b + 4) % NB)

            wait_gather(b)

            @pl.when(s < SLOTS - 3)
            def _():
                wait_idx((b + 3) % NB)
                start_gather((b + 3) % NB)

            start_scatter(b)
        return 0

    lax.fori_loop(0, SLOTS // NB, outer, 0)

    wait_scatter((SLOTS - 2) % NB)
    wait_scatter((SLOTS - 1) % NB)

    @pl.when(wid < 8)
    def _():
        e0 = pl.multiple_of((row_base + SLOTS) * CH, 8)
        pltpu.sync_copy(ei_hbm.at[0, pl.ds(e0, CH)], srcx_v.at[0])
        pltpu.sync_copy(ei_hbm.at[1, pl.ds(e0, CH)], dstx_v.at[0])
        pltpu.async_copy(g_hbm.at[srcx_v.at[0]], msgx_v, sem_g0).wait()
        pltpu.sync_copy(msgx_v, acc_sh.at[dstx_v.at[0]], add=True)

    plsc.subcore_barrier()

    @pl.when(sid < NS - 1)
    def _():
        pltpu.sync_copy(acc_sh.at[pl.ds(sid * RPT, RPT)],
                        out_hbm.at[pl.ds(sid * RPT, RPT),
                                   pl.ds(cid * HIDDEN, HIDDEN)])

    @pl.when(sid == NS - 1)
    def _():
        pltpu.sync_copy(acc_sh.at[pl.ds((NS - 1) * RPT, RPT_LAST)],
                        out_hbm.at[pl.ds((NS - 1) * RPT, RPT_LAST),
                                   pl.ds(cid * HIDDEN, HIDDEN)])



def _dinv_from(degp_ref):
    deg = jnp.sum(degp_ref[...], axis=0, keepdims=True) + 1.0
    return jnp.transpose(lax.rsqrt(deg), (1, 0))


def _tc_mm_body(x_ref, w_ref, h_ref):
    h_ref[...] = jnp.dot(x_ref[...], w_ref[...],
                         preferred_element_type=jnp.float32)


_tc_mm = pl.pallas_call(
    _tc_mm_body,
    out_shape=jax.ShapeDtypeStruct((N, HIDDEN), jnp.float32),
)


def _tc_scale_body(h_ref, degp_ref, g_ref):
    g_ref[...] = h_ref[...] * _dinv_from(degp_ref)


_tc_scale = pl.pallas_call(
    _tc_scale_body,
    out_shape=jax.ShapeDtypeStruct((N, HIDDEN), jnp.float32),
)


def _ln_relu(u, lw, lb):
    m = jnp.mean(u)
    v = jnp.mean(u * u) - m * m
    xc = u - m
    yn = xc / (jnp.sqrt(v) + EPS) * lw + lb
    return jnp.maximum(yn, 0.0)


def _tc_mid_body(s_ref, degp_ref, b_ref, lw_ref, lb_ref, w2_ref, out_ref):
    dinv = _dinv_from(degp_ref)
    u = (s_ref[:, 0:HIDDEN] + s_ref[:, HIDDEN:2 * HIDDEN]) * dinv + b_ref[...]
    yr = _ln_relu(u, lw_ref[...], lb_ref[...])
    h2 = jnp.dot(yr, w2_ref[...], preferred_element_type=jnp.float32)
    out_ref[...] = h2 * dinv


_tc_mid = pl.pallas_call(
    _tc_mid_body,
    out_shape=jax.ShapeDtypeStruct((N, HIDDEN), jnp.float32),
)


def _tc_fin_body(s_ref, degp_ref, b_ref, lw_ref, lb_ref, wh_ref, bh_ref,
                 out_ref):
    dinv = _dinv_from(degp_ref)
    u = (s_ref[:, 0:HIDDEN] + s_ref[:, HIDDEN:2 * HIDDEN]) * dinv + b_ref[...]
    yr = _ln_relu(u, lw_ref[...], lb_ref[...])
    out_ref[...] = jnp.dot(yr, wh_ref[...], preferred_element_type=jnp.float32) + bh_ref[...]


_tc_fin = pl.pallas_call(
    _tc_fin_body,
    out_shape=jax.ShapeDtypeStruct((N, 1), jnp.float32),
)



def kernel(x, edge_index, batch, W1, b1, ln1_w, ln1_b, W2, b2, ln2_w, ln2_b,
           Wh, bh):
    degp = _deg_kernel(edge_index)

    b1r = b1.reshape(1, HIDDEN)
    lw1r = ln1_w.reshape(1, HIDDEN)
    lb1r = ln1_b.reshape(1, HIDDEN)
    b2r = b2.reshape(1, HIDDEN)
    lw2r = ln2_w.reshape(1, HIDDEN)
    lb2r = ln2_b.reshape(1, HIDDEN)
    bhr = bh.reshape(1, 1)

    h1 = _tc_mm(x, W1)
    g1 = _tc_scale(h1, degp)
    s1 = _msg_kernel(g1, edge_index)
    g2 = _tc_mid(s1, degp, b1r, lw1r, lb1r, W2)
    s2 = _msg_kernel(g2, edge_index)
    return _tc_fin(s2, degp, b2r, lw2r, lb2r, Wh, bhr)

# --- scband reference (transcript-rebuilt; emitter-appended) ---
"""Pipeline reference for scband-your-gnnmodel-46162308497670 (READ-ONLY COPY).

The authoritative reference and input builder live on the scoring server;
editing this copy changes nothing except your own understanding.
"""

import jax, jax.numpy as jnp
import numpy as np

N = 10000
E = 640000
IN_DIM = 128
HIDDEN = 64
OUT_DIM = 1
EPS = 1e-5


def setup_inputs(seed: int = 0) -> dict:
    key = jax.random.key(seed)
    ks = jax.random.split(key, 6)
    x = jax.random.normal(ks[0], (N, IN_DIM), dtype=jnp.float32)
    edge_index = jax.random.randint(ks[1], (2, E), 0, N)
    batch = jnp.zeros((N,), dtype=jnp.int32)
    W1 = jax.random.normal(ks[2], (IN_DIM, HIDDEN), dtype=jnp.float32) * (1.0 / np.sqrt(IN_DIM))
    b1 = jnp.zeros((HIDDEN,), dtype=jnp.float32)
    ln1_w = jnp.ones((HIDDEN,), dtype=jnp.float32)
    ln1_b = jnp.zeros((HIDDEN,), dtype=jnp.float32)
    W2 = jax.random.normal(ks[3], (HIDDEN, HIDDEN), dtype=jnp.float32) * (1.0 / np.sqrt(HIDDEN))
    b2 = jnp.zeros((HIDDEN,), dtype=jnp.float32)
    ln2_w = jnp.ones((HIDDEN,), dtype=jnp.float32)
    ln2_b = jnp.zeros((HIDDEN,), dtype=jnp.float32)
    Wh = jax.random.normal(ks[4], (HIDDEN, OUT_DIM), dtype=jnp.float32) * (1.0 / np.sqrt(HIDDEN))
    bh = jnp.zeros((OUT_DIM,), dtype=jnp.float32)
    return {"x": x, "edge_index": edge_index, "batch": batch,
            "W1": W1, "b1": b1, "ln1_w": ln1_w, "ln1_b": ln1_b,
            "W2": W2, "b2": b2, "ln2_w": ln2_w, "ln2_b": ln2_b,
            "Wh": Wh, "bh": bh}


def _gcn_conv(x, edge_index, W, b, num_nodes):
    # PyG GCNConv: add self-loops, symmetric normalization, linear, scatter-add, bias
    loop = jnp.arange(num_nodes, dtype=edge_index.dtype)
    src = jnp.concatenate([edge_index[0], loop])
    dst = jnp.concatenate([edge_index[1], loop])
    ones = jnp.ones(src.shape[0], dtype=x.dtype)
    deg = jnp.zeros((num_nodes,), dtype=x.dtype).at[dst].add(ones)
    dinv = jnp.where(deg > 0, deg ** -0.5, 0.0)
    norm = dinv[src] * dinv[dst]
    h = x @ W
    msgs = h[src] * norm[:, None]
    out = jnp.zeros((num_nodes, h.shape[1]), dtype=x.dtype).at[dst].add(msgs)
    return out + b


def _graph_layernorm(x, w, b):
    # PyG LayerNorm(mode='graph') with batch=None: normalize over all nodes+features
    xc = x - x.mean()
    out = xc / (jnp.std(x) + EPS)
    return out * w + b


def reference(x, edge_index, batch, W1, b1, ln1_w, ln1_b, W2, b2, ln2_w, ln2_b, Wh, bh):
    h = _gcn_conv(x, edge_index, W1, b1, N)
    h = jax.nn.relu(_graph_layernorm(h, ln1_w, ln1_b))
    h = _gcn_conv(h, edge_index, W2, b2, N)
    h = jax.nn.relu(_graph_layernorm(h, ln2_w, ln2_b))
    return h @ Wh + bh

if __name__ == "__main__":
    import jax
    _d = setup_inputs()
    print(jax.jit(kernel)(*tuple(_d.values())))

</pallas_src>

<mosaic_0001>
#map = affine_map<(d0, d1) -> (0, 0)>
module attributes {stable_mosaic.version = 14 : i64} {
  func.func @_deg_kernel(%arg0: i32, %arg1: i32, %arg2: memref<2x640000xi32, #tpu.memory_space<hbm>>, %arg3: memref<32x10000xf32, #tpu.memory_space<hbm>>, %arg4: memref<20000xi32, #tpu.memory_space<vmem>>, %arg5: memref<10000xf32, #tpu.memory_space<vmem>>, %arg6: memref<!tpu.dma_semaphore, #tpu.memory_space<semaphore_mem>>) attributes {dimension_semantics = [#tpu.dimension_semantics<core_parallel>, #tpu.dimension_semantics<subcore_parallel>], iteration_bounds = array<i64: 2, 16>, scalar_prefetch = 0 : i64, scratch_operands = 3 : i64, tpu.core_type = #tpu.core_type<sc_vector_subcore>, window_params = [{transform_indices = #map}, {transform_indices = #map}]} {
    %mul3A = arith.constant 16 : i32
    %mul3A_0 = arith.muli %arg0, %mul3A : i32
    %add3A = arith.addi %mul3A_0, %arg1 : i32
    %mul3A_1 = arith.constant 20000 : i32
    %mul3A_2 = arith.muli %add3A, %mul3A_1 : i32
    %dma_start3A = arith.constant 1 : i32
    %dma_start3A_3 = tpu.memref_slice %arg2[%dma_start3A, %mul3A_2] : memref<2x640000xi32, #tpu.memory_space<hbm>> -> memref<1x20000xi32, #tpu.memory_space<hbm>>
    %dma_start3A_4 = tpu.memref_squeeze %dma_start3A_3 : memref<1x20000xi32, #tpu.memory_space<hbm>> -> memref<20000xi32, #tpu.memory_space<hbm>>
    %dma_start3A_5 = tpu.memref_slice %arg2[%dma_start3A, %mul3A_2] : memref<2x640000xi32, #tpu.memory_space<hbm>> -> memref<1x20000xi32, #tpu.memory_space<hbm>>
    %dma_start3A_6 = tpu.memref_squeeze %dma_start3A_5 : memref<1x20000xi32, #tpu.memory_space<hbm>> -> memref<20000xi32, #tpu.memory_space<hbm>>
    tpu.enqueue_dma source(%dma_start3A_6 : memref<20000xi32, #tpu.memory_space<hbm>>) target(%arg4 : memref<20000xi32, #tpu.memory_space<vmem>>) target_semaphore(%arg6 : memref<!tpu.dma_semaphore, #tpu.memory_space<semaphore_mem>>)
    %broadcast_in_dim3A = arith.constant 0.000000e+00 : f32
    %broadcast_in_dim3A_7 = vector.broadcast %broadcast_in_dim3A : f32 to vector<16xf32>
    %scan3A = arith.constant 0 : i32
    %scan3A_8 = arith.constant 0 : i32
    %scan3A_9 = arith.constant 625 : i32
    %scan3A_10 = arith.addi %scan3A_8, %scan3A_9 : i32
    %scan3A_11 = arith.constant 1 : i32
    %scan3A_12 = scf.for %scan3A_29 = %scan3A_8 to %scan3A_10 step %scan3A_11 iter_args(%scan3A_30 = %scan3A) -> (i32)  : i32 {
      %mul3A_31 = arith.constant 16 : i32
      %mul3A_32 = arith.muli %scan3A_29, %mul3A_31 : i32
      %swap3A = arith.index_cast %mul3A_32 : i32 to index
      %swap3A_33 = tpu.vector_load %arg5[%swap3A] {strides = array<i32>} : memref<10000xf32, #tpu.memory_space<vmem>>, vector<16xf32>,
      tpu.vector_store %arg5[%swap3A], %broadcast_in_dim3A_7 {strides = array<i32>} : memref<10000xf32, #tpu.memory_space<vmem>>, vector<16xf32>,
      %scan3A_34 = arith.constant 0 : i32
      scf.yield %scan3A_34 : i32
    }
    %scan3A_13 = arith.constant 625 : i32
    %dma_wait3A = arith.constant 1 : i32
    %dma_wait3A_14 = arith.constant 0 : i32
    %dma_wait3A_15 = tpu.memref_slice %arg2[%dma_wait3A, %dma_wait3A_14] : memref<2x640000xi32, #tpu.memory_space<hbm>> -> memref<1x20000xi32, #tpu.memory_space<hbm>>
    %dma_wait3A_16 = tpu.memref_squeeze %dma_wait3A_15 : memref<1x20000xi32, #tpu.memory_space<hbm>> -> memref<20000xi32, #tpu.memory_space<hbm>>
    %dma_wait3A_17 = arith.constant 0 : i32
    %dma_wait3A_18 = tpu.memref_slice %arg2[%dma_wait3A, %dma_wait3A_17] : memref<2x640000xi32, #tpu.memory_space<hbm>> -> memref<1x20000xi32, #tpu.memory_space<hbm>>
    %dma_wait3A_19 = tpu.memref_squeeze %dma_wait3A_18 : memref<1x20000xi32, #tpu.memory_space<hbm>> -> memref<20000xi32, #tpu.memory_space<hbm>>
    tpu.wait_dma2 semaphore(%arg6 : memref<!tpu.dma_semaphore, #tpu.memory_space<semaphore_mem>>) src(%dma_wait3A_19 : memref<20000xi32, #tpu.memory_space<hbm>>) dst(%arg4 : memref<20000xi32, #tpu.memory_space<vmem>>)
    %broadcast_in_dim3A_20 = arith.constant 1.000000e+00 : f32
    %broadcast_in_dim3A_21 = vector.broadcast %broadcast_in_dim3A_20 : f32 to vector<16xf32>
    %scan3A_22 = arith.constant 0 : i32
    %scan3A_23 = arith.constant 0 : i32
    %scan3A_24 = arith.constant 125 : i32
    %scan3A_25 = arith.addi %scan3A_23, %scan3A_24 : i32
    %scan3A_26 = arith.constant 1 : i32
    %scan3A_27 = scf.for %scan3A_29 = %scan3A_23 to %scan3A_25 step %scan3A_26 iter_args(%scan3A_30 = %scan3A_22) -> (i32)  : i32 {
      %mul3A_31 = arith.constant 10 : i32
      %mul3A_32 = arith.muli %scan3A_29, %mul3A_31 : i32
      %add3A_33 = arith.constant 0 : i32
      %add3A_34 = arith.addi %mul3A_32, %add3A_33 : i32
      %mul3A_35 = arith.constant 16 : i32
      %mul3A_36 = arith.muli %add3A_34, %mul3A_35 : i32
      %get3A = arith.index_cast %mul3A_36 : i32 to index
      %get3A_37 = tpu.vector_load %arg4[%get3A] {strides = array<i32>} : memref<20000xi32, #tpu.memory_space<vmem>>, vector<16xi32>,
      tpu.vector_store_idx %arg5[%get3A_37], %broadcast_in_dim3A_21 {add = true} : memref<10000xf32, #tpu.memory_space<vmem>>[vector<16xi32>], vector<16xf32>,
      %mul3A_38 = arith.constant 10 : i32
      %mul3A_39 = arith.muli %scan3A_29, %mul3A_38 : i32
      %add3A_40 = arith.constant 1 : i32
      %add3A_41 = arith.addi %mul3A_39, %add3A_40 : i32
      %mul3A_42 = arith.constant 16 : i32
      %mul3A_43 = arith.muli %add3A_41, %mul3A_42 : i32
      %get3A_44 = arith.index_cast %mul3A_43 : i32 to index
      %get3A_45 = tpu.vector_load %arg4[%get3A_44] {strides = array<i32>} : memref<20000xi32, #tpu.memory_space<vmem>>, vector<16xi32>,
      tpu.vector_store_idx %arg5[%get3A_45], %broadcast_in_dim3A_21 {add = true} : memref<10000xf32, #tpu.memory_space<vmem>>[vector<16xi32>], vector<16xf32>,
      %mul3A_46 = arith.constant 10 : i32
      %mul3A_47 = arith.muli %scan3A_29, %mul3A_46 : i32
      %add3A_48 = arith.constant 2 : i32
      %add3A_49 = arith.addi %mul3A_47, %add3A_48 : i32
      %mul3A_50 = arith.constant 16 : i32
      %mul3A_51 = arith.muli %add3A_49, %mul3A_50 : i32
      %get3A_52 = arith.index_cast %mul3A_51 : i32 to index
      %get3A_53 = tpu.vector_load %arg4[%get3A_52] {strides = array<i32>} : memref<20000xi32, #tpu.memory_space<vmem>>, vector<16xi32>,
      tpu.vector_store_idx %arg5[%get3A_53], %broadcast_in_dim3A_21 {add = true} : memref<10000xf32, #tpu.memory_space<vmem>>[vector<16xi32>], vector<16xf32>,
      %mul3A_54 = arith.constant 10 : i32
      %mul3A_55 = arith.muli %scan3A_29, %mul3A_54 : i32
      %add3A_56 = arith.constant 3 : i32
      %add3A_57 = arith.addi %mul3A_55, %add3A_56 : i32
      %mul3A_58 = arith.constant 16 : i32
      %mul3A_59 = arith.muli %add3A_57, %mul3A_58 : i32
      %get3A_60 = arith.index_cast %mul3A_59 : i32 to index
      %get3A_61 = tpu.vector_load %arg4[%get3A_60] {strides = array<i32>} : memref<20000xi32, #tpu.memory_space<vmem>>, vector<16xi32>,
      tpu.vector_store_idx %arg5[%get3A_61], %broadcast_in_dim3A_21 {add = true} : memref<10000xf32, #tpu.memory_space<vmem>>[vector<16xi32>], vector<16xf32>,
      %mul3A_62 = arith.constant 10 : i32
      %mul3A_63 = arith.muli %scan3A_29, %mul3A_62 : i32
      %add3A_64 = arith.constant 4 : i32
      %add3A_65 = arith.addi %mul3A_63, %add3A_64 : i32
      %mul3A_66 = arith.constant 16 : i32
      %mul3A_67 = arith.muli %add3A_65, %mul3A_66 : i32
      %get3A_68 = arith.index_cast %mul3A_67 : i32 to index
      %get3A_69 = tpu.vector_load %arg4[%get3A_68] {strides = array<i32>} : memref<20000xi32, #tpu.memory_space<vmem>>, vector<16xi32>,
      tpu.vector_store_idx %arg5[%get3A_69], %broadcast_in_dim3A_21 {add = true} : memref<10000xf32, #tpu.memory_space<vmem>>[vector<16xi32>], vector<16xf32>,
      %mul3A_70 = arith.constant 10 : i32
      %mul3A_71 = arith.muli %scan3A_29, %mul3A_70 : i32
      %add3A_72 = arith.constant 5 : i32
      %add3A_73 = arith.addi %mul3A_71, %add3A_72 : i32
      %mul3A_74 = arith.constant 16 : i32
      %mul3A_75 = arith.muli %add3A_73, %mul3A_74 : i32
      %get3A_76 = arith.index_cast %mul3A_75 : i32 to index
      %get3A_77 = tpu.vector_load %arg4[%get3A_76] {strides = array<i32>} : memref<20000xi32, #tpu.memory_space<vmem>>, vector<16xi32>,
      tpu.vector_store_idx %arg5[%get3A_77], %broadcast_in_dim3A_21 {add = true} : memref<10000xf32, #tpu.memory_space<vmem>>[vector<16xi32>], vector<16xf32>,
      %mul3A_78 = arith.constant 10 : i32
      %mul3A_79 = arith.muli %scan3A_29, %mul3A_78 : i32
      %add3A_80 = arith.constant 6 : i32
      %add3A_81 = arith.addi %mul3A_79, %add3A_80 : i32
      %mul3A_82 = arith.constant 16 : i32
      %mul3A_83 = arith.muli %add3A_81, %mul3A_82 : i32
      %get3A_84 = arith.index_cast %mul3A_83 : i32 to index
      %get3A_85 = tpu.vector_load %arg4[%get3A_84] {strides = array<i32>} : memref<20000xi32, #tpu.memory_space<vmem>>, vector<16xi32>,
      tpu.vector_store_idx %arg5[%get3A_85], %broadcast_in_dim3A_21 {add = true} : memref<10000xf32, #tpu.memory_space<vmem>>[vector<16xi32>], vector<16xf32>,
      %mul3A_86 = arith.constant 10 : i32
      %mul3A_87 = arith.muli %scan3A_29, %mul3A_86 : i32
      %add3A_88 = arith.constant 7 : i32
      %add3A_89 = arith.addi %mul3A_87, %add3A_88 : i32
      %mul3A_90 = arith.constant 16 : i32
      %mul3A_91 = arith.muli %add3A_89, %mul3A_90 : i32
      %get3A_92 = arith.index_cast %mul3A_91 : i32 to index
      %get3A_93 = tpu.vector_load %arg4[%get3A_92] {strides = array<i32>} : memref<20000xi32, #tpu.memory_space<vmem>>, vector<16xi32>,
      tpu.vector_store_idx %arg5[%get3A_93], %broadcast_in_dim3A_21 {add = true} : memref<10000xf32, #tpu.memory_space<vmem>>[vector<16xi32>], vector<16xf32>,
      %mul3A_94 = arith.constant 10 : i32
      %mul3A_95 = arith.muli %scan3A_29, %mul3A_94 : i32
      %add3A_96 = arith.constant 8 : i32
      %add3A_97 = arith.addi %mul3A_95, %add3A_96 : i32
      %mul3A_98 = arith.constant 16 : i32
      %mul3A_99 = arith.muli %add3A_97, %mul3A_98 : i32
      %get3A_100 = arith.index_cast %mul3A_99 : i32 to index
      %get3A_101 = tpu.vector_load %arg4[%get3A_100] {strides = array<i32>} : memref<20000xi32, #tpu.memory_space<vmem>>, vector<16xi32>,
      tpu.vector_store_idx %arg5[%get3A_101], %broadcast_in_dim3A_21 {add = true} : memref<10000xf32, #tpu.memory_space<vmem>>[vector<16xi32>], vector<16xf32>,
      %mul3A_102 = arith.constant 10 : i32
      %mul3A_103 = arith.muli %scan3A_29, %mul3A_102 : i32
      %add3A_104 = arith.constant 9 : i32
      %add3A_105 = arith.addi %mul3A_103, %add3A_104 : i32
      %mul3A_106 = arith.constant 16 : i32
      %mul3A_107 = arith.muli %add3A_105, %mul3A_106 : i32
      %get3A_108 = arith.index_cast %mul3A_107 : i32 to index
      %get3A_109 = tpu.vector_load %arg4[%get3A_108] {strides = array<i32>} : memref<20000xi32, #tpu.memory_space<vmem>>, vector<16xi32>,
      tpu.vector_store_idx %arg5[%get3A_109], %broadcast_in_dim3A_21 {add = true} : memref<10000xf32, #tpu.memory_space<vmem>>[vector<16xi32>], vector<16xf32>,
      %scan3A_110 = arith.constant 0 : i32
      scf.yield %scan3A_110 : i32
    }
    %scan3A_28 = arith.constant 125 : i32
    "tpu.region"() ({
      %run_scoped3A = tpu.sem_alloc : memref<!tpu.dma_semaphore, #tpu.memory_space<semaphore_mem>>
      %dma_start3A_29 = arith.constant 0 : i32
      %dma_start3A_30 = tpu.memref_slice %arg3[%add3A, %dma_start3A_29] : memref<32x10000xf32, #tpu.memory_space<hbm>> -> memref<1x10000xf32, #tpu.memory_space<hbm>>
      %dma_start3A_31 = tpu.memref_squeeze %dma_start3A_30 : memref<1x10000xf32, #tpu.memory_space<hbm>> -> memref<10000xf32, #tpu.memory_space<hbm>>
      %dma_start3A_32 = arith.constant 0 : i32
      %dma_start3A_33 = tpu.memref_slice %arg3[%add3A, %dma_start3A_32] : memref<32x10000xf32, #tpu.memory_space<hbm>> -> memref<1x10000xf32, #tpu.memory_space<hbm>>
      %dma_start3A_34 = tpu.memref_squeeze %dma_start3A_33 : memref<1x10000xf32, #tpu.memory_space<hbm>> -> memref<10000xf32, #tpu.memory_space<hbm>>
      tpu.enqueue_dma source(%arg5 : memref<10000xf32, #tpu.memory_space<vmem>>) target(%dma_start3A_34 : memref<10000xf32, #tpu.memory_space<hbm>>) target_semaphore(%run_scoped3A : memref<!tpu.dma_semaphore, #tpu.memory_space<semaphore_mem>>)
      %dma_wait3A_35 = arith.constant 0 : i32
      %dma_wait3A_36 = tpu.memref_slice %arg3[%add3A, %dma_wait3A_35] : memref<32x10000xf32, #tpu.memory_space<hbm>> -> memref<1x10000xf32, #tpu.memory_space<hbm>>
      %dma_wait3A_37 = tpu.memref_squeeze %dma_wait3A_36 : memref<1x10000xf32, #tpu.memory_space<hbm>> -> memref<10000xf32, #tpu.memory_space<hbm>>
      %dma_wait3A_38 = arith.constant 0 : i32
      %dma_wait3A_39 = tpu.memref_slice %arg3[%add3A, %dma_wait3A_38] : memref<32x10000xf32, #tpu.memory_space<hbm>> -> memref<1x10000xf32, #tpu.memory_space<hbm>>
      %dma_wait3A_40 = tpu.memref_squeeze %dma_wait3A_39 : memref<1x10000xf32, #tpu.memory_space<hbm>> -> memref<10000xf32, #tpu.memory_space<hbm>>
      tpu.wait_dma2 semaphore(%run_scoped3A : memref<!tpu.dma_semaphore, #tpu.memory_space<semaphore_mem>>) src(%arg5 : memref<10000xf32, #tpu.memory_space<vmem>>) dst(%dma_wait3A_40 : memref<10000xf32, #tpu.memory_space<hbm>>)
      tpu.yield
    }) : () -> ()
    return
  }
}

#map = affine_map<(d0, d1) -> (0, 0)>
module attributes {stable_mosaic.version = 14 : i64} {
  func.func @_msg_kernel(%arg0: i32, %arg1: i32, %arg2: memref<10000x64xf32, #tpu.memory_space<hbm>>, %arg3: memref<2x640000xi32, #tpu.memory_space<hbm>>, %arg4: memref<10000x128xf32, #tpu.memory_space<hbm>>, %arg5: memref<1x128xi32, #tpu.memory_space<vmem>>, %arg6: memref<1x128xi32, #tpu.memory_space<vmem>>, %arg7: memref<1x128xi32, #tpu.memory_space<vmem>>, %arg8: memref<1x128xi32, #tpu.memory_space<vmem>>, %arg9: memref<1x128xi32, #tpu.memory_space<vmem>>, %arg10: memref<1x128xi32, #tpu.memory_space<vmem>>, %arg11: memref<1x128xi32, #tpu.memory_space<vmem>>, %arg12: memref<1x128xi32, #tpu.memory_space<vmem>>, %arg13: memref<1x128xi32, #tpu.memory_space<vmem>>, %arg14: memref<1x128xi32, #tpu.memory_space<vmem>>, %arg15: memref<1x128xi32, #tpu.memory_space<vmem>>, %arg16: memref<1x128xi32, #tpu.memory_space<vmem>>, %arg17: memref<1x128xi32, #tpu.memory_space<vmem>>, %arg18: memref<1x128xi32, #tpu.memory_space<vmem>>, %arg19: memref<128x64xf32, #tpu.memory_space<vmem>>, %arg20: memref<128x64xf32, #tpu.memory_space<vmem>>, %arg21: memref<128x64xf32, #tpu.memory_space<vmem>>, %arg22: memref<128x64xf32, #tpu.memory_space<vmem>>, %arg23: memref<128x64xf32, #tpu.memory_space<vmem>>, %arg24: memref<128x64xf32, #tpu.memory_space<vmem>>, %arg25: memref<128x64xf32, #tpu.memory_space<vmem>>, %arg26: memref<10000x64xf32, #tpu.memory_space<vmem_shared>>, %arg27: memref<!tpu.dma_semaphore, #tpu.memory_space<semaphore_mem>>, %arg28: memref<!tpu.dma_semaphore, #tpu.memory_space<semaphore_mem>>, %arg29: memref<!tpu.dma_semaphore, #tpu.memory_space<semaphore_mem>>, %arg30: memref<!tpu.dma_semaphore, #tpu.memory_space<semaphore_mem>>, %arg31: memref<!tpu.dma_semaphore, #tpu.memory_space<semaphore_mem>>, %arg32: memref<!tpu.dma_semaphore, #tpu.memory_space<semaphore_mem>>, %arg33: memref<!tpu.dma_semaphore, #tpu.memory_space<semaphore_mem>>, %arg34: memref<!tpu.dma_semaphore, #tpu.memory_space<semaphore_mem>>, %arg35: memref<!tpu.dma_semaphore, #tpu.memory_space<semaphore_mem>>, %arg36: memref<!tpu.dma_semaphore, #tpu.memory_space<semaphore_mem>>, %arg37: memref<!tpu.dma_semaphore, #tpu.memory_space<semaphore_mem>>, %arg38: memref<!tpu.dma_semaphore, #tpu.memory_space<semaphore_mem>>, %arg39: memref<!tpu.dma_semaphore, #tpu.memory_space<semaphore_mem>>, %arg40: memref<!tpu.dma_semaphore, #tpu.memory_space<semaphore_mem>>, %arg41: memref<!tpu.dma_semaphore, #tpu.memory_space<semaphore_mem>>, %arg42: memref<!tpu.dma_semaphore, #tpu.memory_space<semaphore_mem>>, %arg43: memref<!tpu.dma_semaphore, #tpu.memory_space<semaphore_mem>>, %arg44: memref<!tpu.dma_semaphore, #tpu.memory_space<semaphore_mem>>) attributes {dimension_semantics = [#tpu.dimension_semantics<core_parallel>, #tpu.dimension_semantics<subcore_parallel>], iteration_bounds = array<i64: 2, 16>, scalar_prefetch = 0 : i64, scratch_operands = 40 : i64, tpu.core_type = #tpu.core_type<sc_vector_subcore>, window_params = [{transform_indices = #map}, {transform_indices = #map}, {transform_indices = #map}]} {
    %mul3A = arith.constant 16 : i32
    %mul3A_0 = arith.muli %arg0, %mul3A : i32
    %add3A = arith.addi %mul3A_0, %arg1 : i32
    %lt3A = arith.constant 8 : i32
    %lt3A_1 = arith.cmpi slt, %add3A, %lt3A : i32
    %mul3A_2 = arith.constant 157 : i32
    %mul3A_3 = arith.muli %add3A, %mul3A_2 : i32
    %sub3A = arith.constant 8 : i32
    %sub3A_4 = arith.subi %add3A, %sub3A : i32
    %mul3A_5 = arith.constant 156 : i32
    %mul3A_6 = arith.muli %sub3A_4, %mul3A_5 : i32
    %add3A_7 = arith.constant 1256 : i32
    %add3A_8 = arith.addi %add3A_7, %mul3A_6 : i32
    %select_n3A = arith.select %lt3A_1, %mul3A_3, %add3A_8 : i32
    %broadcast_in_dim3A = arith.constant 0.000000e+00 : f32
    %broadcast_in_dim3A_9 = vector.broadcast %broadcast_in_dim3A : f32 to vector<16xf32>
    %scan3A = arith.constant 0 : i32
    %scan3A_10 = arith.constant 0 : i32
    %scan3A_11 = arith.constant 128 : i32
    %scan3A_12 = arith.addi %scan3A_10, %scan3A_11 : i32
    %scan3A_13 = arith.constant 1 : i32
    %scan3A_14 = scf.for %scan3A_301 = %scan3A_10 to %scan3A_12 step %scan3A_13 iter_args(%scan3A_302 = %scan3A) -> (i32)  : i32 {
      %swap3A = arith.index_cast %scan3A_301 : i32 to index
      %swap3A_303 = arith.constant 0 : index
      %swap3A_304 = tpu.vector_load %arg19[%swap3A, %swap3A_303] {strides = array<i32>} : memref<128x64xf32, #tpu.memory_space<vmem>>, vector<1x16xf32>,
      %swap3A_305 = vector.shape_cast %swap3A_304 : vector<1x16xf32> to vector<16xf32>
      %swap3A_306 = vector.shape_cast %broadcast_in_dim3A_9 : vector<16xf32> to vector<1x16xf32>
      tpu.vector_store %arg19[%swap3A, %swap3A_303], %swap3A_306 {strides = array<i32>} : memref<128x64xf32, #tpu.memory_space<vmem>>, vector<1x16xf32>,
      %swap3A_307 = arith.index_cast %scan3A_301 : i32 to index
      %swap3A_308 = arith.constant 16 : index
      %swap3A_309 = tpu.vector_load %arg19[%swap3A_307, %swap3A_308] {strides = array<i32>} : memref<128x64xf32, #tpu.memory_space<vmem>>, vector<1x16xf32>,
      %swap3A_310 = vector.shape_cast %swap3A_309 : vector<1x16xf32> to vector<16xf32>
      %swap3A_311 = vector.shape_cast %broadcast_in_dim3A_9 : vector<16xf32> to vector<1x16xf32>
      tpu.vector_store %arg19[%swap3A_307, %swap3A_308], %swap3A_311 {strides = array<i32>} : memref<128x64xf32, #tpu.memory_space<vmem>>, vector<1x16xf32>,
      %swap3A_312 = arith.index_cast %scan3A_301 : i32 to index
      %swap3A_313 = arith.constant 32 : index
      %swap3A_314 = tpu.vector_load %arg19[%swap3A_312, %swap3A_313] {strides = array<i32>} : memref<128x64xf32, #tpu.memory_space<vmem>>, vector<1x16xf32>,
      %swap3A_315 = vector.shape_cast %swap3A_314 : vector<1x16xf32> to vector<16xf32>
      %swap3A_316 = vector.shape_cast %broadcast_in_dim3A_9 : vector<16xf32> to vector<1x16xf32>
      tpu.vector_store %arg19[%swap3A_312, %swap3A_313], %swap3A_316 {strides = array<i32>} : memref<128x64xf32, #tpu.memory_space<vmem>>, vector<1x16xf32>,
      %swap3A_317 = arith.index_cast %scan3A_301 : i32 to index
      %swap3A_318 = arith.constant 48 : index
      %swap3A_319 = tpu.vector_load %arg19[%swap3A_317, %swap3A_318] {strides = array<i32>} : memref<128x64xf32, #tpu.memory_space<vmem>>, vector<1x16xf32>,
      %swap3A_320 = vector.shape_cast %swap3A_319 : vector<1x16xf32> to vector<16xf32>
      %swap3A_321 = vector.shape_cast %broadcast_in_dim3A_9 : vector<16xf32> to vector<1x16xf32>
      tpu.vector_store %arg19[%swap3A_317, %swap3A_318], %swap3A_321 {strides = array<i32>} : memref<128x64xf32, #tpu.memory_space<vmem>>, vector<1x16xf32>,
      %scan3A_322 = arith.constant 0 : i32
      scf.yield %scan3A_322 : i32
    }
    %scan3A_15 = arith.constant 128 : i32
    %mul3A_16 = arith.constant 632 : i32
    %mul3A_17 = arith.muli %arg1, %mul3A_16 : i32
    %eq3A = arith.constant 0 : i32
    %eq3A_18 = arith.cmpi eq, %arg0, %eq3A : i32
    %lt3A_19 = arith.constant 15 : i32
    %lt3A_20 = arith.cmpi slt, %arg1, %lt3A_19 : i32
    %and3A = arith.andi %eq3A_18, %lt3A_20 : i1
    %convert_element_type3A = arith.extui %and3A : i1 to i32
    %cond3A = arith.constant 0 : i32
    %cond3A_21 = arith.cmpi ne, %convert_element_type3A, %cond3A : i32
    scf.if %cond3A_21 {
      "tpu.region"() ({
        %run_scoped3A = tpu.sem_alloc : memref<!tpu.dma_semaphore, #tpu.memory_space<semaphore_mem>>
        %dma_start3A_301 = arith.constant 0 : i32
        %dma_start3A_302 = tpu.memref_slice %arg26[%mul3A_17, %dma_start3A_301] : memref<10000x64xf32, #tpu.memory_space<vmem_shared>> -> memref<632x64xf32, #tpu.memory_space<vmem_shared>>
        %dma_start3A_303 = arith.constant 0 : i32
        %dma_start3A_304 = tpu.memref_slice %arg2[%mul3A_17, %dma_start3A_303] : memref<10000x64xf32, #tpu.memory_space<hbm>> -> memref<632x64xf32, #tpu.memory_space<hbm>>
        tpu.enqueue_dma source(%dma_start3A_304 : memref<632x64xf32, #tpu.memory_space<hbm>>) target(%dma_start3A_302 : memref<632x64xf32, #tpu.memory_space<vmem_shared>>) target_semaphore(%run_scoped3A : memref<!tpu.dma_semaphore, #tpu.memory_space<semaphore_mem>>)
        %dma_wait3A_305 = arith.constant 0 : i32
        %dma_wait3A_306 = tpu.memref_slice %arg26[%mul3A_17, %dma_wait3A_305] : memref<10000x64xf32, #tpu.memory_space<vmem_shared>> -> memref<632x64xf32, #tpu.memory_space<vmem_shared>>
        %dma_wait3A_307 = arith.constant 0 : i32
        %dma_wait3A_308 = tpu.memref_slice %arg2[%mul3A_17, %dma_wait3A_307] : memref<10000x64xf32, #tpu.memory_space<hbm>> -> memref<632x64xf32, #tpu.memory_space<hbm>>
        tpu.wait_dma2 semaphore(%run_scoped3A : memref<!tpu.dma_semaphore, #tpu.memory_space<semaphore_mem>>) src(%dma_wait3A_308 : memref<632x64xf32, #tpu.memory_space<hbm>>) dst(%dma_wait3A_306 : memref<632x64xf32, #tpu.memory_space<vmem_shared>>)
        tpu.yield
      }) : () -> ()
    } else {
    }
    %eq3A_22 = arith.constant 0 : i32
    %eq3A_23 = arith.cmpi eq, %arg0, %eq3A_22 : i32
    %eq3A_24 = arith.constant 15 : i32
    %eq3A_25 = arith.cmpi eq, %arg1, %eq3A_24 : i32
    %and3A_26 = arith.andi %eq3A_23, %eq3A_25 : i1
    %convert_element_type3A_27 = arith.extui %and3A_26 : i1 to i32
    %cond3A_28 = arith.constant 0 : i32
    %cond3A_29 = arith.cmpi ne, %convert_element_type3A_27, %cond3A_28 : i32
    scf.if %cond3A_29 {
      "tpu.region"() ({
        %run_scoped3A = tpu.sem_alloc : memref<!tpu.dma_semaphore, #tpu.memory_space<semaphore_mem>>
        %dma_start3A_301 = arith.constant 9480 : i32
        %dma_start3A_302 = arith.constant 0 : i32
        %dma_start3A_303 = tpu.memref_slice %arg26[%dma_start3A_301, %dma_start3A_302] : memref<10000x64xf32, #tpu.memory_space<vmem_shared>> -> memref<520x64xf32, #tpu.memory_space<vmem_shared>>
        %dma_start3A_304 = arith.constant 9480 : i32
        %dma_start3A_305 = arith.constant 0 : i32
        %dma_start3A_306 = tpu.memref_slice %arg2[%dma_start3A_304, %dma_start3A_305] : memref<10000x64xf32, #tpu.memory_space<hbm>> -> memref<520x64xf32, #tpu.memory_space<hbm>>
        tpu.enqueue_dma source(%dma_start3A_306 : memref<520x64xf32, #tpu.memory_space<hbm>>) target(%dma_start3A_303 : memref<520x64xf32, #tpu.memory_space<vmem_shared>>) target_semaphore(%run_scoped3A : memref<!tpu.dma_semaphore, #tpu.memory_space<semaphore_mem>>)
        %dma_wait3A_307 = arith.constant 9480 : i32
        %dma_wait3A_308 = arith.constant 0 : i32
        %dma_wait3A_309 = tpu.memref_slice %arg26[%dma_wait3A_307, %dma_wait3A_308] : memref<10000x64xf32, #tpu.memory_space<vmem_shared>> -> memref<520x64xf32, #tpu.memory_space<vmem_shared>>
        %dma_wait3A_310 = arith.constant 9480 : i32
        %dma_wait3A_311 = arith.constant 0 : i32
        %dma_wait3A_312 = tpu.memref_slice %arg2[%dma_wait3A_310, %dma_wait3A_311] : memref<10000x64xf32, #tpu.memory_space<hbm>> -> memref<520x64xf32, #tpu.memory_space<hbm>>
        tpu.wait_dma2 semaphore(%run_scoped3A : memref<!tpu.dma_semaphore, #tpu.memory_space<semaphore_mem>>) src(%dma_wait3A_312 : memref<520x64xf32, #tpu.memory_space<hbm>>) dst(%dma_wait3A_309 : memref<520x64xf32, #tpu.memory_space<vmem_shared>>)
        tpu.yield
      }) : () -> ()
    } else {
    }
    %eq3A_30 = arith.constant 1 : i32
    %eq3A_31 = arith.cmpi eq, %arg0, %eq3A_30 : i32
    %lt3A_32 = arith.constant 15 : i32
    %lt3A_33 = arith.cmpi slt, %arg1, %lt3A_32 : i32
    %and3A_34 = arith.andi %eq3A_31, %lt3A_33 : i1
    %convert_element_type3A_35 = arith.extui %and3A_34 : i1 to i32
    %cond3A_36 = arith.constant 0 : i32
    %cond3A_37 = arith.cmpi ne, %convert_element_type3A_35, %cond3A_36 : i32
    scf.if %cond3A_37 {
      %add3A_301 = arith.constant 0 : i32
      %add3A_302 = arith.addi %mul3A_17, %add3A_301 : i32
      "tpu.region"() ({
        %run_scoped3A = tpu.sem_alloc : memref<!tpu.dma_semaphore, #tpu.memory_space<semaphore_mem>>
        %dma_start3A_311 = arith.constant 0 : i32
        %dma_start3A_312 = arith.constant 0 : i32
        %dma_start3A_313 = tpu.memref_slice %arg19[%dma_start3A_311, %dma_start3A_312] : memref<128x64xf32, #tpu.memory_space<vmem>> -> memref<128x64xf32, #tpu.memory_space<vmem>>
        %dma_start3A_314 = arith.constant 0 : i32
        %dma_start3A_315 = tpu.memref_slice %arg26[%add3A_302, %dma_start3A_314] : memref<10000x64xf32, #tpu.memory_space<vmem_shared>> -> memref<128x64xf32, #tpu.memory_space<vmem_shared>>
        %dma_start3A_316 = arith.constant 0 : i32
        %dma_start3A_317 = tpu.memref_slice %arg26[%add3A_302, %dma_start3A_316] : memref<10000x64xf32, #tpu.memory_space<vmem_shared>> -> memref<128x64xf32, #tpu.memory_space<vmem_shared>>
        %dma_start3A_318 = arith.constant 0 : i32
        %dma_start3A_319 = arith.constant 0 : i32
        %dma_start3A_320 = tpu.memref_slice %arg19[%dma_start3A_318, %dma_start3A_319] : memref<128x64xf32, #tpu.memory_space<vmem>> -> memref<128x64xf32, #tpu.memory_space<vmem>>
        tpu.enqueue_dma source(%dma_start3A_320 : memref<128x64xf32, #tpu.memory_space<vmem>>) target(%dma_start3A_317 : memref<128x64xf32, #tpu.memory_space<vmem_shared>>) target_semaphore(%run_scoped3A : memref<!tpu.dma_semaphore, #tpu.memory_space<semaphore_mem>>)
        %dma_wait3A_321 = arith.constant 0 : i32
        %dma_wait3A_322 = arith.constant 0 : i32
        %dma_wait3A_323 = tpu.memref_slice %arg19[%dma_wait3A_321, %dma_wait3A_322] : memref<128x64xf32, #tpu.memory_space<vmem>> -> memref<128x64xf32, #tpu.memory_space<vmem>>
        %dma_wait3A_324 = arith.constant 0 : i32
        %dma_wait3A_325 = tpu.memref_slice %arg26[%add3A_302, %dma_wait3A_324] : memref<10000x64xf32, #tpu.memory_space<vmem_shared>> -> memref<128x64xf32, #tpu.memory_space<vmem_shared>>
        %dma_wait3A_326 = arith.constant 0 : i32
        %dma_wait3A_327 = tpu.memref_slice %arg26[%add3A_302, %dma_wait3A_326] : memref<10000x64xf32, #tpu.memory_space<vmem_shared>> -> memref<128x64xf32, #tpu.memory_space<vmem_shared>>
        %dma_wait3A_328 = arith.constant 0 : i32
        %dma_wait3A_329 = arith.constant 0 : i32
        %dma_wait3A_330 = tpu.memref_slice %arg19[%dma_wait3A_328, %dma_wait3A_329] : memref<128x64xf32, #tpu.memory_space<vmem>> -> memref<128x64xf32, #tpu.memory_space<vmem>>
        tpu.wait_dma2 semaphore(%run_scoped3A : memref<!tpu.dma_semaphore, #tpu.memory_space<semaphore_mem>>) src(%dma_wait3A_330 : memref<128x64xf32, #tpu.memory_space<vmem>>) dst(%dma_wait3A_327 : memref<128x64xf32, #tpu.memory_space<vmem_shared>>)
        tpu.yield
      }) : () -> ()
      %add3A_303 = arith.constant 128 : i32
      %add3A_304 = arith.addi %mul3A_17, %add3A_303 : i32
      "tpu.region"() ({
        %run_scoped3A = tpu.sem_alloc : memref<!tpu.dma_semaphore, #tpu.memory_space<semaphore_mem>>
        %dma_start3A_311 = arith.constant 0 : i32
        %dma_start3A_312 = arith.constant 0 : i32
        %dma_start3A_313 = tpu.memref_slice %arg19[%dma_start3A_311, %dma_start3A_312] : memref<128x64xf32, #tpu.memory_space<vmem>> -> memref<128x64xf32, #tpu.memory_space<vmem>>
        %dma_start3A_314 = arith.constant 0 : i32
        %dma_start3A_315 = tpu.memref_slice %arg26[%add3A_304, %dma_start3A_314] : memref<10000x64xf32, #tpu.memory_space<vmem_shared>> -> memref<128x64xf32, #tpu.memory_space<vmem_shared>>
        %dma_start3A_316 = arith.constant 0 : i32
        %dma_start3A_317 = tpu.memref_slice %arg26[%add3A_304, %dma_start3A_316] : memref<10000x64xf32, #tpu.memory_space<vmem_shared>> -> memref<128x64xf32, #tpu.memory_space<vmem_shared>>
        %dma_start3A_318 = arith.constant 0 : i32
        %dma_start3A_319 = arith.constant 0 : i32
        %dma_start3A_320 = tpu.memref_slice %arg19[%dma_start3A_318, %dma_start3A_319] : memref<128x64xf32, #tpu.memory_space<vmem>> -> memref<128x64xf32, #tpu.memory_space<vmem>>
        tpu.enqueue_dma source(%dma_start3A_320 : memref<128x64xf32, #tpu.memory_space<vmem>>) target(%dma_start3A_317 : memref<128x64xf32, #tpu.memory_space<vmem_shared>>) target_semaphore(%run_scoped3A : memref<!tpu.dma_semaphore, #tpu.memory_space<semaphore_mem>>)
        %dma_wait3A_321 = arith.constant 0 : i32
        %dma_wait3A_322 = arith.constant 0 : i32
        %dma_wait3A_323 = tpu.memref_slice %arg19[%dma_wait3A_321, %dma_wait3A_322] : memref<128x64xf32, #tpu.memory_space<vmem>> -> memref<128x64xf32, #tpu.memory_space<vmem>>
        %dma_wait3A_324 = arith.constant 0 : i32
        %dma_wait3A_325 = tpu.memref_slice %arg26[%add3A_304, %dma_wait3A_324] : memref<10000x64xf32, #tpu.memory_space<vmem_shared>> -> memref<128x64xf32, #tpu.memory_space<vmem_shared>>
        %dma_wait3A_326 = arith.constant 0 : i32
        %dma_wait3A_327 = tpu.memref_slice %arg26[%add3A_304, %dma_wait3A_326] : memref<10000x64xf32, #tpu.memory_space<vmem_shared>> -> memref<128x64xf32, #tpu.memory_space<vmem_shared>>
        %dma_wait3A_328 = arith.constant 0 : i32
        %dma_wait3A_329 = arith.constant 0 : i32
        %dma_wait3A_330 = tpu.memref_slice %arg19[%dma_wait3A_328, %dma_wait3A_329] : memref<128x64xf32, #tpu.memory_space<vmem>> -> memref<128x64xf32, #tpu.memory_space<vmem>>
        tpu.wait_dma2 semaphore(%run_scoped3A : memref<!tpu.dma_semaphore, #tpu.memory_space<semaphore_mem>>) src(%dma_wait3A_330 : memref<128x64xf32, #tpu.memory_space<vmem>>) dst(%dma_wait3A_327 : memref<128x64xf32, #tpu.memory_space<vmem_shared>>)
        tpu.yield
      }) : () -> ()
      %add3A_305 = arith.constant 256 : i32
      %add3A_306 = arith.addi %mul3A_17, %add3A_305 : i32
      "tpu.region"() ({
        %run_scoped3A = tpu.sem_alloc : memref<!tpu.dma_semaphore, #tpu.memory_space<semaphore_mem>>
        %dma_start3A_311 = arith.constant 0 : i32
        %dma_start3A_312 = arith.constant 0 : i32
        %dma_start3A_313 = tpu.memref_slice %arg19[%dma_start3A_311, %dma_start3A_312] : memref<128x64xf32, #tpu.memory_space<vmem>> -> memref<128x64xf32, #tpu.memory_space<vmem>>
        %dma_start3A_314 = arith.constant 0 : i32
        %dma_start3A_315 = tpu.memref_slice %arg26[%add3A_306, %dma_start3A_314] : memref<10000x64xf32, #tpu.memory_space<vmem_shared>> -> memref<128x64xf32, #tpu.memory_space<vmem_shared>>
        %dma_start3A_316 = arith.constant 0 : i32
        %dma_start3A_317 = tpu.memref_slice %arg26[%add3A_306, %dma_start3A_316] : memref<10000x64xf32, #tpu.memory_space<vmem_shared>> -> memref<128x64xf32, #tpu.memory_space<vmem_shared>>
        %dma_start3A_318 = arith.constant 0 : i32
        %dma_start3A_319 = arith.constant 0 : i32
        %dma_start3A_320 = tpu.memref_slice %arg19[%dma_start3A_318, %dma_start3A_319] : memref<128x64xf32, #tpu.memory_space<vmem>> -> memref<128x64xf32, #tpu.memory_space<vmem>>
        tpu.enqueue_dma source(%dma_start3A_320 : memref<128x64xf32, #tpu.memory_space<vmem>>) target(%dma_start3A_317 : memref<128x64xf32, #tpu.memory_space<vmem_shared>>) target_semaphore(%run_scoped3A : memref<!tpu.dma_semaphore, #tpu.memory_space<semaphore_mem>>)
        %dma_wait3A_321 = arith.constant 0 : i32
        %dma_wait3A_322 = arith.constant 0 : i32
        %dma_wait3A_323 = tpu.memref_slice %arg19[%dma_wait3A_321, %dma_wait3A_322] : memref<128x64xf32, #tpu.memory_space<vmem>> -> memref<128x64xf32, #tpu.memory_space<vmem>>
        %dma_wait3A_324 = arith.constant 0 : i32
        %dma_wait3A_325 = tpu.memref_slice %arg26[%add3A_306, %dma_wait3A_324] : memref<10000x64xf32, #tpu.memory_space<vmem_shared>> -> memref<128x64xf32, #tpu.memory_space<vmem_shared>>
        %dma_wait3A_326 = arith.constant 0 : i32
        %dma_wait3A_327 = tpu.memref_slice %arg26[%add3A_306, %dma_wait3A_326] : memref<10000x64xf32, #tpu.memory_space<vmem_shared>> -> memref<128x64xf32, #tpu.memory_space<vmem_shared>>
        %dma_wait3A_328 = arith.constant 0 : i32
        %dma_wait3A_329 = arith.constant 0 : i32
        %dma_wait3A_330 = tpu.memref_slice %arg19[%dma_wait3A_328, %dma_wait3A_329] : memref<128x64xf32, #tpu.memory_space<vmem>> -> memref<128x64xf32, #tpu.memory_space<vmem>>
        tpu.wait_dma2 semaphore(%run_scoped3A : memref<!tpu.dma_semaphore, #tpu.memory_space<semaphore_mem>>) src(%dma_wait3A_330 : memref<128x64xf32, #tpu.memory_space<vmem>>) dst(%dma_wait3A_327 : memref<128x64xf32, #tpu.memory_space<vmem_shared>>)
        tpu.yield
      }) : () -> ()
      %add3A_307 = arith.constant 384 : i32
      %add3A_308 = arith.addi %mul3A_17, %add3A_307 : i32
      "tpu.region"() ({
        %run_scoped3A = tpu.sem_alloc : memref<!tpu.dma_semaphore, #tpu.memory_space<semaphore_mem>>
        %dma_start3A_311 = arith.constant 0 : i32
        %dma_start3A_312 = arith.constant 0 : i32
        %dma_start3A_313 = tpu.memref_slice %arg19[%dma_start3A_311, %dma_start3A_312] : memref<128x64xf32, #tpu.memory_space<vmem>> -> memref<128x64xf32, #tpu.memory_space<vmem>>
        %dma_start3A_314 = arith.constant 0 : i32
        %dma_start3A_315 = tpu.memref_slice %arg26[%add3A_308, %dma_start3A_314] : memref<10000x64xf32, #tpu.memory_space<vmem_shared>> -> memref<128x64xf32, #tpu.memory_space<vmem_shared>>
        %dma_start3A_316 = arith.constant 0 : i32
        %dma_start3A_317 = tpu.memref_slice %arg26[%add3A_308, %dma_start3A_316] : memref<10000x64xf32, #tpu.memory_space<vmem_shared>> -> memref<128x64xf32, #tpu.memory_space<vmem_shared>>
        %dma_start3A_318 = arith.constant 0 : i32
        %dma_start3A_319 = arith.constant 0 : i32
        %dma_start3A_320 = tpu.memref_slice %arg19[%dma_start3A_318, %dma_start3A_319] : memref<128x64xf32, #tpu.memory_space<vmem>> -> memref<128x64xf32, #tpu.memory_space<vmem>>
        tpu.enqueue_dma source(%dma_start3A_320 : memref<128x64xf32, #tpu.memory_space<vmem>>) target(%dma_start3A_317 : memref<128x64xf32, #tpu.memory_space<vmem_shared>>) target_semaphore(%run_scoped3A : memref<!tpu.dma_semaphore, #tpu.memory_space<semaphore_mem>>)
        %dma_wait3A_321 = arith.constant 0 : i32
        %dma_wait3A_322 = arith.constant 0 : i32
        %dma_wait3A_323 = tpu.memref_slice %arg19[%dma_wait3A_321, %dma_wait3A_322] : memref<128x64xf32, #tpu.memory_space<vmem>> -> memref<128x64xf32, #tpu.memory_space<vmem>>
        %dma_wait3A_324 = arith.constant 0 : i32
        %dma_wait3A_325 = tpu.memref_slice %arg26[%add3A_308, %dma_wait3A_324] : memref<10000x64xf32, #tpu.memory_space<vmem_shared>> -> memref<128x64xf32, #tpu.memory_space<vmem_shared>>
        %dma_wait3A_326 = arith.constant 0 : i32
        %dma_wait3A_327 = tpu.memref_slice %arg26[%add3A_308, %dma_wait3A_326] : memref<10000x64xf32, #tpu.memory_space<vmem_shared>> -> memref<128x64xf32, #tpu.memory_space<vmem_shared>>
        %dma_wait3A_328 = arith.constant 0 : i32
        %dma_wait3A_329 = arith.constant 0 : i32
        %dma_wait3A_330 = tpu.memref_slice %arg19[%dma_wait3A_328, %dma_wait3A_329] : memref<128x64xf32, #tpu.memory_space<vmem>> -> memref<128x64xf32, #tpu.memory_space<vmem>>
        tpu.wait_dma2 semaphore(%run_scoped3A : memref<!tpu.dma_semaphore, #tpu.memory_space<semaphore_mem>>) src(%dma_wait3A_330 : memref<128x64xf32, #tpu.memory_space<vmem>>) dst(%dma_wait3A_327 : memref<128x64xf32, #tpu.memory_space<vmem_shared>>)
        tpu.yield
      }) : () -> ()
      %add3A_309 = arith.constant 512 : i32
      %add3A_310 = arith.addi %mul3A_17, %add3A_309 : i32
      "tpu.region"() ({
        %run_scoped3A = tpu.sem_alloc : memref<!tpu.dma_semaphore, #tpu.memory_space<semaphore_mem>>
        %dma_start3A_311 = arith.constant 0 : i32
        %dma_start3A_312 = arith.constant 0 : i32
        %dma_start3A_313 = tpu.memref_slice %arg19[%dma_start3A_311, %dma_start3A_312] : memref<128x64xf32, #tpu.memory_space<vmem>> -> memref<120x64xf32, #tpu.memory_space<vmem>>
        %dma_start3A_314 = arith.constant 0 : i32
        %dma_start3A_315 = tpu.memref_slice %arg26[%add3A_310, %dma_start3A_314] : memref<10000x64xf32, #tpu.memory_space<vmem_shared>> -> memref<120x64xf32, #tpu.memory_space<vmem_shared>>
        %dma_start3A_316 = arith.constant 0 : i32
        %dma_start3A_317 = tpu.memref_slice %arg26[%add3A_310, %dma_start3A_316] : memref<10000x64xf32, #tpu.memory_space<vmem_shared>> -> memref<120x64xf32, #tpu.memory_space<vmem_shared>>
        %dma_start3A_318 = arith.constant 0 : i32
        %dma_start3A_319 = arith.constant 0 : i32
        %dma_start3A_320 = tpu.memref_slice %arg19[%dma_start3A_318, %dma_start3A_319] : memref<128x64xf32, #tpu.memory_space<vmem>> -> memref<120x64xf32, #tpu.memory_space<vmem>>
        tpu.enqueue_dma source(%dma_start3A_320 : memref<120x64xf32, #tpu.memory_space<vmem>>) target(%dma_start3A_317 : memref<120x64xf32, #tpu.memory_space<vmem_shared>>) target_semaphore(%run_scoped3A : memref<!tpu.dma_semaphore, #tpu.memory_space<semaphore_mem>>)
        %dma_wait3A_321 = arith.constant 0 : i32
        %dma_wait3A_322 = arith.constant 0 : i32
        %dma_wait3A_323 = tpu.memref_slice %arg19[%dma_wait3A_321, %dma_wait3A_322] : memref<128x64xf32, #tpu.memory_space<vmem>> -> memref<120x64xf32, #tpu.memory_space<vmem>>
        %dma_wait3A_324 = arith.constant 0 : i32
        %dma_wait3A_325 = tpu.memref_slice %arg26[%add3A_310, %dma_wait3A_324] : memref<10000x64xf32, #tpu.memory_space<vmem_shared>> -> memref<120x64xf32, #tpu.memory_space<vmem_shared>>
        %dma_wait3A_326 = arith.constant 0 : i32
        %dma_wait3A_327 = tpu.memref_slice %arg26[%add3A_310, %dma_wait3A_326] : memref<10000x64xf32, #tpu.memory_space<vmem_shared>> -> memref<120x64xf32, #tpu.memory_space<vmem_shared>>
        %dma_wait3A_328 = arith.constant 0 : i32
        %dma_wait3A_329 = arith.constant 0 : i32
        %dma_wait3A_330 = tpu.memref_slice %arg19[%dma_wait3A_328, %dma_wait3A_329] : memref<128x64xf32, #tpu.memory_space<vmem>> -> memref<120x64xf32, #tpu.memory_space<vmem>>
        tpu.wait_dma2 semaphore(%run_scoped3A : memref<!tpu.dma_semaphore, #tpu.memory_space<semaphore_mem>>) src(%dma_wait3A_330 : memref<120x64xf32, #tpu.memory_space<vmem>>) dst(%dma_wait3A_327 : memref<120x64xf32, #tpu.memory_space<vmem_shared>>)
        tpu.yield
      }) : () -> ()
    } else {
    }
    %eq3A_38 = arith.constant 1 : i32
    %eq3A_39 = arith.cmpi eq, %arg0, %eq3A_38 : i32
    %eq3A_40 = arith.constant 15 : i32
    %eq3A_41 = arith.cmpi eq, %arg1, %eq3A_40 : i32
    %and3A_42 = arith.andi %eq3A_39, %eq3A_41 : i1
    %convert_element_type3A_43 = arith.extui %and3A_42 : i1 to i32
    %cond3A_44 = arith.constant 0 : i32
    %cond3A_45 = arith.cmpi ne, %convert_element_type3A_43, %cond3A_44 : i32
    scf.if %cond3A_45 {
      "tpu.region"() ({
        %run_scoped3A = tpu.sem_alloc : memref<!tpu.dma_semaphore, #tpu.memory_space<semaphore_mem>>
        %dma_start3A_301 = arith.constant 0 : i32
        %dma_start3A_302 = arith.constant 0 : i32
        %dma_start3A_303 = tpu.memref_slice %arg19[%dma_start3A_301, %dma_start3A_302] : memref<128x64xf32, #tpu.memory_space<vmem>> -> memref<128x64xf32, #tpu.memory_space<vmem>>
        %dma_start3A_304 = arith.constant 9480 : i32
        %dma_start3A_305 = arith.constant 0 : i32
        %dma_start3A_306 = tpu.memref_slice %arg26[%dma_start3A_304, %dma_start3A_305] : memref<10000x64xf32, #tpu.memory_space<vmem_shared>> -> memref<128x64xf32, #tpu.memory_space<vmem_shared>>
        %dma_start3A_307 = arith.constant 9480 : i32
        %dma_start3A_308 = arith.constant 0 : i32
        %dma_start3A_309 = tpu.memref_slice %arg26[%dma_start3A_307, %dma_start3A_308] : memref<10000x64xf32, #tpu.memory_space<vmem_shared>> -> memref<128x64xf32, #tpu.memory_space<vmem_shared>>
        %dma_start3A_310 = arith.constant 0 : i32
        %dma_start3A_311 = arith.constant 0 : i32
        %dma_start3A_312 = tpu.memref_slice %arg19[%dma_start3A_310, %dma_start3A_311] : memref<128x64xf32, #tpu.memory_space<vmem>> -> memref<128x64xf32, #tpu.memory_space<vmem>>
        tpu.enqueue_dma source(%dma_start3A_312 : memref<128x64xf32, #tpu.memory_space<vmem>>) target(%dma_start3A_309 : memref<128x64xf32, #tpu.memory_space<vmem_shared>>) target_semaphore(%run_scoped3A : memref<!tpu.dma_semaphore, #tpu.memory_space<semaphore_mem>>)
        %dma_wait3A_313 = arith.constant 0 : i32
        %dma_wait3A_314 = arith.constant 0 : i32
        %dma_wait3A_315 = tpu.memref_slice %arg19[%dma_wait3A_313, %dma_wait3A_314] : memref<128x64xf32, #tpu.memory_space<vmem>> -> memref<128x64xf32, #tpu.memory_space<vmem>>
        %dma_wait3A_316 = arith.constant 9480 : i32
        %dma_wait3A_317 = arith.constant 0 : i32
        %dma_wait3A_318 = tpu.memref_slice %arg26[%dma_wait3A_316, %dma_wait3A_317] : memref<10000x64xf32, #tpu.memory_space<vmem_shared>> -> memref<128x64xf32, #tpu.memory_space<vmem_shared>>
        %dma_wait3A_319 = arith.constant 9480 : i32
        %dma_wait3A_320 = arith.constant 0 : i32
        %dma_wait3A_321 = tpu.memref_slice %arg26[%dma_wait3A_319, %dma_wait3A_320] : memref<10000x64xf32, #tpu.memory_space<vmem_shared>> -> memref<128x64xf32, #tpu.memory_space<vmem_shared>>
        %dma_wait3A_322 = arith.constant 0 : i32
        %dma_wait3A_323 = arith.constant 0 : i32
        %dma_wait3A_324 = tpu.memref_slice %arg19[%dma_wait3A_322, %dma_wait3A_323] : memref<128x64xf32, #tpu.memory_space<vmem>> -> memref<128x64xf32, #tpu.memory_space<vmem>>
        tpu.wait_dma2 semaphore(%run_scoped3A : memref<!tpu.dma_semaphore, #tpu.memory_space<semaphore_mem>>) src(%dma_wait3A_324 : memref<128x64xf32, #tpu.memory_space<vmem>>) dst(%dma_wait3A_321 : memref<128x64xf32, #tpu.memory_space<vmem_shared>>)
        tpu.yield
      }) : () -> ()
      "tpu.region"() ({
        %run_scoped3A = tpu.sem_alloc : memref<!tpu.dma_semaphore, #tpu.memory_space<semaphore_mem>>
        %dma_start3A_301 = arith.constant 0 : i32
        %dma_start3A_302 = arith.constant 0 : i32
        %dma_start3A_303 = tpu.memref_slice %arg19[%dma_start3A_301, %dma_start3A_302] : memref<128x64xf32, #tpu.memory_space<vmem>> -> memref<128x64xf32, #tpu.memory_space<vmem>>
        %dma_start3A_304 = arith.constant 9608 : i32
        %dma_start3A_305 = arith.constant 0 : i32
        %dma_start3A_306 = tpu.memref_slice %arg26[%dma_start3A_304, %dma_start3A_305] : memref<10000x64xf32, #tpu.memory_space<vmem_shared>> -> memref<128x64xf32, #tpu.memory_space<vmem_shared>>
        %dma_start3A_307 = arith.constant 9608 : i32
        %dma_start3A_308 = arith.constant 0 : i32
        %dma_start3A_309 = tpu.memref_slice %arg26[%dma_start3A_307, %dma_start3A_308] : memref<10000x64xf32, #tpu.memory_space<vmem_shared>> -> memref<128x64xf32, #tpu.memory_space<vmem_shared>>
        %dma_start3A_310 = arith.constant 0 : i32
        %dma_start3A_311 = arith.constant 0 : i32
        %dma_start3A_312 = tpu.memref_slice %arg19[%dma_start3A_310, %dma_start3A_311] : memref<128x64xf32, #tpu.memory_space<vmem>> -> memref<128x64xf32, #tpu.memory_space<vmem>>
        tpu.enqueue_dma source(%dma_start3A_312 : memref<128x64xf32, #tpu.memory_space<vmem>>) target(%dma_start3A_309 : memref<128x64xf32, #tpu.memory_space<vmem_shared>>) target_semaphore(%run_scoped3A : memref<!tpu.dma_semaphore, #tpu.memory_space<semaphore_mem>>)
        %dma_wait3A_313 = arith.constant 0 : i32
        %dma_wait3A_314 = arith.constant 0 : i32
        %dma_wait3A_315 = tpu.memref_slice %arg19[%dma_wait3A_313, %dma_wait3A_314] : memref<128x64xf32, #tpu.memory_space<vmem>> -> memref<128x64xf32, #tpu.memory_space<vmem>>
        %dma_wait3A_316 = arith.constant 9608 : i32
        %dma_wait3A_317 = arith.constant 0 : i32
        %dma_wait3A_318 = tpu.memref_slice %arg26[%dma_wait3A_316, %dma_wait3A_317] : memref<10000x64xf32, #tpu.memory_space<vmem_shared>> -> memref<128x64xf32, #tpu.memory_space<vmem_shared>>
        %dma_wait3A_319 = arith.constant 9608 : i32
        %dma_wait3A_320 = arith.constant 0 : i32
        %dma_wait3A_321 = tpu.memref_slice %arg26[%dma_wait3A_319, %dma_wait3A_320] : memref<10000x64xf32, #tpu.memory_space<vmem_shared>> -> memref<128x64xf32, #tpu.memory_space<vmem_shared>>
        %dma_wait3A_322 = arith.constant 0 : i32
        %dma_wait3A_323 = arith.constant 0 : i32
        %dma_wait3A_324 = tpu.memref_slice %arg19[%dma_wait3A_322, %dma_wait3A_323] : memref<128x64xf32, #tpu.memory_space<vmem>> -> memref<128x64xf32, #tpu.memory_space<vmem>>
        tpu.wait_dma2 semaphore(%run_scoped3A : memref<!tpu.dma_semaphore, #tpu.memory_space<semaphore_mem>>) src(%dma_wait3A_324 : memref<128x64xf32, #tpu.memory_space<vmem>>) dst(%dma_wait3A_321 : memref<128x64xf32, #tpu.memory_space<vmem_shared>>)
        tpu.yield
      }) : () -> ()
      "tpu.region"() ({
        %run_scoped3A = tpu.sem_alloc : memref<!tpu.dma_semaphore, #tpu.memory_space<semaphore_mem>>
        %dma_start3A_301 = arith.constant 0 : i32
        %dma_start3A_302 = arith.constant 0 : i32
        %dma_start3A_303 = tpu.memref_slice %arg19[%dma_start3A_301, %dma_start3A_302] : memref<128x64xf32, #tpu.memory_space<vmem>> -> memref<128x64xf32, #tpu.memory_space<vmem>>
        %dma_start3A_304 = arith.constant 9736 : i32
        %dma_start3A_305 = arith.constant 0 : i32
        %dma_start3A_306 = tpu.memref_slice %arg26[%dma_start3A_304, %dma_start3A_305] : memref<10000x64xf32, #tpu.memory_space<vmem_shared>> -> memref<128x64xf32, #tpu.memory_space<vmem_shared>>
        %dma_start3A_307 = arith.constant 9736 : i32
        %dma_start3A_308 = arith.constant 0 : i32
        %dma_start3A_309 = tpu.memref_slice %arg26[%dma_start3A_307, %dma_start3A_308] : memref<10000x64xf32, #tpu.memory_space<vmem_shared>> -> memref<128x64xf32, #tpu.memory_space<vmem_shared>>
        %dma_start3A_310 = arith.constant 0 : i32
        %dma_start3A_311 = arith.constant 0 : i32
        %dma_start3A_312 = tpu.memref_slice %arg19[%dma_start3A_310, %dma_start3A_311] : memref<128x64xf32, #tpu.memory_space<vmem>> -> memref<128x64xf32, #tpu.memory_space<vmem>>
        tpu.enqueue_dma source(%dma_start3A_312 : memref<128x64xf32, #tpu.memory_space<vmem>>) target(%dma_start3A_309 : memref<128x64xf32, #tpu.memory_space<vmem_shared>>) target_semaphore(%run_scoped3A : memref<!tpu.dma_semaphore, #tpu.memory_space<semaphore_mem>>)
        %dma_wait3A_313 = arith.constant 0 : i32
        %dma_wait3A_314 = arith.constant 0 : i32
        %dma_wait3A_315 = tpu.memref_slice %arg19[%dma_wait3A_313, %dma_wait3A_314] : memref<128x64xf32, #tpu.memory_space<vmem>> -> memref<128x64xf32, #tpu.memory_space<vmem>>
        %dma_wait3A_316 = arith.constant 9736 : i32
        %dma_wait3A_317 = arith.constant 0 : i32
        %dma_wait3A_318 = tpu.memref_slice %arg26[%dma_wait3A_316, %dma_wait3A_317] : memref<10000x64xf32, #tpu.memory_space<vmem_shared>> -> memref<128x64xf32, #tpu.memory_space<vmem_shared>>
        %dma_wait3A_319 = arith.constant 9736 : i32
        %dma_wait3A_320 = arith.constant 0 : i32
        %dma_wait3A_321 = tpu.memref_slice %arg26[%dma_wait3A_319, %dma_wait3A_320] : memref<10000x64xf32, #tpu.memory_space<vmem_shared>> -> memref<128x64xf32, #tpu.memory_space<vmem_shared>>
        %dma_wait3A_322 = arith.constant 0 : i32
        %dma_wait3A_323 = arith.constant 0 : i32
        %dma_wait3A_324 = tpu.memref_slice %arg19[%dma_wait3A_322, %dma_wait3A_323] : memref<128x64xf32, #tpu.memory_space<vmem>> -> memref<128x64xf32, #tpu.memory_space<vmem>>
        tpu.wait_dma2 semaphore(%run_scoped3A : memref<!tpu.dma_semaphore, #tpu.memory_space<semaphore_mem>>) src(%dma_wait3A_324 : memref<128x64xf32, #tpu.memory_space<vmem>>) dst(%dma_wait3A_321 : memref<128x64xf32, #tpu.memory_space<vmem_shared>>)
        tpu.yield
      }) : () -> ()
      "tpu.region"() ({
        %run_scoped3A = tpu.sem_alloc : memref<!tpu.dma_semaphore, #tpu.memory_space<semaphore_mem>>
        %dma_start3A_301 = arith.constant 0 : i32
        %dma_start3A_302 = arith.constant 0 : i32
        %dma_start3A_303 = tpu.memref_slice %arg19[%dma_start3A_301, %dma_start3A_302] : memref<128x64xf32, #tpu.memory_space<vmem>> -> memref<128x64xf32, #tpu.memory_space<vmem>>
        %dma_start3A_304 = arith.constant 9864 : i32
        %dma_start3A_305 = arith.constant 0 : i32
        %dma_start3A_306 = tpu.memref_slice %arg26[%dma_start3A_304, %dma_start3A_305] : memref<10000x64xf32, #tpu.memory_space<vmem_shared>> -> memref<128x64xf32, #tpu.memory_space<vmem_shared>>
        %dma_start3A_307 = arith.constant 9864 : i32
        %dma_start3A_308 = arith.constant 0 : i32
        %dma_start3A_309 = tpu.memref_slice %arg26[%dma_start3A_307, %dma_start3A_308] : memref<10000x64xf32, #tpu.memory_space<vmem_shared>> -> memref<128x64xf32, #tpu.memory_space<vmem_shared>>
        %dma_start3A_310 = arith.constant 0 : i32
        %dma_start3A_311 = arith.constant 0 : i32
        %dma_start3A_312 = tpu.memref_slice %arg19[%dma_start3A_310, %dma_start3A_311] : memref<128x64xf32, #tpu.memory_space<vmem>> -> memref<128x64xf32, #tpu.memory_space<vmem>>
        tpu.enqueue_dma source(%dma_start3A_312 : memref<128x64xf32, #tpu.memory_space<vmem>>) target(%dma_start3A_309 : memref<128x64xf32, #tpu.memory_space<vmem_shared>>) target_semaphore(%run_scoped3A : memref<!tpu.dma_semaphore, #tpu.memory_space<semaphore_mem>>)
        %dma_wait3A_313 = arith.constant 0 : i32
        %dma_wait3A_314 = arith.constant 0 : i32
        %dma_wait3A_315 = tpu.memref_slice %arg19[%dma_wait3A_313, %dma_wait3A_314] : memref<128x64xf32, #tpu.memory_space<vmem>> -> memref<128x64xf32, #tpu.memory_space<vmem>>
        %dma_wait3A_316 = arith.constant 9864 : i32
        %dma_wait3A_317 = arith.constant 0 : i32
        %dma_wait3A_318 = tpu.memref_slice %arg26[%dma_wait3A_316, %dma_wait3A_317] : memref<10000x64xf32, #tpu.memory_space<vmem_shared>> -> memref<128x64xf32, #tpu.memory_space<vmem_shared>>
        %dma_wait3A_319 = arith.constant 9864 : i32
        %dma_wait3A_320 = arith.constant 0 : i32
        %dma_wait3A_321 = tpu.memref_slice %arg26[%dma_wait3A_319, %dma_wait3A_320] : memref<10000x64xf32, #tpu.memory_space<vmem_shared>> -> memref<128x64xf32, #tpu.memory_space<vmem_shared>>
        %dma_wait3A_322 = arith.constant 0 : i32
        %dma_wait3A_323 = arith.constant 0 : i32
        %dma_wait3A_324 = tpu.memref_slice %arg19[%dma_wait3A_322, %dma_wait3A_323] : memref<128x64xf32, #tpu.memory_space<vmem>> -> memref<128x64xf32, #tpu.memory_space<vmem>>
        tpu.wait_dma2 semaphore(%run_scoped3A : memref<!tpu.dma_semaphore, #tpu.memory_space<semaphore_mem>>) src(%dma_wait3A_324 : memref<128x64xf32, #tpu.memory_space<vmem>>) dst(%dma_wait3A_321 : memref<128x64xf32, #tpu.memory_space<vmem_shared>>)
        tpu.yield
      }) : () -> ()
      "tpu.region"() ({
        %run_scoped3A = tpu.sem_alloc : memref<!tpu.dma_semaphore, #tpu.memory_space<semaphore_mem>>
        %dma_start3A_301 = arith.constant 0 : i32
        %dma_start3A_302 = arith.constant 0 : i32
        %dma_start3A_303 = tpu.memref_slice %arg19[%dma_start3A_301, %dma_start3A_302] : memref<128x64xf32, #tpu.memory_space<vmem>> -> memref<8x64xf32, #tpu.memory_space<vmem>>
        %dma_start3A_304 = arith.constant 9992 : i32
        %dma_start3A_305 = arith.constant 0 : i32
        %dma_start3A_306 = tpu.memref_slice %arg26[%dma_start3A_304, %dma_start3A_305] : memref<10000x64xf32, #tpu.memory_space<vmem_shared>> -> memref<8x64xf32, #tpu.memory_space<vmem_shared>>
        %dma_start3A_307 = arith.constant 9992 : i32
        %dma_start3A_308 = arith.constant 0 : i32
        %dma_start3A_309 = tpu.memref_slice %arg26[%dma_start3A_307, %dma_start3A_308] : memref<10000x64xf32, #tpu.memory_space<vmem_shared>> -> memref<8x64xf32, #tpu.memory_space<vmem_shared>>
        %dma_start3A_310 = arith.constant 0 : i32
        %dma_start3A_311 = arith.constant 0 : i32
        %dma_start3A_312 = tpu.memref_slice %arg19[%dma_start3A_310, %dma_start3A_311] : memref<128x64xf32, #tpu.memory_space<vmem>> -> memref<8x64xf32, #tpu.memory_space<vmem>>
        tpu.enqueue_dma source(%dma_start3A_312 : memref<8x64xf32, #tpu.memory_space<vmem>>) target(%dma_start3A_309 : memref<8x64xf32, #tpu.memory_space<vmem_shared>>) target_semaphore(%run_scoped3A : memref<!tpu.dma_semaphore, #tpu.memory_space<semaphore_mem>>)
        %dma_wait3A_313 = arith.constant 0 : i32
        %dma_wait3A_314 = arith.constant 0 : i32
        %dma_wait3A_315 = tpu.memref_slice %arg19[%dma_wait3A_313, %dma_wait3A_314] : memref<128x64xf32, #tpu.memory_space<vmem>> -> memref<8x64xf32, #tpu.memory_space<vmem>>
        %dma_wait3A_316 = arith.constant 9992 : i32
        %dma_wait3A_317 = arith.constant 0 : i32
        %dma_wait3A_318 = tpu.memref_slice %arg26[%dma_wait3A_316, %dma_wait3A_317] : memref<10000x64xf32, #tpu.memory_space<vmem_shared>> -> memref<8x64xf32, #tpu.memory_space<vmem_shared>>
        %dma_wait3A_319 = arith.constant 9992 : i32
        %dma_wait3A_320 = arith.constant 0 : i32
        %dma_wait3A_321 = tpu.memref_slice %arg26[%dma_wait3A_319, %dma_wait3A_320] : memref<10000x64xf32, #tpu.memory_space<vmem_shared>> -> memref<8x64xf32, #tpu.memory_space<vmem_shared>>
        %dma_wait3A_322 = arith.constant 0 : i32
        %dma_wait3A_323 = arith.constant 0 : i32
        %dma_wait3A_324 = tpu.memref_slice %arg19[%dma_wait3A_322, %dma_wait3A_323] : memref<128x64xf32, #tpu.memory_space<vmem>> -> memref<8x64xf32, #tpu.memory_space<vmem>>
        tpu.wait_dma2 semaphore(%run_scoped3A : memref<!tpu.dma_semaphore, #tpu.memory_space<semaphore_mem>>) src(%dma_wait3A_324 : memref<8x64xf32, #tpu.memory_space<vmem>>) dst(%dma_wait3A_321 : memref<8x64xf32, #tpu.memory_space<vmem_shared>>)
        tpu.yield
      }) : () -> ()
    } else {
    }
    %barrier3A = arith.constant 0 : index
    tpu.barrier barrier_id(%barrier3A)
    %add3A_46 = arith.constant 0 : i32
    %add3A_47 = arith.addi %select_n3A, %add3A_46 : i32
    %mul3A_48 = arith.constant 128 : i32
    %mul3A_49 = arith.muli %add3A_47, %mul3A_48 : i32
    %multiple_of3A = tpu.assume_multiple %mul3A_49, 8 : i32
    %dma_start3A = arith.constant 0 : i32
    %dma_start3A_50 = arith.constant 0 : i32
    %dma_start3A_51 = arith.constant 0 : i32
    %dma_start3A_52 = tpu.memref_slice %arg5[%dma_start3A_50, %dma_start3A_51] : memref<1x128xi32, #tpu.memory_space<vmem>> -> memref<1x128xi32, #tpu.memory_space<vmem>>
    %dma_start3A_53 = tpu.memref_squeeze %dma_start3A_52 : memref<1x128xi32, #tpu.memory_space<vmem>> -> memref<128xi32, #tpu.memory_space<vmem>>
    %dma_start3A_54 = tpu.memref_slice %arg3[%dma_start3A, %multiple_of3A] : memref<2x640000xi32, #tpu.memory_space<hbm>> -> memref<1x128xi32, #tpu.memory_space<hbm>>
    %dma_start3A_55 = tpu.memref_squeeze %dma_start3A_54 : memref<1x128xi32, #tpu.memory_space<hbm>> -> memref<128xi32, #tpu.memory_space<hbm>>
    %dma_start3A_56 = arith.constant 0 : i32
    %dma_start3A_57 = tpu.memref_slice %arg5[%dma_start3A_50, %dma_start3A_56] : memref<1x128xi32, #tpu.memory_space<vmem>> -> memref<1x128xi32, #tpu.memory_space<vmem>>
    %dma_start3A_58 = tpu.memref_squeeze %dma_start3A_57 : memref<1x128xi32, #tpu.memory_space<vmem>> -> memref<128xi32, #tpu.memory_space<vmem>>
    %dma_start3A_59 = tpu.memref_slice %arg3[%dma_start3A, %multiple_of3A] : memref<2x640000xi32, #tpu.memory_space<hbm>> -> memref<1x128xi32, #tpu.memory_space<hbm>>
    %dma_start3A_60 = tpu.memref_squeeze %dma_start3A_59 : memref<1x128xi32, #tpu.memory_space<hbm>> -> memref<128xi32, #tpu.memory_space<hbm>>
    tpu.enqueue_dma source(%dma_start3A_60 : memref<128xi32, #tpu.memory_space<hbm>>) target(%dma_start3A_58 : memref<128xi32, #tpu.memory_space<vmem>>) target_semaphore(%arg27 : memref<!tpu.dma_semaphore, #tpu.memory_space<semaphore_mem>>)
    %dma_start3A_61 = arith.constant 1 : i32
    %dma_start3A_62 = arith.constant 0 : i32
    %dma_start3A_63 = arith.constant 0 : i32
    %dma_start3A_64 = tpu.memref_slice %arg11[%dma_start3A_62, %dma_start3A_63] : memref<1x128xi32, #tpu.memory_space<vmem>> -> memref<1x128xi32, #tpu.memory_space<vmem>>
    %dma_start3A_65 = tpu.memref_squeeze %dma_start3A_64 : memref<1x128xi32, #tpu.memory_space<vmem>> -> memref<128xi32, #tpu.memory_space<vmem>>
    %dma_start3A_66 = tpu.memref_slice %arg3[%dma_start3A_61, %multiple_of3A] : memref<2x640000xi32, #tpu.memory_space<hbm>> -> memref<1x128xi32, #tpu.memory_space<hbm>>
    %dma_start3A_67 = tpu.memref_squeeze %dma_start3A_66 : memref<1x128xi32, #tpu.memory_space<hbm>> -> memref<128xi32, #tpu.memory_space<hbm>>
    %dma_start3A_68 = arith.constant 0 : i32
    %dma_start3A_69 = tpu.memref_slice %arg11[%dma_start3A_62, %dma_start3A_68] : memref<1x128xi32, #tpu.memory_space<vmem>> -> memref<1x128xi32, #tpu.memory_space<vmem>>
    %dma_start3A_70 = tpu.memref_squeeze %dma_start3A_69 : memref<1x128xi32, #tpu.memory_space<vmem>> -> memref<128xi32, #tpu.memory_space<vmem>>
    %dma_start3A_71 = tpu.memref_slice %arg3[%dma_start3A_61, %multiple_of3A] : memref<2x640000xi32, #tpu.memory_space<hbm>> -> memref<1x128xi32, #tpu.memory_space<hbm>>
    %dma_start3A_72 = tpu.memref_squeeze %dma_start3A_71 : memref<1x128xi32, #tpu.memory_space<hbm>> -> memref<128xi32, #tpu.memory_space<hbm>>
    tpu.enqueue_dma source(%dma_start3A_72 : memref<128xi32, #tpu.memory_space<hbm>>) target(%dma_start3A_70 : memref<128xi32, #tpu.memory_space<vmem>>) target_semaphore(%arg27 : memref<!tpu.dma_semaphore, #tpu.memory_space<semaphore_mem>>)
    %add3A_73 = arith.constant 1 : i32
    %add3A_74 = arith.addi %select_n3A, %add3A_73 : i32
    %mul3A_75 = arith.constant 128 : i32
    %mul3A_76 = arith.muli %add3A_74, %mul3A_75 : i32
    %multiple_of3A_77 = tpu.assume_multiple %mul3A_76, 8 : i32
    %dma_start3A_78 = arith.constant 0 : i32
    %dma_start3A_79 = arith.constant 0 : i32
    %dma_start3A_80 = arith.constant 0 : i32
    %dma_start3A_81 = tpu.memref_slice %arg6[%dma_start3A_79, %dma_start3A_80] : memref<1x128xi32, #tpu.memory_space<vmem>> -> memref<1x128xi32, #tpu.memory_space<vmem>>
    %dma_start3A_82 = tpu.memref_squeeze %dma_start3A_81 : memref<1x128xi32, #tpu.memory_space<vmem>> -> memref<128xi32, #tpu.memory_space<vmem>>
    %dma_start3A_83 = tpu.memref_slice %arg3[%dma_start3A_78, %multiple_of3A_77] : memref<2x640000xi32, #tpu.memory_space<hbm>> -> memref<1x128xi32, #tpu.memory_space<hbm>>
    %dma_start3A_84 = tpu.memref_squeeze %dma_start3A_83 : memref<1x128xi32, #tpu.memory_space<hbm>> -> memref<128xi32, #tpu.memory_space<hbm>>
    %dma_start3A_85 = arith.constant 0 : i32
    %dma_start3A_86 = tpu.memref_slice %arg6[%dma_start3A_79, %dma_start3A_85] : memref<1x128xi32, #tpu.memory_space<vmem>> -> memref<1x128xi32, #tpu.memory_space<vmem>>
    %dma_start3A_87 = tpu.memref_squeeze %dma_start3A_86 : memref<1x128xi32, #tpu.memory_space<vmem>> -> memref<128xi32, #tpu.memory_space<vmem>>
    %dma_start3A_88 = tpu.memref_slice %arg3[%dma_start3A_78, %multiple_of3A_77] : memref<2x640000xi32, #tpu.memory_space<hbm>> -> memref<1x128xi32, #tpu.memory_space<hbm>>
    %dma_start3A_89 = tpu.memref_squeeze %dma_start3A_88 : memref<1x128xi32, #tpu.memory_space<hbm>> -> memref<128xi32, #tpu.memory_space<hbm>>
    tpu.enqueue_dma source(%dma_start3A_89 : memref<128xi32, #tpu.memory_space<hbm>>) target(%dma_start3A_87 : memref<128xi32, #tpu.memory_space<vmem>>) target_semaphore(%arg28 : memref<!tpu.dma_semaphore, #tpu.memory_space<semaphore_mem>>)
    %dma_start3A_90 = arith.constant 1 : i32
    %dma_start3A_91 = arith.constant 0 : i32
    %dma_start3A_92 = arith.constant 0 : i32
    %dma_start3A_93 = tpu.memref_slice %arg12[%dma_start3A_91, %dma_start3A_92] : memref<1x128xi32, #tpu.memory_space<vmem>> -> memref<1x128xi32, #tpu.memory_space<vmem>>
    %dma_start3A_94 = tpu.memref_squeeze %dma_start3A_93 : memref<1x128xi32, #tpu.memory_space<vmem>> -> memref<128xi32, #tpu.memory_space<vmem>>
    %dma_start3A_95 = tpu.memref_slice %arg3[%dma_start3A_90, %multiple_of3A_77] : memref<2x640000xi32, #tpu.memory_space<hbm>> -> memref<1x128xi32, #tpu.memory_space<hbm>>
    %dma_start3A_96 = tpu.memref_squeeze %dma_start3A_95 : memref<1x128xi32, #tpu.memory_space<hbm>> -> memref<128xi32, #tpu.memory_space<hbm>>
    %dma_start3A_97 = arith.constant 0 : i32
    %dma_start3A_98 = tpu.memref_slice %arg12[%dma_start3A_91, %dma_start3A_97] : memref<1x128xi32, #tpu.memory_space<vmem>> -> memref<1x128xi32, #tpu.memory_space<vmem>>
    %dma_start3A_99 = tpu.memref_squeeze %dma_start3A_98 : memref<1x128xi32, #tpu.memory_space<vmem>> -> memref<128xi32, #tpu.memory_space<vmem>>
    %dma_start3A_100 = tpu.memref_slice %arg3[%dma_start3A_90, %multiple_of3A_77] : memref<2x640000xi32, #tpu.memory_space<hbm>> -> memref<1x128xi32, #tpu.memory_space<hbm>>
    %dma_start3A_101 = tpu.memref_squeeze %dma_start3A_100 : memref<1x128xi32, #tpu.memory_space<hbm>> -> memref<128xi32, #tpu.memory_space<hbm>>
    tpu.enqueue_dma source(%dma_start3A_101 : memref<128xi32, #tpu.memory_space<hbm>>) target(%dma_start3A_99 : memref<128xi32, #tpu.memory_space<vmem>>) target_semaphore(%arg28 : memref<!tpu.dma_semaphore, #tpu.memory_space<semaphore_mem>>)
    %add3A_102 = arith.constant 2 : i32
    %add3A_103 = arith.addi %select_n3A, %add3A_102 : i32
    %mul3A_104 = arith.constant 128 : i32
    %mul3A_105 = arith.muli %add3A_103, %mul3A_104 : i32
    %multiple_of3A_106 = tpu.assume_multiple %mul3A_105, 8 : i32
    %dma_start3A_107 = arith.constant 0 : i32
    %dma_start3A_108 = arith.constant 0 : i32
    %dma_start3A_109 = arith.constant 0 : i32
    %dma_start3A_110 = tpu.memref_slice %arg7[%dma_start3A_108, %dma_start3A_109] : memref<1x128xi32, #tpu.memory_space<vmem>> -> memref<1x128xi32, #tpu.memory_space<vmem>>
    %dma_start3A_111 = tpu.memref_squeeze %dma_start3A_110 : memref<1x128xi32, #tpu.memory_space<vmem>> -> memref<128xi32, #tpu.memory_space<vmem>>
    %dma_start3A_112 = tpu.memref_slice %arg3[%dma_start3A_107, %multiple_of3A_106] : memref<2x640000xi32, #tpu.memory_space<hbm>> -> memref<1x128xi32, #tpu.memory_space<hbm>>
    %dma_start3A_113 = tpu.memref_squeeze %dma_start3A_112 : memref<1x128xi32, #tpu.memory_space<hbm>> -> memref<128xi32, #tpu.memory_space<hbm>>
    %dma_start3A_114 = arith.constant 0 : i32
    %dma_start3A_115 = tpu.memref_slice %arg7[%dma_start3A_108, %dma_start3A_114] : memref<1x128xi32, #tpu.memory_space<vmem>> -> memref<1x128xi32, #tpu.memory_space<vmem>>
    %dma_start3A_116 = tpu.memref_squeeze %dma_start3A_115 : memref<1x128xi32, #tpu.memory_space<vmem>> -> memref<128xi32, #tpu.memory_space<vmem>>
    %dma_start3A_117 = tpu.memref_slice %arg3[%dma_start3A_107, %multiple_of3A_106] : memref<2x640000xi32, #tpu.memory_space<hbm>> -> memref<1x128xi32, #tpu.memory_space<hbm>>
    %dma_start3A_118 = tpu.memref_squeeze %dma_start3A_117 : memref<1x128xi32, #tpu.memory_space<hbm>> -> memref<128xi32, #tpu.memory_space<hbm>>
    tpu.enqueue_dma source(%dma_start3A_118 : memref<128xi32, #tpu.memory_space<hbm>>) target(%dma_start3A_116 : memref<128xi32, #tpu.memory_space<vmem>>) target_semaphore(%arg29 : memref<!tpu.dma_semaphore, #tpu.memory_space<semaphore_mem>>)
    %dma_start3A_119 = arith.constant 1 : i32
    %dma_start3A_120 = arith.constant 0 : i32
    %dma_start3A_121 = arith.constant 0 : i32
    %dma_start3A_122 = tpu.memref_slice %arg13[%dma_start3A_120, %dma_start3A_121] : memref<1x128xi32, #tpu.memory_space<vmem>> -> memref<1x128xi32, #tpu.memory_space<vmem>>
    %dma_start3A_123 = tpu.memref_squeeze %dma_start3A_122 : memref<1x128xi32, #tpu.memory_space<vmem>> -> memref<128xi32, #tpu.memory_space<vmem>>
    %dma_start3A_124 = tpu.memref_slice %arg3[%dma_start3A_119, %multiple_of3A_106] : memref<2x640000xi32, #tpu.memory_space<hbm>> -> memref<1x128xi32, #tpu.memory_space<hbm>>
    %dma_start3A_125 = tpu.memref_squeeze %dma_start3A_124 : memref<1x128xi32, #tpu.memory_space<hbm>> -> memref<128xi32, #tpu.memory_space<hbm>>
    %dma_start3A_126 = arith.constant 0 : i32
    %dma_start3A_127 = tpu.memref_slice %arg13[%dma_start3A_120, %dma_start3A_126] : memref<1x128xi32, #tpu.memory_space<vmem>> -> memref<1x128xi32, #tpu.memory_space<vmem>>
    %dma_start3A_128 = tpu.memref_squeeze %dma_start3A_127 : memref<1x128xi32, #tpu.memory_space<vmem>> -> memref<128xi32, #tpu.memory_space<vmem>>
    %dma_start3A_129 = tpu.memref_slice %arg3[%dma_start3A_119, %multiple_of3A_106] : memref<2x640000xi32, #tpu.memory_space<hbm>> -> memref<1x128xi32, #tpu.memory_space<hbm>>
    %dma_start3A_130 = tpu.memref_squeeze %dma_start3A_129 : memref<1x128xi32, #tpu.memory_space<hbm>> -> memref<128xi32, #tpu.memory_space<hbm>>
    tpu.enqueue_dma source(%dma_start3A_130 : memref<128xi32, #tpu.memory_space<hbm>>) target(%dma_start3A_128 : memref<128xi32, #tpu.memory_space<vmem>>) target_semaphore(%arg29 : memref<!tpu.dma_semaphore, #tpu.memory_space<semaphore_mem>>)
    %add3A_131 = arith.constant 3 : i32
    %add3A_132 = arith.addi %select_n3A, %add3A_131 : i32
    %mul3A_133 = arith.constant 128 : i32
    %mul3A_134 = arith.muli %add3A_132, %mul3A_133 : i32
    %multiple_of3A_135 = tpu.assume_multiple %mul3A_134, 8 : i32
    %dma_start3A_136 = arith.constant 0 : i32
    %dma_start3A_137 = arith.constant 0 : i32
    %dma_start3A_138 = arith.constant 0 : i32
    %dma_start3A_139 = tpu.memref_slice %arg8[%dma_start3A_137, %dma_start3A_138] : memref<1x128xi32, #tpu.memory_space<vmem>> -> memref<1x128xi32, #tpu.memory_space<vmem>>
    %dma_start3A_140 = tpu.memref_squeeze %dma_start3A_139 : memref<1x128xi32, #tpu.memory_space<vmem>> -> memref<128xi32, #tpu.memory_space<vmem>>
    %dma_start3A_141 = tpu.memref_slice %arg3[%dma_start3A_136, %multiple_of3A_135] : memref<2x640000xi32, #tpu.memory_space<hbm>> -> memref<1x128xi32, #tpu.memory_space<hbm>>
    %dma_start3A_142 = tpu.memref_squeeze %dma_start3A_141 : memref<1x128xi32, #tpu.memory_space<hbm>> -> memref<128xi32, #tpu.memory_space<hbm>>
    %dma_start3A_143 = arith.constant 0 : i32
    %dma_start3A_144 = tpu.memref_slice %arg8[%dma_start3A_137, %dma_start3A_143] : memref<1x128xi32, #tpu.memory_space<vmem>> -> memref<1x128xi32, #tpu.memory_space<vmem>>
    %dma_start3A_145 = tpu.memref_squeeze %dma_start3A_144 : memref<1x128xi32, #tpu.memory_space<vmem>> -> memref<128xi32, #tpu.memory_space<vmem>>
    %dma_start3A_146 = tpu.memref_slice %arg3[%dma_start3A_136, %multiple_of3A_135] : memref<2x640000xi32, #tpu.memory_space<hbm>> -> memref<1x128xi32, #tpu.memory_space<hbm>>
    %dma_start3A_147 = tpu.memref_squeeze %dma_start3A_146 : memref<1x128xi32, #tpu.memory_space<hbm>> -> memref<128xi32, #tpu.memory_space<hbm>>
    tpu.enqueue_dma source(%dma_start3A_147 : memref<128xi32, #tpu.memory_space<hbm>>) target(%dma_start3A_145 : memref<128xi32, #tpu.memory_space<vmem>>) target_semaphore(%arg30 : memref<!tpu.dma_semaphore, #tpu.memory_space<semaphore_mem>>)
    %dma_start3A_148 = arith.constant 1 : i32
    %dma_start3A_149 = arith.constant 0 : i32
    %dma_start3A_150 = arith.constant 0 : i32
    %dma_start3A_151 = tpu.memref_slice %arg14[%dma_start3A_149, %dma_start3A_150] : memref<1x128xi32, #tpu.memory_space<vmem>> -> memref<1x128xi32, #tpu.memory_space<vmem>>
    %dma_start3A_152 = tpu.memref_squeeze %dma_start3A_151 : memref<1x128xi32, #tpu.memory_space<vmem>> -> memref<128xi32, #tpu.memory_space<vmem>>
    %dma_start3A_153 = tpu.memref_slice %arg3[%dma_start3A_148, %multiple_of3A_135] : memref<2x640000xi32, #tpu.memory_space<hbm>> -> memref<1x128xi32, #tpu.memory_space<hbm>>
    %dma_start3A_154 = tpu.memref_squeeze %dma_start3A_153 : memref<1x128xi32, #tpu.memory_space<hbm>> -> memref<128xi32, #tpu.memory_space<hbm>>
    %dma_start3A_155 = arith.constant 0 : i32
    %dma_start3A_156 = tpu.memref_slice %arg14[%dma_start3A_149, %dma_start3A_155] : memref<1x128xi32, #tpu.memory_space<vmem>> -> memref<1x128xi32, #tpu.memory_space<vmem>>
    %dma_start3A_157 = tpu.memref_squeeze %dma_start3A_156 : memref<1x128xi32, #tpu.memory_space<vmem>> -> memref<128xi32, #tpu.memory_space<vmem>>
    %dma_start3A_158 = tpu.memref_slice %arg3[%dma_start3A_148, %multiple_of3A_135] : memref<2x640000xi32, #tpu.memory_space<hbm>> -> memref<1x128xi32, #tpu.memory_space<hbm>>
    %dma_start3A_159 = tpu.memref_squeeze %dma_start3A_158 : memref<1x128xi32, #tpu.memory_space<hbm>> -> memref<128xi32, #tpu.memory_space<hbm>>
    tpu.enqueue_dma source(%dma_start3A_159 : memref<128xi32, #tpu.memory_space<hbm>>) target(%dma_start3A_157 : memref<128xi32, #tpu.memory_space<vmem>>) target_semaphore(%arg30 : memref<!tpu.dma_semaphore, #tpu.memory_space<semaphore_mem>>)
    %dma_wait3A = arith.constant 0 : i32
    %dma_wait3A_160 = arith.constant 0 : i32
    %dma_wait3A_161 = arith.constant 0 : i32
    %dma_wait3A_162 = tpu.memref_slice %arg5[%dma_wait3A_160, %dma_wait3A_161] : memref<1x128xi32, #tpu.memory_space<vmem>> -> memref<1x128xi32, #tpu.memory_space<vmem>>
    %dma_wait3A_163 = tpu.memref_squeeze %dma_wait3A_162 : memref<1x128xi32, #tpu.memory_space<vmem>> -> memref<128xi32, #tpu.memory_space<vmem>>
    %dma_wait3A_164 = arith.constant 0 : i32
    %dma_wait3A_165 = tpu.memref_slice %arg3[%dma_wait3A, %dma_wait3A_164] : memref<2x640000xi32, #tpu.memory_space<hbm>> -> memref<1x128xi32, #tpu.memory_space<hbm>>
    %dma_wait3A_166 = tpu.memref_squeeze %dma_wait3A_165 : memref<1x128xi32, #tpu.memory_space<hbm>> -> memref<128xi32, #tpu.memory_space<hbm>>
    %dma_wait3A_167 = arith.constant 0 : i32
    %dma_wait3A_168 = tpu.memref_slice %arg5[%dma_wait3A_160, %dma_wait3A_167] : memref<1x128xi32, #tpu.memory_space<vmem>> -> memref<1x128xi32, #tpu.memory_space<vmem>>
    %dma_wait3A_169 = tpu.memref_squeeze %dma_wait3A_168 : memref<1x128xi32, #tpu.memory_space<vmem>> -> memref<128xi32, #tpu.memory_space<vmem>>
    %dma_wait3A_170 = arith.constant 0 : i32
    %dma_wait3A_171 = tpu.memref_slice %arg3[%dma_wait3A, %dma_wait3A_170] : memref<2x640000xi32, #tpu.memory_space<hbm>> -> memref<1x128xi32, #tpu.memory_space<hbm>>
    %dma_wait3A_172 = tpu.memref_squeeze %dma_wait3A_171 : memref<1x128xi32, #tpu.memory_space<hbm>> -> memref<128xi32, #tpu.memory_space<hbm>>
    tpu.wait_dma2 semaphore(%arg27 : memref<!tpu.dma_semaphore, #tpu.memory_space<semaphore_mem>>) src(%dma_wait3A_172 : memref<128xi32, #tpu.memory_space<hbm>>) dst(%dma_wait3A_169 : memref<128xi32, #tpu.memory_space<vmem>>)
    %dma_wait3A_173 = arith.constant 1 : i32
    %dma_wait3A_174 = arith.constant 0 : i32
    %dma_wait3A_175 = arith.constant 0 : i32
    %dma_wait3A_176 = tpu.memref_slice %arg11[%dma_wait3A_174, %dma_wait3A_175] : memref<1x128xi32, #tpu.memory_space<vmem>> -> memref<1x128xi32, #tpu.memory_space<vmem>>
    %dma_wait3A_177 = tpu.memref_squeeze %dma_wait3A_176 : memref<1x128xi32, #tpu.memory_space<vmem>> -> memref<128xi32, #tpu.memory_space<vmem>>
    %dma_wait3A_178 = arith.constant 0 : i32
    %dma_wait3A_179 = tpu.memref_slice %arg3[%dma_wait3A_173, %dma_wait3A_178] : memref<2x640000xi32, #tpu.memory_space<hbm>> -> memref<1x128xi32, #tpu.memory_space<hbm>>
    %dma_wait3A_180 = tpu.memref_squeeze %dma_wait3A_179 : memref<1x128xi32, #tpu.memory_space<hbm>> -> memref<128xi32, #tpu.memory_space<hbm>>
    %dma_wait3A_181 = arith.constant 0 : i32
    %dma_wait3A_182 = tpu.memref_slice %arg11[%dma_wait3A_174, %dma_wait3A_181] : memref<1x128xi32, #tpu.memory_space<vmem>> -> memref<1x128xi32, #tpu.memory_space<vmem>>
    %dma_wait3A_183 = tpu.memref_squeeze %dma_wait3A_182 : memref<1x128xi32, #tpu.memory_space<vmem>> -> memref<128xi32, #tpu.memory_space<vmem>>
    %dma_wait3A_184 = arith.constant 0 : i32
    %dma_wait3A_185 = tpu.memref_slice %arg3[%dma_wait3A_173, %dma_wait3A_184] : memref<2x640000xi32, #tpu.memory_space<hbm>> -> memref<1x128xi32, #tpu.memory_space<hbm>>
    %dma_wait3A_186 = tpu.memref_squeeze %dma_wait3A_185 : memref<1x128xi32, #tpu.memory_space<hbm>> -> memref<128xi32, #tpu.memory_space<hbm>>
    tpu.wait_dma2 semaphore(%arg27 : memref<!tpu.dma_semaphore, #tpu.memory_space<semaphore_mem>>) src(%dma_wait3A_186 : memref<128xi32, #tpu.memory_space<hbm>>) dst(%dma_wait3A_183 : memref<128xi32, #tpu.memory_space<vmem>>)
    %dma_start3A_187 = arith.constant 0 : i32
    %dma_start3A_188 = arith.constant 0 : i32
    %dma_start3A_189 = tpu.memref_slice %arg5[%dma_start3A_187, %dma_start3A_188] : memref<1x128xi32, #tpu.memory_space<vmem>> -> memref<1x128xi32, #tpu.memory_space<vmem>>
    %dma_start3A_190 = tpu.memref_squeeze %dma_start3A_189 : memref<1x128xi32, #tpu.memory_space<vmem>> -> memref<128xi32, #tpu.memory_space<vmem>>
    %dma_start3A_191 = arith.constant 0 : i32
    %dma_start3A_192 = arith.constant 0 : i32
    %dma_start3A_193 = tpu.memref_slice %arg2[%dma_start3A_191, %dma_start3A_192] : memref<10000x64xf32, #tpu.memory_space<hbm>> -> memref<10000x64xf32, #tpu.memory_space<hbm>>
    tpu.enqueue_indirect_dma source(%dma_start3A_193 : memref<10000x64xf32, #tpu.memory_space<hbm>>) target(%arg19 : memref<128x64xf32, #tpu.memory_space<vmem>>) offsets(%dma_start3A_190 : memref<128xi32, #tpu.memory_space<vmem>>) semaphore(%arg33 : memref<!tpu.dma_semaphore, #tpu.memory_space<semaphore_mem>>)
    %dma_wait3A_194 = arith.constant 0 : i32
    %dma_wait3A_195 = arith.constant 0 : i32
    %dma_wait3A_196 = arith.constant 0 : i32
    %dma_wait3A_197 = tpu.memref_slice %arg6[%dma_wait3A_195, %dma_wait3A_196] : memref<1x128xi32, #tpu.memory_space<vmem>> -> memref<1x128xi32, #tpu.memory_space<vmem>>
    %dma_wait3A_198 = tpu.memref_squeeze %dma_wait3A_197 : memref<1x128xi32, #tpu.memory_space<vmem>> -> memref<128xi32, #tpu.memory_space<vmem>>
    %dma_wait3A_199 = arith.constant 0 : i32
    %dma_wait3A_200 = tpu.memref_slice %arg3[%dma_wait3A_194, %dma_wait3A_199] : memref<2x640000xi32, #tpu.memory_space<hbm>> -> memref<1x128xi32, #tpu.memory_space<hbm>>
    %dma_wait3A_201 = tpu.memref_squeeze %dma_wait3A_200 : memref<1x128xi32, #tpu.memory_space<hbm>> -> memref<128xi32, #tpu.memory_space<hbm>>
    %dma_wait3A_202 = arith.constant 0 : i32
    %dma_wait3A_203 = tpu.memref_slice %arg6[%dma_wait3A_195, %dma_wait3A_202] : memref<1x128xi32, #tpu.memory_space<vmem>> -> memref<1x128xi32, #tpu.memory_space<vmem>>
    %dma_wait3A_204 = tpu.memref_squeeze %dma_wait3A_203 : memref<1x128xi32, #tpu.memory_space<vmem>> -> memref<128xi32, #tpu.memory_space<vmem>>
    %dma_wait3A_205 = arith.constant 0 : i32
    %dma_wait3A_206 = tpu.memref_slice %arg3[%dma_wait3A_194, %dma_wait3A_205] : memref<2x640000xi32, #tpu.memory_space<hbm>> -> memref<1x128xi32, #tpu.memory_space<hbm>>
    %dma_wait3A_207 = tpu.memref_squeeze %dma_wait3A_206 : memref<1x128xi32, #tpu.memory_space<hbm>> -> memref<128xi32, #tpu.memory_space<hbm>>
    tpu.wait_dma2 semaphore(%arg28 : memref<!tpu.dma_semaphore, #tpu.memory_space<semaphore_mem>>) src(%dma_wait3A_207 : memref<128xi32, #tpu.memory_space<hbm>>) dst(%dma_wait3A_204 : memref<128xi32, #tpu.memory_space<vmem>>)
    %dma_wait3A_208 = arith.constant 1 : i32
    %dma_wait3A_209 = arith.constant 0 : i32
    %dma_wait3A_210 = arith.constant 0 : i32
    %dma_wait3A_211 = tpu.memref_slice %arg12[%dma_wait3A_209, %dma_wait3A_210] : memref<1x128xi32, #tpu.memory_space<vmem>> -> memref<1x128xi32, #tpu.memory_space<vmem>>
    %dma_wait3A_212 = tpu.memref_squeeze %dma_wait3A_211 : memref<1x128xi32, #tpu.memory_space<vmem>> -> memref<128xi32, #tpu.memory_space<vmem>>
    %dma_wait3A_213 = arith.constant 0 : i32
    %dma_wait3A_214 = tpu.memref_slice %arg3[%dma_wait3A_208, %dma_wait3A_213] : memref<2x640000xi32, #tpu.memory_space<hbm>> -> memref<1x128xi32, #tpu.memory_space<hbm>>
    %dma_wait3A_215 = tpu.memref_squeeze %dma_wait3A_214 : memref<1x128xi32, #tpu.memory_space<hbm>> -> memref<128xi32, #tpu.memory_space<hbm>>
    %dma_wait3A_216 = arith.constant 0 : i32
    %dma_wait3A_217 = tpu.memref_slice %arg12[%dma_wait3A_209, %dma_wait3A_216] : memref<1x128xi32, #tpu.memory_space<vmem>> -> memref<1x128xi32, #tpu.memory_space<vmem>>
    %dma_wait3A_218 = tpu.memref_squeeze %dma_wait3A_217 : memref<1x128xi32, #tpu.memory_space<vmem>> -> memref<128xi32, #tpu.memory_space<vmem>>
    %dma_wait3A_219 = arith.constant 0 : i32
    %dma_wait3A_220 = tpu.memref_slice %arg3[%dma_wait3A_208, %dma_wait3A_219] : memref<2x640000xi32, #tpu.memory_space<hbm>> -> memref<1x128xi32, #tpu.memory_space<hbm>>
    %dma_wait3A_221 = tpu.memref_squeeze %dma_wait3A_220 : memref<1x128xi32, #tpu.memory_space<hbm>> -> memref<128xi32, #tpu.memory_space<hbm>>
    tpu.wait_dma2 semaphore(%arg28 : memref<!tpu.dma_semaphore, #tpu.memory_space<semaphore_mem>>) src(%dma_wait3A_221 : memref<128xi32, #tpu.memory_space<hbm>>) dst(%dma_wait3A_218 : memref<128xi32, #tpu.memory_space<vmem>>)
    %dma_start3A_222 = arith.constant 0 : i32
    %dma_start3A_223 = arith.constant 0 : i32
    %dma_start3A_224 = tpu.memref_slice %arg6[%dma_start3A_222, %dma_start3A_223] : memref<1x128xi32, #tpu.memory_space<vmem>> -> memref<1x128xi32, #tpu.memory_space<vmem>>
    %dma_start3A_225 = tpu.memref_squeeze %dma_start3A_224 : memref<1x128xi32, #tpu.memory_space<vmem>> -> memref<128xi32, #tpu.memory_space<vmem>>
    %dma_start3A_226 = arith.constant 0 : i32
    %dma_start3A_227 = arith.constant 0 : i32
    %dma_start3A_228 = tpu.memref_slice %arg2[%dma_start3A_226, %dma_start3A_227] : memref<10000x64xf32, #tpu.memory_space<hbm>> -> memref<10000x64xf32, #tpu.memory_space<hbm>>
    tpu.enqueue_indirect_dma source(%dma_start3A_228 : memref<10000x64xf32, #tpu.memory_space<hbm>>) target(%arg20 : memref<128x64xf32, #tpu.memory_space<vmem>>) offsets(%dma_start3A_225 : memref<128xi32, #tpu.memory_space<vmem>>) semaphore(%arg34 : memref<!tpu.dma_semaphore, #tpu.memory_space<semaphore_mem>>)
    %dma_wait3A_229 = arith.constant 0 : i32
    %dma_wait3A_230 = arith.constant 0 : i32
    %dma_wait3A_231 = arith.constant 0 : i32
    %dma_wait3A_232 = tpu.memref_slice %arg7[%dma_wait3A_230, %dma_wait3A_231] : memref<1x128xi32, #tpu.memory_space<vmem>> -> memref<1x128xi32, #tpu.memory_space<vmem>>
    %dma_wait3A_233 = tpu.memref_squeeze %dma_wait3A_232 : memref<1x128xi32, #tpu.memory_space<vmem>> -> memref<128xi32, #tpu.memory_space<vmem>>
    %dma_wait3A_234 = arith.constant 0 : i32
    %dma_wait3A_235 = tpu.memref_slice %arg3[%dma_wait3A_229, %dma_wait3A_234] : memref<2x640000xi32, #tpu.memory_space<hbm>> -> memref<1x128xi32, #tpu.memory_space<hbm>>
    %dma_wait3A_236 = tpu.memref_squeeze %dma_wait3A_235 : memref<1x128xi32, #tpu.memory_space<hbm>> -> memref<128xi32, #tpu.memory_space<hbm>>
    %dma_wait3A_237 = arith.constant 0 : i32
    %dma_wait3A_238 = tpu.memref_slice %arg7[%dma_wait3A_230, %dma_wait3A_237] : memref<1x128xi32, #tpu.memory_space<vmem>> -> memref<1x128xi32, #tpu.memory_space<vmem>>
    %dma_wait3A_239 = tpu.memref_squeeze %dma_wait3A_238 : memref<1x128xi32, #tpu.memory_space<vmem>> -> memref<128xi32, #tpu.memory_space<vmem>>
    %dma_wait3A_240 = arith.constant 0 : i32
    %dma_wait3A_241 = tpu.memref_slice %arg3[%dma_wait3A_229, %dma_wait3A_240] : memref<2x640000xi32, #tpu.memory_space<hbm>> -> memref<1x128xi32, #tpu.memory_space<hbm>>
    %dma_wait3A_242 = tpu.memref_squeeze %dma_wait3A_241 : memref<1x128xi32, #tpu.memory_space<hbm>> -> memref<128xi32, #tpu.memory_space<hbm>>
    tpu.wait_dma2 semaphore(%arg29 : memref<!tpu.dma_semaphore, #tpu.memory_space<semaphore_mem>>) src(%dma_wait3A_242 : memref<128xi32, #tpu.memory_space<hbm>>) dst(%dma_wait3A_239 : memref<128xi32, #tpu.memory_space<vmem>>)
    %dma_wait3A_243 = arith.constant 1 : i32
    %dma_wait3A_244 = arith.constant 0 : i32
    %dma_wait3A_245 = arith.constant 0 : i32
    %dma_wait3A_246 = tpu.memref_slice %arg13[%dma_wait3A_244, %dma_wait3A_245] : memref<1x128xi32, #tpu.memory_space<vmem>> -> memref<1x128xi32, #tpu.memory_space<vmem>>
    %dma_wait3A_247 = tpu.memref_squeeze %dma_wait3A_246 : memref<1x128xi32, #tpu.memory_space<vmem>> -> memref<128xi32, #tpu.memory_space<vmem>>
    %dma_wait3A_248 = arith.constant 0 : i32
    %dma_wait3A_249 = tpu.memref_slice %arg3[%dma_wait3A_243, %dma_wait3A_248] : memref<2x640000xi32, #tpu.memory_space<hbm>> -> memref<1x128xi32, #tpu.memory_space<hbm>>
    %dma_wait3A_250 = tpu.memref_squeeze %dma_wait3A_249 : memref<1x128xi32, #tpu.memory_space<hbm>> -> memref<128xi32, #tpu.memory_space<hbm>>
    %dma_wait3A_251 = arith.constant 0 : i32
    %dma_wait3A_252 = tpu.memref_slice %arg13[%dma_wait3A_244, %dma_wait3A_251] : memref<1x128xi32, #tpu.memory_space<vmem>> -> memref<1x128xi32, #tpu.memory_space<vmem>>
    %dma_wait3A_253 = tpu.memref_squeeze %dma_wait3A_252 : memref<1x128xi32, #tpu.memory_space<vmem>> -> memref<128xi32, #tpu.memory_space<vmem>>
    %dma_wait3A_254 = arith.constant 0 : i32
    %dma_wait3A_255 = tpu.memref_slice %arg3[%dma_wait3A_243, %dma_wait3A_254] : memref<2x640000xi32, #tpu.memory_space<hbm>> -> memref<1x128xi32, #tpu.memory_space<hbm>>
    %dma_wait3A_256 = tpu.memref_squeeze %dma_wait3A_255 : memref<1x128xi32, #tpu.memory_space<hbm>> -> memref<128xi32, #tpu.memory_space<hbm>>
    tpu.wait_dma2 semaphore(%arg29 : memref<!tpu.dma_semaphore, #tpu.memory_space<semaphore_mem>>) src(%dma_wait3A_256 : memref<128xi32, #tpu.memory_space<hbm>>) dst(%dma_wait3A_253 : memref<128xi32, #tpu.memory_space<vmem>>)
    %dma_start3A_257 = arith.constant 0 : i32
    %dma_start3A_258 = arith.constant 0 : i32
    %dma_start3A_259 = tpu.memref_slice %arg7[%dma_start3A_257, %dma_start3A_258] : memref<1x128xi32, #tpu.memory_space<vmem>> -> memref<1x128xi32, #tpu.memory_space<vmem>>
    %dma_start3A_260 = tpu.memref_squeeze %dma_start3A_259 : memref<1x128xi32, #tpu.memory_space<vmem>> -> memref<128xi32, #tpu.memory_space<vmem>>
    %dma_start3A_261 = arith.constant 0 : i32
    %dma_start3A_262 = arith.constant 0 : i32
    %dma_start3A_263 = tpu.memref_slice %arg2[%dma_start3A_261, %dma_start3A_262] : memref<10000x64xf32, #tpu.memory_space<hbm>> -> memref<10000x64xf32, #tpu.memory_space<hbm>>
    tpu.enqueue_indirect_dma source(%dma_start3A_263 : memref<10000x64xf32, #tpu.memory_space<hbm>>) target(%arg21 : memref<128x64xf32, #tpu.memory_space<vmem>>) offsets(%dma_start3A_260 : memref<128xi32, #tpu.memory_space<vmem>>) semaphore(%arg35 : memref<!tpu.dma_semaphore, #tpu.memory_space<semaphore_mem>>)
    %scan3A_264 = arith.constant 0 : i32
    %scan3A_265 = arith.constant 0 : i32
    %scan3A_266 = arith.constant 26 : i32
    %scan3A_267 = arith.addi %scan3A_265, %scan3A_266 : i32
    %scan3A_268 = arith.constant 1 : i32
    %scan3A_269 = scf.for %scan3A_301 = %scan3A_265 to %scan3A_267 step %scan3A_268 iter_args(%scan3A_302 = %scan3A_264) -> (i32)  : i32 {
      %mul3A_303 = arith.constant 6 : i32
      %mul3A_304 = arith.muli %mul3A_303, %scan3A_301 : i32
      %add3A_305 = arith.constant 0 : i32
      %add3A_306 = arith.addi %mul3A_304, %add3A_305 : i32
      %ge3A = arith.constant 2 : i32
      %ge3A_307 = arith.cmpi sge, %add3A_306, %ge3A : i32
      %convert_element_type3A_308 = arith.extui %ge3A_307 : i1 to i32
      %cond3A_309 = arith.constant 0 : i32
      %cond3A_310 = arith.cmpi ne, %convert_element_type3A_308, %cond3A_309 : i32
      scf.if %cond3A_310 {
        %dma_wait3A_501 = arith.constant 0 : i32
        %dma_wait3A_502 = arith.constant 0 : i32
        %dma_wait3A_503 = tpu.memref_slice %arg15[%dma_wait3A_501, %dma_wait3A_502] : memref<1x128xi32, #tpu.memory_space<vmem>> -> memref<1x128xi32, #tpu.memory_space<vmem>>
        %dma_wait3A_504 = tpu.memref_squeeze %dma_wait3A_503 : memref<1x128xi32, #tpu.memory_space<vmem>> -> memref<128xi32, #tpu.memory_space<vmem>>
        %dma_wait3A_505 = arith.constant 0 : i32
        %dma_wait3A_506 = arith.constant 0 : i32
        %dma_wait3A_507 = tpu.memref_slice %arg26[%dma_wait3A_505, %dma_wait3A_506] : memref<10000x64xf32, #tpu.memory_space<vmem_shared>> -> memref<10000x64xf32, #tpu.memory_space<vmem_shared>>
        tpu.wait_indirect_dma semaphore(%arg43 : memref<!tpu.dma_semaphore, #tpu.memory_space<semaphore_mem>>) src(%arg23 : memref<128x64xf32, #tpu.memory_space<vmem>>) dst(%dma_wait3A_507 : memref<10000x64xf32, #tpu.memory_space<vmem_shared>>)
      } else {
      }
      %lt3A_311 = arith.constant 152 : i32
      %lt3A_312 = arith.cmpi slt, %add3A_306, %lt3A_311 : i32
      %convert_element_type3A_313 = arith.extui %lt3A_312 : i1 to i32
      %cond3A_314 = arith.constant 0 : i32
      %cond3A_315 = arith.cmpi ne, %convert_element_type3A_313, %cond3A_314 : i32
      scf.if %cond3A_315 {
        %add3A_501 = arith.constant 4 : i32
        %add3A_502 = arith.addi %add3A_306, %add3A_501 : i32
        %add3A_503 = arith.addi %select_n3A, %add3A_502 : i32
        %mul3A_504 = arith.constant 128 : i32
        %mul3A_505 = arith.muli %add3A_503, %mul3A_504 : i32
        %multiple_of3A_506 = tpu.assume_multiple %mul3A_505, 8 : i32
        %dma_start3A_507 = arith.constant 0 : i32
        %dma_start3A_508 = arith.constant 0 : i32
        %dma_start3A_509 = arith.constant 0 : i32
        %dma_start3A_510 = tpu.memref_slice %arg9[%dma_start3A_508, %dma_start3A_509] : memref<1x128xi32, #tpu.memory_space<vmem>> -> memref<1x128xi32, #tpu.memory_space<vmem>>
        %dma_start3A_511 = tpu.memref_squeeze %dma_start3A_510 : memref<1x128xi32, #tpu.memory_space<vmem>> -> memref<128xi32, #tpu.memory_space<vmem>>
        %dma_start3A_512 = tpu.memref_slice %arg3[%dma_start3A_507, %multiple_of3A_506] : memref<2x640000xi32, #tpu.memory_space<hbm>> -> memref<1x128xi32, #tpu.memory_space<hbm>>
        %dma_start3A_513 = tpu.memref_squeeze %dma_start3A_512 : memref<1x128xi32, #tpu.memory_space<hbm>> -> memref<128xi32, #tpu.memory_space<hbm>>
        %dma_start3A_514 = arith.constant 0 : i32
        %dma_start3A_515 = tpu.memref_slice %arg9[%dma_start3A_508, %dma_start3A_514] : memref<1x128xi32, #tpu.memory_space<vmem>> -> memref<1x128xi32, #tpu.memory_space<vmem>>
        %dma_start3A_516 = tpu.memref_squeeze %dma_start3A_515 : memref<1x128xi32, #tpu.memory_space<vmem>> -> memref<128xi32, #tpu.memory_space<vmem>>
        %dma_start3A_517 = tpu.memref_slice %arg3[%dma_start3A_507, %multiple_of3A_506] : memref<2x640000xi32, #tpu.memory_space<hbm>> -> memref<1x128xi32, #tpu.memory_space<hbm>>
        %dma_start3A_518 = tpu.memref_squeeze %dma_start3A_517 : memref<1x128xi32, #tpu.memory_space<hbm>> -> memref<128xi32, #tpu.memory_space<hbm>>
        tpu.enqueue_dma source(%dma_start3A_518 : memref<128xi32, #tpu.memory_space<hbm>>) target(%dma_start3A_516 : memref<128xi32, #tpu.memory_space<vmem>>) target_semaphore(%arg31 : memref<!tpu.dma_semaphore, #tpu.memory_space<semaphore_mem>>)
        %dma_start3A_519 = arith.constant 1 : i32
        %dma_start3A_520 = arith.constant 0 : i32
        %dma_start3A_521 = arith.constant 0 : i32
        %dma_start3A_522 = tpu.memref_slice %arg15[%dma_start3A_520, %dma_start3A_521] : memref<1x128xi32, #tpu.memory_space<vmem>> -> memref<1x128xi32, #tpu.memory_space<vmem>>
        %dma_start3A_523 = tpu.memref_squeeze %dma_start3A_522 : memref<1x128xi32, #tpu.memory_space<vmem>> -> memref<128xi32, #tpu.memory_space<vmem>>
        %dma_start3A_524 = tpu.memref_slice %arg3[%dma_start3A_519, %multiple_of3A_506] : memref<2x640000xi32, #tpu.memory_space<hbm>> -> memref<1x128xi32, #tpu.memory_space<hbm>>
        %dma_start3A_525 = tpu.memref_squeeze %dma_start3A_524 : memref<1x128xi32, #tpu.memory_space<hbm>> -> memref<128xi32, #tpu.memory_space<hbm>>
        %dma_start3A_526 = arith.constant 0 : i32
        %dma_start3A_527 = tpu.memref_slice %arg15[%dma_start3A_520, %dma_start3A_526] : memref<1x128xi32, #tpu.memory_space<vmem>> -> memref<1x128xi32, #tpu.memory_space<vmem>>
        %dma_start3A_528 = tpu.memref_squeeze %dma_start3A_527 : memref<1x128xi32, #tpu.memory_space<vmem>> -> memref<128xi32, #tpu.memory_space<vmem>>
        %dma_start3A_529 = tpu.memref_slice %arg3[%dma_start3A_519, %multiple_of3A_506] : memref<2x640000xi32, #tpu.memory_space<hbm>> -> memref<1x128xi32, #tpu.memory_space<hbm>>
        %dma_start3A_530 = tpu.memref_squeeze %dma_start3A_529 : memref<1x128xi32, #tpu.memory_space<hbm>> -> memref<128xi32, #tpu.memory_space<hbm>>
        tpu.enqueue_dma source(%dma_start3A_530 : memref<128xi32, #tpu.memory_space<hbm>>) target(%dma_start3A_528 : memref<128xi32, #tpu.memory_space<vmem>>) target_semaphore(%arg31 : memref<!tpu.dma_semaphore, #tpu.memory_space<semaphore_mem>>)
      } else {
      }
      %dma_wait3A_316 = arith.constant 0 : i32
      %dma_wait3A_317 = arith.constant 0 : i32
      %dma_wait3A_318 = tpu.memref_slice %arg5[%dma_wait3A_316, %dma_wait3A_317] : memref<1x128xi32, #tpu.memory_space<vmem>> -> memref<1x128xi32, #tpu.memory_space<vmem>>
      %dma_wait3A_319 = tpu.memref_squeeze %dma_wait3A_318 : memref<1x128xi32, #tpu.memory_space<vmem>> -> memref<128xi32, #tpu.memory_space<vmem>>
      %dma_wait3A_320 = arith.constant 0 : i32
      %dma_wait3A_321 = arith.constant 0 : i32
      %dma_wait3A_322 = tpu.memref_slice %arg2[%dma_wait3A_320, %dma_wait3A_321] : memref<10000x64xf32, #tpu.memory_space<hbm>> -> memref<10000x64xf32, #tpu.memory_space<hbm>>
      tpu.wait_indirect_dma semaphore(%arg33 : memref<!tpu.dma_semaphore, #tpu.memory_space<semaphore_mem>>) src(%dma_wait3A_322 : memref<10000x64xf32, #tpu.memory_space<hbm>>) dst(%arg19 : memref<128x64xf32, #tpu.memory_space<vmem>>)
      %lt3A_323 = arith.constant 153 : i32
      %lt3A_324 = arith.cmpi slt, %add3A_306, %lt3A_323 : i32
      %convert_element_type3A_325 = arith.extui %lt3A_324 : i1 to i32
      %cond3A_326 = arith.constant 0 : i32
      %cond3A_327 = arith.cmpi ne, %convert_element_type3A_325, %cond3A_326 : i32
      scf.if %cond3A_327 {
        %dma_wait3A_501 = arith.constant 0 : i32
        %dma_wait3A_502 = arith.constant 0 : i32
        %dma_wait3A_503 = arith.constant 0 : i32
        %dma_wait3A_504 = tpu.memref_slice %arg8[%dma_wait3A_502, %dma_wait3A_503] : memref<1x128xi32, #tpu.memory_space<vmem>> -> memref<1x128xi32, #tpu.memory_space<vmem>>
        %dma_wait3A_505 = tpu.memref_squeeze %dma_wait3A_504 : memref<1x128xi32, #tpu.memory_space<vmem>> -> memref<128xi32, #tpu.memory_space<vmem>>
        %dma_wait3A_506 = arith.constant 0 : i32
        %dma_wait3A_507 = tpu.memref_slice %arg3[%dma_wait3A_501, %dma_wait3A_506] : memref<2x640000xi32, #tpu.memory_space<hbm>> -> memref<1x128xi32, #tpu.memory_space<hbm>>
        %dma_wait3A_508 = tpu.memref_squeeze %dma_wait3A_507 : memref<1x128xi32, #tpu.memory_space<hbm>> -> memref<128xi32, #tpu.memory_space<hbm>>
        %dma_wait3A_509 = arith.constant 0 : i32
        %dma_wait3A_510 = tpu.memref_slice %arg8[%dma_wait3A_502, %dma_wait3A_509] : memref<1x128xi32, #tpu.memory_space<vmem>> -> memref<1x128xi32, #tpu.memory_space<vmem>>
        %dma_wait3A_511 = tpu.memref_squeeze %dma_wait3A_510 : memref<1x128xi32, #tpu.memory_space<vmem>> -> memref<128xi32, #tpu.memory_space<vmem>>
        %dma_wait3A_512 = arith.constant 0 : i32
        %dma_wait3A_513 = tpu.memref_slice %arg3[%dma_wait3A_501, %dma_wait3A_512] : memref<2x640000xi32, #tpu.memory_space<hbm>> -> memref<1x128xi32, #tpu.memory_space<hbm>>
        %dma_wait3A_514 = tpu.memref_squeeze %dma_wait3A_513 : memref<1x128xi32, #tpu.memory_space<hbm>> -> memref<128xi32, #tpu.memory_space<hbm>>
        tpu.wait_dma2 semaphore(%arg30 : memref<!tpu.dma_semaphore, #tpu.memory_space<semaphore_mem>>) src(%dma_wait3A_514 : memref<128xi32, #tpu.memory_space<hbm>>) dst(%dma_wait3A_511 : memref<128xi32, #tpu.memory_space<vmem>>)
        %dma_wait3A_515 = arith.constant 1 : i32
        %dma_wait3A_516 = arith.constant 0 : i32
        %dma_wait3A_517 = arith.constant 0 : i32
        %dma_wait3A_518 = tpu.memref_slice %arg14[%dma_wait3A_516, %dma_wait3A_517] : memref<1x128xi32, #tpu.memory_space<vmem>> -> memref<1x128xi32, #tpu.memory_space<vmem>>
        %dma_wait3A_519 = tpu.memref_squeeze %dma_wait3A_518 : memref<1x128xi32, #tpu.memory_space<vmem>> -> memref<128xi32, #tpu.memory_space<vmem>>
        %dma_wait3A_520 = arith.constant 0 : i32
        %dma_wait3A_521 = tpu.memref_slice %arg3[%dma_wait3A_515, %dma_wait3A_520] : memref<2x640000xi32, #tpu.memory_space<hbm>> -> memref<1x128xi32, #tpu.memory_space<hbm>>
        %dma_wait3A_522 = tpu.memref_squeeze %dma_wait3A_521 : memref<1x128xi32, #tpu.memory_space<hbm>> -> memref<128xi32, #tpu.memory_space<hbm>>
        %dma_wait3A_523 = arith.constant 0 : i32
        %dma_wait3A_524 = tpu.memref_slice %arg14[%dma_wait3A_516, %dma_wait3A_523] : memref<1x128xi32, #tpu.memory_space<vmem>> -> memref<1x128xi32, #tpu.memory_space<vmem>>
        %dma_wait3A_525 = tpu.memref_squeeze %dma_wait3A_524 : memref<1x128xi32, #tpu.memory_space<vmem>> -> memref<128xi32, #tpu.memory_space<vmem>>
        %dma_wait3A_526 = arith.constant 0 : i32
        %dma_wait3A_527 = tpu.memref_slice %arg3[%dma_wait3A_515, %dma_wait3A_526] : memref<2x640000xi32, #tpu.memory_space<hbm>> -> memref<1x128xi32, #tpu.memory_space<hbm>>
        %dma_wait3A_528 = tpu.memref_squeeze %dma_wait3A_527 : memref<1x128xi32, #tpu.memory_space<hbm>> -> memref<128xi32, #tpu.memory_space<hbm>>
        tpu.wait_dma2 semaphore(%arg30 : memref<!tpu.dma_semaphore, #tpu.memory_space<semaphore_mem>>) src(%dma_wait3A_528 : memref<128xi32, #tpu.memory_space<hbm>>) dst(%dma_wait3A_525 : memref<128xi32, #tpu.memory_space<vmem>>)
        %dma_start3A_529 = arith.constant 0 : i32
        %dma_start3A_530 = arith.constant 0 : i32
        %dma_start3A_531 = tpu.memref_slice %arg8[%dma_start3A_529, %dma_start3A_530] : memref<1x128xi32, #tpu.memory_space<vmem>> -> memref<1x128xi32, #tpu.memory_space<vmem>>
        %dma_start3A_532 = tpu.memref_squeeze %dma_start3A_531 : memref<1x128xi32, #tpu.memory_space<vmem>> -> memref<128xi32, #tpu.memory_space<vmem>>
        %dma_start3A_533 = arith.constant 0 : i32
        %dma_start3A_534 = arith.constant 0 : i32
        %dma_start3A_535 = tpu.memref_slice %arg2[%dma_start3A_533, %dma_start3A_534] : memref<10000x64xf32, #tpu.memory_space<hbm>> -> memref<10000x64xf32, #tpu.memory_space<hbm>>
        tpu.enqueue_indirect_dma source(%dma_start3A_535 : memref<10000x64xf32, #tpu.memory_space<hbm>>) target(%arg22 : memref<128x64xf32, #tpu.memory_space<vmem>>) offsets(%dma_start3A_532 : memref<128xi32, #tpu.memory_space<vmem>>) semaphore(%arg36 : memref<!tpu.dma_semaphore, #tpu.memory_space<semaphore_mem>>)
      } else {
      }
      %dma_start3A_328 = arith.constant 0 : i32
      %dma_start3A_329 = arith.constant 0 : i32
      %dma_start3A_330 = tpu.memref_slice %arg11[%dma_start3A_328, %dma_start3A_329] : memref<1x128xi32, #tpu.memory_space<vmem>> -> memref<1x128xi32, #tpu.memory_space<vmem>>
      %dma_start3A_331 = tpu.memref_squeeze %dma_start3A_330 : memref<1x128xi32, #tpu.memory_space<vmem>> -> memref<128xi32, #tpu.memory_space<vmem>>
      %dma_start3A_332 = arith.constant 0 : i32
      %dma_start3A_333 = arith.constant 0 : i32
      %dma_start3A_334 = tpu.memref_slice %arg26[%dma_start3A_332, %dma_start3A_333] : memref<10000x64xf32, #tpu.memory_space<vmem_shared>> -> memref<10000x64xf32, #tpu.memory_space<vmem_shared>>
      tpu.enqueue_indirect_dma source(%arg19 : memref<128x64xf32, #tpu.memory_space<vmem>>) target(%dma_start3A_334 : memref<10000x64xf32, #tpu.memory_space<vmem_shared>>) offsets(%dma_start3A_331 : memref<128xi32, #tpu.memory_space<vmem>>) semaphore(%arg39 : memref<!tpu.dma_semaphore, #tpu.memory_space<semaphore_mem>>) {add = true}
      %mul3A_335 = arith.constant 6 : i32
      %mul3A_336 = arith.muli %mul3A_335, %scan3A_301 : i32
      %add3A_337 = arith.constant 1 : i32
      %add3A_338 = arith.addi %mul3A_336, %add3A_337 : i32
      %ge3A_339 = arith.constant 2 : i32
      %ge3A_340 = arith.cmpi sge, %add3A_338, %ge3A_339 : i32
      %convert_element_type3A_341 = arith.extui %ge3A_340 : i1 to i32
      %cond3A_342 = arith.constant 0 : i32
      %cond3A_343 = arith.cmpi ne, %convert_element_type3A_341, %cond3A_342 : i32
      scf.if %cond3A_343 {
        %dma_wait3A_501 = arith.constant 0 : i32
        %dma_wait3A_502 = arith.constant 0 : i32
        %dma_wait3A_503 = tpu.memref_slice %arg16[%dma_wait3A_501, %dma_wait3A_502] : memref<1x128xi32, #tpu.memory_space<vmem>> -> memref<1x128xi32, #tpu.memory_space<vmem>>
        %dma_wait3A_504 = tpu.memref_squeeze %dma_wait3A_503 : memref<1x128xi32, #tpu.memory_space<vmem>> -> memref<128xi32, #tpu.memory_space<vmem>>
        %dma_wait3A_505 = arith.constant 0 : i32
        %dma_wait3A_506 = arith.constant 0 : i32
        %dma_wait3A_507 = tpu.memref_slice %arg26[%dma_wait3A_505, %dma_wait3A_506] : memref<10000x64xf32, #tpu.memory_space<vmem_shared>> -> memref<10000x64xf32, #tpu.memory_space<vmem_shared>>
        tpu.wait_indirect_dma semaphore(%arg44 : memref<!tpu.dma_semaphore, #tpu.memory_space<semaphore_mem>>) src(%arg24 : memref<128x64xf32, #tpu.memory_space<vmem>>) dst(%dma_wait3A_507 : memref<10000x64xf32, #tpu.memory_space<vmem_shared>>)
      } else {
      }
      %lt3A_344 = arith.constant 152 : i32
      %lt3A_345 = arith.cmpi slt, %add3A_338, %lt3A_344 : i32
      %convert_element_type3A_346 = arith.extui %lt3A_345 : i1 to i32
      %cond3A_347 = arith.constant 0 : i32
      %cond3A_348 = arith.cmpi ne, %convert_element_type3A_346, %cond3A_347 : i32
      scf.if %cond3A_348 {
        %add3A_501 = arith.constant 4 : i32
        %add3A_502 = arith.addi %add3A_338, %add3A_501 : i32
        %add3A_503 = arith.addi %select_n3A, %add3A_502 : i32
        %mul3A_504 = arith.constant 128 : i32
        %mul3A_505 = arith.muli %add3A_503, %mul3A_504 : i32
        %multiple_of3A_506 = tpu.assume_multiple %mul3A_505, 8 : i32
        %dma_start3A_507 = arith.constant 0 : i32
        %dma_start3A_508 = arith.constant 0 : i32
        %dma_start3A_509 = arith.constant 0 : i32
        %dma_start3A_510 = tpu.memref_slice %arg10[%dma_start3A_508, %dma_start3A_509] : memref<1x128xi32, #tpu.memory_space<vmem>> -> memref<1x128xi32, #tpu.memory_space<vmem>>
        %dma_start3A_511 = tpu.memref_squeeze %dma_start3A_510 : memref<1x128xi32, #tpu.memory_space<vmem>> -> memref<128xi32, #tpu.memory_space<vmem>>
        %dma_start3A_512 = tpu.memref_slice %arg3[%dma_start3A_507, %multiple_of3A_506] : memref<2x640000xi32, #tpu.memory_space<hbm>> -> memref<1x128xi32, #tpu.memory_space<hbm>>
        %dma_start3A_513 = tpu.memref_squeeze %dma_start3A_512 : memref<1x128xi32, #tpu.memory_space<hbm>> -> memref<128xi32, #tpu.memory_space<hbm>>
        %dma_start3A_514 = arith.constant 0 : i32
        %dma_start3A_515 = tpu.memref_slice %arg10[%dma_start3A_508, %dma_start3A_514] : memref<1x128xi32, #tpu.memory_space<vmem>> -> memref<1x128xi32, #tpu.memory_space<vmem>>
        %dma_start3A_516 = tpu.memref_squeeze %dma_start3A_515 : memref<1x128xi32, #tpu.memory_space<vmem>> -> memref<128xi32, #tpu.memory_space<vmem>>
        %dma_start3A_517 = tpu.memref_slice %arg3[%dma_start3A_507, %multiple_of3A_506] : memref<2x640000xi32, #tpu.memory_space<hbm>> -> memref<1x128xi32, #tpu.memory_space<hbm>>
        %dma_start3A_518 = tpu.memref_squeeze %dma_start3A_517 : memref<1x128xi32, #tpu.memory_space<hbm>> -> memref<128xi32, #tpu.memory_space<hbm>>
        tpu.enqueue_dma source(%dma_start3A_518 : memref<128xi32, #tpu.memory_space<hbm>>) target(%dma_start3A_516 : memref<128xi32, #tpu.memory_space<vmem>>) target_semaphore(%arg32 : memref<!tpu.dma_semaphore, #tpu.memory_space<semaphore_mem>>)
        %dma_start3A_519 = arith.constant 1 : i32
        %dma_start3A_520 = arith.constant 0 : i32
        %dma_start3A_521 = arith.constant 0 : i32
        %dma_start3A_522 = tpu.memref_slice %arg16[%dma_start3A_520, %dma_start3A_521] : memref<1x128xi32, #tpu.memory_space<vmem>> -> memref<1x128xi32, #tpu.memory_space<vmem>>
        %dma_start3A_523 = tpu.memref_squeeze %dma_start3A_522 : memref<1x128xi32, #tpu.memory_space<vmem>> -> memref<128xi32, #tpu.memory_space<vmem>>
        %dma_start3A_524 = tpu.memref_slice %arg3[%dma_start3A_519, %multiple_of3A_506] : memref<2x640000xi32, #tpu.memory_space<hbm>> -> memref<1x128xi32, #tpu.memory_space<hbm>>
        %dma_start3A_525 = tpu.memref_squeeze %dma_start3A_524 : memref<1x128xi32, #tpu.memory_space<hbm>> -> memref<128xi32, #tpu.memory_space<hbm>>
        %dma_start3A_526 = arith.constant 0 : i32
        %dma_start3A_527 = tpu.memref_slice %arg16[%dma_start3A_520, %dma_start3A_526] : memref<1x128xi32, #tpu.memory_space<vmem>> -> memref<1x128xi32, #tpu.memory_space<vmem>>
        %dma_start3A_528 = tpu.memref_squeeze %dma_start3A_527 : memref<1x128xi32, #tpu.memory_space<vmem>> -> memref<128xi32, #tpu.memory_space<vmem>>
        %dma_start3A_529 = tpu.memref_slice %arg3[%dma_start3A_519, %multiple_of3A_506] : memref<2x640000xi32, #tpu.memory_space<hbm>> -> memref<1x128xi32, #tpu.memory_space<hbm>>
        %dma_start3A_530 = tpu.memref_squeeze %dma_start3A_529 : memref<1x128xi32, #tpu.memory_space<hbm>> -> memref<128xi32, #tpu.memory_space<hbm>>
        tpu.enqueue_dma source(%dma_start3A_530 : memref<128xi32, #tpu.memory_space<hbm>>) target(%dma_start3A_528 : memref<128xi32, #tpu.memory_space<vmem>>) target_semaphore(%arg32 : memref<!tpu.dma_semaphore, #tpu.memory_space<semaphore_mem>>)
      } else {
      }
      %dma_wait3A_349 = arith.constant 0 : i32
      %dma_wait3A_350 = arith.constant 0 : i32
      %dma_wait3A_351 = tpu.memref_slice %arg6[%dma_wait3A_349, %dma_wait3A_350] : memref<1x128xi32, #tpu.memory_space<vmem>> -> memref<1x128xi32, #tpu.memory_space<vmem>>
      %dma_wait3A_352 = tpu.memref_squeeze %dma_wait3A_351 : memref<1x128xi32, #tpu.memory_space<vmem>> -> memref<128xi32, #tpu.memory_space<vmem>>
      %dma_wait3A_353 = arith.constant 0 : i32
      %dma_wait3A_354 = arith.constant 0 : i32
      %dma_wait3A_355 = tpu.memref_slice %arg2[%dma_wait3A_353, %dma_wait3A_354] : memref<10000x64xf32, #tpu.memory_space<hbm>> -> memref<10000x64xf32, #tpu.memory_space<hbm>>
      tpu.wait_indirect_dma semaphore(%arg34 : memref<!tpu.dma_semaphore, #tpu.memory_space<semaphore_mem>>) src(%dma_wait3A_355 : memref<10000x64xf32, #tpu.memory_space<hbm>>) dst(%arg20 : memref<128x64xf32, #tpu.memory_space<vmem>>)
      %lt3A_356 = arith.constant 153 : i32
      %lt3A_357 = arith.cmpi slt, %add3A_338, %lt3A_356 : i32
      %convert_element_type3A_358 = arith.extui %lt3A_357 : i1 to i32
      %cond3A_359 = arith.constant 0 : i32
      %cond3A_360 = arith.cmpi ne, %convert_element_type3A_358, %cond3A_359 : i32
      scf.if %cond3A_360 {
        %dma_wait3A_501 = arith.constant 0 : i32
        %dma_wait3A_502 = arith.constant 0 : i32
        %dma_wait3A_503 = arith.constant 0 : i32
        %dma_wait3A_504 = tpu.memref_slice %arg9[%dma_wait3A_502, %dma_wait3A_503] : memref<1x128xi32, #tpu.memory_space<vmem>> -> memref<1x128xi32, #tpu.memory_space<vmem>>
        %dma_wait3A_505 = tpu.memref_squeeze %dma_wait3A_504 : memref<1x128xi32, #tpu.memory_space<vmem>> -> memref<128xi32, #tpu.memory_space<vmem>>
        %dma_wait3A_506 = arith.constant 0 : i32
        %dma_wait3A_507 = tpu.memref_slice %arg3[%dma_wait3A_501, %dma_wait3A_506] : memref<2x640000xi32, #tpu.memory_space<hbm>> -> memref<1x128xi32, #tpu.memory_space<hbm>>
        %dma_wait3A_508 = tpu.memref_squeeze %dma_wait3A_507 : memref<1x128xi32, #tpu.memory_space<hbm>> -> memref<128xi32, #tpu.memory_space<hbm>>
        %dma_wait3A_509 = arith.constant 0 : i32
        %dma_wait3A_510 = tpu.memref_slice %arg9[%dma_wait3A_502, %dma_wait3A_509] : memref<1x128xi32, #tpu.memory_space<vmem>> -> memref<1x128xi32, #tpu.memory_space<vmem>>
        %dma_wait3A_511 = tpu.memref_squeeze %dma_wait3A_510 : memref<1x128xi32, #tpu.memory_space<vmem>> -> memref<128xi32, #tpu.memory_space<vmem>>
        %dma_wait3A_512 = arith.constant 0 : i32
        %dma_wait3A_513 = tpu.memref_slice %arg3[%dma_wait3A_501, %dma_wait3A_512] : memref<2x640000xi32, #tpu.memory_space<hbm>> -> memref<1x128xi32, #tpu.memory_space<hbm>>
        %dma_wait3A_514 = tpu.memref_squeeze %dma_wait3A_513 : memref<1x128xi32, #tpu.memory_space<hbm>> -> memref<128xi32, #tpu.memory_space<hbm>>
        tpu.wait_dma2 semaphore(%arg31 : memref<!tpu.dma_semaphore, #tpu.memory_space<semaphore_mem>>) src(%dma_wait3A_514 : memref<128xi32, #tpu.memory_space<hbm>>) dst(%dma_wait3A_511 : memref<128xi32, #tpu.memory_space<vmem>>)
        %dma_wait3A_515 = arith.constant 1 : i32
        %dma_wait3A_516 = arith.constant 0 : i32
        %dma_wait3A_517 = arith.constant 0 : i32
        %dma_wait3A_518 = tpu.memref_slice %arg15[%dma_wait3A_516, %dma_wait3A_517] : memref<1x128xi32, #tpu.memory_space<vmem>> -> memref<1x128xi32, #tpu.memory_space<vmem>>
        %dma_wait3A_519 = tpu.memref_squeeze %dma_wait3A_518 : memref<1x128xi32, #tpu.memory_space<vmem>> -> memref<128xi32, #tpu.memory_space<vmem>>
        %dma_wait3A_520 = arith.constant 0 : i32
        %dma_wait3A_521 = tpu.memref_slice %arg3[%dma_wait3A_515, %dma_wait3A_520] : memref<2x640000xi32, #tpu.memory_space<hbm>> -> memref<1x128xi32, #tpu.memory_space<hbm>>
        %dma_wait3A_522 = tpu.memref_squeeze %dma_wait3A_521 : memref<1x128xi32, #tpu.memory_space<hbm>> -> memref<128xi32, #tpu.memory_space<hbm>>
        %dma_wait3A_523 = arith.constant 0 : i32
        %dma_wait3A_524 = tpu.memref_slice %arg15[%dma_wait3A_516, %dma_wait3A_523] : memref<1x128xi32, #tpu.memory_space<vmem>> -> memref<1x128xi32, #tpu.memory_space<vmem>>
        %dma_wait3A_525 = tpu.memref_squeeze %dma_wait3A_524 : memref<1x128xi32, #tpu.memory_space<vmem>> -> memref<128xi32, #tpu.memory_space<vmem>>
        %dma_wait3A_526 = arith.constant 0 : i32
        %dma_wait3A_527 = tpu.memref_slice %arg3[%dma_wait3A_515, %dma_wait3A_526] : memref<2x640000xi32, #tpu.memory_space<hbm>> -> memref<1x128xi32, #tpu.memory_space<hbm>>
        %dma_wait3A_528 = tpu.memref_squeeze %dma_wait3A_527 : memref<1x128xi32, #tpu.memory_space<hbm>> -> memref<128xi32, #tpu.memory_space<hbm>>
        tpu.wait_dma2 semaphore(%arg31 : memref<!tpu.dma_semaphore, #tpu.memory_space<semaphore_mem>>) src(%dma_wait3A_528 : memref<128xi32, #tpu.memory_space<hbm>>) dst(%dma_wait3A_525 : memref<128xi32, #tpu.memory_space<vmem>>)
        %dma_start3A_529 = arith.constant 0 : i32
        %dma_start3A_530 = arith.constant 0 : i32
        %dma_start3A_531 = tpu.memref_slice %arg9[%dma_start3A_529, %dma_start3A_530] : memref<1x128xi32, #tpu.memory_space<vmem>> -> memref<1x128xi32, #tpu.memory_space<vmem>>
        %dma_start3A_532 = tpu.memref_squeeze %dma_start3A_531 : memref<1x128xi32, #tpu.memory_space<vmem>> -> memref<128xi32, #tpu.memory_space<vmem>>
        %dma_start3A_533 = arith.constant 0 : i32
        %dma_start3A_534 = arith.constant 0 : i32
        %dma_start3A_535 = tpu.memref_slice %arg2[%dma_start3A_533, %dma_start3A_534] : memref<10000x64xf32, #tpu.memory_space<hbm>> -> memref<10000x64xf32, #tpu.memory_space<hbm>>
        tpu.enqueue_indirect_dma source(%dma_start3A_535 : memref<10000x64xf32, #tpu.memory_space<hbm>>) target(%arg23 : memref<128x64xf32, #tpu.memory_space<vmem>>) offsets(%dma_start3A_532 : memref<128xi32, #tpu.memory_space<vmem>>) semaphore(%arg37 : memref<!tpu.dma_semaphore, #tpu.memory_space<semaphore_mem>>)
      } else {
      }
      %dma_start3A_361 = arith.constant 0 : i32
      %dma_start3A_362 = arith.constant 0 : i32
      %dma_start3A_363 = tpu.memref_slice %arg12[%dma_start3A_361, %dma_start3A_362] : memref<1x128xi32, #tpu.memory_space<vmem>> -> memref<1x128xi32, #tpu.memory_space<vmem>>
      %dma_start3A_364 = tpu.memref_squeeze %dma_start3A_363 : memref<1x128xi32, #tpu.memory_space<vmem>> -> memref<128xi32, #tpu.memory_space<vmem>>
      %dma_start3A_365 = arith.constant 0 : i32
      %dma_start3A_366 = arith.constant 0 : i32
      %dma_start3A_367 = tpu.memref_slice %arg26[%dma_start3A_365, %dma_start3A_366] : memref<10000x64xf32, #tpu.memory_space<vmem_shared>> -> memref<10000x64xf32, #tpu.memory_space<vmem_shared>>
      tpu.enqueue_indirect_dma source(%arg20 : memref<128x64xf32, #tpu.memory_space<vmem>>) target(%dma_start3A_367 : memref<10000x64xf32, #tpu.memory_space<vmem_shared>>) offsets(%dma_start3A_364 : memref<128xi32, #tpu.memory_space<vmem>>) semaphore(%arg40 : memref<!tpu.dma_semaphore, #tpu.memory_space<semaphore_mem>>) {add = true}
      %mul3A_368 = arith.constant 6 : i32
      %mul3A_369 = arith.muli %mul3A_368, %scan3A_301 : i32
      %add3A_370 = arith.constant 2 : i32
      %add3A_371 = arith.addi %mul3A_369, %add3A_370 : i32
      %ge3A_372 = arith.constant 2 : i32
      %ge3A_373 = arith.cmpi sge, %add3A_371, %ge3A_372 : i32
      %convert_element_type3A_374 = arith.extui %ge3A_373 : i1 to i32
      %cond3A_375 = arith.constant 0 : i32
      %cond3A_376 = arith.cmpi ne, %convert_element_type3A_374, %cond3A_375 : i32
      scf.if %cond3A_376 {
        %dma_wait3A_501 = arith.constant 0 : i32
        %dma_wait3A_502 = arith.constant 0 : i32
        %dma_wait3A_503 = tpu.memref_slice %arg11[%dma_wait3A_501, %dma_wait3A_502] : memref<1x128xi32, #tpu.memory_space<vmem>> -> memref<1x128xi32, #tpu.memory_space<vmem>>
        %dma_wait3A_504 = tpu.memref_squeeze %dma_wait3A_503 : memref<1x128xi32, #tpu.memory_space<vmem>> -> memref<128xi32, #tpu.memory_space<vmem>>
        %dma_wait3A_505 = arith.constant 0 : i32
        %dma_wait3A_506 = arith.constant 0 : i32
        %dma_wait3A_507 = tpu.memref_slice %arg26[%dma_wait3A_505, %dma_wait3A_506] : memref<10000x64xf32, #tpu.memory_space<vmem_shared>> -> memref<10000x64xf32, #tpu.memory_space<vmem_shared>>
        tpu.wait_indirect_dma semaphore(%arg39 : memref<!tpu.dma_semaphore, #tpu.memory_space<semaphore_mem>>) src(%arg19 : memref<128x64xf32, #tpu.memory_space<vmem>>) dst(%dma_wait3A_507 : memref<10000x64xf32, #tpu.memory_space<vmem_shared>>)
      } else {
      }
      %lt3A_377 = arith.constant 152 : i32
      %lt3A_378 = arith.cmpi slt, %add3A_371, %lt3A_377 : i32
      %convert_element_type3A_379 = arith.extui %lt3A_378 : i1 to i32
      %cond3A_380 = arith.constant 0 : i32
      %cond3A_381 = arith.cmpi ne, %convert_element_type3A_379, %cond3A_380 : i32
      scf.if %cond3A_381 {
        %add3A_501 = arith.constant 4 : i32
        %add3A_502 = arith.addi %add3A_371, %add3A_501 : i32
        %add3A_503 = arith.addi %select_n3A, %add3A_502 : i32
        %mul3A_504 = arith.constant 128 : i32
        %mul3A_505 = arith.muli %add3A_503, %mul3A_504 : i32
        %multiple_of3A_506 = tpu.assume_multiple %mul3A_505, 8 : i32
        %dma_start3A_507 = arith.constant 0 : i32
        %dma_start3A_508 = arith.constant 0 : i32
        %dma_start3A_509 = arith.constant 0 : i32
        %dma_start3A_510 = tpu.memref_slice %arg5[%dma_start3A_508, %dma_start3A_509] : memref<1x128xi32, #tpu.memory_space<vmem>> -> memref<1x128xi32, #tpu.memory_space<vmem>>
        %dma_start3A_511 = tpu.memref_squeeze %dma_start3A_510 : memref<1x128xi32, #tpu.memory_space<vmem>> -> memref<128xi32, #tpu.memory_space<vmem>>
        %dma_start3A_512 = tpu.memref_slice %arg3[%dma_start3A_507, %multiple_of3A_506] : memref<2x640000xi32, #tpu.memory_space<hbm>> -> memref<1x128xi32, #tpu.memory_space<hbm>>
        %dma_start3A_513 = tpu.memref_squeeze %dma_start3A_512 : memref<1x128xi32, #tpu.memory_space<hbm>> -> memref<128xi32, #tpu.memory_space<hbm>>
        %dma_start3A_514 = arith.constant 0 : i32
        %dma_start3A_515 = tpu.memref_slice %arg5[%dma_start3A_508, %dma_start3A_514] : memref<1x128xi32, #tpu.memory_space<vmem>> -> memref<1x128xi32, #tpu.memory_space<vmem>>
        %dma_start3A_516 = tpu.memref_squeeze %dma_start3A_515 : memref<1x128xi32, #tpu.memory_space<vmem>> -> memref<128xi32, #tpu.memory_space<vmem>>
        %dma_start3A_517 = tpu.memref_slice %arg3[%dma_start3A_507, %multiple_of3A_506] : memref<2x640000xi32, #tpu.memory_space<hbm>> -> memref<1x128xi32, #tpu.memory_space<hbm>>
        %dma_start3A_518 = tpu.memref_squeeze %dma_start3A_517 : memref<1x128xi32, #tpu.memory_space<hbm>> -> memref<128xi32, #tpu.memory_space<hbm>>
        tpu.enqueue_dma source(%dma_start3A_518 : memref<128xi32, #tpu.memory_space<hbm>>) target(%dma_start3A_516 : memref<128xi32, #tpu.memory_space<vmem>>) target_semaphore(%arg27 : memref<!tpu.dma_semaphore, #tpu.memory_space<semaphore_mem>>)
        %dma_start3A_519 = arith.constant 1 : i32
        %dma_start3A_520 = arith.constant 0 : i32
        %dma_start3A_521 = arith.constant 0 : i32
        %dma_start3A_522 = tpu.memref_slice %arg11[%dma_start3A_520, %dma_start3A_521] : memref<1x128xi32, #tpu.memory_space<vmem>> -> memref<1x128xi32, #tpu.memory_space<vmem>>
        %dma_start3A_523 = tpu.memref_squeeze %dma_start3A_522 : memref<1x128xi32, #tpu.memory_space<vmem>> -> memref<128xi32, #tpu.memory_space<vmem>>
        %dma_start3A_524 = tpu.memref_slice %arg3[%dma_start3A_519, %multiple_of3A_506] : memref<2x640000xi32, #tpu.memory_space<hbm>> -> memref<1x128xi32, #tpu.memory_space<hbm>>
        %dma_start3A_525 = tpu.memref_squeeze %dma_start3A_524 : memref<1x128xi32, #tpu.memory_space<hbm>> -> memref<128xi32, #tpu.memory_space<hbm>>
        %dma_start3A_526 = arith.constant 0 : i32
        %dma_start3A_527 = tpu.memref_slice %arg11[%dma_start3A_520, %dma_start3A_526] : memref<1x128xi32, #tpu.memory_space<vmem>> -> memref<1x128xi32, #tpu.memory_space<vmem>>
        %dma_start3A_528 = tpu.memref_squeeze %dma_start3A_527 : memref<1x128xi32, #tpu.memory_space<vmem>> -> memref<128xi32, #tpu.memory_space<vmem>>
        %dma_start3A_529 = tpu.memref_slice %arg3[%dma_start3A_519, %multiple_of3A_506] : memref<2x640000xi32, #tpu.memory_space<hbm>> -> memref<1x128xi32, #tpu.memory_space<hbm>>
        %dma_start3A_530 = tpu.memref_squeeze %dma_start3A_529 : memref<1x128xi32, #tpu.memory_space<hbm>> -> memref<128xi32, #tpu.memory_space<hbm>>
        tpu.enqueue_dma source(%dma_start3A_530 : memref<128xi32, #tpu.memory_space<hbm>>) target(%dma_start3A_528 : memref<128xi32, #tpu.memory_space<vmem>>) target_semaphore(%arg27 : memref<!tpu.dma_semaphore, #tpu.memory_space<semaphore_mem>>)
      } else {
      }
      %dma_wait3A_382 = arith.constant 0 : i32
      %dma_wait3A_383 = arith.constant 0 : i32
      %dma_wait3A_384 = tpu.memref_slice %arg7[%dma_wait3A_382, %dma_wait3A_383] : memref<1x128xi32, #tpu.memory_space<vmem>> -> memref<1x128xi32, #tpu.memory_space<vmem>>
      %dma_wait3A_385 = tpu.memref_squeeze %dma_wait3A_384 : memref<1x128xi32, #tpu.memory_space<vmem>> -> memref<128xi32, #tpu.memory_space<vmem>>
      %dma_wait3A_386 = arith.constant 0 : i32
      %dma_wait3A_387 = arith.constant 0 : i32
      %dma_wait3A_388 = tpu.memref_slice %arg2[%dma_wait3A_386, %dma_wait3A_387] : memref<10000x64xf32, #tpu.memory_space<hbm>> -> memref<10000x64xf32, #tpu.memory_space<hbm>>
      tpu.wait_indirect_dma semaphore(%arg35 : memref<!tpu.dma_semaphore, #tpu.memory_space<semaphore_mem>>) src(%dma_wait3A_388 : memref<10000x64xf32, #tpu.memory_space<hbm>>) dst(%arg21 : memref<128x64xf32, #tpu.memory_space<vmem>>)
      %lt3A_389 = arith.constant 153 : i32
      %lt3A_390 = arith.cmpi slt, %add3A_371, %lt3A_389 : i32
      %convert_element_type3A_391 = arith.extui %lt3A_390 : i1 to i32
      %cond3A_392 = arith.constant 0 : i32
      %cond3A_393 = arith.cmpi ne, %convert_element_type3A_391, %cond3A_392 : i32
      scf.if %cond3A_393 {
        %dma_wait3A_501 = arith.constant 0 : i32
        %dma_wait3A_502 = arith.constant 0 : i32
        %dma_wait3A_503 = arith.constant 0 : i32
        %dma_wait3A_504 = tpu.memref_slice %arg10[%dma_wait3A_502, %dma_wait3A_503] : memref<1x128xi32, #tpu.memory_space<vmem>> -> memref<1x128xi32, #tpu.memory_space<vmem>>
        %dma_wait3A_505 = tpu.memref_squeeze %dma_wait3A_504 : memref<1x128xi32, #tpu.memory_space<vmem>> -> memref<128xi32, #tpu.memory_space<vmem>>
        %dma_wait3A_506 = arith.constant 0 : i32
        %dma_wait3A_507 = tpu.memref_slice %arg3[%dma_wait3A_501, %dma_wait3A_506] : memref<2x640000xi32, #tpu.memory_space<hbm>> -> memref<1x128xi32, #tpu.memory_space<hbm>>
        %dma_wait3A_508 = tpu.memref_squeeze %dma_wait3A_507 : memref<1x128xi32, #tpu.memory_space<hbm>> -> memref<128xi32, #tpu.memory_space<hbm>>
        %dma_wait3A_509 = arith.constant 0 : i32
        %dma_wait3A_510 = tpu.memref_slice %arg10[%dma_wait3A_502, %dma_wait3A_509] : memref<1x128xi32, #tpu.memory_space<vmem>> -> memref<1x128xi32, #tpu.memory_space<vmem>>
        %dma_wait3A_511 = tpu.memref_squeeze %dma_wait3A_510 : memref<1x128xi32, #tpu.memory_space<vmem>> -> memref<128xi32, #tpu.memory_space<vmem>>
        %dma_wait3A_512 = arith.constant 0 : i32
        %dma_wait3A_513 = tpu.memref_slice %arg3[%dma_wait3A_501, %dma_wait3A_512] : memref<2x640000xi32, #tpu.memory_space<hbm>> -> memref<1x128xi32, #tpu.memory_space<hbm>>
        %dma_wait3A_514 = tpu.memref_squeeze %dma_wait3A_513 : memref<1x128xi32, #tpu.memory_space<hbm>> -> memref<128xi32, #tpu.memory_space<hbm>>
        tpu.wait_dma2 semaphore(%arg32 : memref<!tpu.dma_semaphore, #tpu.memory_space<semaphore_mem>>) src(%dma_wait3A_514 : memref<128xi32, #tpu.memory_space<hbm>>) dst(%dma_wait3A_511 : memref<128xi32, #tpu.memory_space<vmem>>)
        %dma_wait3A_515 = arith.constant 1 : i32
        %dma_wait3A_516 = arith.constant 0 : i32
        %dma_wait3A_517 = arith.constant 0 : i32
        %dma_wait3A_518 = tpu.memref_slice %arg16[%dma_wait3A_516, %dma_wait3A_517] : memref<1x128xi32, #tpu.memory_space<vmem>> -> memref<1x128xi32, #tpu.memory_space<vmem>>
        %dma_wait3A_519 = tpu.memref_squeeze %dma_wait3A_518 : memref<1x128xi32, #tpu.memory_space<vmem>> -> memref<128xi32, #tpu.memory_space<vmem>>
        %dma_wait3A_520 = arith.constant 0 : i32
        %dma_wait3A_521 = tpu.memref_slice %arg3[%dma_wait3A_515, %dma_wait3A_520] : memref<2x640000xi32, #tpu.memory_space<hbm>> -> memref<1x128xi32, #tpu.memory_space<hbm>>
        %dma_wait3A_522 = tpu.memref_squeeze %dma_wait3A_521 : memref<1x128xi32, #tpu.memory_space<hbm>> -> memref<128xi32, #tpu.memory_space<hbm>>
        %dma_wait3A_523 = arith.constant 0 : i32
        %dma_wait3A_524 = tpu.memref_slice %arg16[%dma_wait3A_516, %dma_wait3A_523] : memref<1x128xi32, #tpu.memory_space<vmem>> -> memref<1x128xi32, #tpu.memory_space<vmem>>
        %dma_wait3A_525 = tpu.memref_squeeze %dma_wait3A_524 : memref<1x128xi32, #tpu.memory_space<vmem>> -> memref<128xi32, #tpu.memory_space<vmem>>
        %dma_wait3A_526 = arith.constant 0 : i32
        %dma_wait3A_527 = tpu.memref_slice %arg3[%dma_wait3A_515, %dma_wait3A_526] : memref<2x640000xi32, #tpu.memory_space<hbm>> -> memref<1x128xi32, #tpu.memory_space<hbm>>
        %dma_wait3A_528 = tpu.memref_squeeze %dma_wait3A_527 : memref<1x128xi32, #tpu.memory_space<hbm>> -> memref<128xi32, #tpu.memory_space<hbm>>
        tpu.wait_dma2 semaphore(%arg32 : memref<!tpu.dma_semaphore, #tpu.memory_space<semaphore_mem>>) src(%dma_wait3A_528 : memref<128xi32, #tpu.memory_space<hbm>>) dst(%dma_wait3A_525 : memref<128xi32, #tpu.memory_space<vmem>>)
        %dma_start3A_529 = arith.constant 0 : i32
        %dma_start3A_530 = arith.constant 0 : i32
        %dma_start3A_531 = tpu.memref_slice %arg10[%dma_start3A_529, %dma_start3A_530] : memref<1x128xi32, #tpu.memory_space<vmem>> -> memref<1x128xi32, #tpu.memory_space<vmem>>
        %dma_start3A_532 = tpu.memref_squeeze %dma_start3A_531 : memref<1x128xi32, #tpu.memory_space<vmem>> -> memref<128xi32, #tpu.memory_space<vmem>>
        %dma_start3A_533 = arith.constant 0 : i32
        %dma_start3A_534 = arith.constant 0 : i32
        %dma_start3A_535 = tpu.memref_slice %arg2[%dma_start3A_533, %dma_start3A_534] : memref<10000x64xf32, #tpu.memory_space<hbm>> -> memref<10000x64xf32, #tpu.memory_space<hbm>>
        tpu.enqueue_indirect_dma source(%dma_start3A_535 : memref<10000x64xf32, #tpu.memory_space<hbm>>) target(%arg24 : memref<128x64xf32, #tpu.memory_space<vmem>>) offsets(%dma_start3A_532 : memref<128xi32, #tpu.memory_space<vmem>>) semaphore(%arg38 : memref<!tpu.dma_semaphore, #tpu.memory_space<semaphore_mem>>)
      } else {
      }
      %dma_start3A_394 = arith.constant 0 : i32
      %dma_start3A_395 = arith.constant 0 : i32
      %dma_start3A_396 = tpu.memref_slice %arg13[%dma_start3A_394, %dma_start3A_395] : memref<1x128xi32, #tpu.memory_space<vmem>> -> memref<1x128xi32, #tpu.memory_space<vmem>>
      %dma_start3A_397 = tpu.memref_squeeze %dma_start3A_396 : memref<1x128xi32, #tpu.memory_space<vmem>> -> memref<128xi32, #tpu.memory_space<vmem>>
      %dma_start3A_398 = arith.constant 0 : i32
      %dma_start3A_399 = arith.constant 0 : i32
      %dma_start3A_400 = tpu.memref_slice %arg26[%dma_start3A_398, %dma_start3A_399] : memref<10000x64xf32, #tpu.memory_space<vmem_shared>> -> memref<10000x64xf32, #tpu.memory_space<vmem_shared>>
      tpu.enqueue_indirect_dma source(%arg21 : memref<128x64xf32, #tpu.memory_space<vmem>>) target(%dma_start3A_400 : memref<10000x64xf32, #tpu.memory_space<vmem_shared>>) offsets(%dma_start3A_397 : memref<128xi32, #tpu.memory_space<vmem>>) semaphore(%arg41 : memref<!tpu.dma_semaphore, #tpu.memory_space<semaphore_mem>>) {add = true}
      %mul3A_401 = arith.constant 6 : i32
      %mul3A_402 = arith.muli %mul3A_401, %scan3A_301 : i32
      %add3A_403 = arith.constant 3 : i32
      %add3A_404 = arith.addi %mul3A_402, %add3A_403 : i32
      %ge3A_405 = arith.constant 2 : i32
      %ge3A_406 = arith.cmpi sge, %add3A_404, %ge3A_405 : i32
      %convert_element_type3A_407 = arith.extui %ge3A_406 : i1 to i32
      %cond3A_408 = arith.constant 0 : i32
      %cond3A_409 = arith.cmpi ne, %convert_element_type3A_407, %cond3A_408 : i32
      scf.if %cond3A_409 {
        %dma_wait3A_501 = arith.constant 0 : i32
        %dma_wait3A_502 = arith.constant 0 : i32
        %dma_wait3A_503 = tpu.memref_slice %arg12[%dma_wait3A_501, %dma_wait3A_502] : memref<1x128xi32, #tpu.memory_space<vmem>> -> memref<1x128xi32, #tpu.memory_space<vmem>>
        %dma_wait3A_504 = tpu.memref_squeeze %dma_wait3A_503 : memref<1x128xi32, #tpu.memory_space<vmem>> -> memref<128xi32, #tpu.memory_space<vmem>>
        %dma_wait3A_505 = arith.constant 0 : i32
        %dma_wait3A_506 = arith.constant 0 : i32
        %dma_wait3A_507 = tpu.memref_slice %arg26[%dma_wait3A_505, %dma_wait3A_506] : memref<10000x64xf32, #tpu.memory_space<vmem_shared>> -> memref<10000x64xf32, #tpu.memory_space<vmem_shared>>
        tpu.wait_indirect_dma semaphore(%arg40 : memref<!tpu.dma_semaphore, #tpu.memory_space<semaphore_mem>>) src(%arg20 : memref<128x64xf32, #tpu.memory_space<vmem>>) dst(%dma_wait3A_507 : memref<10000x64xf32, #tpu.memory_space<vmem_shared>>)
      } else {
      }
      %lt3A_410 = arith.constant 152 : i32
      %lt3A_411 = arith.cmpi slt, %add3A_404, %lt3A_410 : i32
      %convert_element_type3A_412 = arith.extui %lt3A_411 : i1 to i32
      %cond3A_413 = arith.constant 0 : i32
      %cond3A_414 = arith.cmpi ne, %convert_element_type3A_412, %cond3A_413 : i32
      scf.if %cond3A_414 {
        %add3A_501 = arith.constant 4 : i32
        %add3A_502 = arith.addi %add3A_404, %add3A_501 : i32
        %add3A_503 = arith.addi %select_n3A, %add3A_502 : i32
        %mul3A_504 = arith.constant 128 : i32
        %mul3A_505 = arith.muli %add3A_503, %mul3A_504 : i32
        %multiple_of3A_506 = tpu.assume_multiple %mul3A_505, 8 : i32
        %dma_start3A_507 = arith.constant 0 : i32
        %dma_start3A_508 = arith.constant 0 : i32
        %dma_start3A_509 = arith.constant 0 : i32
        %dma_start3A_510 = tpu.memref_slice %arg6[%dma_start3A_508, %dma_start3A_509] : memref<1x128xi32, #tpu.memory_space<vmem>> -> memref<1x128xi32, #tpu.memory_space<vmem>>
        %dma_start3A_511 = tpu.memref_squeeze %dma_start3A_510 : memref<1x128xi32, #tpu.memory_space<vmem>> -> memref<128xi32, #tpu.memory_space<vmem>>
        %dma_start3A_512 = tpu.memref_slice %arg3[%dma_start3A_507, %multiple_of3A_506] : memref<2x640000xi32, #tpu.memory_space<hbm>> -> memref<1x128xi32, #tpu.memory_space<hbm>>
        %dma_start3A_513 = tpu.memref_squeeze %dma_start3A_512 : memref<1x128xi32, #tpu.memory_space<hbm>> -> memref<128xi32, #tpu.memory_space<hbm>>
        %dma_start3A_514 = arith.constant 0 : i32
        %dma_start3A_515 = tpu.memref_slice %arg6[%dma_start3A_508, %dma_start3A_514] : memref<1x128xi32, #tpu.memory_space<vmem>> -> memref<1x128xi32, #tpu.memory_space<vmem>>
        %dma_start3A_516 = tpu.memref_squeeze %dma_start3A_515 : memref<1x128xi32, #tpu.memory_space<vmem>> -> memref<128xi32, #tpu.memory_space<vmem>>
        %dma_start3A_517 = tpu.memref_slice %arg3[%dma_start3A_507, %multiple_of3A_506] : memref<2x640000xi32, #tpu.memory_space<hbm>> -> memref<1x128xi32, #tpu.memory_space<hbm>>
        %dma_start3A_518 = tpu.memref_squeeze %dma_start3A_517 : memref<1x128xi32, #tpu.memory_space<hbm>> -> memref<128xi32, #tpu.memory_space<hbm>>
        tpu.enqueue_dma source(%dma_start3A_518 : memref<128xi32, #tpu.memory_space<hbm>>) target(%dma_start3A_516 : memref<128xi32, #tpu.memory_space<vmem>>) target_semaphore(%arg28 : memref<!tpu.dma_semaphore, #tpu.memory_space<semaphore_mem>>)
        %dma_start3A_519 = arith.constant 1 : i32
        %dma_start3A_520 = arith.constant 0 : i32
        %dma_start3A_521 = arith.constant 0 : i32
        %dma_start3A_522 = tpu.memref_slice %arg12[%dma_start3A_520, %dma_start3A_521] : memref<1x128xi32, #tpu.memory_space<vmem>> -> memref<1x128xi32, #tpu.memory_space<vmem>>
        %dma_start3A_523 = tpu.memref_squeeze %dma_start3A_522 : memref<1x128xi32, #tpu.memory_space<vmem>> -> memref<128xi32, #tpu.memory_space<vmem>>
        %dma_start3A_524 = tpu.memref_slice %arg3[%dma_start3A_519, %multiple_of3A_506] : memref<2x640000xi32, #tpu.memory_space<hbm>> -> memref<1x128xi32, #tpu.memory_space<hbm>>
        %dma_start3A_525 = tpu.memref_squeeze %dma_start3A_524 : memref<1x128xi32, #tpu.memory_space<hbm>> -> memref<128xi32, #tpu.memory_space<hbm>>
        %dma_start3A_526 = arith.constant 0 : i32
        %dma_start3A_527 = tpu.memref_slice %arg12[%dma_start3A_520, %dma_start3A_526] : memref<1x128xi32, #tpu.memory_space<vmem>> -> memref<1x128xi32, #tpu.memory_space<vmem>>
        %dma_start3A_528 = tpu.memref_squeeze %dma_start3A_527 : memref<1x128xi32, #tpu.memory_space<vmem>> -> memref<128xi32, #tpu.memory_space<vmem>>
        %dma_start3A_529 = tpu.memref_slice %arg3[%dma_start3A_519, %multiple_of3A_506] : memref<2x640000xi32, #tpu.memory_space<hbm>> -> memref<1x128xi32, #tpu.memory_space<hbm>>
        %dma_start3A_530 = tpu.memref_squeeze %dma_start3A_529 : memref<1x128xi32, #tpu.memory_space<hbm>> -> memref<128xi32, #tpu.memory_space<hbm>>
        tpu.enqueue_dma source(%dma_start3A_530 : memref<128xi32, #tpu.memory_space<hbm>>) target(%dma_start3A_528 : memref<128xi32, #tpu.memory_space<vmem>>) target_semaphore(%arg28 : memref<!tpu.dma_semaphore, #tpu.memory_space<semaphore_mem>>)
      } else {
      }
      %dma_wait3A_415 = arith.constant 0 : i32
      %dma_wait3A_416 = arith.constant 0 : i32
      %dma_wait3A_417 = tpu.memref_slice %arg8[%dma_wait3A_415, %dma_wait3A_416] : memref<1x128xi32, #tpu.memory_space<vmem>> -> memref<1x128xi32, #tpu.memory_space<vmem>>
      %dma_wait3A_418 = tpu.memref_squeeze %dma_wait3A_417 : memref<1x128xi32, #tpu.memory_space<vmem>> -> memref<128xi32, #tpu.memory_space<vmem>>
      %dma_wait3A_419 = arith.constant 0 : i32
      %dma_wait3A_420 = arith.constant 0 : i32
      %dma_wait3A_421 = tpu.memref_slice %arg2[%dma_wait3A_419, %dma_wait3A_420] : memref<10000x64xf32, #tpu.memory_space<hbm>> -> memref<10000x64xf32, #tpu.memory_space<hbm>>
      tpu.wait_indirect_dma semaphore(%arg36 : memref<!tpu.dma_semaphore, #tpu.memory_space<semaphore_mem>>) src(%dma_wait3A_421 : memref<10000x64xf32, #tpu.memory_space<hbm>>) dst(%arg22 : memref<128x64xf32, #tpu.memory_space<vmem>>)
      %lt3A_422 = arith.constant 153 : i32
      %lt3A_423 = arith.cmpi slt, %add3A_404, %lt3A_422 : i32
      %convert_element_type3A_424 = arith.extui %lt3A_423 : i1 to i32
      %cond3A_425 = arith.constant 0 : i32
      %cond3A_426 = arith.cmpi ne, %convert_element_type3A_424, %cond3A_425 : i32
      scf.if %cond3A_426 {
        %dma_wait3A_501 = arith.constant 0 : i32
        %dma_wait3A_502 = arith.constant 0 : i32
        %dma_wait3A_503 = arith.constant 0 : i32
        %dma_wait3A_504 = tpu.memref_slice %arg5[%dma_wait3A_502, %dma_wait3A_503] : memref<1x128xi32, #tpu.memory_space<vmem>> -> memref<1x128xi32, #tpu.memory_space<vmem>>
        %dma_wait3A_505 = tpu.memref_squeeze %dma_wait3A_504 : memref<1x128xi32, #tpu.memory_space<vmem>> -> memref<128xi32, #tpu.memory_space<vmem>>
        %dma_wait3A_506 = arith.constant 0 : i32
        %dma_wait3A_507 = tpu.memref_slice %arg3[%dma_wait3A_501, %dma_wait3A_506] : memref<2x640000xi32, #tpu.memory_space<hbm>> -> memref<1x128xi32, #tpu.memory_space<hbm>>
        %dma_wait3A_508 = tpu.memref_squeeze %dma_wait3A_507 : memref<1x128xi32, #tpu.memory_space<hbm>> -> memref<128xi32, #tpu.memory_space<hbm>>
        %dma_wait3A_509 = arith.constant 0 : i32
        %dma_wait3A_510 = tpu.memref_slice %arg5[%dma_wait3A_502, %dma_wait3A_509] : memref<1x128xi32, #tpu.memory_space<vmem>> -> memref<1x128xi32, #tpu.memory_space<vmem>>
        %dma_wait3A_511 = tpu.memref_squeeze %dma_wait3A_510 : memref<1x128xi32, #tpu.memory_space<vmem>> -> memref<128xi32, #tpu.memory_space<vmem>>
        %dma_wait3A_512 = arith.constant 0 : i32
        %dma_wait3A_513 = tpu.memref_slice %arg3[%dma_wait3A_501, %dma_wait3A_512] : memref<2x640000xi32, #tpu.memory_space<hbm>> -> memref<1x128xi32, #tpu.memory_space<hbm>>
        %dma_wait3A_514 = tpu.memref_squeeze %dma_wait3A_513 : memref<1x128xi32, #tpu.memory_space<hbm>> -> memref<128xi32, #tpu.memory_space<hbm>>
        tpu.wait_dma2 semaphore(%arg27 : memref<!tpu.dma_semaphore, #tpu.memory_space<semaphore_mem>>) src(%dma_wait3A_514 : memref<128xi32, #tpu.memory_space<hbm>>) dst(%dma_wait3A_511 : memref<128xi32, #tpu.memory_space<vmem>>)
        %dma_wait3A_515 = arith.constant 1 : i32
        %dma_wait3A_516 = arith.constant 0 : i32
        %dma_wait3A_517 = arith.constant 0 : i32
        %dma_wait3A_518 = tpu.memref_slice %arg11[%dma_wait3A_516, %dma_wait3A_517] : memref<1x128xi32, #tpu.memory_space<vmem>> -> memref<1x128xi32, #tpu.memory_space<vmem>>
        %dma_wait3A_519 = tpu.memref_squeeze %dma_wait3A_518 : memref<1x128xi32, #tpu.memory_space<vmem>> -> memref<128xi32, #tpu.memory_space<vmem>>
        %dma_wait3A_520 = arith.constant 0 : i32
        %dma_wait3A_521 = tpu.memref_slice %arg3[%dma_wait3A_515, %dma_wait3A_520] : memref<2x640000xi32, #tpu.memory_space<hbm>> -> memref<1x128xi32, #tpu.memory_space<hbm>>
        %dma_wait3A_522 = tpu.memref_squeeze %dma_wait3A_521 : memref<1x128xi32, #tpu.memory_space<hbm>> -> memref<128xi32, #tpu.memory_space<hbm>>
        %dma_wait3A_523 = arith.constant 0 : i32
        %dma_wait3A_524 = tpu.memref_slice %arg11[%dma_wait3A_516, %dma_wait3A_523] : memref<1x128xi32, #tpu.memory_space<vmem>> -> memref<1x128xi32, #tpu.memory_space<vmem>>
        %dma_wait3A_525 = tpu.memref_squeeze %dma_wait3A_524 : memref<1x128xi32, #tpu.memory_space<vmem>> -> memref<128xi32, #tpu.memory_space<vmem>>
        %dma_wait3A_526 = arith.constant 0 : i32
        %dma_wait3A_527 = tpu.memref_slice %arg3[%dma_wait3A_515, %dma_wait3A_526] : memref<2x640000xi32, #tpu.memory_space<hbm>> -> memref<1x128xi32, #tpu.memory_space<hbm>>
        %dma_wait3A_528 = tpu.memref_squeeze %dma_wait3A_527 : memref<1x128xi32, #tpu.memory_space<hbm>> -> memref<128xi32, #tpu.memory_space<hbm>>
        tpu.wait_dma2 semaphore(%arg27 : memref<!tpu.dma_semaphore, #tpu.memory_space<semaphore_mem>>) src(%dma_wait3A_528 : memref<128xi32, #tpu.memory_space<hbm>>) dst(%dma_wait3A_525 : memref<128xi32, #tpu.memory_space<vmem>>)
        %dma_start3A_529 = arith.constant 0 : i32
        %dma_start3A_530 = arith.constant 0 : i32
        %dma_start3A_531 = tpu.memref_slice %arg5[%dma_start3A_529, %dma_start3A_530] : memref<1x128xi32, #tpu.memory_space<vmem>> -> memref<1x128xi32, #tpu.memory_space<vmem>>
        %dma_start3A_532 = tpu.memref_squeeze %dma_start3A_531 : memref<1x128xi32, #tpu.memory_space<vmem>> -> memref<128xi32, #tpu.memory_space<vmem>>
        %dma_start3A_533 = arith.constant 0 : i32
        %dma_start3A_534 = arith.constant 0 : i32
        %dma_start3A_535 = tpu.memref_slice %arg2[%dma_start3A_533, %dma_start3A_534] : memref<10000x64xf32, #tpu.memory_space<hbm>> -> memref<10000x64xf32, #tpu.memory_space<hbm>>
        tpu.enqueue_indirect_dma source(%dma_start3A_535 : memref<10000x64xf32, #tpu.memory_space<hbm>>) target(%arg19 : memref<128x64xf32, #tpu.memory_space<vmem>>) offsets(%dma_start3A_532 : memref<128xi32, #tpu.memory_space<vmem>>) semaphore(%arg33 : memref<!tpu.dma_semaphore, #tpu.memory_space<semaphore_mem>>)
      } else {
      }
      %dma_start3A_427 = arith.constant 0 : i32
      %dma_start3A_428 = arith.constant 0 : i32
      %dma_start3A_429 = tpu.memref_slice %arg14[%dma_start3A_427, %dma_start3A_428] : memref<1x128xi32, #tpu.memory_space<vmem>> -> memref<1x128xi32, #tpu.memory_space<vmem>>
      %dma_start3A_430 = tpu.memref_squeeze %dma_start3A_429 : memref<1x128xi32, #tpu.memory_space<vmem>> -> memref<128xi32, #tpu.memory_space<vmem>>
      %dma_start3A_431 = arith.constant 0 : i32
      %dma_start3A_432 = arith.constant 0 : i32
      %dma_start3A_433 = tpu.memref_slice %arg26[%dma_start3A_431, %dma_start3A_432] : memref<10000x64xf32, #tpu.memory_space<vmem_shared>> -> memref<10000x64xf32, #tpu.memory_space<vmem_shared>>
      tpu.enqueue_indirect_dma source(%arg22 : memref<128x64xf32, #tpu.memory_space<vmem>>) target(%dma_start3A_433 : memref<10000x64xf32, #tpu.memory_space<vmem_shared>>) offsets(%dma_start3A_430 : memref<128xi32, #tpu.memory_space<vmem>>) semaphore(%arg42 : memref<!tpu.dma_semaphore, #tpu.memory_space<semaphore_mem>>) {add = true}
      %mul3A_434 = arith.constant 6 : i32
      %mul3A_435 = arith.muli %mul3A_434, %scan3A_301 : i32
      %add3A_436 = arith.constant 4 : i32
      %add3A_437 = arith.addi %mul3A_435, %add3A_436 : i32
      %ge3A_438 = arith.constant 2 : i32
      %ge3A_439 = arith.cmpi sge, %add3A_437, %ge3A_438 : i32
      %convert_element_type3A_440 = arith.extui %ge3A_439 : i1 to i32
      %cond3A_441 = arith.constant 0 : i32
      %cond3A_442 = arith.cmpi ne, %convert_element_type3A_440, %cond3A_441 : i32
      scf.if %cond3A_442 {
        %dma_wait3A_501 = arith.constant 0 : i32
        %dma_wait3A_502 = arith.constant 0 : i32
        %dma_wait3A_503 = tpu.memref_slice %arg13[%dma_wait3A_501, %dma_wait3A_502] : memref<1x128xi32, #tpu.memory_space<vmem>> -> memref<1x128xi32, #tpu.memory_space<vmem>>
        %dma_wait3A_504 = tpu.memref_squeeze %dma_wait3A_503 : memref<1x128xi32, #tpu.memory_space<vmem>> -> memref<128xi32, #tpu.memory_space<vmem>>
        %dma_wait3A_505 = arith.constant 0 : i32
        %dma_wait3A_506 = arith.constant 0 : i32
        %dma_wait3A_507 = tpu.memref_slice %arg26[%dma_wait3A_505, %dma_wait3A_506] : memref<10000x64xf32, #tpu.memory_space<vmem_shared>> -> memref<10000x64xf32, #tpu.memory_space<vmem_shared>>
        tpu.wait_indirect_dma semaphore(%arg41 : memref<!tpu.dma_semaphore, #tpu.memory_space<semaphore_mem>>) src(%arg21 : memref<128x64xf32, #tpu.memory_space<vmem>>) dst(%dma_wait3A_507 : memref<10000x64xf32, #tpu.memory_space<vmem_shared>>)
      } else {
      }
      %lt3A_443 = arith.constant 152 : i32
      %lt3A_444 = arith.cmpi slt, %add3A_437, %lt3A_443 : i32
      %convert_element_type3A_445 = arith.extui %lt3A_444 : i1 to i32
      %cond3A_446 = arith.constant 0 : i32
      %cond3A_447 = arith.cmpi ne, %convert_element_type3A_445, %cond3A_446 : i32
      scf.if %cond3A_447 {
        %add3A_501 = arith.constant 4 : i32
        %add3A_502 = arith.addi %add3A_437, %add3A_501 : i32
        %add3A_503 = arith.addi %select_n3A, %add3A_502 : i32
        %mul3A_504 = arith.constant 128 : i32
        %mul3A_505 = arith.muli %add3A_503, %mul3A_504 : i32
        %multiple_of3A_506 = tpu.assume_multiple %mul3A_505, 8 : i32
        %dma_start3A_507 = arith.constant 0 : i32
        %dma_start3A_508 = arith.constant 0 : i32
        %dma_start3A_509 = arith.constant 0 : i32
        %dma_start3A_510 = tpu.memref_slice %arg7[%dma_start3A_508, %dma_start3A_509] : memref<1x128xi32, #tpu.memory_space<vmem>> -> memref<1x128xi32, #tpu.memory_space<vmem>>
        %dma_start3A_511 = tpu.memref_squeeze %dma_start3A_510 : memref<1x128xi32, #tpu.memory_space<vmem>> -> memref<128xi32, #tpu.memory_space<vmem>>
        %dma_start3A_512 = tpu.memref_slice %arg3[%dma_start3A_507, %multiple_of3A_506] : memref<2x640000xi32, #tpu.memory_space<hbm>> -> memref<1x128xi32, #tpu.memory_space<hbm>>
        %dma_start3A_513 = tpu.memref_squeeze %dma_start3A_512 : memref<1x128xi32, #tpu.memory_space<hbm>> -> memref<128xi32, #tpu.memory_space<hbm>>
        %dma_start3A_514 = arith.constant 0 : i32
        %dma_start3A_515 = tpu.memref_slice %arg7[%dma_start3A_508, %dma_start3A_514] : memref<1x128xi32, #tpu.memory_space<vmem>> -> memref<1x128xi32, #tpu.memory_space<vmem>>
        %dma_start3A_516 = tpu.memref_squeeze %dma_start3A_515 : memref<1x128xi32, #tpu.memory_space<vmem>> -> memref<128xi32, #tpu.memory_space<vmem>>
        %dma_start3A_517 = tpu.memref_slice %arg3[%dma_start3A_507, %multiple_of3A_506] : memref<2x640000xi32, #tpu.memory_space<hbm>> -> memref<1x128xi32, #tpu.memory_space<hbm>>
        %dma_start3A_518 = tpu.memref_squeeze %dma_start3A_517 : memref<1x128xi32, #tpu.memory_space<hbm>> -> memref<128xi32, #tpu.memory_space<hbm>>
        tpu.enqueue_dma source(%dma_start3A_518 : memref<128xi32, #tpu.memory_space<hbm>>) target(%dma_start3A_516 : memref<128xi32, #tpu.memory_space<vmem>>) target_semaphore(%arg29 : memref<!tpu.dma_semaphore, #tpu.memory_space<semaphore_mem>>)
        %dma_start3A_519 = arith.constant 1 : i32
        %dma_start3A_520 = arith.constant 0 : i32
        %dma_start3A_521 = arith.constant 0 : i32
        %dma_start3A_522 = tpu.memref_slice %arg13[%dma_start3A_520, %dma_start3A_521] : memref<1x128xi32, #tpu.memory_space<vmem>> -> memref<1x128xi32, #tpu.memory_space<vmem>>
        %dma_start3A_523 = tpu.memref_squeeze %dma_start3A_522 : memref<1x128xi32, #tpu.memory_space<vmem>> -> memref<128xi32, #tpu.memory_space<vmem>>
        %dma_start3A_524 = tpu.memref_slice %arg3[%dma_start3A_519, %multiple_of3A_506] : memref<2x640000xi32, #tpu.memory_space<hbm>> -> memref<1x128xi32, #tpu.memory_space<hbm>>
        %dma_start3A_525 = tpu.memref_squeeze %dma_start3A_524 : memref<1x128xi32, #tpu.memory_space<hbm>> -> memref<128xi32, #tpu.memory_space<hbm>>
        %dma_start3A_526 = arith.constant 0 : i32
        %dma_start3A_527 = tpu.memref_slice %arg13[%dma_start3A_520, %dma_start3A_526] : memref<1x128xi32, #tpu.memory_space<vmem>> -> memref<1x128xi32, #tpu.memory_space<vmem>>
        %dma_start3A_528 = tpu.memref_squeeze %dma_start3A_527 : memref<1x128xi32, #tpu.memory_space<vmem>> -> memref<128xi32, #tpu.memory_space<vmem>>
        %dma_start3A_529 = tpu.memref_slice %arg3[%dma_start3A_519, %multiple_of3A_506] : memref<2x640000xi32, #tpu.memory_space<hbm>> -> memref<1x128xi32, #tpu.memory_space<hbm>>
        %dma_start3A_530 = tpu.memref_squeeze %dma_start3A_529 : memref<1x128xi32, #tpu.memory_space<hbm>> -> memref<128xi32, #tpu.memory_space<hbm>>
        tpu.enqueue_dma source(%dma_start3A_530 : memref<128xi32, #tpu.memory_space<hbm>>) target(%dma_start3A_528 : memref<128xi32, #tpu.memory_space<vmem>>) target_semaphore(%arg29 : memref<!tpu.dma_semaphore, #tpu.memory_space<semaphore_mem>>)
      } else {
      }
      %dma_wait3A_448 = arith.constant 0 : i32
      %dma_wait3A_449 = arith.constant 0 : i32
      %dma_wait3A_450 = tpu.memref_slice %arg9[%dma_wait3A_448, %dma_wait3A_449] : memref<1x128xi32, #tpu.memory_space<vmem>> -> memref<1x128xi32, #tpu.memory_space<vmem>>
      %dma_wait3A_451 = tpu.memref_squeeze %dma_wait3A_450 : memref<1x128xi32, #tpu.memory_space<vmem>> -> memref<128xi32, #tpu.memory_space<vmem>>
      %dma_wait3A_452 = arith.constant 0 : i32
      %dma_wait3A_453 = arith.constant 0 : i32
      %dma_wait3A_454 = tpu.memref_slice %arg2[%dma_wait3A_452, %dma_wait3A_453] : memref<10000x64xf32, #tpu.memory_space<hbm>> -> memref<10000x64xf32, #tpu.memory_space<hbm>>
      tpu.wait_indirect_dma semaphore(%arg37 : memref<!tpu.dma_semaphore, #tpu.memory_space<semaphore_mem>>) src(%dma_wait3A_454 : memref<10000x64xf32, #tpu.memory_space<hbm>>) dst(%arg23 : memref<128x64xf32, #tpu.memory_space<vmem>>)
      %lt3A_455 = arith.constant 153 : i32
      %lt3A_456 = arith.cmpi slt, %add3A_437, %lt3A_455 : i32
      %convert_element_type3A_457 = arith.extui %lt3A_456 : i1 to i32
      %cond3A_458 = arith.constant 0 : i32
      %cond3A_459 = arith.cmpi ne, %convert_element_type3A_457, %cond3A_458 : i32
      scf.if %cond3A_459 {
        %dma_wait3A_501 = arith.constant 0 : i32
        %dma_wait3A_502 = arith.constant 0 : i32
        %dma_wait3A_503 = arith.constant 0 : i32
        %dma_wait3A_504 = tpu.memref_slice %arg6[%dma_wait3A_502, %dma_wait3A_503] : memref<1x128xi32, #tpu.memory_space<vmem>> -> memref<1x128xi32, #tpu.memory_space<vmem>>
        %dma_wait3A_505 = tpu.memref_squeeze %dma_wait3A_504 : memref<1x128xi32, #tpu.memory_space<vmem>> -> memref<128xi32, #tpu.memory_space<vmem>>
        %dma_wait3A_506 = arith.constant 0 : i32
        %dma_wait3A_507 = tpu.memref_slice %arg3[%dma_wait3A_501, %dma_wait3A_506] : memref<2x640000xi32, #tpu.memory_space<hbm>> -> memref<1x128xi32, #tpu.memory_space<hbm>>
        %dma_wait3A_508 = tpu.memref_squeeze %dma_wait3A_507 : memref<1x128xi32, #tpu.memory_space<hbm>> -> memref<128xi32, #tpu.memory_space<hbm>>
        %dma_wait3A_509 = arith.constant 0 : i32
        %dma_wait3A_510 = tpu.memref_slice %arg6[%dma_wait3A_502, %dma_wait3A_509] : memref<1x128xi32, #tpu.memory_space<vmem>> -> memref<1x128xi32, #tpu.memory_space<vmem>>
        %dma_wait3A_511 = tpu.memref_squeeze %dma_wait3A_510 : memref<1x128xi32, #tpu.memory_space<vmem>> -> memref<128xi32, #tpu.memory_space<vmem>>
        %dma_wait3A_512 = arith.constant 0 : i32
        %dma_wait3A_513 = tpu.memref_slice %arg3[%dma_wait3A_501, %dma_wait3A_512] : memref<2x640000xi32, #tpu.memory_space<hbm>> -> memref<1x128xi32, #tpu.memory_space<hbm>>
        %dma_wait3A_514 = tpu.memref_squeeze %dma_wait3A_513 : memref<1x128xi32, #tpu.memory_space<hbm>> -> memref<128xi32, #tpu.memory_space<hbm>>
        tpu.wait_dma2 semaphore(%arg28 : memref<!tpu.dma_semaphore, #tpu.memory_space<semaphore_mem>>) src(%dma_wait3A_514 : memref<128xi32, #tpu.memory_space<hbm>>) dst(%dma_wait3A_511 : memref<128xi32, #tpu.memory_space<vmem>>)
        %dma_wait3A_515 = arith.constant 1 : i32
        %dma_wait3A_516 = arith.constant 0 : i32
        %dma_wait3A_517 = arith.constant 0 : i32
        %dma_wait3A_518 = tpu.memref_slice %arg12[%dma_wait3A_516, %dma_wait3A_517] : memref<1x128xi32, #tpu.memory_space<vmem>> -> memref<1x128xi32, #tpu.memory_space<vmem>>
        %dma_wait3A_519 = tpu.memref_squeeze %dma_wait3A_518 : memref<1x128xi32, #tpu.memory_space<vmem>> -> memref<128xi32, #tpu.memory_space<vmem>>
        %dma_wait3A_520 = arith.constant 0 : i32
        %dma_wait3A_521 = tpu.memref_slice %arg3[%dma_wait3A_515, %dma_wait3A_520] : memref<2x640000xi32, #tpu.memory_space<hbm>> -> memref<1x128xi32, #tpu.memory_space<hbm>>
        %dma_wait3A_522 = tpu.memref_squeeze %dma_wait3A_521 : memref<1x128xi32, #tpu.memory_space<hbm>> -> memref<128xi32, #tpu.memory_space<hbm>>
        %dma_wait3A_523 = arith.constant 0 : i32
        %dma_wait3A_524 = tpu.memref_slice %arg12[%dma_wait3A_516, %dma_wait3A_523] : memref<1x128xi32, #tpu.memory_space<vmem>> -> memref<1x128xi32, #tpu.memory_space<vmem>>
        %dma_wait3A_525 = tpu.memref_squeeze %dma_wait3A_524 : memref<1x128xi32, #tpu.memory_space<vmem>> -> memref<128xi32, #tpu.memory_space<vmem>>
        %dma_wait3A_526 = arith.constant 0 : i32
        %dma_wait3A_527 = tpu.memref_slice %arg3[%dma_wait3A_515, %dma_wait3A_526] : memref<2x640000xi32, #tpu.memory_space<hbm>> -> memref<1x128xi32, #tpu.memory_space<hbm>>
        %dma_wait3A_528 = tpu.memref_squeeze %dma_wait3A_527 : memref<1x128xi32, #tpu.memory_space<hbm>> -> memref<128xi32, #tpu.memory_space<hbm>>
        tpu.wait_dma2 semaphore(%arg28 : memref<!tpu.dma_semaphore, #tpu.memory_space<semaphore_mem>>) src(%dma_wait3A_528 : memref<128xi32, #tpu.memory_space<hbm>>) dst(%dma_wait3A_525 : memref<128xi32, #tpu.memory_space<vmem>>)
        %dma_start3A_529 = arith.constant 0 : i32
        %dma_start3A_530 = arith.constant 0 : i32
        %dma_start3A_531 = tpu.memref_slice %arg6[%dma_start3A_529, %dma_start3A_530] : memref<1x128xi32, #tpu.memory_space<vmem>> -> memref<1x128xi32, #tpu.memory_space<vmem>>
        %dma_start3A_532 = tpu.memref_squeeze %dma_start3A_531 : memref<1x128xi32, #tpu.memory_space<vmem>> -> memref<128xi32, #tpu.memory_space<vmem>>
        %dma_start3A_533 = arith.constant 0 : i32
        %dma_start3A_534 = arith.constant 0 : i32
        %dma_start3A_535 = tpu.memref_slice %arg2[%dma_start3A_533, %dma_start3A_534] : memref<10000x64xf32, #tpu.memory_space<hbm>> -> memref<10000x64xf32, #tpu.memory_space<hbm>>
        tpu.enqueue_indirect_dma source(%dma_start3A_535 : memref<10000x64xf32, #tpu.memory_space<hbm>>) target(%arg20 : memref<128x64xf32, #tpu.memory_space<vmem>>) offsets(%dma_start3A_532 : memref<128xi32, #tpu.memory_space<vmem>>) semaphore(%arg34 : memref<!tpu.dma_semaphore, #tpu.memory_space<semaphore_mem>>)
      } else {
      }
      %dma_start3A_460 = arith.constant 0 : i32
      %dma_start3A_461 = arith.constant 0 : i32
      %dma_start3A_462 = tpu.memref_slice %arg15[%dma_start3A_460, %dma_start3A_461] : memref<1x128xi32, #tpu.memory_space<vmem>> -> memref<1x128xi32, #tpu.memory_space<vmem>>
      %dma_start3A_463 = tpu.memref_squeeze %dma_start3A_462 : memref<1x128xi32, #tpu.memory_space<vmem>> -> memref<128xi32, #tpu.memory_space<vmem>>
      %dma_start3A_464 = arith.constant 0 : i32
      %dma_start3A_465 = arith.constant 0 : i32
      %dma_start3A_466 = tpu.memref_slice %arg26[%dma_start3A_464, %dma_start3A_465] : memref<10000x64xf32, #tpu.memory_space<vmem_shared>> -> memref<10000x64xf32, #tpu.memory_space<vmem_shared>>
      tpu.enqueue_indirect_dma source(%arg23 : memref<128x64xf32, #tpu.memory_space<vmem>>) target(%dma_start3A_466 : memref<10000x64xf32, #tpu.memory_space<vmem_shared>>) offsets(%dma_start3A_463 : memref<128xi32, #tpu.memory_space<vmem>>) semaphore(%arg43 : memref<!tpu.dma_semaphore, #tpu.memory_space<semaphore_mem>>) {add = true}
      %mul3A_467 = arith.constant 6 : i32
      %mul3A_468 = arith.muli %mul3A_467, %scan3A_301 : i32
      %add3A_469 = arith.constant 5 : i32
      %add3A_470 = arith.addi %mul3A_468, %add3A_469 : i32
      %ge3A_471 = arith.constant 2 : i32
      %ge3A_472 = arith.cmpi sge, %add3A_470, %ge3A_471 : i32
      %convert_element_type3A_473 = arith.extui %ge3A_472 : i1 to i32
      %cond3A_474 = arith.constant 0 : i32
      %cond3A_475 = arith.cmpi ne, %convert_element_type3A_473, %cond3A_474 : i32
      scf.if %cond3A_475 {
        %dma_wait3A_501 = arith.constant 0 : i32
        %dma_wait3A_502 = arith.constant 0 : i32
        %dma_wait3A_503 = tpu.memref_slice %arg14[%dma_wait3A_501, %dma_wait3A_502] : memref<1x128xi32, #tpu.memory_space<vmem>> -> memref<1x128xi32, #tpu.memory_space<vmem>>
        %dma_wait3A_504 = tpu.memref_squeeze %dma_wait3A_503 : memref<1x128xi32, #tpu.memory_space<vmem>> -> memref<128xi32, #tpu.memory_space<vmem>>
        %dma_wait3A_505 = arith.constant 0 : i32
        %dma_wait3A_506 = arith.constant 0 : i32
        %dma_wait3A_507 = tpu.memref_slice %arg26[%dma_wait3A_505, %dma_wait3A_506] : memref<10000x64xf32, #tpu.memory_space<vmem_shared>> -> memref<10000x64xf32, #tpu.memory_space<vmem_shared>>
        tpu.wait_indirect_dma semaphore(%arg42 : memref<!tpu.dma_semaphore, #tpu.memory_space<semaphore_mem>>) src(%arg22 : memref<128x64xf32, #tpu.memory_space<vmem>>) dst(%dma_wait3A_507 : memref<10000x64xf32, #tpu.memory_space<vmem_shared>>)
      } else {
      }
      %lt3A_476 = arith.constant 152 : i32
      %lt3A_477 = arith.cmpi slt, %add3A_470, %lt3A_476 : i32
      %convert_element_type3A_478 = arith.extui %lt3A_477 : i1 to i32
      %cond3A_479 = arith.constant 0 : i32
      %cond3A_480 = arith.cmpi ne, %convert_element_type3A_478, %cond3A_479 : i32
      scf.if %cond3A_480 {
        %add3A_501 = arith.constant 4 : i32
        %add3A_502 = arith.addi %add3A_470, %add3A_501 : i32
        %add3A_503 = arith.addi %select_n3A, %add3A_502 : i32
        %mul3A_504 = arith.constant 128 : i32
        %mul3A_505 = arith.muli %add3A_503, %mul3A_504 : i32
        %multiple_of3A_506 = tpu.assume_multiple %mul3A_505, 8 : i32
        %dma_start3A_507 = arith.constant 0 : i32
        %dma_start3A_508 = arith.constant 0 : i32
        %dma_start3A_509 = arith.constant 0 : i32
        %dma_start3A_510 = tpu.memref_slice %arg8[%dma_start3A_508, %dma_start3A_509] : memref<1x128xi32, #tpu.memory_space<vmem>> -> memref<1x128xi32, #tpu.memory_space<vmem>>
        %dma_start3A_511 = tpu.memref_squeeze %dma_start3A_510 : memref<1x128xi32, #tpu.memory_space<vmem>> -> memref<128xi32, #tpu.memory_space<vmem>>
        %dma_start3A_512 = tpu.memref_slice %arg3[%dma_start3A_507, %multiple_of3A_506] : memref<2x640000xi32, #tpu.memory_space<hbm>> -> memref<1x128xi32, #tpu.memory_space<hbm>>
        %dma_start3A_513 = tpu.memref_squeeze %dma_start3A_512 : memref<1x128xi32, #tpu.memory_space<hbm>> -> memref<128xi32, #tpu.memory_space<hbm>>
        %dma_start3A_514 = arith.constant 0 : i32
        %dma_start3A_515 = tpu.memref_slice %arg8[%dma_start3A_508, %dma_start3A_514] : memref<1x128xi32, #tpu.memory_space<vmem>> -> memref<1x128xi32, #tpu.memory_space<vmem>>
        %dma_start3A_516 = tpu.memref_squeeze %dma_start3A_515 : memref<1x128xi32, #tpu.memory_space<vmem>> -> memref<128xi32, #tpu.memory_space<vmem>>
        %dma_start3A_517 = tpu.memref_slice %arg3[%dma_start3A_507, %multiple_of3A_506] : memref<2x640000xi32, #tpu.memory_space<hbm>> -> memref<1x128xi32, #tpu.memory_space<hbm>>
        %dma_start3A_518 = tpu.memref_squeeze %dma_start3A_517 : memref<1x128xi32, #tpu.memory_space<hbm>> -> memref<128xi32, #tpu.memory_space<hbm>>
        tpu.enqueue_dma source(%dma_start3A_518 : memref<128xi32, #tpu.memory_space<hbm>>) target(%dma_start3A_516 : memref<128xi32, #tpu.memory_space<vmem>>) target_semaphore(%arg30 : memref<!tpu.dma_semaphore, #tpu.memory_space<semaphore_mem>>)
        %dma_start3A_519 = arith.constant 1 : i32
        %dma_start3A_520 = arith.constant 0 : i32
        %dma_start3A_521 = arith.constant 0 : i32
        %dma_start3A_522 = tpu.memref_slice %arg14[%dma_start3A_520, %dma_start3A_521] : memref<1x128xi32, #tpu.memory_space<vmem>> -> memref<1x128xi32, #tpu.memory_space<vmem>>
        %dma_start3A_523 = tpu.memref_squeeze %dma_start3A_522 : memref<1x128xi32, #tpu.memory_space<vmem>> -> memref<128xi32, #tpu.memory_space<vmem>>
        %dma_start3A_524 = tpu.memref_slice %arg3[%dma_start3A_519, %multiple_of3A_506] : memref<2x640000xi32, #tpu.memory_space<hbm>> -> memref<1x128xi32, #tpu.memory_space<hbm>>
        %dma_start3A_525 = tpu.memref_squeeze %dma_start3A_524 : memref<1x128xi32, #tpu.memory_space<hbm>> -> memref<128xi32, #tpu.memory_space<hbm>>
        %dma_start3A_526 = arith.constant 0 : i32
        %dma_start3A_527 = tpu.memref_slice %arg14[%dma_start3A_520, %dma_start3A_526] : memref<1x128xi32, #tpu.memory_space<vmem>> -> memref<1x128xi32, #tpu.memory_space<vmem>>
        %dma_start3A_528 = tpu.memref_squeeze %dma_start3A_527 : memref<1x128xi32, #tpu.memory_space<vmem>> -> memref<128xi32, #tpu.memory_space<vmem>>
        %dma_start3A_529 = tpu.memref_slice %arg3[%dma_start3A_519, %multiple_of3A_506] : memref<2x640000xi32, #tpu.memory_space<hbm>> -> memref<1x128xi32, #tpu.memory_space<hbm>>
        %dma_start3A_530 = tpu.memref_squeeze %dma_start3A_529 : memref<1x128xi32, #tpu.memory_space<hbm>> -> memref<128xi32, #tpu.memory_space<hbm>>
        tpu.enqueue_dma source(%dma_start3A_530 : memref<128xi32, #tpu.memory_space<hbm>>) target(%dma_start3A_528 : memref<128xi32, #tpu.memory_space<vmem>>) target_semaphore(%arg30 : memref<!tpu.dma_semaphore, #tpu.memory_space<semaphore_mem>>)
      } else {
      }
      %dma_wait3A_481 = arith.constant 0 : i32
      %dma_wait3A_482 = arith.constant 0 : i32
      %dma_wait3A_483 = tpu.memref_slice %arg10[%dma_wait3A_481, %dma_wait3A_482] : memref<1x128xi32, #tpu.memory_space<vmem>> -> memref<1x128xi32, #tpu.memory_space<vmem>>
      %dma_wait3A_484 = tpu.memref_squeeze %dma_wait3A_483 : memref<1x128xi32, #tpu.memory_space<vmem>> -> memref<128xi32, #tpu.memory_space<vmem>>
      %dma_wait3A_485 = arith.constant 0 : i32
      %dma_wait3A_486 = arith.constant 0 : i32
      %dma_wait3A_487 = tpu.memref_slice %arg2[%dma_wait3A_485, %dma_wait3A_486] : memref<10000x64xf32, #tpu.memory_space<hbm>> -> memref<10000x64xf32, #tpu.memory_space<hbm>>
      tpu.wait_indirect_dma semaphore(%arg38 : memref<!tpu.dma_semaphore, #tpu.memory_space<semaphore_mem>>) src(%dma_wait3A_487 : memref<10000x64xf32, #tpu.memory_space<hbm>>) dst(%arg24 : memref<128x64xf32, #tpu.memory_space<vmem>>)
      %lt3A_488 = arith.constant 153 : i32
      %lt3A_489 = arith.cmpi slt, %add3A_470, %lt3A_488 : i32
      %convert_element_type3A_490 = arith.extui %lt3A_489 : i1 to i32
      %cond3A_491 = arith.constant 0 : i32
      %cond3A_492 = arith.cmpi ne, %convert_element_type3A_490, %cond3A_491 : i32
      scf.if %cond3A_492 {
        %dma_wait3A_501 = arith.constant 0 : i32
        %dma_wait3A_502 = arith.constant 0 : i32
        %dma_wait3A_503 = arith.constant 0 : i32
        %dma_wait3A_504 = tpu.memref_slice %arg7[%dma_wait3A_502, %dma_wait3A_503] : memref<1x128xi32, #tpu.memory_space<vmem>> -> memref<1x128xi32, #tpu.memory_space<vmem>>
        %dma_wait3A_505 = tpu.memref_squeeze %dma_wait3A_504 : memref<1x128xi32, #tpu.memory_space<vmem>> -> memref<128xi32, #tpu.memory_space<vmem>>
        %dma_wait3A_506 = arith.constant 0 : i32
        %dma_wait3A_507 = tpu.memref_slice %arg3[%dma_wait3A_501, %dma_wait3A_506] : memref<2x640000xi32, #tpu.memory_space<hbm>> -> memref<1x128xi32, #tpu.memory_space<hbm>>
        %dma_wait3A_508 = tpu.memref_squeeze %dma_wait3A_507 : memref<1x128xi32, #tpu.memory_space<hbm>> -> memref<128xi32, #tpu.memory_space<hbm>>
        %dma_wait3A_509 = arith.constant 0 : i32
        %dma_wait3A_510 = tpu.memref_slice %arg7[%dma_wait3A_502, %dma_wait3A_509] : memref<1x128xi32, #tpu.memory_space<vmem>> -> memref<1x128xi32, #tpu.memory_space<vmem>>
        %dma_wait3A_511 = tpu.memref_squeeze %dma_wait3A_510 : memref<1x128xi32, #tpu.memory_space<vmem>> -> memref<128xi32, #tpu.memory_space<vmem>>
        %dma_wait3A_512 = arith.constant 0 : i32
        %dma_wait3A_513 = tpu.memref_slice %arg3[%dma_wait3A_501, %dma_wait3A_512] : memref<2x640000xi32, #tpu.memory_space<hbm>> -> memref<1x128xi32, #tpu.memory_space<hbm>>
        %dma_wait3A_514 = tpu.memref_squeeze %dma_wait3A_513 : memref<1x128xi32, #tpu.memory_space<hbm>> -> memref<128xi32, #tpu.memory_space<hbm>>
        tpu.wait_dma2 semaphore(%arg29 : memref<!tpu.dma_semaphore, #tpu.memory_space<semaphore_mem>>) src(%dma_wait3A_514 : memref<128xi32, #tpu.memory_space<hbm>>) dst(%dma_wait3A_511 : memref<128xi32, #tpu.memory_space<vmem>>)
        %dma_wait3A_515 = arith.constant 1 : i32
        %dma_wait3A_516 = arith.constant 0 : i32
        %dma_wait3A_517 = arith.constant 0 : i32
        %dma_wait3A_518 = tpu.memref_slice %arg13[%dma_wait3A_516, %dma_wait3A_517] : memref<1x128xi32, #tpu.memory_space<vmem>> -> memref<1x128xi32, #tpu.memory_space<vmem>>
        %dma_wait3A_519 = tpu.memref_squeeze %dma_wait3A_518 : memref<1x128xi32, #tpu.memory_space<vmem>> -> memref<128xi32, #tpu.memory_space<vmem>>
        %dma_wait3A_520 = arith.constant 0 : i32
        %dma_wait3A_521 = tpu.memref_slice %arg3[%dma_wait3A_515, %dma_wait3A_520] : memref<2x640000xi32, #tpu.memory_space<hbm>> -> memref<1x128xi32, #tpu.memory_space<hbm>>
        %dma_wait3A_522 = tpu.memref_squeeze %dma_wait3A_521 : memref<1x128xi32, #tpu.memory_space<hbm>> -> memref<128xi32, #tpu.memory_space<hbm>>
        %dma_wait3A_523 = arith.constant 0 : i32
        %dma_wait3A_524 = tpu.memref_slice %arg13[%dma_wait3A_516, %dma_wait3A_523] : memref<1x128xi32, #tpu.memory_space<vmem>> -> memref<1x128xi32, #tpu.memory_space<vmem>>
        %dma_wait3A_525 = tpu.memref_squeeze %dma_wait3A_524 : memref<1x128xi32, #tpu.memory_space<vmem>> -> memref<128xi32, #tpu.memory_space<vmem>>
        %dma_wait3A_526 = arith.constant 0 : i32
        %dma_wait3A_527 = tpu.memref_slice %arg3[%dma_wait3A_515, %dma_wait3A_526] : memref<2x640000xi32, #tpu.memory_space<hbm>> -> memref<1x128xi32, #tpu.memory_space<hbm>>
        %dma_wait3A_528 = tpu.memref_squeeze %dma_wait3A_527 : memref<1x128xi32, #tpu.memory_space<hbm>> -> memref<128xi32, #tpu.memory_space<hbm>>
        tpu.wait_dma2 semaphore(%arg29 : memref<!tpu.dma_semaphore, #tpu.memory_space<semaphore_mem>>) src(%dma_wait3A_528 : memref<128xi32, #tpu.memory_space<hbm>>) dst(%dma_wait3A_525 : memref<128xi32, #tpu.memory_space<vmem>>)
        %dma_start3A_529 = arith.constant 0 : i32
        %dma_start3A_530 = arith.constant 0 : i32
        %dma_start3A_531 = tpu.memref_slice %arg7[%dma_start3A_529, %dma_start3A_530] : memref<1x128xi32, #tpu.memory_space<vmem>> -> memref<1x128xi32, #tpu.memory_space<vmem>>
        %dma_start3A_532 = tpu.memref_squeeze %dma_start3A_531 : memref<1x128xi32, #tpu.memory_space<vmem>> -> memref<128xi32, #tpu.memory_space<vmem>>
        %dma_start3A_533 = arith.constant 0 : i32
        %dma_start3A_534 = arith.constant 0 : i32
        %dma_start3A_535 = tpu.memref_slice %arg2[%dma_start3A_533, %dma_start3A_534] : memref<10000x64xf32, #tpu.memory_space<hbm>> -> memref<10000x64xf32, #tpu.memory_space<hbm>>
        tpu.enqueue_indirect_dma source(%dma_start3A_535 : memref<10000x64xf32, #tpu.memory_space<hbm>>) target(%arg21 : memref<128x64xf32, #tpu.memory_space<vmem>>) offsets(%dma_start3A_532 : memref<128xi32, #tpu.memory_space<vmem>>) semaphore(%arg35 : memref<!tpu.dma_semaphore, #tpu.memory_space<semaphore_mem>>)
      } else {
      }
      %dma_start3A_493 = arith.constant 0 : i32
      %dma_start3A_494 = arith.constant 0 : i32
      %dma_start3A_495 = tpu.memref_slice %arg16[%dma_start3A_493, %dma_start3A_494] : memref<1x128xi32, #tpu.memory_space<vmem>> -> memref<1x128xi32, #tpu.memory_space<vmem>>
      %dma_start3A_496 = tpu.memref_squeeze %dma_start3A_495 : memref<1x128xi32, #tpu.memory_space<vmem>> -> memref<128xi32, #tpu.memory_space<vmem>>
      %dma_start3A_497 = arith.constant 0 : i32
      %dma_start3A_498 = arith.constant 0 : i32
      %dma_start3A_499 = tpu.memref_slice %arg26[%dma_start3A_497, %dma_start3A_498] : memref<10000x64xf32, #tpu.memory_space<vmem_shared>> -> memref<10000x64xf32, #tpu.memory_space<vmem_shared>>
      tpu.enqueue_indirect_dma source(%arg24 : memref<128x64xf32, #tpu.memory_space<vmem>>) target(%dma_start3A_499 : memref<10000x64xf32, #tpu.memory_space<vmem_shared>>) offsets(%dma_start3A_496 : memref<128xi32, #tpu.memory_space<vmem>>) semaphore(%arg44 : memref<!tpu.dma_semaphore, #tpu.memory_space<semaphore_mem>>) {add = true}
      %scan3A_500 = arith.constant 0 : i32
      scf.yield %scan3A_500 : i32
    }
    %scan3A_270 = arith.constant 26 : i32
    %dma_wait3A_271 = arith.constant 0 : i32
    %dma_wait3A_272 = arith.constant 0 : i32
    %dma_wait3A_273 = tpu.memref_slice %arg15[%dma_wait3A_271, %dma_wait3A_272] : memref<1x128xi32, #tpu.memory_space<vmem>> -> memref<1x128xi32, #tpu.memory_space<vmem>>
    %dma_wait3A_274 = tpu.memref_squeeze %dma_wait3A_273 : memref<1x128xi32, #tpu.memory_space<vmem>> -> memref<128xi32, #tpu.memory_space<vmem>>
    %dma_wait3A_275 = arith.constant 0 : i32
    %dma_wait3A_276 = arith.constant 0 : i32
    %dma_wait3A_277 = tpu.memref_slice %arg26[%dma_wait3A_275, %dma_wait3A_276] : memref<10000x64xf32, #tpu.memory_space<vmem_shared>> -> memref<10000x64xf32, #tpu.memory_space<vmem_shared>>
    tpu.wait_indirect_dma semaphore(%arg43 : memref<!tpu.dma_semaphore, #tpu.memory_space<semaphore_mem>>) src(%arg23 : memref<128x64xf32, #tpu.memory_space<vmem>>) dst(%dma_wait3A_277 : memref<10000x64xf32, #tpu.memory_space<vmem_shared>>)
    %dma_wait3A_278 = arith.constant 0 : i32
    %dma_wait3A_279 = arith.constant 0 : i32
    %dma_wait3A_280 = tpu.memref_slice %arg16[%dma_wait3A_278, %dma_wait3A_279] : memref<1x128xi32, #tpu.memory_space<vmem>> -> memref<1x128xi32, #tpu.memory_space<vmem>>
    %dma_wait3A_281 = tpu.memref_squeeze %dma_wait3A_280 : memref<1x128xi32, #tpu.memory_space<vmem>> -> memref<128xi32, #tpu.memory_space<vmem>>
    %dma_wait3A_282 = arith.constant 0 : i32
    %dma_wait3A_283 = arith.constant 0 : i32
    %dma_wait3A_284 = tpu.memref_slice %arg26[%dma_wait3A_282, %dma_wait3A_283] : memref<10000x64xf32, #tpu.memory_space<vmem_shared>> -> memref<10000x64xf32, #tpu.memory_space<vmem_shared>>
    tpu.wait_indirect_dma semaphore(%arg44 : memref<!tpu.dma_semaphore, #tpu.memory_space<semaphore_mem>>) src(%arg24 : memref<128x64xf32, #tpu.memory_space<vmem>>) dst(%dma_wait3A_284 : memref<10000x64xf32, #tpu.memory_space<vmem_shared>>)
    %lt3A_285 = arith.constant 8 : i32
    %lt3A_286 = arith.cmpi slt, %add3A, %lt3A_285 : i32
    %convert_element_type3A_287 = arith.extui %lt3A_286 : i1 to i32
    %cond3A_288 = arith.constant 0 : i32
    %cond3A_289 = arith.cmpi ne, %convert_element_type3A_287, %cond3A_288 : i32
    scf.if %cond3A_289 {
      %add3A_301 = arith.constant 156 : i32
      %add3A_302 = arith.addi %select_n3A, %add3A_301 : i32
      %mul3A_303 = arith.constant 128 : i32
      %mul3A_304 = arith.muli %add3A_302, %mul3A_303 : i32
      %multiple_of3A_305 = tpu.assume_multiple %mul3A_304, 8 : i32
      %run_scoped3A = arith.constant 0 : i32
      %run_scoped3A_306 = arith.constant 0 : i32
      "tpu.region"() ({
        %run_scoped3A_324 = tpu.sem_alloc : memref<!tpu.dma_semaphore, #tpu.memory_space<semaphore_mem>>
        %dma_start3A_325 = arith.constant 0 : i32
        %dma_start3A_326 = tpu.memref_slice %arg17[%run_scoped3A_306, %dma_start3A_325] : memref<1x128xi32, #tpu.memory_space<vmem>> -> memref<1x128xi32, #tpu.memory_space<vmem>>
        %dma_start3A_327 = tpu.memref_squeeze %dma_start3A_326 : memref<1x128xi32, #tpu.memory_space<vmem>> -> memref<128xi32, #tpu.memory_space<vmem>>
        %dma_start3A_328 = tpu.memref_slice %arg3[%run_scoped3A, %multiple_of3A_305] : memref<2x640000xi32, #tpu.memory_space<hbm>> -> memref<1x128xi32, #tpu.memory_space<hbm>>
        %dma_start3A_329 = tpu.memref_squeeze %dma_start3A_328 : memref<1x128xi32, #tpu.memory_space<hbm>> -> memref<128xi32, #tpu.memory_space<hbm>>
        %dma_start3A_330 = arith.constant 0 : i32
        %dma_start3A_331 = tpu.memref_slice %arg17[%run_scoped3A_306, %dma_start3A_330] : memref<1x128xi32, #tpu.memory_space<vmem>> -> memref<1x128xi32, #tpu.memory_space<vmem>>
        %dma_start3A_332 = tpu.memref_squeeze %dma_start3A_331 : memref<1x128xi32, #tpu.memory_space<vmem>> -> memref<128xi32, #tpu.memory_space<vmem>>
        %dma_start3A_333 = tpu.memref_slice %arg3[%run_scoped3A, %multiple_of3A_305] : memref<2x640000xi32, #tpu.memory_space<hbm>> -> memref<1x128xi32, #tpu.memory_space<hbm>>
        %dma_start3A_334 = tpu.memref_squeeze %dma_start3A_333 : memref<1x128xi32, #tpu.memory_space<hbm>> -> memref<128xi32, #tpu.memory_space<hbm>>
        tpu.enqueue_dma source(%dma_start3A_334 : memref<128xi32, #tpu.memory_space<hbm>>) target(%dma_start3A_332 : memref<128xi32, #tpu.memory_space<vmem>>) target_semaphore(%run_scoped3A_324 : memref<!tpu.dma_semaphore, #tpu.memory_space<semaphore_mem>>)
        %dma_wait3A_335 = arith.constant 0 : i32
        %dma_wait3A_336 = tpu.memref_slice %arg17[%run_scoped3A_306, %dma_wait3A_335] : memref<1x128xi32, #tpu.memory_space<vmem>> -> memref<1x128xi32, #tpu.memory_space<vmem>>
        %dma_wait3A_337 = tpu.memref_squeeze %dma_wait3A_336 : memref<1x128xi32, #tpu.memory_space<vmem>> -> memref<128xi32, #tpu.memory_space<vmem>>
        %dma_wait3A_338 = tpu.memref_slice %arg3[%run_scoped3A, %multiple_of3A_305] : memref<2x640000xi32, #tpu.memory_space<hbm>> -> memref<1x128xi32, #tpu.memory_space<hbm>>
        %dma_wait3A_339 = tpu.memref_squeeze %dma_wait3A_338 : memref<1x128xi32, #tpu.memory_space<hbm>> -> memref<128xi32, #tpu.memory_space<hbm>>
        %dma_wait3A_340 = arith.constant 0 : i32
        %dma_wait3A_341 = tpu.memref_slice %arg17[%run_scoped3A_306, %dma_wait3A_340] : memref<1x128xi32, #tpu.memory_space<vmem>> -> memref<1x128xi32, #tpu.memory_space<vmem>>
        %dma_wait3A_342 = tpu.memref_squeeze %dma_wait3A_341 : memref<1x128xi32, #tpu.memory_space<vmem>> -> memref<128xi32, #tpu.memory_space<vmem>>
        %dma_wait3A_343 = tpu.memref_slice %arg3[%run_scoped3A, %multiple_of3A_305] : memref<2x640000xi32, #tpu.memory_space<hbm>> -> memref<1x128xi32, #tpu.memory_space<hbm>>
        %dma_wait3A_344 = tpu.memref_squeeze %dma_wait3A_343 : memref<1x128xi32, #tpu.memory_space<hbm>> -> memref<128xi32, #tpu.memory_space<hbm>>
        tpu.wait_dma2 semaphore(%run_scoped3A_324 : memref<!tpu.dma_semaphore, #tpu.memory_space<semaphore_mem>>) src(%dma_wait3A_344 : memref<128xi32, #tpu.memory_space<hbm>>) dst(%dma_wait3A_342 : memref<128xi32, #tpu.memory_space<vmem>>)
        tpu.yield
      }) : () -> ()
      %run_scoped3A_307 = arith.constant 1 : i32
      %run_scoped3A_308 = arith.constant 0 : i32
      "tpu.region"() ({
        %run_scoped3A_324 = tpu.sem_alloc : memref<!tpu.dma_semaphore, #tpu.memory_space<semaphore_mem>>
        %dma_start3A_325 = arith.constant 0 : i32
        %dma_start3A_326 = tpu.memref_slice %arg18[%run_scoped3A_308, %dma_start3A_325] : memref<1x128xi32, #tpu.memory_space<vmem>> -> memref<1x128xi32, #tpu.memory_space<vmem>>
        %dma_start3A_327 = tpu.memref_squeeze %dma_start3A_326 : memref<1x128xi32, #tpu.memory_space<vmem>> -> memref<128xi32, #tpu.memory_space<vmem>>
        %dma_start3A_328 = tpu.memref_slice %arg3[%run_scoped3A_307, %multiple_of3A_305] : memref<2x640000xi32, #tpu.memory_space<hbm>> -> memref<1x128xi32, #tpu.memory_space<hbm>>
        %dma_start3A_329 = tpu.memref_squeeze %dma_start3A_328 : memref<1x128xi32, #tpu.memory_space<hbm>> -> memref<128xi32, #tpu.memory_space<hbm>>
        %dma_start3A_330 = arith.constant 0 : i32
        %dma_start3A_331 = tpu.memref_slice %arg18[%run_scoped3A_308, %dma_start3A_330] : memref<1x128xi32, #tpu.memory_space<vmem>> -> memref<1x128xi32, #tpu.memory_space<vmem>>
        %dma_start3A_332 = tpu.memref_squeeze %dma_start3A_331 : memref<1x128xi32, #tpu.memory_space<vmem>> -> memref<128xi32, #tpu.memory_space<vmem>>
        %dma_start3A_333 = tpu.memref_slice %arg3[%run_scoped3A_307, %multiple_of3A_305] : memref<2x640000xi32, #tpu.memory_space<hbm>> -> memref<1x128xi32, #tpu.memory_space<hbm>>
        %dma_start3A_334 = tpu.memref_squeeze %dma_start3A_333 : memref<1x128xi32, #tpu.memory_space<hbm>> -> memref<128xi32, #tpu.memory_space<hbm>>
        tpu.enqueue_dma source(%dma_start3A_334 : memref<128xi32, #tpu.memory_space<hbm>>) target(%dma_start3A_332 : memref<128xi32, #tpu.memory_space<vmem>>) target_semaphore(%run_scoped3A_324 : memref<!tpu.dma_semaphore, #tpu.memory_space<semaphore_mem>>)
        %dma_wait3A_335 = arith.constant 0 : i32
        %dma_wait3A_336 = tpu.memref_slice %arg18[%run_scoped3A_308, %dma_wait3A_335] : memref<1x128xi32, #tpu.memory_space<vmem>> -> memref<1x128xi32, #tpu.memory_space<vmem>>
        %dma_wait3A_337 = tpu.memref_squeeze %dma_wait3A_336 : memref<1x128xi32, #tpu.memory_space<vmem>> -> memref<128xi32, #tpu.memory_space<vmem>>
        %dma_wait3A_338 = tpu.memref_slice %arg3[%run_scoped3A_307, %multiple_of3A_305] : memref<2x640000xi32, #tpu.memory_space<hbm>> -> memref<1x128xi32, #tpu.memory_space<hbm>>
        %dma_wait3A_339 = tpu.memref_squeeze %dma_wait3A_338 : memref<1x128xi32, #tpu.memory_space<hbm>> -> memref<128xi32, #tpu.memory_space<hbm>>
        %dma_wait3A_340 = arith.constant 0 : i32
        %dma_wait3A_341 = tpu.memref_slice %arg18[%run_scoped3A_308, %dma_wait3A_340] : memref<1x128xi32, #tpu.memory_space<vmem>> -> memref<1x128xi32, #tpu.memory_space<vmem>>
        %dma_wait3A_342 = tpu.memref_squeeze %dma_wait3A_341 : memref<1x128xi32, #tpu.memory_space<vmem>> -> memref<128xi32, #tpu.memory_space<vmem>>
        %dma_wait3A_343 = tpu.memref_slice %arg3[%run_scoped3A_307, %multiple_of3A_305] : memref<2x640000xi32, #tpu.memory_space<hbm>> -> memref<1x128xi32, #tpu.memory_space<hbm>>
        %dma_wait3A_344 = tpu.memref_squeeze %dma_wait3A_343 : memref<1x128xi32, #tpu.memory_space<hbm>> -> memref<128xi32, #tpu.memory_space<hbm>>
        tpu.wait_dma2 semaphore(%run_scoped3A_324 : memref<!tpu.dma_semaphore, #tpu.memory_space<semaphore_mem>>) src(%dma_wait3A_344 : memref<128xi32, #tpu.memory_space<hbm>>) dst(%dma_wait3A_342 : memref<128xi32, #tpu.memory_space<vmem>>)
        tpu.yield
      }) : () -> ()
      %dma_start3A_309 = arith.constant 0 : i32
      %dma_start3A_310 = arith.constant 0 : i32
      %dma_start3A_311 = tpu.memref_slice %arg17[%dma_start3A_309, %dma_start3A_310] : memref<1x128xi32, #tpu.memory_space<vmem>> -> memref<1x128xi32, #tpu.memory_space<vmem>>
      %dma_start3A_312 = tpu.memref_squeeze %dma_start3A_311 : memref<1x128xi32, #tpu.memory_space<vmem>> -> memref<128xi32, #tpu.memory_space<vmem>>
      %dma_start3A_313 = arith.constant 0 : i32
      %dma_start3A_314 = arith.constant 0 : i32
      %dma_start3A_315 = tpu.memref_slice %arg2[%dma_start3A_313, %dma_start3A_314] : memref<10000x64xf32, #tpu.memory_space<hbm>> -> memref<10000x64xf32, #tpu.memory_space<hbm>>
      tpu.enqueue_indirect_dma source(%dma_start3A_315 : memref<10000x64xf32, #tpu.memory_space<hbm>>) target(%arg25 : memref<128x64xf32, #tpu.memory_space<vmem>>) offsets(%dma_start3A_312 : memref<128xi32, #tpu.memory_space<vmem>>) semaphore(%arg33 : memref<!tpu.dma_semaphore, #tpu.memory_space<semaphore_mem>>)
      %dma_wait3A_316 = arith.constant 0 : i32
      %dma_wait3A_317 = arith.constant 0 : i32
      %dma_wait3A_318 = tpu.memref_slice %arg17[%dma_wait3A_316, %dma_wait3A_317] : memref<1x128xi32, #tpu.memory_space<vmem>> -> memref<1x128xi32, #tpu.memory_space<vmem>>
      %dma_wait3A_319 = tpu.memref_squeeze %dma_wait3A_318 : memref<1x128xi32, #tpu.memory_space<vmem>> -> memref<128xi32, #tpu.memory_space<vmem>>
      %dma_wait3A_320 = arith.constant 0 : i32
      %dma_wait3A_321 = arith.constant 0 : i32
      %dma_wait3A_322 = tpu.memref_slice %arg2[%dma_wait3A_320, %dma_wait3A_321] : memref<10000x64xf32, #tpu.memory_space<hbm>> -> memref<10000x64xf32, #tpu.memory_space<hbm>>
      tpu.wait_indirect_dma semaphore(%arg33 : memref<!tpu.dma_semaphore, #tpu.memory_space<semaphore_mem>>) src(%dma_wait3A_322 : memref<10000x64xf32, #tpu.memory_space<hbm>>) dst(%arg25 : memref<128x64xf32, #tpu.memory_space<vmem>>)
      %run_scoped3A_323 = arith.constant 0 : i32
      "tpu.region"() ({
        %run_scoped3A_324 = tpu.sem_alloc : memref<!tpu.dma_semaphore, #tpu.memory_space<semaphore_mem>>
        %dma_start3A_325 = arith.constant 0 : i32
        %dma_start3A_326 = tpu.memref_slice %arg18[%run_scoped3A_323, %dma_start3A_325] : memref<1x128xi32, #tpu.memory_space<vmem>> -> memref<1x128xi32, #tpu.memory_space<vmem>>
        %dma_start3A_327 = tpu.memref_squeeze %dma_start3A_326 : memref<1x128xi32, #tpu.memory_space<vmem>> -> memref<128xi32, #tpu.memory_space<vmem>>
        %dma_start3A_328 = arith.constant 0 : i32
        %dma_start3A_329 = arith.constant 0 : i32
        %dma_start3A_330 = tpu.memref_slice %arg26[%dma_start3A_328, %dma_start3A_329] : memref<10000x64xf32, #tpu.memory_space<vmem_shared>> -> memref<10000x64xf32, #tpu.memory_space<vmem_shared>>
        tpu.enqueue_indirect_dma source(%arg25 : memref<128x64xf32, #tpu.memory_space<vmem>>) target(%dma_start3A_330 : memref<10000x64xf32, #tpu.memory_space<vmem_shared>>) offsets(%dma_start3A_327 : memref<128xi32, #tpu.memory_space<vmem>>) semaphore(%run_scoped3A_324 : memref<!tpu.dma_semaphore, #tpu.memory_space<semaphore_mem>>) {add = true}
        %dma_wait3A_331 = arith.constant 0 : i32
        %dma_wait3A_332 = tpu.memref_slice %arg18[%run_scoped3A_323, %dma_wait3A_331] : memref<1x128xi32, #tpu.memory_space<vmem>> -> memref<1x128xi32, #tpu.memory_space<vmem>>
        %dma_wait3A_333 = tpu.memref_squeeze %dma_wait3A_332 : memref<1x128xi32, #tpu.memory_space<vmem>> -> memref<128xi32, #tpu.memory_space<vmem>>
        %dma_wait3A_334 = arith.constant 0 : i32
        %dma_wait3A_335 = arith.constant 0 : i32
        %dma_wait3A_336 = tpu.memref_slice %arg26[%dma_wait3A_334, %dma_wait3A_335] : memref<10000x64xf32, #tpu.memory_space<vmem_shared>> -> memref<10000x64xf32, #tpu.memory_space<vmem_shared>>
        tpu.wait_indirect_dma semaphore(%run_scoped3A_324 : memref<!tpu.dma_semaphore, #tpu.memory_space<semaphore_mem>>) src(%arg25 : memref<128x64xf32, #tpu.memory_space<vmem>>) dst(%dma_wait3A_336 : memref<10000x64xf32, #tpu.memory_space<vmem_shared>>)
        tpu.yield
      }) : () -> ()
    } else {
    }
    %barrier3A_290 = arith.constant 0 : index
    tpu.barrier barrier_id(%barrier3A_290)
    %lt3A_291 = arith.constant 15 : i32
    %lt3A_292 = arith.cmpi slt, %arg1, %lt3A_291 : i32
    %convert_element_type3A_293 = arith.extui %lt3A_292 : i1 to i32
    %cond3A_294 = arith.constant 0 : i32
    %cond3A_295 = arith.cmpi ne, %convert_element_type3A_293, %cond3A_294 : i32
    scf.if %cond3A_295 {
      %mul3A_301 = arith.constant 632 : i32
      %mul3A_302 = arith.muli %arg1, %mul3A_301 : i32
      %mul3A_303 = arith.constant 632 : i32
      %mul3A_304 = arith.muli %arg1, %mul3A_303 : i32
      %mul3A_305 = arith.constant 64 : i32
      %mul3A_306 = arith.muli %arg0, %mul3A_305 : i32
      "tpu.region"() ({
        %run_scoped3A = tpu.sem_alloc : memref<!tpu.dma_semaphore, #tpu.memory_space<semaphore_mem>>
        %dma_start3A_307 = tpu.memref_slice %arg4[%mul3A_304, %mul3A_306] : memref<10000x128xf32, #tpu.memory_space<hbm>> -> memref<632x64xf32, #tpu.memory_space<hbm>>
        %dma_start3A_308 = arith.constant 0 : i32
        %dma_start3A_309 = tpu.memref_slice %arg26[%mul3A_302, %dma_start3A_308] : memref<10000x64xf32, #tpu.memory_space<vmem_shared>> -> memref<632x64xf32, #tpu.memory_space<vmem_shared>>
        tpu.enqueue_dma source(%dma_start3A_309 : memref<632x64xf32, #tpu.memory_space<vmem_shared>>) target(%dma_start3A_307 : memref<632x64xf32, #tpu.memory_space<hbm>>) target_semaphore(%run_scoped3A : memref<!tpu.dma_semaphore, #tpu.memory_space<semaphore_mem>>)
        %dma_wait3A_310 = tpu.memref_slice %arg4[%mul3A_304, %mul3A_306] : memref<10000x128xf32, #tpu.memory_space<hbm>> -> memref<632x64xf32, #tpu.memory_space<hbm>>
        %dma_wait3A_311 = arith.constant 0 : i32
        %dma_wait3A_312 = tpu.memref_slice %arg26[%mul3A_302, %dma_wait3A_311] : memref<10000x64xf32, #tpu.memory_space<vmem_shared>> -> memref<632x64xf32, #tpu.memory_space<vmem_shared>>
        tpu.wait_dma2 semaphore(%run_scoped3A : memref<!tpu.dma_semaphore, #tpu.memory_space<semaphore_mem>>) src(%dma_wait3A_312 : memref<632x64xf32, #tpu.memory_space<vmem_shared>>) dst(%dma_wait3A_310 : memref<632x64xf32, #tpu.memory_space<hbm>>)
        tpu.yield
      }) : () -> ()
    } else {
    }
    %eq3A_296 = arith.constant 15 : i32
    %eq3A_297 = arith.cmpi eq, %arg1, %eq3A_296 : i32
    %convert_element_type3A_298 = arith.extui %eq3A_297 : i1 to i32
    %cond3A_299 = arith.constant 0 : i32
    %cond3A_300 = arith.cmpi ne, %convert_element_type3A_298, %cond3A_299 : i32
    scf.if %cond3A_300 {
      %mul3A_301 = arith.constant 64 : i32
      %mul3A_302 = arith.muli %arg0, %mul3A_301 : i32
      "tpu.region"() ({
        %run_scoped3A = tpu.sem_alloc : memref<!tpu.dma_semaphore, #tpu.memory_space<semaphore_mem>>
        %dma_start3A_303 = arith.constant 9480 : i32
        %dma_start3A_304 = tpu.memref_slice %arg4[%dma_start3A_303, %mul3A_302] : memref<10000x128xf32, #tpu.memory_space<hbm>> -> memref<520x64xf32, #tpu.memory_space<hbm>>
        %dma_start3A_305 = arith.constant 9480 : i32
        %dma_start3A_306 = arith.constant 0 : i32
        %dma_start3A_307 = tpu.memref_slice %arg26[%dma_start3A_305, %dma_start3A_306] : memref<10000x64xf32, #tpu.memory_space<vmem_shared>> -> memref<520x64xf32, #tpu.memory_space<vmem_shared>>
        tpu.enqueue_dma source(%dma_start3A_307 : memref<520x64xf32, #tpu.memory_space<vmem_shared>>) target(%dma_start3A_304 : memref<520x64xf32, #tpu.memory_space<hbm>>) target_semaphore(%run_scoped3A : memref<!tpu.dma_semaphore, #tpu.memory_space<semaphore_mem>>)
        %dma_wait3A_308 = arith.constant 9480 : i32
        %dma_wait3A_309 = tpu.memref_slice %arg4[%dma_wait3A_308, %mul3A_302] : memref<10000x128xf32, #tpu.memory_space<hbm>> -> memref<520x64xf32, #tpu.memory_space<hbm>>
        %dma_wait3A_310 = arith.constant 9480 : i32
        %dma_wait3A_311 = arith.constant 0 : i32
        %dma_wait3A_312 = tpu.memref_slice %arg26[%dma_wait3A_310, %dma_wait3A_311] : memref<10000x64xf32, #tpu.memory_space<vmem_shared>> -> memref<520x64xf32, #tpu.memory_space<vmem_shared>>
        tpu.wait_dma2 semaphore(%run_scoped3A : memref<!tpu.dma_semaphore, #tpu.memory_space<semaphore_mem>>) src(%dma_wait3A_312 : memref<520x64xf32, #tpu.memory_space<vmem_shared>>) dst(%dma_wait3A_309 : memref<520x64xf32, #tpu.memory_space<hbm>>)
        tpu.yield
      }) : () -> ()
    } else {
    }
    return
  }
}

#map = affine_map<(d0, d1) -> (0, 0)>
module attributes {stable_mosaic.version = 14 : i64} {
  func.func @_msg_kernel(%arg0: i32, %arg1: i32, %arg2: memref<10000x64xf32, #tpu.memory_space<hbm>>, %arg3: memref<2x640000xi32, #tpu.memory_space<hbm>>, %arg4: memref<10000x128xf32, #tpu.memory_space<hbm>>, %arg5: memref<1x128xi32, #tpu.memory_space<vmem>>, %arg6: memref<1x128xi32, #tpu.memory_space<vmem>>, %arg7: memref<1x128xi32, #tpu.memory_space<vmem>>, %arg8: memref<1x128xi32, #tpu.memory_space<vmem>>, %arg9: memref<1x128xi32, #tpu.memory_space<vmem>>, %arg10: memref<1x128xi32, #tpu.memory_space<vmem>>, %arg11: memref<1x128xi32, #tpu.memory_space<vmem>>, %arg12: memref<1x128xi32, #tpu.memory_space<vmem>>, %arg13: memref<1x128xi32, #tpu.memory_space<vmem>>, %arg14: memref<1x128xi32, #tpu.memory_space<vmem>>, %arg15: memref<1x128xi32, #tpu.memory_space<vmem>>, %arg16: memref<1x128xi32, #tpu.memory_space<vmem>>, %arg17: memref<1x128xi32, #tpu.memory_space<vmem>>, %arg18: memref<1x128xi32, #tpu.memory_space<vmem>>, %arg19: memref<128x64xf32, #tpu.memory_space<vmem>>, %arg20: memref<128x64xf32, #tpu.memory_space<vmem>>, %arg21: memref<128x64xf32, #tpu.memory_space<vmem>>, %arg22: memref<128x64xf32, #tpu.memory_space<vmem>>, %arg23: memref<128x64xf32, #tpu.memory_space<vmem>>, %arg24: memref<128x64xf32, #tpu.memory_space<vmem>>, %arg25: memref<128x64xf32, #tpu.memory_space<vmem>>, %arg26: memref<10000x64xf32, #tpu.memory_space<vmem_shared>>, %arg27: memref<!tpu.dma_semaphore, #tpu.memory_space<semaphore_mem>>, %arg28: memref<!tpu.dma_semaphore, #tpu.memory_space<semaphore_mem>>, %arg29: memref<!tpu.dma_semaphore, #tpu.memory_space<semaphore_mem>>, %arg30: memref<!tpu.dma_semaphore, #tpu.memory_space<semaphore_mem>>, %arg31: memref<!tpu.dma_semaphore, #tpu.memory_space<semaphore_mem>>, %arg32: memref<!tpu.dma_semaphore, #tpu.memory_space<semaphore_mem>>, %arg33: memref<!tpu.dma_semaphore, #tpu.memory_space<semaphore_mem>>, %arg34: memref<!tpu.dma_semaphore, #tpu.memory_space<semaphore_mem>>, %arg35: memref<!tpu.dma_semaphore, #tpu.memory_space<semaphore_mem>>, %arg36: memref<!tpu.dma_semaphore, #tpu.memory_space<semaphore_mem>>, %arg37: memref<!tpu.dma_semaphore, #tpu.memory_space<semaphore_mem>>, %arg38: memref<!tpu.dma_semaphore, #tpu.memory_space<semaphore_mem>>, %arg39: memref<!tpu.dma_semaphore, #tpu.memory_space<semaphore_mem>>, %arg40: memref<!tpu.dma_semaphore, #tpu.memory_space<semaphore_mem>>, %arg41: memref<!tpu.dma_semaphore, #tpu.memory_space<semaphore_mem>>, %arg42: memref<!tpu.dma_semaphore, #tpu.memory_space<semaphore_mem>>, %arg43: memref<!tpu.dma_semaphore, #tpu.memory_space<semaphore_mem>>, %arg44: memref<!tpu.dma_semaphore, #tpu.memory_space<semaphore_mem>>) attributes {dimension_semantics = [#tpu.dimension_semantics<core_parallel>, #tpu.dimension_semantics<subcore_parallel>], iteration_bounds = array<i64: 2, 16>, scalar_prefetch = 0 : i64, scratch_operands = 40 : i64, tpu.core_type = #tpu.core_type<sc_vector_subcore>, window_params = [{transform_indices = #map}, {transform_indices = #map}, {transform_indices = #map}]} {
    %mul3A = arith.constant 16 : i32
    %mul3A_0 = arith.muli %arg0, %mul3A : i32
    %add3A = arith.addi %mul3A_0, %arg1 : i32
    %lt3A = arith.constant 8 : i32
    %lt3A_1 = arith.cmpi slt, %add3A, %lt3A : i32
    %mul3A_2 = arith.constant 157 : i32
    %mul3A_3 = arith.muli %add3A, %mul3A_2 : i32
    %sub3A = arith.constant 8 : i32
    %sub3A_4 = arith.subi %add3A, %sub3A : i32
    %mul3A_5 = arith.constant 156 : i32
    %mul3A_6 = arith.muli %sub3A_4, %mul3A_5 : i32
    %add3A_7 = arith.constant 1256 : i32
    %add3A_8 = arith.addi %add3A_7, %mul3A_6 : i32
    %select_n3A = arith.select %lt3A_1, %mul3A_3, %add3A_8 : i32
    %broadcast_in_dim3A = arith.constant 0.000000e+00 : f32
    %broadcast_in_dim3A_9 = vector.broadcast %broadcast_in_dim3A : f32 to vector<16xf32>
    %scan3A = arith.constant 0 : i32
    %scan3A_10 = arith.constant 0 : i32
    %scan3A_11 = arith.constant 128 : i32
    %scan3A_12 = arith.addi %scan3A_10, %scan3A_11 : i32
    %scan3A_13 = arith.constant 1 : i32
    %scan3A_14 = scf.for %scan3A_301 = %scan3A_10 to %scan3A_12 step %scan3A_13 iter_args(%scan3A_302 = %scan3A) -> (i32)  : i32 {
      %swap3A = arith.index_cast %scan3A_301 : i32 to index
      %swap3A_303 = arith.constant 0 : index
      %swap3A_304 = tpu.vector_load %arg19[%swap3A, %swap3A_303] {strides = array<i32>} : memref<128x64xf32, #tpu.memory_space<vmem>>, vector<1x16xf32>,
      %swap3A_305 = vector.shape_cast %swap3A_304 : vector<1x16xf32> to vector<16xf32>
      %swap3A_306 = vector.shape_cast %broadcast_in_dim3A_9 : vector<16xf32> to vector<1x16xf32>
      tpu.vector_store %arg19[%swap3A, %swap3A_303], %swap3A_306 {strides = array<i32>} : memref<128x64xf32, #tpu.memory_space<vmem>>, vector<1x16xf32>,
      %swap3A_307 = arith.index_cast %scan3A_301 : i32 to index
      %swap3A_308 = arith.constant 16 : index
      %swap3A_309 = tpu.vector_load %arg19[%swap3A_307, %swap3A_308] {strides = array<i32>} : memref<128x64xf32, #tpu.memory_space<vmem>>, vector<1x16xf32>,
      %swap3A_310 = vector.shape_cast %swap3A_309 : vector<1x16xf32> to vector<16xf32>
      %swap3A_311 = vector.shape_cast %broadcast_in_dim3A_9 : vector<16xf32> to vector<1x16xf32>
      tpu.vector_store %arg19[%swap3A_307, %swap3A_308], %swap3A_311 {strides = array<i32>} : memref<128x64xf32, #tpu.memory_space<vmem>>, vector<1x16xf32>,
      %swap3A_312 = arith.index_cast %scan3A_301 : i32 to index
      %swap3A_313 = arith.constant 32 : index
      %swap3A_314 = tpu.vector_load %arg19[%swap3A_312, %swap3A_313] {strides = array<i32>} : memref<128x64xf32, #tpu.memory_space<vmem>>, vector<1x16xf32>,
      %swap3A_315 = vector.shape_cast %swap3A_314 : vector<1x16xf32> to vector<16xf32>
      %swap3A_316 = vector.shape_cast %broadcast_in_dim3A_9 : vector<16xf32> to vector<1x16xf32>
      tpu.vector_store %arg19[%swap3A_312, %swap3A_313], %swap3A_316 {strides = array<i32>} : memref<128x64xf32, #tpu.memory_space<vmem>>, vector<1x16xf32>,
      %swap3A_317 = arith.index_cast %scan3A_301 : i32 to index
      %swap3A_318 = arith.constant 48 : index
      %swap3A_319 = tpu.vector_load %arg19[%swap3A_317, %swap3A_318] {strides = array<i32>} : memref<128x64xf32, #tpu.memory_space<vmem>>, vector<1x16xf32>,
      %swap3A_320 = vector.shape_cast %swap3A_319 : vector<1x16xf32> to vector<16xf32>
      %swap3A_321 = vector.shape_cast %broadcast_in_dim3A_9 : vector<16xf32> to vector<1x16xf32>
      tpu.vector_store %arg19[%swap3A_317, %swap3A_318], %swap3A_321 {strides = array<i32>} : memref<128x64xf32, #tpu.memory_space<vmem>>, vector<1x16xf32>,
      %scan3A_322 = arith.constant 0 : i32
      scf.yield %scan3A_322 : i32
    }
    %scan3A_15 = arith.constant 128 : i32
    %mul3A_16 = arith.constant 632 : i32
    %mul3A_17 = arith.muli %arg1, %mul3A_16 : i32
    %eq3A = arith.constant 0 : i32
    %eq3A_18 = arith.cmpi eq, %arg0, %eq3A : i32
    %lt3A_19 = arith.constant 15 : i32
    %lt3A_20 = arith.cmpi slt, %arg1, %lt3A_19 : i32
    %and3A = arith.andi %eq3A_18, %lt3A_20 : i1
    %convert_element_type3A = arith.extui %and3A : i1 to i32
    %cond3A = arith.constant 0 : i32
    %cond3A_21 = arith.cmpi ne, %convert_element_type3A, %cond3A : i32
    scf.if %cond3A_21 {
      "tpu.region"() ({
        %run_scoped3A = tpu.sem_alloc : memref<!tpu.dma_semaphore, #tpu.memory_space<semaphore_mem>>
        %dma_start3A_301 = arith.constant 0 : i32
        %dma_start3A_302 = tpu.memref_slice %arg26[%mul3A_17, %dma_start3A_301] : memref<10000x64xf32, #tpu.memory_space<vmem_shared>> -> memref<632x64xf32, #tpu.memory_space<vmem_shared>>
        %dma_start3A_303 = arith.constant 0 : i32
        %dma_start3A_304 = tpu.memref_slice %arg2[%mul3A_17, %dma_start3A_303] : memref<10000x64xf32, #tpu.memory_space<hbm>> -> memref<632x64xf32, #tpu.memory_space<hbm>>
        tpu.enqueue_dma source(%dma_start3A_304 : memref<632x64xf32, #tpu.memory_space<hbm>>) target(%dma_start3A_302 : memref<632x64xf32, #tpu.memory_space<vmem_shared>>) target_semaphore(%run_scoped3A : memref<!tpu.dma_semaphore, #tpu.memory_space<semaphore_mem>>)
        %dma_wait3A_305 = arith.constant 0 : i32
        %dma_wait3A_306 = tpu.memref_slice %arg26[%mul3A_17, %dma_wait3A_305] : memref<10000x64xf32, #tpu.memory_space<vmem_shared>> -> memref<632x64xf32, #tpu.memory_space<vmem_shared>>
        %dma_wait3A_307 = arith.constant 0 : i32
        %dma_wait3A_308 = tpu.memref_slice %arg2[%mul3A_17, %dma_wait3A_307] : memref<10000x64xf32, #tpu.memory_space<hbm>> -> memref<632x64xf32, #tpu.memory_space<hbm>>
        tpu.wait_dma2 semaphore(%run_scoped3A : memref<!tpu.dma_semaphore, #tpu.memory_space<semaphore_mem>>) src(%dma_wait3A_308 : memref<632x64xf32, #tpu.memory_space<hbm>>) dst(%dma_wait3A_306 : memref<632x64xf32, #tpu.memory_space<vmem_shared>>)
        tpu.yield
      }) : () -> ()
    } else {
    }
    %eq3A_22 = arith.constant 0 : i32
    %eq3A_23 = arith.cmpi eq, %arg0, %eq3A_22 : i32
    %eq3A_24 = arith.constant 15 : i32
    %eq3A_25 = arith.cmpi eq, %arg1, %eq3A_24 : i32
    %and3A_26 = arith.andi %eq3A_23, %eq3A_25 : i1
    %convert_element_type3A_27 = arith.extui %and3A_26 : i1 to i32
    %cond3A_28 = arith.constant 0 : i32
    %cond3A_29 = arith.cmpi ne, %convert_element_type3A_27, %cond3A_28 : i32
    scf.if %cond3A_29 {
      "tpu.region"() ({
        %run_scoped3A = tpu.sem_alloc : memref<!tpu.dma_semaphore, #tpu.memory_space<semaphore_mem>>
        %dma_start3A_301 = arith.constant 9480 : i32
        %dma_start3A_302 = arith.constant 0 : i32
        %dma_start3A_303 = tpu.memref_slice %arg26[%dma_start3A_301, %dma_start3A_302] : memref<10000x64xf32, #tpu.memory_space<vmem_shared>> -> memref<520x64xf32, #tpu.memory_space<vmem_shared>>
        %dma_start3A_304 = arith.constant 9480 : i32
        %dma_start3A_305 = arith.constant 0 : i32
        %dma_start3A_306 = tpu.memref_slice %arg2[%dma_start3A_304, %dma_start3A_305] : memref<10000x64xf32, #tpu.memory_space<hbm>> -> memref<520x64xf32, #tpu.memory_space<hbm>>
        tpu.enqueue_dma source(%dma_start3A_306 : memref<520x64xf32, #tpu.memory_space<hbm>>) target(%dma_start3A_303 : memref<520x64xf32, #tpu.memory_space<vmem_shared>>) target_semaphore(%run_scoped3A : memref<!tpu.dma_semaphore, #tpu.memory_space<semaphore_mem>>)
        %dma_wait3A_307 = arith.constant 9480 : i32
        %dma_wait3A_308 = arith.constant 0 : i32
        %dma_wait3A_309 = tpu.memref_slice %arg26[%dma_wait3A_307, %dma_wait3A_308] : memref<10000x64xf32, #tpu.memory_space<vmem_shared>> -> memref<520x64xf32, #tpu.memory_space<vmem_shared>>
        %dma_wait3A_310 = arith.constant 9480 : i32
        %dma_wait3A_311 = arith.constant 0 : i32
        %dma_wait3A_312 = tpu.memref_slice %arg2[%dma_wait3A_310, %dma_wait3A_311] : memref<10000x64xf32, #tpu.memory_space<hbm>> -> memref<520x64xf32, #tpu.memory_space<hbm>>
        tpu.wait_dma2 semaphore(%run_scoped3A : memref<!tpu.dma_semaphore, #tpu.memory_space<semaphore_mem>>) src(%dma_wait3A_312 : memref<520x64xf32, #tpu.memory_space<hbm>>) dst(%dma_wait3A_309 : memref<520x64xf32, #tpu.memory_space<vmem_shared>>)
        tpu.yield
      }) : () -> ()
    } else {
    }
    %eq3A_30 = arith.constant 1 : i32
    %eq3A_31 = arith.cmpi eq, %arg0, %eq3A_30 : i32
    %lt3A_32 = arith.constant 15 : i32
    %lt3A_33 = arith.cmpi slt, %arg1, %lt3A_32 : i32
    %and3A_34 = arith.andi %eq3A_31, %lt3A_33 : i1
    %convert_element_type3A_35 = arith.extui %and3A_34 : i1 to i32
    %cond3A_36 = arith.constant 0 : i32
    %cond3A_37 = arith.cmpi ne, %convert_element_type3A_35, %cond3A_36 : i32
    scf.if %cond3A_37 {
      %add3A_301 = arith.constant 0 : i32
      %add3A_302 = arith.addi %mul3A_17, %add3A_301 : i32
      "tpu.region"() ({
        %run_scoped3A = tpu.sem_alloc : memref<!tpu.dma_semaphore, #tpu.memory_space<semaphore_mem>>
        %dma_start3A_311 = arith.constant 0 : i32
        %dma_start3A_312 = arith.constant 0 : i32
        %dma_start3A_313 = tpu.memref_slice %arg19[%dma_start3A_311, %dma_start3A_312] : memref<128x64xf32, #tpu.memory_space<vmem>> -> memref<128x64xf32, #tpu.memory_space<vmem>>
        %dma_start3A_314 = arith.constant 0 : i32
        %dma_start3A_315 = tpu.memref_slice %arg26[%add3A_302, %dma_start3A_314] : memref<10000x64xf32, #tpu.memory_space<vmem_shared>> -> memref<128x64xf32, #tpu.memory_space<vmem_shared>>
        %dma_start3A_316 = arith.constant 0 : i32
        %dma_start3A_317 = tpu.memref_slice %arg26[%add3A_302, %dma_start3A_316] : memref<10000x64xf32, #tpu.memory_space<vmem_shared>> -> memref<128x64xf32, #tpu.memory_space<vmem_shared>>
        %dma_start3A_318 = arith.constant 0 : i32
        %dma_start3A_319 = arith.constant 0 : i32
        %dma_start3A_320 = tpu.memref_slice %arg19[%dma_start3A_318, %dma_start3A_319] : memref<128x64xf32, #tpu.memory_space<vmem>> -> memref<128x64xf32, #tpu.memory_space<vmem>>
        tpu.enqueue_dma source(%dma_start3A_320 : memref<128x64xf32, #tpu.memory_space<vmem>>) target(%dma_start3A_317 : memref<128x64xf32, #tpu.memory_space<vmem_shared>>) target_semaphore(%run_scoped3A : memref<!tpu.dma_semaphore, #tpu.memory_space<semaphore_mem>>)
        %dma_wait3A_321 = arith.constant 0 : i32
        %dma_wait3A_322 = arith.constant 0 : i32
        %dma_wait3A_323 = tpu.memref_slice %arg19[%dma_wait3A_321, %dma_wait3A_322] : memref<128x64xf32, #tpu.memory_space<vmem>> -> memref<128x64xf32, #tpu.memory_space<vmem>>
        %dma_wait3A_324 = arith.constant 0 : i32
        %dma_wait3A_325 = tpu.memref_slice %arg26[%add3A_302, %dma_wait3A_324] : memref<10000x64xf32, #tpu.memory_space<vmem_shared>> -> memref<128x64xf32, #tpu.memory_space<vmem_shared>>
        %dma_wait3A_326 = arith.constant 0 : i32
        %dma_wait3A_327 = tpu.memref_slice %arg26[%add3A_302, %dma_wait3A_326] : memref<10000x64xf32, #tpu.memory_space<vmem_shared>> -> memref<128x64xf32, #tpu.memory_space<vmem_shared>>
        %dma_wait3A_328 = arith.constant 0 : i32
        %dma_wait3A_329 = arith.constant 0 : i32
        %dma_wait3A_330 = tpu.memref_slice %arg19[%dma_wait3A_328, %dma_wait3A_329] : memref<128x64xf32, #tpu.memory_space<vmem>> -> memref<128x64xf32, #tpu.memory_space<vmem>>
        tpu.wait_dma2 semaphore(%run_scoped3A : memref<!tpu.dma_semaphore, #tpu.memory_space<semaphore_mem>>) src(%dma_wait3A_330 : memref<128x64xf32, #tpu.memory_space<vmem>>) dst(%dma_wait3A_327 : memref<128x64xf32, #tpu.memory_space<vmem_shared>>)
        tpu.yield
      }) : () -> ()
      %add3A_303 = arith.constant 128 : i32
      %add3A_304 = arith.addi %mul3A_17, %add3A_303 : i32
      "tpu.region"() ({
        %run_scoped3A = tpu.sem_alloc : memref<!tpu.dma_semaphore, #tpu.memory_space<semaphore_mem>>
        %dma_start3A_311 = arith.constant 0 : i32
        %dma_start3A_312 = arith.constant 0 : i32
        %dma_start3A_313 = tpu.memref_slice %arg19[%dma_start3A_311, %dma_start3A_312] : memref<128x64xf32, #tpu.memory_space<vmem>> -> memref<128x64xf32, #tpu.memory_space<vmem>>
        %dma_start3A_314 = arith.constant 0 : i32
        %dma_start3A_315 = tpu.memref_slice %arg26[%add3A_304, %dma_start3A_314] : memref<10000x64xf32, #tpu.memory_space<vmem_shared>> -> memref<128x64xf32, #tpu.memory_space<vmem_shared>>
        %dma_start3A_316 = arith.constant 0 : i32
        %dma_start3A_317 = tpu.memref_slice %arg26[%add3A_304, %dma_start3A_316] : memref<10000x64xf32, #tpu.memory_space<vmem_shared>> -> memref<128x64xf32, #tpu.memory_space<vmem_shared>>
        %dma_start3A_318 = arith.constant 0 : i32
        %dma_start3A_319 = arith.constant 0 : i32
        %dma_start3A_320 = tpu.memref_slice %arg19[%dma_start3A_318, %dma_start3A_319] : memref<128x64xf32, #tpu.memory_space<vmem>> -> memref<128x64xf32, #tpu.memory_space<vmem>>
        tpu.enqueue_dma source(%dma_start3A_320 : memref<128x64xf32, #tpu.memory_space<vmem>>) target(%dma_start3A_317 : memref<128x64xf32, #tpu.memory_space<vmem_shared>>) target_semaphore(%run_scoped3A : memref<!tpu.dma_semaphore, #tpu.memory_space<semaphore_mem>>)
        %dma_wait3A_321 = arith.constant 0 : i32
        %dma_wait3A_322 = arith.constant 0 : i32
        %dma_wait3A_323 = tpu.memref_slice %arg19[%dma_wait3A_321, %dma_wait3A_322] : memref<128x64xf32, #tpu.memory_space<vmem>> -> memref<128x64xf32, #tpu.memory_space<vmem>>
        %dma_wait3A_324 = arith.constant 0 : i32
        %dma_wait3A_325 = tpu.memref_slice %arg26[%add3A_304, %dma_wait3A_324] : memref<10000x64xf32, #tpu.memory_space<vmem_shared>> -> memref<128x64xf32, #tpu.memory_space<vmem_shared>>
        %dma_wait3A_326 = arith.constant 0 : i32
        %dma_wait3A_327 = tpu.memref_slice %arg26[%add3A_304, %dma_wait3A_326] : memref<10000x64xf32, #tpu.memory_space<vmem_shared>> -> memref<128x64xf32, #tpu.memory_space<vmem_shared>>
        %dma_wait3A_328 = arith.constant 0 : i32
        %dma_wait3A_329 = arith.constant 0 : i32
        %dma_wait3A_330 = tpu.memref_slice %arg19[%dma_wait3A_328, %dma_wait3A_329] : memref<128x64xf32, #tpu.memory_space<vmem>> -> memref<128x64xf32, #tpu.memory_space<vmem>>
        tpu.wait_dma2 semaphore(%run_scoped3A : memref<!tpu.dma_semaphore, #tpu.memory_space<semaphore_mem>>) src(%dma_wait3A_330 : memref<128x64xf32, #tpu.memory_space<vmem>>) dst(%dma_wait3A_327 : memref<128x64xf32, #tpu.memory_space<vmem_shared>>)
        tpu.yield
      }) : () -> ()
      %add3A_305 = arith.constant 256 : i32
      %add3A_306 = arith.addi %mul3A_17, %add3A_305 : i32
      "tpu.region"() ({
        %run_scoped3A = tpu.sem_alloc : memref<!tpu.dma_semaphore, #tpu.memory_space<semaphore_mem>>
        %dma_start3A_311 = arith.constant 0 : i32
        %dma_start3A_312 = arith.constant 0 : i32
        %dma_start3A_313 = tpu.memref_slice %arg19[%dma_start3A_311, %dma_start3A_312] : memref<128x64xf32, #tpu.memory_space<vmem>> -> memref<128x64xf32, #tpu.memory_space<vmem>>
        %dma_start3A_314 = arith.constant 0 : i32
        %dma_start3A_315 = tpu.memref_slice %arg26[%add3A_306, %dma_start3A_314] : memref<10000x64xf32, #tpu.memory_space<vmem_shared>> -> memref<128x64xf32, #tpu.memory_space<vmem_shared>>
        %dma_start3A_316 = arith.constant 0 : i32
        %dma_start3A_317 = tpu.memref_slice %arg26[%add3A_306, %dma_start3A_316] : memref<10000x64xf32, #tpu.memory_space<vmem_shared>> -> memref<128x64xf32, #tpu.memory_space<vmem_shared>>
        %dma_start3A_318 = arith.constant 0 : i32
        %dma_start3A_319 = arith.constant 0 : i32
        %dma_start3A_320 = tpu.memref_slice %arg19[%dma_start3A_318, %dma_start3A_319] : memref<128x64xf32, #tpu.memory_space<vmem>> -> memref<128x64xf32, #tpu.memory_space<vmem>>
        tpu.enqueue_dma source(%dma_start3A_320 : memref<128x64xf32, #tpu.memory_space<vmem>>) target(%dma_start3A_317 : memref<128x64xf32, #tpu.memory_space<vmem_shared>>) target_semaphore(%run_scoped3A : memref<!tpu.dma_semaphore, #tpu.memory_space<semaphore_mem>>)
        %dma_wait3A_321 = arith.constant 0 : i32
        %dma_wait3A_322 = arith.constant 0 : i32
        %dma_wait3A_323 = tpu.memref_slice %arg19[%dma_wait3A_321, %dma_wait3A_322] : memref<128x64xf32, #tpu.memory_space<vmem>> -> memref<128x64xf32, #tpu.memory_space<vmem>>
        %dma_wait3A_324 = arith.constant 0 : i32
        %dma_wait3A_325 = tpu.memref_slice %arg26[%add3A_306, %dma_wait3A_324] : memref<10000x64xf32, #tpu.memory_space<vmem_shared>> -> memref<128x64xf32, #tpu.memory_space<vmem_shared>>
        %dma_wait3A_326 = arith.constant 0 : i32
        %dma_wait3A_327 = tpu.memref_slice %arg26[%add3A_306, %dma_wait3A_326] : memref<10000x64xf32, #tpu.memory_space<vmem_shared>> -> memref<128x64xf32, #tpu.memory_space<vmem_shared>>
        %dma_wait3A_328 = arith.constant 0 : i32
        %dma_wait3A_329 = arith.constant 0 : i32
        %dma_wait3A_330 = tpu.memref_slice %arg19[%dma_wait3A_328, %dma_wait3A_329] : memref<128x64xf32, #tpu.memory_space<vmem>> -> memref<128x64xf32, #tpu.memory_space<vmem>>
        tpu.wait_dma2 semaphore(%run_scoped3A : memref<!tpu.dma_semaphore, #tpu.memory_space<semaphore_mem>>) src(%dma_wait3A_330 : memref<128x64xf32, #tpu.memory_space<vmem>>) dst(%dma_wait3A_327 : memref<128x64xf32, #tpu.memory_space<vmem_shared>>)
        tpu.yield
      }) : () -> ()
      %add3A_307 = arith.constant 384 : i32
      %add3A_308 = arith.addi %mul3A_17, %add3A_307 : i32
      "tpu.region"() ({
        %run_scoped3A = tpu.sem_alloc : memref<!tpu.dma_semaphore, #tpu.memory_space<semaphore_mem>>
        %dma_start3A_311 = arith.constant 0 : i32
        %dma_start3A_312 = arith.constant 0 : i32
        %dma_start3A_313 = tpu.memref_slice %arg19[%dma_start3A_311, %dma_start3A_312] : memref<128x64xf32, #tpu.memory_space<vmem>> -> memref<128x64xf32, #tpu.memory_space<vmem>>
        %dma_start3A_314 = arith.constant 0 : i32
        %dma_start3A_315 = tpu.memref_slice %arg26[%add3A_308, %dma_start3A_314] : memref<10000x64xf32, #tpu.memory_space<vmem_shared>> -> memref<128x64xf32, #tpu.memory_space<vmem_shared>>
        %dma_start3A_316 = arith.constant 0 : i32
        %dma_start3A_317 = tpu.memref_slice %arg26[%add3A_308, %dma_start3A_316] : memref<10000x64xf32, #tpu.memory_space<vmem_shared>> -> memref<128x64xf32, #tpu.memory_space<vmem_shared>>
        %dma_start3A_318 = arith.constant 0 : i32
        %dma_start3A_319 = arith.constant 0 : i32
        %dma_start3A_320 = tpu.memref_slice %arg19[%dma_start3A_318, %dma_start3A_319] : memref<128x64xf32, #tpu.memory_space<vmem>> -> memref<128x64xf32, #tpu.memory_space<vmem>>
        tpu.enqueue_dma source(%dma_start3A_320 : memref<128x64xf32, #tpu.memory_space<vmem>>) target(%dma_start3A_317 : memref<128x64xf32, #tpu.memory_space<vmem_shared>>) target_semaphore(%run_scoped3A : memref<!tpu.dma_semaphore, #tpu.memory_space<semaphore_mem>>)
        %dma_wait3A_321 = arith.constant 0 : i32
        %dma_wait3A_322 = arith.constant 0 : i32
        %dma_wait3A_323 = tpu.memref_slice %arg19[%dma_wait3A_321, %dma_wait3A_322] : memref<128x64xf32, #tpu.memory_space<vmem>> -> memref<128x64xf32, #tpu.memory_space<vmem>>
        %dma_wait3A_324 = arith.constant 0 : i32
        %dma_wait3A_325 = tpu.memref_slice %arg26[%add3A_308, %dma_wait3A_324] : memref<10000x64xf32, #tpu.memory_space<vmem_shared>> -> memref<128x64xf32, #tpu.memory_space<vmem_shared>>
        %dma_wait3A_326 = arith.constant 0 : i32
        %dma_wait3A_327 = tpu.memref_slice %arg26[%add3A_308, %dma_wait3A_326] : memref<10000x64xf32, #tpu.memory_space<vmem_shared>> -> memref<128x64xf32, #tpu.memory_space<vmem_shared>>
        %dma_wait3A_328 = arith.constant 0 : i32
        %dma_wait3A_329 = arith.constant 0 : i32
        %dma_wait3A_330 = tpu.memref_slice %arg19[%dma_wait3A_328, %dma_wait3A_329] : memref<128x64xf32, #tpu.memory_space<vmem>> -> memref<128x64xf32, #tpu.memory_space<vmem>>
        tpu.wait_dma2 semaphore(%run_scoped3A : memref<!tpu.dma_semaphore, #tpu.memory_space<semaphore_mem>>) src(%dma_wait3A_330 : memref<128x64xf32, #tpu.memory_space<vmem>>) dst(%dma_wait3A_327 : memref<128x64xf32, #tpu.memory_space<vmem_shared>>)
        tpu.yield
      }) : () -> ()
      %add3A_309 = arith.constant 512 : i32
      %add3A_310 = arith.addi %mul3A_17, %add3A_309 : i32
      "tpu.region"() ({
        %run_scoped3A = tpu.sem_alloc : memref<!tpu.dma_semaphore, #tpu.memory_space<semaphore_mem>>
        %dma_start3A_311 = arith.constant 0 : i32
        %dma_start3A_312 = arith.constant 0 : i32
        %dma_start3A_313 = tpu.memref_slice %arg19[%dma_start3A_311, %dma_start3A_312] : memref<128x64xf32, #tpu.memory_space<vmem>> -> memref<120x64xf32, #tpu.memory_space<vmem>>
        %dma_start3A_314 = arith.constant 0 : i32
        %dma_start3A_315 = tpu.memref_slice %arg26[%add3A_310, %dma_start3A_314] : memref<10000x64xf32, #tpu.memory_space<vmem_shared>> -> memref<120x64xf32, #tpu.memory_space<vmem_shared>>
        %dma_start3A_316 = arith.constant 0 : i32
        %dma_start3A_317 = tpu.memref_slice %arg26[%add3A_310, %dma_start3A_316] : memref<10000x64xf32, #tpu.memory_space<vmem_shared>> -> memref<120x64xf32, #tpu.memory_space<vmem_shared>>
        %dma_start3A_318 = arith.constant 0 : i32
        %dma_start3A_319 = arith.constant 0 : i32
        %dma_start3A_320 = tpu.memref_slice %arg19[%dma_start3A_318, %dma_start3A_319] : memref<128x64xf32, #tpu.memory_space<vmem>> -> memref<120x64xf32, #tpu.memory_space<vmem>>
        tpu.enqueue_dma source(%dma_start3A_320 : memref<120x64xf32, #tpu.memory_space<vmem>>) target(%dma_start3A_317 : memref<120x64xf32, #tpu.memory_space<vmem_shared>>) target_semaphore(%run_scoped3A : memref<!tpu.dma_semaphore, #tpu.memory_space<semaphore_mem>>)
        %dma_wait3A_321 = arith.constant 0 : i32
        %dma_wait3A_322 = arith.constant 0 : i32
        %dma_wait3A_323 = tpu.memref_slice %arg19[%dma_wait3A_321, %dma_wait3A_322] : memref<128x64xf32, #tpu.memory_space<vmem>> -> memref<120x64xf32, #tpu.memory_space<vmem>>
        %dma_wait3A_324 = arith.constant 0 : i32
        %dma_wait3A_325 = tpu.memref_slice %arg26[%add3A_310, %dma_wait3A_324] : memref<10000x64xf32, #tpu.memory_space<vmem_shared>> -> memref<120x64xf32, #tpu.memory_space<vmem_shared>>
        %dma_wait3A_326 = arith.constant 0 : i32
        %dma_wait3A_327 = tpu.memref_slice %arg26[%add3A_310, %dma_wait3A_326] : memref<10000x64xf32, #tpu.memory_space<vmem_shared>> -> memref<120x64xf32, #tpu.memory_space<vmem_shared>>
        %dma_wait3A_328 = arith.constant 0 : i32
        %dma_wait3A_329 = arith.constant 0 : i32
        %dma_wait3A_330 = tpu.memref_slice %arg19[%dma_wait3A_328, %dma_wait3A_329] : memref<128x64xf32, #tpu.memory_space<vmem>> -> memref<120x64xf32, #tpu.memory_space<vmem>>
        tpu.wait_dma2 semaphore(%run_scoped3A : memref<!tpu.dma_semaphore, #tpu.memory_space<semaphore_mem>>) src(%dma_wait3A_330 : memref<120x64xf32, #tpu.memory_space<vmem>>) dst(%dma_wait3A_327 : memref<120x64xf32, #tpu.memory_space<vmem_shared>>)
        tpu.yield
      }) : () -> ()
    } else {
    }
    %eq3A_38 = arith.constant 1 : i32
    %eq3A_39 = arith.cmpi eq, %arg0, %eq3A_38 : i32
    %eq3A_40 = arith.constant 15 : i32
    %eq3A_41 = arith.cmpi eq, %arg1, %eq3A_40 : i32
    %and3A_42 = arith.andi %eq3A_39, %eq3A_41 : i1
    %convert_element_type3A_43 = arith.extui %and3A_42 : i1 to i32
    %cond3A_44 = arith.constant 0 : i32
    %cond3A_45 = arith.cmpi ne, %convert_element_type3A_43, %cond3A_44 : i32
    scf.if %cond3A_45 {
      "tpu.region"() ({
        %run_scoped3A = tpu.sem_alloc : memref<!tpu.dma_semaphore, #tpu.memory_space<semaphore_mem>>
        %dma_start3A_301 = arith.constant 0 : i32
        %dma_start3A_302 = arith.constant 0 : i32
        %dma_start3A_303 = tpu.memref_slice %arg19[%dma_start3A_301, %dma_start3A_302] : memref<128x64xf32, #tpu.memory_space<vmem>> -> memref<128x64xf32, #tpu.memory_space<vmem>>
        %dma_start3A_304 = arith.constant 9480 : i32
        %dma_start3A_305 = arith.constant 0 : i32
        %dma_start3A_306 = tpu.memref_slice %arg26[%dma_start3A_304, %dma_start3A_305] : memref<10000x64xf32, #tpu.memory_space<vmem_shared>> -> memref<128x64xf32, #tpu.memory_space<vmem_shared>>
        %dma_start3A_307 = arith.constant 9480 : i32
        %dma_start3A_308 = arith.constant 0 : i32
        %dma_start3A_309 = tpu.memref_slice %arg26[%dma_start3A_307, %dma_start3A_308] : memref<10000x64xf32, #tpu.memory_space<vmem_shared>> -> memref<128x64xf32, #tpu.memory_space<vmem_shared>>
        %dma_start3A_310 = arith.constant 0 : i32
        %dma_start3A_311 = arith.constant 0 : i32
        %dma_start3A_312 = tpu.memref_slice %arg19[%dma_start3A_310, %dma_start3A_311] : memref<128x64xf32, #tpu.memory_space<vmem>> -> memref<128x64xf32, #tpu.memory_space<vmem>>
        tpu.enqueue_dma source(%dma_start3A_312 : memref<128x64xf32, #tpu.memory_space<vmem>>) target(%dma_start3A_309 : memref<128x64xf32, #tpu.memory_space<vmem_shared>>) target_semaphore(%run_scoped3A : memref<!tpu.dma_semaphore, #tpu.memory_space<semaphore_mem>>)
        %dma_wait3A_313 = arith.constant 0 : i32
        %dma_wait3A_314 = arith.constant 0 : i32
        %dma_wait3A_315 = tpu.memref_slice %arg19[%dma_wait3A_313, %dma_wait3A_314] : memref<128x64xf32, #tpu.memory_space<vmem>> -> memref<128x64xf32, #tpu.memory_space<vmem>>
        %dma_wait3A_316 = arith.constant 9480 : i32
        %dma_wait3A_317 = arith.constant 0 : i32
        %dma_wait3A_318 = tpu.memref_slice %arg26[%dma_wait3A_316, %dma_wait3A_317] : memref<10000x64xf32, #tpu.memory_space<vmem_shared>> -> memref<128x64xf32, #tpu.memory_space<vmem_shared>>
        %dma_wait3A_319 = arith.constant 9480 : i32
        %dma_wait3A_320 = arith.constant 0 : i32
        %dma_wait3A_321 = tpu.memref_slice %arg26[%dma_wait3A_319, %dma_wait3A_320] : memref<10000x64xf32, #tpu.memory_space<vmem_shared>> -> memref<128x64xf32, #tpu.memory_space<vmem_shared>>
        %dma_wait3A_322 = arith.constant 0 : i32
        %dma_wait3A_323 = arith.constant 0 : i32
        %dma_wait3A_324 = tpu.memref_slice %arg19[%dma_wait3A_322, %dma_wait3A_323] : memref<128x64xf32, #tpu.memory_space<vmem>> -> memref<128x64xf32, #tpu.memory_space<vmem>>
        tpu.wait_dma2 semaphore(%run_scoped3A : memref<!tpu.dma_semaphore, #tpu.memory_space<semaphore_mem>>) src(%dma_wait3A_324 : memref<128x64xf32, #tpu.memory_space<vmem>>) dst(%dma_wait3A_321 : memref<128x64xf32, #tpu.memory_space<vmem_shared>>)
        tpu.yield
      }) : () -> ()
      "tpu.region"() ({
        %run_scoped3A = tpu.sem_alloc : memref<!tpu.dma_semaphore, #tpu.memory_space<semaphore_mem>>
        %dma_start3A_301 = arith.constant 0 : i32
        %dma_start3A_302 = arith.constant 0 : i32
        %dma_start3A_303 = tpu.memref_slice %arg19[%dma_start3A_301, %dma_start3A_302] : memref<128x64xf32, #tpu.memory_space<vmem>> -> memref<128x64xf32, #tpu.memory_space<vmem>>
        %dma_start3A_304 = arith.constant 9608 : i32
        %dma_start3A_305 = arith.constant 0 : i32
        %dma_start3A_306 = tpu.memref_slice %arg26[%dma_start3A_304, %dma_start3A_305] : memref<10000x64xf32, #tpu.memory_space<vmem_shared>> -> memref<128x64xf32, #tpu.memory_space<vmem_shared>>
        %dma_start3A_307 = arith.constant 9608 : i32
        %dma_start3A_308 = arith.constant 0 : i32
        %dma_start3A_309 = tpu.memref_slice %arg26[%dma_start3A_307, %dma_start3A_308] : memref<10000x64xf32, #tpu.memory_space<vmem_shared>> -> memref<128x64xf32, #tpu.memory_space<vmem_shared>>
        %dma_start3A_310 = arith.constant 0 : i32
        %dma_start3A_311 = arith.constant 0 : i32
        %dma_start3A_312 = tpu.memref_slice %arg19[%dma_start3A_310, %dma_start3A_311] : memref<128x64xf32, #tpu.memory_space<vmem>> -> memref<128x64xf32, #tpu.memory_space<vmem>>
        tpu.enqueue_dma source(%dma_start3A_312 : memref<128x64xf32, #tpu.memory_space<vmem>>) target(%dma_start3A_309 : memref<128x64xf32, #tpu.memory_space<vmem_shared>>) target_semaphore(%run_scoped3A : memref<!tpu.dma_semaphore, #tpu.memory_space<semaphore_mem>>)
        %dma_wait3A_313 = arith.constant 0 : i32
        %dma_wait3A_314 = arith.constant 0 : i32
        %dma_wait3A_315 = tpu.memref_slice %arg19[%dma_wait3A_313, %dma_wait3A_314] : memref<128x64xf32, #tpu.memory_space<vmem>> -> memref<128x64xf32, #tpu.memory_space<vmem>>
        %dma_wait3A_316 = arith.constant 9608 : i32
        %dma_wait3A_317 = arith.constant 0 : i32
        %dma_wait3A_318 = tpu.memref_slice %arg26[%dma_wait3A_316, %dma_wait3A_317] : memref<10000x64xf32, #tpu.memory_space<vmem_shared>> -> memref<128x64xf32, #tpu.memory_space<vmem_shared>>
        %dma_wait3A_319 = arith.constant 9608 : i32
        %dma_wait3A_320 = arith.constant 0 : i32
        %dma_wait3A_321 = tpu.memref_slice %arg26[%dma_wait3A_319, %dma_wait3A_320] : memref<10000x64xf32, #tpu.memory_space<vmem_shared>> -> memref<128x64xf32, #tpu.memory_space<vmem_shared>>
        %dma_wait3A_322 = arith.constant 0 : i32
        %dma_wait3A_323 = arith.constant 0 : i32
        %dma_wait3A_324 = tpu.memref_slice %arg19[%dma_wait3A_322, %dma_wait3A_323] : memref<128x64xf32, #tpu.memory_space<vmem>> -> memref<128x64xf32, #tpu.memory_space<vmem>>
        tpu.wait_dma2 semaphore(%run_scoped3A : memref<!tpu.dma_semaphore, #tpu.memory_space<semaphore_mem>>) src(%dma_wait3A_324 : memref<128x64xf32, #tpu.memory_space<vmem>>) dst(%dma_wait3A_321 : memref<128x64xf32, #tpu.memory_space<vmem_shared>>)
        tpu.yield
      }) : () -> ()
      "tpu.region"() ({
        %run_scoped3A = tpu.sem_alloc : memref<!tpu.dma_semaphore, #tpu.memory_space<semaphore_mem>>
        %dma_start3A_301 = arith.constant 0 : i32
        %dma_start3A_302 = arith.constant 0 : i32
        %dma_start3A_303 = tpu.memref_slice %arg19[%dma_start3A_301, %dma_start3A_302] : memref<128x64xf32, #tpu.memory_space<vmem>> -> memref<128x64xf32, #tpu.memory_space<vmem>>
        %dma_start3A_304 = arith.constant 9736 : i32
        %dma_start3A_305 = arith.constant 0 : i32
        %dma_start3A_306 = tpu.memref_slice %arg26[%dma_start3A_304, %dma_start3A_305] : memref<10000x64xf32, #tpu.memory_space<vmem_shared>> -> memref<128x64xf32, #tpu.memory_space<vmem_shared>>
        %dma_start3A_307 = arith.constant 9736 : i32
        %dma_start3A_308 = arith.constant 0 : i32
        %dma_start3A_309 = tpu.memref_slice %arg26[%dma_start3A_307, %dma_start3A_308] : memref<10000x64xf32, #tpu.memory_space<vmem_shared>> -> memref<128x64xf32, #tpu.memory_space<vmem_shared>>
        %dma_start3A_310 = arith.constant 0 : i32
        %dma_start3A_311 = arith.constant 0 : i32
        %dma_start3A_312 = tpu.memref_slice %arg19[%dma_start3A_310, %dma_start3A_311] : memref<128x64xf32, #tpu.memory_space<vmem>> -> memref<128x64xf32, #tpu.memory_space<vmem>>
        tpu.enqueue_dma source(%dma_start3A_312 : memref<128x64xf32, #tpu.memory_space<vmem>>) target(%dma_start3A_309 : memref<128x64xf32, #tpu.memory_space<vmem_shared>>) target_semaphore(%run_scoped3A : memref<!tpu.dma_semaphore, #tpu.memory_space<semaphore_mem>>)
        %dma_wait3A_313 = arith.constant 0 : i32
        %dma_wait3A_314 = arith.constant 0 : i32
        %dma_wait3A_315 = tpu.memref_slice %arg19[%dma_wait3A_313, %dma_wait3A_314] : memref<128x64xf32, #tpu.memory_space<vmem>> -> memref<128x64xf32, #tpu.memory_space<vmem>>
        %dma_wait3A_316 = arith.constant 9736 : i32
        %dma_wait3A_317 = arith.constant 0 : i32
        %dma_wait3A_318 = tpu.memref_slice %arg26[%dma_wait3A_316, %dma_wait3A_317] : memref<10000x64xf32, #tpu.memory_space<vmem_shared>> -> memref<128x64xf32, #tpu.memory_space<vmem_shared>>
        %dma_wait3A_319 = arith.constant 9736 : i32
        %dma_wait3A_320 = arith.constant 0 : i32
        %dma_wait3A_321 = tpu.memref_slice %arg26[%dma_wait3A_319, %dma_wait3A_320] : memref<10000x64xf32, #tpu.memory_space<vmem_shared>> -> memref<128x64xf32, #tpu.memory_space<vmem_shared>>
        %dma_wait3A_322 = arith.constant 0 : i32
        %dma_wait3A_323 = arith.constant 0 : i32
        %dma_wait3A_324 = tpu.memref_slice %arg19[%dma_wait3A_322, %dma_wait3A_323] : memref<128x64xf32, #tpu.memory_space<vmem>> -> memref<128x64xf32, #tpu.memory_space<vmem>>
        tpu.wait_dma2 semaphore(%run_scoped3A : memref<!tpu.dma_semaphore, #tpu.memory_space<semaphore_mem>>) src(%dma_wait3A_324 : memref<128x64xf32, #tpu.memory_space<vmem>>) dst(%dma_wait3A_321 : memref<128x64xf32, #tpu.memory_space<vmem_shared>>)
        tpu.yield
      }) : () -> ()
      "tpu.region"() ({
        %run_scoped3A = tpu.sem_alloc : memref<!tpu.dma_semaphore, #tpu.memory_space<semaphore_mem>>
        %dma_start3A_301 = arith.constant 0 : i32
        %dma_start3A_302 = arith.constant 0 : i32
        %dma_start3A_303 = tpu.memref_slice %arg19[%dma_start3A_301, %dma_start3A_302] : memref<128x64xf32, #tpu.memory_space<vmem>> -> memref<128x64xf32, #tpu.memory_space<vmem>>
        %dma_start3A_304 = arith.constant 9864 : i32
        %dma_start3A_305 = arith.constant 0 : i32
        %dma_start3A_306 = tpu.memref_slice %arg26[%dma_start3A_304, %dma_start3A_305] : memref<10000x64xf32, #tpu.memory_space<vmem_shared>> -> memref<128x64xf32, #tpu.memory_space<vmem_shared>>
        %dma_start3A_307 = arith.constant 9864 : i32
        %dma_start3A_308 = arith.constant 0 : i32
        %dma_start3A_309 = tpu.memref_slice %arg26[%dma_start3A_307, %dma_start3A_308] : memref<10000x64xf32, #tpu.memory_space<vmem_shared>> -> memref<128x64xf32, #tpu.memory_space<vmem_shared>>
        %dma_start3A_310 = arith.constant 0 : i32
        %dma_start3A_311 = arith.constant 0 : i32
        %dma_start3A_312 = tpu.memref_slice %arg19[%dma_start3A_310, %dma_start3A_311] : memref<128x64xf32, #tpu.memory_space<vmem>> -> memref<128x64xf32, #tpu.memory_space<vmem>>
        tpu.enqueue_dma source(%dma_start3A_312 : memref<128x64xf32, #tpu.memory_space<vmem>>) target(%dma_start3A_309 : memref<128x64xf32, #tpu.memory_space<vmem_shared>>) target_semaphore(%run_scoped3A : memref<!tpu.dma_semaphore, #tpu.memory_space<semaphore_mem>>)
        %dma_wait3A_313 = arith.constant 0 : i32
        %dma_wait3A_314 = arith.constant 0 : i32
        %dma_wait3A_315 = tpu.memref_slice %arg19[%dma_wait3A_313, %dma_wait3A_314] : memref<128x64xf32, #tpu.memory_space<vmem>> -> memref<128x64xf32, #tpu.memory_space<vmem>>
        %dma_wait3A_316 = arith.constant 9864 : i32
        %dma_wait3A_317 = arith.constant 0 : i32
        %dma_wait3A_318 = tpu.memref_slice %arg26[%dma_wait3A_316, %dma_wait3A_317] : memref<10000x64xf32, #tpu.memory_space<vmem_shared>> -> memref<128x64xf32, #tpu.memory_space<vmem_shared>>
        %dma_wait3A_319 = arith.constant 9864 : i32
        %dma_wait3A_320 = arith.constant 0 : i32
        %dma_wait3A_321 = tpu.memref_slice %arg26[%dma_wait3A_319, %dma_wait3A_320] : memref<10000x64xf32, #tpu.memory_space<vmem_shared>> -> memref<128x64xf32, #tpu.memory_space<vmem_shared>>
        %dma_wait3A_322 = arith.constant 0 : i32
        %dma_wait3A_323 = arith.constant 0 : i32
        %dma_wait3A_324 = tpu.memref_slice %arg19[%dma_wait3A_322, %dma_wait3A_323] : memref<128x64xf32, #tpu.memory_space<vmem>> -> memref<128x64xf32, #tpu.memory_space<vmem>>
        tpu.wait_dma2 semaphore(%run_scoped3A : memref<!tpu.dma_semaphore, #tpu.memory_space<semaphore_mem>>) src(%dma_wait3A_324 : memref<128x64xf32, #tpu.memory_space<vmem>>) dst(%dma_wait3A_321 : memref<128x64xf32, #tpu.memory_space<vmem_shared>>)
        tpu.yield
      }) : () -> ()
      "tpu.region"() ({
        %run_scoped3A = tpu.sem_alloc : memref<!tpu.dma_semaphore, #tpu.memory_space<semaphore_mem>>
        %dma_start3A_301 = arith.constant 0 : i32
        %dma_start3A_302 = arith.constant 0 : i32
        %dma_start3A_303 = tpu.memref_slice %arg19[%dma_start3A_301, %dma_start3A_302] : memref<128x64xf32, #tpu.memory_space<vmem>> -> memref<8x64xf32, #tpu.memory_space<vmem>>
        %dma_start3A_304 = arith.constant 9992 : i32
        %dma_start3A_305 = arith.constant 0 : i32
        %dma_start3A_306 = tpu.memref_slice %arg26[%dma_start3A_304, %dma_start3A_305] : memref<10000x64xf32, #tpu.memory_space<vmem_shared>> -> memref<8x64xf32, #tpu.memory_space<vmem_shared>>
        %dma_start3A_307 = arith.constant 9992 : i32
        %dma_start3A_308 = arith.constant 0 : i32
        %dma_start3A_309 = tpu.memref_slice %arg26[%dma_start3A_307, %dma_start3A_308] : memref<10000x64xf32, #tpu.memory_space<vmem_shared>> -> memref<8x64xf32, #tpu.memory_space<vmem_shared>>
        %dma_start3A_310 = arith.constant 0 : i32
        %dma_start3A_311 = arith.constant 0 : i32
        %dma_start3A_312 = tpu.memref_slice %arg19[%dma_start3A_310, %dma_start3A_311] : memref<128x64xf32, #tpu.memory_space<vmem>> -> memref<8x64xf32, #tpu.memory_space<vmem>>
        tpu.enqueue_dma source(%dma_start3A_312 : memref<8x64xf32, #tpu.memory_space<vmem>>) target(%dma_start3A_309 : memref<8x64xf32, #tpu.memory_space<vmem_shared>>) target_semaphore(%run_scoped3A : memref<!tpu.dma_semaphore, #tpu.memory_space<semaphore_mem>>)
        %dma_wait3A_313 = arith.constant 0 : i32
        %dma_wait3A_314 = arith.constant 0 : i32
        %dma_wait3A_315 = tpu.memref_slice %arg19[%dma_wait3A_313, %dma_wait3A_314] : memref<128x64xf32, #tpu.memory_space<vmem>> -> memref<8x64xf32, #tpu.memory_space<vmem>>
        %dma_wait3A_316 = arith.constant 9992 : i32
        %dma_wait3A_317 = arith.constant 0 : i32
        %dma_wait3A_318 = tpu.memref_slice %arg26[%dma_wait3A_316, %dma_wait3A_317] : memref<10000x64xf32, #tpu.memory_space<vmem_shared>> -> memref<8x64xf32, #tpu.memory_space<vmem_shared>>
        %dma_wait3A_319 = arith.constant 9992 : i32
        %dma_wait3A_320 = arith.constant 0 : i32
        %dma_wait3A_321 = tpu.memref_slice %arg26[%dma_wait3A_319, %dma_wait3A_320] : memref<10000x64xf32, #tpu.memory_space<vmem_shared>> -> memref<8x64xf32, #tpu.memory_space<vmem_shared>>
        %dma_wait3A_322 = arith.constant 0 : i32
        %dma_wait3A_323 = arith.constant 0 : i32
        %dma_wait3A_324 = tpu.memref_slice %arg19[%dma_wait3A_322, %dma_wait3A_323] : memref<128x64xf32, #tpu.memory_space<vmem>> -> memref<8x64xf32, #tpu.memory_space<vmem>>
        tpu.wait_dma2 semaphore(%run_scoped3A : memref<!tpu.dma_semaphore, #tpu.memory_space<semaphore_mem>>) src(%dma_wait3A_324 : memref<8x64xf32, #tpu.memory_space<vmem>>) dst(%dma_wait3A_321 : memref<8x64xf32, #tpu.memory_space<vmem_shared>>)
        tpu.yield
      }) : () -> ()
    } else {
    }
    %barrier3A = arith.constant 0 : index
    tpu.barrier barrier_id(%barrier3A)
    %add3A_46 = arith.constant 0 : i32
    %add3A_47 = arith.addi %select_n3A, %add3A_46 : i32
    %mul3A_48 = arith.constant 128 : i32
    %mul3A_49 = arith.muli %add3A_47, %mul3A_48 : i32
    %multiple_of3A = tpu.assume_multiple %mul3A_49, 8 : i32
    %dma_start3A = arith.constant 0 : i32
    %dma_start3A_50 = arith.constant 0 : i32
    %dma_start3A_51 = arith.constant 0 : i32
    %dma_start3A_52 = tpu.memref_slice %arg5[%dma_start3A_50, %dma_start3A_51] : memref<1x128xi32, #tpu.memory_space<vmem>> -> memref<1x128xi32, #tpu.memory_space<vmem>>
    %dma_start3A_53 = tpu.memref_squeeze %dma_start3A_52 : memref<1x128xi32, #tpu.memory_space<vmem>> -> memref<128xi32, #tpu.memory_space<vmem>>
    %dma_start3A_54 = tpu.memref_slice %arg3[%dma_start3A, %multiple_of3A] : memref<2x640000xi32, #tpu.memory_space<hbm>> -> memref<1x128xi32, #tpu.memory_space<hbm>>
    %dma_start3A_55 = tpu.memref_squeeze %dma_start3A_54 : memref<1x128xi32, #tpu.memory_space<hbm>> -> memref<128xi32, #tpu.memory_space<hbm>>
    %dma_start3A_56 = arith.constant 0 : i32
    %dma_start3A_57 = tpu.memref_slice %arg5[%dma_start3A_50, %dma_start3A_56] : memref<1x128xi32, #tpu.memory_space<vmem>> -> memref<1x128xi32, #tpu.memory_space<vmem>>
    %dma_start3A_58 = tpu.memref_squeeze %dma_start3A_57 : memref<1x128xi32, #tpu.memory_space<vmem>> -> memref<128xi32, #tpu.memory_space<vmem>>
    %dma_start3A_59 = tpu.memref_slice %arg3[%dma_start3A, %multiple_of3A] : memref<2x640000xi32, #tpu.memory_space<hbm>> -> memref<1x128xi32, #tpu.memory_space<hbm>>
    %dma_start3A_60 = tpu.memref_squeeze %dma_start3A_59 : memref<1x128xi32, #tpu.memory_space<hbm>> -> memref<128xi32, #tpu.memory_space<hbm>>
    tpu.enqueue_dma source(%dma_start3A_60 : memref<128xi32, #tpu.memory_space<hbm>>) target(%dma_start3A_58 : memref<128xi32, #tpu.memory_space<vmem>>) target_semaphore(%arg27 : memref<!tpu.dma_semaphore, #tpu.memory_space<semaphore_mem>>)
    %dma_start3A_61 = arith.constant 1 : i32
    %dma_start3A_62 = arith.constant 0 : i32
    %dma_start3A_63 = arith.constant 0 : i32
    %dma_start3A_64 = tpu.memref_slice %arg11[%dma_start3A_62, %dma_start3A_63] : memref<1x128xi32, #tpu.memory_space<vmem>> -> memref<1x128xi32, #tpu.memory_space<vmem>>
    %dma_start3A_65 = tpu.memref_squeeze %dma_start3A_64 : memref<1x128xi32, #tpu.memory_space<vmem>> -> memref<128xi32, #tpu.memory_space<vmem>>
    %dma_start3A_66 = tpu.memref_slice %arg3[%dma_start3A_61, %multiple_of3A] : memref<2x640000xi32, #tpu.memory_space<hbm>> -> memref<1x128xi32, #tpu.memory_space<hbm>>
    %dma_start3A_67 = tpu.memref_squeeze %dma_start3A_66 : memref<1x128xi32, #tpu.memory_space<hbm>> -> memref<128xi32, #tpu.memory_space<hbm>>
    %dma_start3A_68 = arith.constant 0 : i32
    %dma_start3A_69 = tpu.memref_slice %arg11[%dma_start3A_62, %dma_start3A_68] : memref<1x128xi32, #tpu.memory_space<vmem>> -> memref<1x128xi32, #tpu.memory_space<vmem>>
    %dma_start3A_70 = tpu.memref_squeeze %dma_start3A_69 : memref<1x128xi32, #tpu.memory_space<vmem>> -> memref<128xi32, #tpu.memory_space<vmem>>
    %dma_start3A_71 = tpu.memref_slice %arg3[%dma_start3A_61, %multiple_of3A] : memref<2x640000xi32, #tpu.memory_space<hbm>> -> memref<1x128xi32, #tpu.memory_space<hbm>>
    %dma_start3A_72 = tpu.memref_squeeze %dma_start3A_71 : memref<1x128xi32, #tpu.memory_space<hbm>> -> memref<128xi32, #tpu.memory_space<hbm>>
    tpu.enqueue_dma source(%dma_start3A_72 : memref<128xi32, #tpu.memory_space<hbm>>) target(%dma_start3A_70 : memref<128xi32, #tpu.memory_space<vmem>>) target_semaphore(%arg27 : memref<!tpu.dma_semaphore, #tpu.memory_space<semaphore_mem>>)
    %add3A_73 = arith.constant 1 : i32
    %add3A_74 = arith.addi %select_n3A, %add3A_73 : i32
    %mul3A_75 = arith.constant 128 : i32
    %mul3A_76 = arith.muli %add3A_74, %mul3A_75 : i32
    %multiple_of3A_77 = tpu.assume_multiple %mul3A_76, 8 : i32
    %dma_start3A_78 = arith.constant 0 : i32
    %dma_start3A_79 = arith.constant 0 : i32
    %dma_start3A_80 = arith.constant 0 : i32
    %dma_start3A_81 = tpu.memref_slice %arg6[%dma_start3A_79, %dma_start3A_80] : memref<1x128xi32, #tpu.memory_space<vmem>> -> memref<1x128xi32, #tpu.memory_space<vmem>>
    %dma_start3A_82 = tpu.memref_squeeze %dma_start3A_81 : memref<1x128xi32, #tpu.memory_space<vmem>> -> memref<128xi32, #tpu.memory_space<vmem>>
    %dma_start3A_83 = tpu.memref_slice %arg3[%dma_start3A_78, %multiple_of3A_77] : memref<2x640000xi32, #tpu.memory_space<hbm>> -> memref<1x128xi32, #tpu.memory_space<hbm>>
    %dma_start3A_84 = tpu.memref_squeeze %dma_start3A_83 : memref<1x128xi32, #tpu.memory_space<hbm>> -> memref<128xi32, #tpu.memory_space<hbm>>
    %dma_start3A_85 = arith.constant 0 : i32
    %dma_start3A_86 = tpu.memref_slice %arg6[%dma_start3A_79, %dma_start3A_85] : memref<1x128xi32, #tpu.memory_space<vmem>> -> memref<1x128xi32, #tpu.memory_space<vmem>>
    %dma_start3A_87 = tpu.memref_squeeze %dma_start3A_86 : memref<1x128xi32, #tpu.memory_space<vmem>> -> memref<128xi32, #tpu.memory_space<vmem>>
    %dma_start3A_88 = tpu.memref_slice %arg3[%dma_start3A_78, %multiple_of3A_77] : memref<2x640000xi32, #tpu.memory_space<hbm>> -> memref<1x128xi32, #tpu.memory_space<hbm>>
    %dma_start3A_89 = tpu.memref_squeeze %dma_start3A_88 : memref<1x128xi32, #tpu.memory_space<hbm>> -> memref<128xi32, #tpu.memory_space<hbm>>
    tpu.enqueue_dma source(%dma_start3A_89 : memref<128xi32, #tpu.memory_space<hbm>>) target(%dma_start3A_87 : memref<128xi32, #tpu.memory_space<vmem>>) target_semaphore(%arg28 : memref<!tpu.dma_semaphore, #tpu.memory_space<semaphore_mem>>)
    %dma_start3A_90 = arith.constant 1 : i32
    %dma_start3A_91 = arith.constant 0 : i32
    %dma_start3A_92 = arith.constant 0 : i32
    %dma_start3A_93 = tpu.memref_slice %arg12[%dma_start3A_91, %dma_start3A_92] : memref<1x128xi32, #tpu.memory_space<vmem>> -> memref<1x128xi32, #tpu.memory_space<vmem>>
    %dma_start3A_94 = tpu.memref_squeeze %dma_start3A_93 : memref<1x128xi32, #tpu.memory_space<vmem>> -> memref<128xi32, #tpu.memory_space<vmem>>
    %dma_start3A_95 = tpu.memref_slice %arg3[%dma_start3A_90, %multiple_of3A_77] : memref<2x640000xi32, #tpu.memory_space<hbm>> -> memref<1x128xi32, #tpu.memory_space<hbm>>
    %dma_start3A_96 = tpu.memref_squeeze %dma_start3A_95 : memref<1x128xi32, #tpu.memory_space<hbm>> -> memref<128xi32, #tpu.memory_space<hbm>>
    %dma_start3A_97 = arith.constant 0 : i32
    %dma_start3A_98 = tpu.memref_slice %arg12[%dma_start3A_91, %dma_start3A_97] : memref<1x128xi32, #tpu.memory_space<vmem>> -> memref<1x128xi32, #tpu.memory_space<vmem>>
    %dma_start3A_99 = tpu.memref_squeeze %dma_start3A_98 : memref<1x128xi32, #tpu.memory_space<vmem>> -> memref<128xi32, #tpu.memory_space<vmem>>
    %dma_start3A_100 = tpu.memref_slice %arg3[%dma_start3A_90, %multiple_of3A_77] : memref<2x640000xi32, #tpu.memory_space<hbm>> -> memref<1x128xi32, #tpu.memory_space<hbm>>
    %dma_start3A_101 = tpu.memref_squeeze %dma_start3A_100 : memref<1x128xi32, #tpu.memory_space<hbm>> -> memref<128xi32, #tpu.memory_space<hbm>>
    tpu.enqueue_dma source(%dma_start3A_101 : memref<128xi32, #tpu.memory_space<hbm>>) target(%dma_start3A_99 : memref<128xi32, #tpu.memory_space<vmem>>) target_semaphore(%arg28 : memref<!tpu.dma_semaphore, #tpu.memory_space<semaphore_mem>>)
    %add3A_102 = arith.constant 2 : i32
    %add3A_103 = arith.addi %select_n3A, %add3A_102 : i32
    %mul3A_104 = arith.constant 128 : i32
    %mul3A_105 = arith.muli %add3A_103, %mul3A_104 : i32
    %multiple_of3A_106 = tpu.assume_multiple %mul3A_105, 8 : i32
    %dma_start3A_107 = arith.constant 0 : i32
    %dma_start3A_108 = arith.constant 0 : i32
    %dma_start3A_109 = arith.constant 0 : i32
    %dma_start3A_110 = tpu.memref_slice %arg7[%dma_start3A_108, %dma_start3A_109] : memref<1x128xi32, #tpu.memory_space<vmem>> -> memref<1x128xi32, #tpu.memory_space<vmem>>
    %dma_start3A_111 = tpu.memref_squeeze %dma_start3A_110 : memref<1x128xi32, #tpu.memory_space<vmem>> -> memref<128xi32, #tpu.memory_space<vmem>>
    %dma_start3A_112 = tpu.memref_slice %arg3[%dma_start3A_107, %multiple_of3A_106] : memref<2x640000xi32, #tpu.memory_space<hbm>> -> memref<1x128xi32, #tpu.memory_space<hbm>>
    %dma_start3A_113 = tpu.memref_squeeze %dma_start3A_112 : memref<1x128xi32, #tpu.memory_space<hbm>> -> memref<128xi32, #tpu.memory_space<hbm>>
    %dma_start3A_114 = arith.constant 0 : i32
    %dma_start3A_115 = tpu.memref_slice %arg7[%dma_start3A_108, %dma_start3A_114] : memref<1x128xi32, #tpu.memory_space<vmem>> -> memref<1x128xi32, #tpu.memory_space<vmem>>
    %dma_start3A_116 = tpu.memref_squeeze %dma_start3A_115 : memref<1x128xi32, #tpu.memory_space<vmem>> -> memref<128xi32, #tpu.memory_space<vmem>>
    %dma_start3A_117 = tpu.memref_slice %arg3[%dma_start3A_107, %multiple_of3A_106] : memref<2x640000xi32, #tpu.memory_space<hbm>> -> memref<1x128xi32, #tpu.memory_space<hbm>>
    %dma_start3A_118 = tpu.memref_squeeze %dma_start3A_117 : memref<1x128xi32, #tpu.memory_space<hbm>> -> memref<128xi32, #tpu.memory_space<hbm>>
    tpu.enqueue_dma source(%dma_start3A_118 : memref<128xi32, #tpu.memory_space<hbm>>) target(%dma_start3A_116 : memref<128xi32, #tpu.memory_space<vmem>>) target_semaphore(%arg29 : memref<!tpu.dma_semaphore, #tpu.memory_space<semaphore_mem>>)
    %dma_start3A_119 = arith.constant 1 : i32
    %dma_start3A_120 = arith.constant 0 : i32
    %dma_start3A_121 = arith.constant 0 : i32
    %dma_start3A_122 = tpu.memref_slice %arg13[%dma_start3A_120, %dma_start3A_121] : memref<1x128xi32, #tpu.memory_space<vmem>> -> memref<1x128xi32, #tpu.memory_space<vmem>>
    %dma_start3A_123 = tpu.memref_squeeze %dma_start3A_122 : memref<1x128xi32, #tpu.memory_space<vmem>> -> memref<128xi32, #tpu.memory_space<vmem>>
    %dma_start3A_124 = tpu.memref_slice %arg3[%dma_start3A_119, %multiple_of3A_106] : memref<2x640000xi32, #tpu.memory_space<hbm>> -> memref<1x128xi32, #tpu.memory_space<hbm>>
    %dma_start3A_125 = tpu.memref_squeeze %dma_start3A_124 : memref<1x128xi32, #tpu.memory_space<hbm>> -> memref<128xi32, #tpu.memory_space<hbm>>
    %dma_start3A_126 = arith.constant 0 : i32
    %dma_start3A_127 = tpu.memref_slice %arg13[%dma_start3A_120, %dma_start3A_126] : memref<1x128xi32, #tpu.memory_space<vmem>> -> memref<1x128xi32, #tpu.memory_space<vmem>>
    %dma_start3A_128 = tpu.memref_squeeze %dma_start3A_127 : memref<1x128xi32, #tpu.memory_space<vmem>> -> memref<128xi32, #tpu.memory_space<vmem>>
    %dma_start3A_129 = tpu.memref_slice %arg3[%dma_start3A_119, %multiple_of3A_106] : memref<2x640000xi32, #tpu.memory_space<hbm>> -> memref<1x128xi32, #tpu.memory_space<hbm>>
    %dma_start3A_130 = tpu.memref_squeeze %dma_start3A_129 : memref<1x128xi32, #tpu.memory_space<hbm>> -> memref<128xi32, #tpu.memory_space<hbm>>
    tpu.enqueue_dma source(%dma_start3A_130 : memref<128xi32, #tpu.memory_space<hbm>>) target(%dma_start3A_128 : memref<128xi32, #tpu.memory_space<vmem>>) target_semaphore(%arg29 : memref<!tpu.dma_semaphore, #tpu.memory_space<semaphore_mem>>)
    %add3A_131 = arith.constant 3 : i32
    %add3A_132 = arith.addi %select_n3A, %add3A_131 : i32
    %mul3A_133 = arith.constant 128 : i32
    %mul3A_134 = arith.muli %add3A_132, %mul3A_133 : i32
    %multiple_of3A_135 = tpu.assume_multiple %mul3A_134, 8 : i32
    %dma_start3A_136 = arith.constant 0 : i32
    %dma_start3A_137 = arith.constant 0 : i32
    %dma_start3A_138 = arith.constant 0 : i32
    %dma_start3A_139 = tpu.memref_slice %arg8[%dma_start3A_137, %dma_start3A_138] : memref<1x128xi32, #tpu.memory_space<vmem>> -> memref<1x128xi32, #tpu.memory_space<vmem>>
    %dma_start3A_140 = tpu.memref_squeeze %dma_start3A_139 : memref<1x128xi32, #tpu.memory_space<vmem>> -> memref<128xi32, #tpu.memory_space<vmem>>
    %dma_start3A_141 = tpu.memref_slice %arg3[%dma_start3A_136, %multiple_of3A_135] : memref<2x640000xi32, #tpu.memory_space<hbm>> -> memref<1x128xi32, #tpu.memory_space<hbm>>
    %dma_start3A_142 = tpu.memref_squeeze %dma_start3A_141 : memref<1x128xi32, #tpu.memory_space<hbm>> -> memref<128xi32, #tpu.memory_space<hbm>>
    %dma_start3A_143 = arith.constant 0 : i32
    %dma_start3A_144 = tpu.memref_slice %arg8[%dma_start3A_137, %dma_start3A_143] : memref<1x128xi32, #tpu.memory_space<vmem>> -> memref<1x128xi32, #tpu.memory_space<vmem>>
    %dma_start3A_145 = tpu.memref_squeeze %dma_start3A_144 : memref<1x128xi32, #tpu.memory_space<vmem>> -> memref<128xi32, #tpu.memory_space<vmem>>
    %dma_start3A_146 = tpu.memref_slice %arg3[%dma_start3A_136, %multiple_of3A_135] : memref<2x640000xi32, #tpu.memory_space<hbm>> -> memref<1x128xi32, #tpu.memory_space<hbm>>
    %dma_start3A_147 = tpu.memref_squeeze %dma_start3A_146 : memref<1x128xi32, #tpu.memory_space<hbm>> -> memref<128xi32, #tpu.memory_space<hbm>>
    tpu.enqueue_dma source(%dma_start3A_147 : memref<128xi32, #tpu.memory_space<hbm>>) target(%dma_start3A_145 : memref<128xi32, #tpu.memory_space<vmem>>) target_semaphore(%arg30 : memref<!tpu.dma_semaphore, #tpu.memory_space<semaphore_mem>>)
    %dma_start3A_148 = arith.constant 1 : i32
    %dma_start3A_149 = arith.constant 0 : i32
    %dma_start3A_150 = arith.constant 0 : i32
    %dma_start3A_151 = tpu.memref_slice %arg14[%dma_start3A_149, %dma_start3A_150] : memref<1x128xi32, #tpu.memory_space<vmem>> -> memref<1x128xi32, #tpu.memory_space<vmem>>
    %dma_start3A_152 = tpu.memref_squeeze %dma_start3A_151 : memref<1x128xi32, #tpu.memory_space<vmem>> -> memref<128xi32, #tpu.memory_space<vmem>>
    %dma_start3A_153 = tpu.memref_slice %arg3[%dma_start3A_148, %multiple_of3A_135] : memref<2x640000xi32, #tpu.memory_space<hbm>> -> memref<1x128xi32, #tpu.memory_space<hbm>>
    %dma_start3A_154 = tpu.memref_squeeze %dma_start3A_153 : memref<1x128xi32, #tpu.memory_space<hbm>> -> memref<128xi32, #tpu.memory_space<hbm>>
    %dma_start3A_155 = arith.constant 0 : i32
    %dma_start3A_156 = tpu.memref_slice %arg14[%dma_start3A_149, %dma_start3A_155] : memref<1x128xi32, #tpu.memory_space<vmem>> -> memref<1x128xi32, #tpu.memory_space<vmem>>
    %dma_start3A_157 = tpu.memref_squeeze %dma_start3A_156 : memref<1x128xi32, #tpu.memory_space<vmem>> -> memref<128xi32, #tpu.memory_space<vmem>>
    %dma_start3A_158 = tpu.memref_slice %arg3[%dma_start3A_148, %multiple_of3A_135] : memref<2x640000xi32, #tpu.memory_space<hbm>> -> memref<1x128xi32, #tpu.memory_space<hbm>>
    %dma_start3A_159 = tpu.memref_squeeze %dma_start3A_158 : memref<1x128xi32, #tpu.memory_space<hbm>> -> memref<128xi32, #tpu.memory_space<hbm>>
    tpu.enqueue_dma source(%dma_start3A_159 : memref<128xi32, #tpu.memory_space<hbm>>) target(%dma_start3A_157 : memref<128xi32, #tpu.memory_space<vmem>>) target_semaphore(%arg30 : memref<!tpu.dma_semaphore, #tpu.memory_space<semaphore_mem>>)
    %dma_wait3A = arith.constant 0 : i32
    %dma_wait3A_160 = arith.constant 0 : i32
    %dma_wait3A_161 = arith.constant 0 : i32
    %dma_wait3A_162 = tpu.memref_slice %arg5[%dma_wait3A_160, %dma_wait3A_161] : memref<1x128xi32, #tpu.memory_space<vmem>> -> memref<1x128xi32, #tpu.memory_space<vmem>>
    %dma_wait3A_163 = tpu.memref_squeeze %dma_wait3A_162 : memref<1x128xi32, #tpu.memory_space<vmem>> -> memref<128xi32, #tpu.memory_space<vmem>>
    %dma_wait3A_164 = arith.constant 0 : i32
    %dma_wait3A_165 = tpu.memref_slice %arg3[%dma_wait3A, %dma_wait3A_164] : memref<2x640000xi32, #tpu.memory_space<hbm>> -> memref<1x128xi32, #tpu.memory_space<hbm>>
    %dma_wait3A_166 = tpu.memref_squeeze %dma_wait3A_165 : memref<1x128xi32, #tpu.memory_space<hbm>> -> memref<128xi32, #tpu.memory_space<hbm>>
    %dma_wait3A_167 = arith.constant 0 : i32
    %dma_wait3A_168 = tpu.memref_slice %arg5[%dma_wait3A_160, %dma_wait3A_167] : memref<1x128xi32, #tpu.memory_space<vmem>> -> memref<1x128xi32, #tpu.memory_space<vmem>>
    %dma_wait3A_169 = tpu.memref_squeeze %dma_wait3A_168 : memref<1x128xi32, #tpu.memory_space<vmem>> -> memref<128xi32, #tpu.memory_space<vmem>>
    %dma_wait3A_170 = arith.constant 0 : i32
    %dma_wait3A_171 = tpu.memref_slice %arg3[%dma_wait3A, %dma_wait3A_170] : memref<2x640000xi32, #tpu.memory_space<hbm>> -> memref<1x128xi32, #tpu.memory_space<hbm>>
    %dma_wait3A_172 = tpu.memref_squeeze %dma_wait3A_171 : memref<1x128xi32, #tpu.memory_space<hbm>> -> memref<128xi32, #tpu.memory_space<hbm>>
    tpu.wait_dma2 semaphore(%arg27 : memref<!tpu.dma_semaphore, #tpu.memory_space<semaphore_mem>>) src(%dma_wait3A_172 : memref<128xi32, #tpu.memory_space<hbm>>) dst(%dma_wait3A_169 : memref<128xi32, #tpu.memory_space<vmem>>)
    %dma_wait3A_173 = arith.constant 1 : i32
    %dma_wait3A_174 = arith.constant 0 : i32
    %dma_wait3A_175 = arith.constant 0 : i32
    %dma_wait3A_176 = tpu.memref_slice %arg11[%dma_wait3A_174, %dma_wait3A_175] : memref<1x128xi32, #tpu.memory_space<vmem>> -> memref<1x128xi32, #tpu.memory_space<vmem>>
    %dma_wait3A_177 = tpu.memref_squeeze %dma_wait3A_176 : memref<1x128xi32, #tpu.memory_space<vmem>> -> memref<128xi32, #tpu.memory_space<vmem>>
    %dma_wait3A_178 = arith.constant 0 : i32
    %dma_wait3A_179 = tpu.memref_slice %arg3[%dma_wait3A_173, %dma_wait3A_178] : memref<2x640000xi32, #tpu.memory_space<hbm>> -> memref<1x128xi32, #tpu.memory_space<hbm>>
    %dma_wait3A_180 = tpu.memref_squeeze %dma_wait3A_179 : memref<1x128xi32, #tpu.memory_space<hbm>> -> memref<128xi32, #tpu.memory_space<hbm>>
    %dma_wait3A_181 = arith.constant 0 : i32
    %dma_wait3A_182 = tpu.memref_slice %arg11[%dma_wait3A_174, %dma_wait3A_181] : memref<1x128xi32, #tpu.memory_space<vmem>> -> memref<1x128xi32, #tpu.memory_space<vmem>>
    %dma_wait3A_183 = tpu.memref_squeeze %dma_wait3A_182 : memref<1x128xi32, #tpu.memory_space<vmem>> -> memref<128xi32, #tpu.memory_space<vmem>>
    %dma_wait3A_184 = arith.constant 0 : i32
    %dma_wait3A_185 = tpu.memref_slice %arg3[%dma_wait3A_173, %dma_wait3A_184] : memref<2x640000xi32, #tpu.memory_space<hbm>> -> memref<1x128xi32, #tpu.memory_space<hbm>>
    %dma_wait3A_186 = tpu.memref_squeeze %dma_wait3A_185 : memref<1x128xi32, #tpu.memory_space<hbm>> -> memref<128xi32, #tpu.memory_space<hbm>>
    tpu.wait_dma2 semaphore(%arg27 : memref<!tpu.dma_semaphore, #tpu.memory_space<semaphore_mem>>) src(%dma_wait3A_186 : memref<128xi32, #tpu.memory_space<hbm>>) dst(%dma_wait3A_183 : memref<128xi32, #tpu.memory_space<vmem>>)
    %dma_start3A_187 = arith.constant 0 : i32
    %dma_start3A_188 = arith.constant 0 : i32
    %dma_start3A_189 = tpu.memref_slice %arg5[%dma_start3A_187, %dma_start3A_188] : memref<1x128xi32, #tpu.memory_space<vmem>> -> memref<1x128xi32, #tpu.memory_space<vmem>>
    %dma_start3A_190 = tpu.memref_squeeze %dma_start3A_189 : memref<1x128xi32, #tpu.memory_space<vmem>> -> memref<128xi32, #tpu.memory_space<vmem>>
    %dma_start3A_191 = arith.constant 0 : i32
    %dma_start3A_192 = arith.constant 0 : i32
    %dma_start3A_193 = tpu.memref_slice %arg2[%dma_start3A_191, %dma_start3A_192] : memref<10000x64xf32, #tpu.memory_space<hbm>> -> memref<10000x64xf32, #tpu.memory_space<hbm>>
    tpu.enqueue_indirect_dma source(%dma_start3A_193 : memref<10000x64xf32, #tpu.memory_space<hbm>>) target(%arg19 : memref<128x64xf32, #tpu.memory_space<vmem>>) offsets(%dma_start3A_190 : memref<128xi32, #tpu.memory_space<vmem>>) semaphore(%arg33 : memref<!tpu.dma_semaphore, #tpu.memory_space<semaphore_mem>>)
    %dma_wait3A_194 = arith.constant 0 : i32
    %dma_wait3A_195 = arith.constant 0 : i32
    %dma_wait3A_196 = arith.constant 0 : i32
    %dma_wait3A_197 = tpu.memref_slice %arg6[%dma_wait3A_195, %dma_wait3A_196] : memref<1x128xi32, #tpu.memory_space<vmem>> -> memref<1x128xi32, #tpu.memory_space<vmem>>
    %dma_wait3A_198 = tpu.memref_squeeze %dma_wait3A_197 : memref<1x128xi32, #tpu.memory_space<vmem>> -> memref<128xi32, #tpu.memory_space<vmem>>
    %dma_wait3A_199 = arith.constant 0 : i32
    %dma_wait3A_200 = tpu.memref_slice %arg3[%dma_wait3A_194, %dma_wait3A_199] : memref<2x640000xi32, #tpu.memory_space<hbm>> -> memref<1x128xi32, #tpu.memory_space<hbm>>
    %dma_wait3A_201 = tpu.memref_squeeze %dma_wait3A_200 : memref<1x128xi32, #tpu.memory_space<hbm>> -> memref<128xi32, #tpu.memory_space<hbm>>
    %dma_wait3A_202 = arith.constant 0 : i32
    %dma_wait3A_203 = tpu.memref_slice %arg6[%dma_wait3A_195, %dma_wait3A_202] : memref<1x128xi32, #tpu.memory_space<vmem>> -> memref<1x128xi32, #tpu.memory_space<vmem>>
    %dma_wait3A_204 = tpu.memref_squeeze %dma_wait3A_203 : memref<1x128xi32, #tpu.memory_space<vmem>> -> memref<128xi32, #tpu.memory_space<vmem>>
    %dma_wait3A_205 = arith.constant 0 : i32
    %dma_wait3A_206 = tpu.memref_slice %arg3[%dma_wait3A_194, %dma_wait3A_205] : memref<2x640000xi32, #tpu.memory_space<hbm>> -> memref<1x128xi32, #tpu.memory_space<hbm>>
    %dma_wait3A_207 = tpu.memref_squeeze %dma_wait3A_206 : memref<1x128xi32, #tpu.memory_space<hbm>> -> memref<128xi32, #tpu.memory_space<hbm>>
    tpu.wait_dma2 semaphore(%arg28 : memref<!tpu.dma_semaphore, #tpu.memory_space<semaphore_mem>>) src(%dma_wait3A_207 : memref<128xi32, #tpu.memory_space<hbm>>) dst(%dma_wait3A_204 : memref<128xi32, #tpu.memory_space<vmem>>)
    %dma_wait3A_208 = arith.constant 1 : i32
    %dma_wait3A_209 = arith.constant 0 : i32
    %dma_wait3A_210 = arith.constant 0 : i32
    %dma_wait3A_211 = tpu.memref_slice %arg12[%dma_wait3A_209, %dma_wait3A_210] : memref<1x128xi32, #tpu.memory_space<vmem>> -> memref<1x128xi32, #tpu.memory_space<vmem>>
    %dma_wait3A_212 = tpu.memref_squeeze %dma_wait3A_211 : memref<1x128xi32, #tpu.memory_space<vmem>> -> memref<128xi32, #tpu.memory_space<vmem>>
    %dma_wait3A_213 = arith.constant 0 : i32
    %dma_wait3A_214 = tpu.memref_slice %arg3[%dma_wait3A_208, %dma_wait3A_213] : memref<2x640000xi32, #tpu.memory_space<hbm>> -> memref<1x128xi32, #tpu.memory_space<hbm>>
    %dma_wait3A_215 = tpu.memref_squeeze %dma_wait3A_214 : memref<1x128xi32, #tpu.memory_space<hbm>> -> memref<128xi32, #tpu.memory_space<hbm>>
    %dma_wait3A_216 = arith.constant 0 : i32
    %dma_wait3A_217 = tpu.memref_slice %arg12[%dma_wait3A_209, %dma_wait3A_216] : memref<1x128xi32, #tpu.memory_space<vmem>> -> memref<1x128xi32, #tpu.memory_space<vmem>>
    %dma_wait3A_218 = tpu.memref_squeeze %dma_wait3A_217 : memref<1x128xi32, #tpu.memory_space<vmem>> -> memref<128xi32, #tpu.memory_space<vmem>>
    %dma_wait3A_219 = arith.constant 0 : i32
    %dma_wait3A_220 = tpu.memref_slice %arg3[%dma_wait3A_208, %dma_wait3A_219] : memref<2x640000xi32, #tpu.memory_space<hbm>> -> memref<1x128xi32, #tpu.memory_space<hbm>>
    %dma_wait3A_221 = tpu.memref_squeeze %dma_wait3A_220 : memref<1x128xi32, #tpu.memory_space<hbm>> -> memref<128xi32, #tpu.memory_space<hbm>>
    tpu.wait_dma2 semaphore(%arg28 : memref<!tpu.dma_semaphore, #tpu.memory_space<semaphore_mem>>) src(%dma_wait3A_221 : memref<128xi32, #tpu.memory_space<hbm>>) dst(%dma_wait3A_218 : memref<128xi32, #tpu.memory_space<vmem>>)
    %dma_start3A_222 = arith.constant 0 : i32
    %dma_start3A_223 = arith.constant 0 : i32
    %dma_start3A_224 = tpu.memref_slice %arg6[%dma_start3A_222, %dma_start3A_223] : memref<1x128xi32, #tpu.memory_space<vmem>> -> memref<1x128xi32, #tpu.memory_space<vmem>>
    %dma_start3A_225 = tpu.memref_squeeze %dma_start3A_224 : memref<1x128xi32, #tpu.memory_space<vmem>> -> memref<128xi32, #tpu.memory_space<vmem>>
    %dma_start3A_226 = arith.constant 0 : i32
    %dma_start3A_227 = arith.constant 0 : i32
    %dma_start3A_228 = tpu.memref_slice %arg2[%dma_start3A_226, %dma_start3A_227] : memref<10000x64xf32, #tpu.memory_space<hbm>> -> memref<10000x64xf32, #tpu.memory_space<hbm>>
    tpu.enqueue_indirect_dma source(%dma_start3A_228 : memref<10000x64xf32, #tpu.memory_space<hbm>>) target(%arg20 : memref<128x64xf32, #tpu.memory_space<vmem>>) offsets(%dma_start3A_225 : memref<128xi32, #tpu.memory_space<vmem>>) semaphore(%arg34 : memref<!tpu.dma_semaphore, #tpu.memory_space<semaphore_mem>>)
    %dma_wait3A_229 = arith.constant 0 : i32
    %dma_wait3A_230 = arith.constant 0 : i32
    %dma_wait3A_231 = arith.constant 0 : i32
    %dma_wait3A_232 = tpu.memref_slice %arg7[%dma_wait3A_230, %dma_wait3A_231] : memref<1x128xi32, #tpu.memory_space<vmem>> -> memref<1x128xi32, #tpu.memory_space<vmem>>
    %dma_wait3A_233 = tpu.memref_squeeze %dma_wait3A_232 : memref<1x128xi32, #tpu.memory_space<vmem>> -> memref<128xi32, #tpu.memory_space<vmem>>
    %dma_wait3A_234 = arith.constant 0 : i32
    %dma_wait3A_235 = tpu.memref_slice %arg3[%dma_wait3A_229, %dma_wait3A_234] : memref<2x640000xi32, #tpu.memory_space<hbm>> -> memref<1x128xi32, #tpu.memory_space<hbm>>
    %dma_wait3A_236 = tpu.memref_squeeze %dma_wait3A_235 : memref<1x128xi32, #tpu.memory_space<hbm>> -> memref<128xi32, #tpu.memory_space<hbm>>
    %dma_wait3A_237 = arith.constant 0 : i32
    %dma_wait3A_238 = tpu.memref_slice %arg7[%dma_wait3A_230, %dma_wait3A_237] : memref<1x128xi32, #tpu.memory_space<vmem>> -> memref<1x128xi32, #tpu.memory_space<vmem>>
    %dma_wait3A_239 = tpu.memref_squeeze %dma_wait3A_238 : memref<1x128xi32, #tpu.memory_space<vmem>> -> memref<128xi32, #tpu.memory_space<vmem>>
    %dma_wait3A_240 = arith.constant 0 : i32
    %dma_wait3A_241 = tpu.memref_slice %arg3[%dma_wait3A_229, %dma_wait3A_240] : memref<2x640000xi32, #tpu.memory_space<hbm>> -> memref<1x128xi32, #tpu.memory_space<hbm>>
    %dma_wait3A_242 = tpu.memref_squeeze %dma_wait3A_241 : memref<1x128xi32, #tpu.memory_space<hbm>> -> memref<128xi32, #tpu.memory_space<hbm>>
    tpu.wait_dma2 semaphore(%arg29 : memref<!tpu.dma_semaphore, #tpu.memory_space<semaphore_mem>>) src(%dma_wait3A_242 : memref<128xi32, #tpu.memory_space<hbm>>) dst(%dma_wait3A_239 : memref<128xi32, #tpu.memory_space<vmem>>)
    %dma_wait3A_243 = arith.constant 1 : i32
    %dma_wait3A_244 = arith.constant 0 : i32
    %dma_wait3A_245 = arith.constant 0 : i32
    %dma_wait3A_246 = tpu.memref_slice %arg13[%dma_wait3A_244, %dma_wait3A_245] : memref<1x128xi32, #tpu.memory_space<vmem>> -> memref<1x128xi32, #tpu.memory_space<vmem>>
    %dma_wait3A_247 = tpu.memref_squeeze %dma_wait3A_246 : memref<1x128xi32, #tpu.memory_space<vmem>> -> memref<128xi32, #tpu.memory_space<vmem>>
    %dma_wait3A_248 = arith.constant 0 : i32
    %dma_wait3A_249 = tpu.memref_slice %arg3[%dma_wait3A_243, %dma_wait3A_248] : memref<2x640000xi32, #tpu.memory_space<hbm>> -> memref<1x128xi32, #tpu.memory_space<hbm>>
    %dma_wait3A_250 = tpu.memref_squeeze %dma_wait3A_249 : memref<1x128xi32, #tpu.memory_space<hbm>> -> memref<128xi32, #tpu.memory_space<hbm>>
    %dma_wait3A_251 = arith.constant 0 : i32
    %dma_wait3A_252 = tpu.memref_slice %arg13[%dma_wait3A_244, %dma_wait3A_251] : memref<1x128xi32, #tpu.memory_space<vmem>> -> memref<1x128xi32, #tpu.memory_space<vmem>>
    %dma_wait3A_253 = tpu.memref_squeeze %dma_wait3A_252 : memref<1x128xi32, #tpu.memory_space<vmem>> -> memref<128xi32, #tpu.memory_space<vmem>>
    %dma_wait3A_254 = arith.constant 0 : i32
    %dma_wait3A_255 = tpu.memref_slice %arg3[%dma_wait3A_243, %dma_wait3A_254] : memref<2x640000xi32, #tpu.memory_space<hbm>> -> memref<1x128xi32, #tpu.memory_space<hbm>>
    %dma_wait3A_256 = tpu.memref_squeeze %dma_wait3A_255 : memref<1x128xi32, #tpu.memory_space<hbm>> -> memref<128xi32, #tpu.memory_space<hbm>>
    tpu.wait_dma2 semaphore(%arg29 : memref<!tpu.dma_semaphore, #tpu.memory_space<semaphore_mem>>) src(%dma_wait3A_256 : memref<128xi32, #tpu.memory_space<hbm>>) dst(%dma_wait3A_253 : memref<128xi32, #tpu.memory_space<vmem>>)
    %dma_start3A_257 = arith.constant 0 : i32
    %dma_start3A_258 = arith.constant 0 : i32
    %dma_start3A_259 = tpu.memref_slice %arg7[%dma_start3A_257, %dma_start3A_258] : memref<1x128xi32, #tpu.memory_space<vmem>> -> memref<1x128xi32, #tpu.memory_space<vmem>>
    %dma_start3A_260 = tpu.memref_squeeze %dma_start3A_259 : memref<1x128xi32, #tpu.memory_space<vmem>> -> memref<128xi32, #tpu.memory_space<vmem>>
    %dma_start3A_261 = arith.constant 0 : i32
    %dma_start3A_262 = arith.constant 0 : i32
    %dma_start3A_263 = tpu.memref_slice %arg2[%dma_start3A_261, %dma_start3A_262] : memref<10000x64xf32, #tpu.memory_space<hbm>> -> memref<10000x64xf32, #tpu.memory_space<hbm>>
    tpu.enqueue_indirect_dma source(%dma_start3A_263 : memref<10000x64xf32, #tpu.memory_space<hbm>>) target(%arg21 : memref<128x64xf32, #tpu.memory_space<vmem>>) offsets(%dma_start3A_260 : memref<128xi32, #tpu.memory_space<vmem>>) semaphore(%arg35 : memref<!tpu.dma_semaphore, #tpu.memory_space<semaphore_mem>>)
    %scan3A_264 = arith.constant 0 : i32
    %scan3A_265 = arith.constant 0 : i32
    %scan3A_266 = arith.constant 26 : i32
    %scan3A_267 = arith.addi %scan3A_265, %scan3A_266 : i32
    %scan3A_268 = arith.constant 1 : i32
    %scan3A_269 = scf.for %scan3A_301 = %scan3A_265 to %scan3A_267 step %scan3A_268 iter_args(%scan3A_302 = %scan3A_264) -> (i32)  : i32 {
      %mul3A_303 = arith.constant 6 : i32
      %mul3A_304 = arith.muli %mul3A_303, %scan3A_301 : i32
      %add3A_305 = arith.constant 0 : i32
      %add3A_306 = arith.addi %mul3A_304, %add3A_305 : i32
      %ge3A = arith.constant 2 : i32
      %ge3A_307 = arith.cmpi sge, %add3A_306, %ge3A : i32
      %convert_element_type3A_308 = arith.extui %ge3A_307 : i1 to i32
      %cond3A_309 = arith.constant 0 : i32
      %cond3A_310 = arith.cmpi ne, %convert_element_type3A_308, %cond3A_309 : i32
      scf.if %cond3A_310 {
        %dma_wait3A_501 = arith.constant 0 : i32
        %dma_wait3A_502 = arith.constant 0 : i32
        %dma_wait3A_503 = tpu.memref_slice %arg15[%dma_wait3A_501, %dma_wait3A_502] : memref<1x128xi32, #tpu.memory_space<vmem>> -> memref<1x128xi32, #tpu.memory_space<vmem>>
        %dma_wait3A_504 = tpu.memref_squeeze %dma_wait3A_503 : memref<1x128xi32, #tpu.memory_space<vmem>> -> memref<128xi32, #tpu.memory_space<vmem>>
        %dma_wait3A_505 = arith.constant 0 : i32
        %dma_wait3A_506 = arith.constant 0 : i32
        %dma_wait3A_507 = tpu.memref_slice %arg26[%dma_wait3A_505, %dma_wait3A_506] : memref<10000x64xf32, #tpu.memory_space<vmem_shared>> -> memref<10000x64xf32, #tpu.memory_space<vmem_shared>>
        tpu.wait_indirect_dma semaphore(%arg43 : memref<!tpu.dma_semaphore, #tpu.memory_space<semaphore_mem>>) src(%arg23 : memref<128x64xf32, #tpu.memory_space<vmem>>) dst(%dma_wait3A_507 : memref<10000x64xf32, #tpu.memory_space<vmem_shared>>)
      } else {
      }
      %lt3A_311 = arith.constant 152 : i32
      %lt3A_312 = arith.cmpi slt, %add3A_306, %lt3A_311 : i32
      %convert_element_type3A_313 = arith.extui %lt3A_312 : i1 to i32
      %cond3A_314 = arith.constant 0 : i32
      %cond3A_315 = arith.cmpi ne, %convert_element_type3A_313, %cond3A_314 : i32
      scf.if %cond3A_315 {
        %add3A_501 = arith.constant 4 : i32
        %add3A_502 = arith.addi %add3A_306, %add3A_501 : i32
        %add3A_503 = arith.addi %select_n3A, %add3A_502 : i32
        %mul3A_504 = arith.constant 128 : i32
        %mul3A_505 = arith.muli %add3A_503, %mul3A_504 : i32
        %multiple_of3A_506 = tpu.assume_multiple %mul3A_505, 8 : i32
        %dma_start3A_507 = arith.constant 0 : i32
        %dma_start3A_508 = arith.constant 0 : i32
        %dma_start3A_509 = arith.constant 0 : i32
        %dma_start3A_510 = tpu.memref_slice %arg9[%dma_start3A_508, %dma_start3A_509] : memref<1x128xi32, #tpu.memory_space<vmem>> -> memref<1x128xi32, #tpu.memory_space<vmem>>
        %dma_start3A_511 = tpu.memref_squeeze %dma_start3A_510 : memref<1x128xi32, #tpu.memory_space<vmem>> -> memref<128xi32, #tpu.memory_space<vmem>>
        %dma_start3A_512 = tpu.memref_slice %arg3[%dma_start3A_507, %multiple_of3A_506] : memref<2x640000xi32, #tpu.memory_space<hbm>> -> memref<1x128xi32, #tpu.memory_space<hbm>>
        %dma_start3A_513 = tpu.memref_squeeze %dma_start3A_512 : memref<1x128xi32, #tpu.memory_space<hbm>> -> memref<128xi32, #tpu.memory_space<hbm>>
        %dma_start3A_514 = arith.constant 0 : i32
        %dma_start3A_515 = tpu.memref_slice %arg9[%dma_start3A_508, %dma_start3A_514] : memref<1x128xi32, #tpu.memory_space<vmem>> -> memref<1x128xi32, #tpu.memory_space<vmem>>
        %dma_start3A_516 = tpu.memref_squeeze %dma_start3A_515 : memref<1x128xi32, #tpu.memory_space<vmem>> -> memref<128xi32, #tpu.memory_space<vmem>>
        %dma_start3A_517 = tpu.memref_slice %arg3[%dma_start3A_507, %multiple_of3A_506] : memref<2x640000xi32, #tpu.memory_space<hbm>> -> memref<1x128xi32, #tpu.memory_space<hbm>>
        %dma_start3A_518 = tpu.memref_squeeze %dma_start3A_517 : memref<1x128xi32, #tpu.memory_space<hbm>> -> memref<128xi32, #tpu.memory_space<hbm>>
        tpu.enqueue_dma source(%dma_start3A_518 : memref<128xi32, #tpu.memory_space<hbm>>) target(%dma_start3A_516 : memref<128xi32, #tpu.memory_space<vmem>>) target_semaphore(%arg31 : memref<!tpu.dma_semaphore, #tpu.memory_space<semaphore_mem>>)
        %dma_start3A_519 = arith.constant 1 : i32
        %dma_start3A_520 = arith.constant 0 : i32
        %dma_start3A_521 = arith.constant 0 : i32
        %dma_start3A_522 = tpu.memref_slice %arg15[%dma_start3A_520, %dma_start3A_521] : memref<1x128xi32, #tpu.memory_space<vmem>> -> memref<1x128xi32, #tpu.memory_space<vmem>>
        %dma_start3A_523 = tpu.memref_squeeze %dma_start3A_522 : memref<1x128xi32, #tpu.memory_space<vmem>> -> memref<128xi32, #tpu.memory_space<vmem>>
        %dma_start3A_524 = tpu.memref_slice %arg3[%dma_start3A_519, %multiple_of3A_506] : memref<2x640000xi32, #tpu.memory_space<hbm>> -> memref<1x128xi32, #tpu.memory_space<hbm>>
        %dma_start3A_525 = tpu.memref_squeeze %dma_start3A_524 : memref<1x128xi32, #tpu.memory_space<hbm>> -> memref<128xi32, #tpu.memory_space<hbm>>
        %dma_start3A_526 = arith.constant 0 : i32
        %dma_start3A_527 = tpu.memref_slice %arg15[%dma_start3A_520, %dma_start3A_526] : memref<1x128xi32, #tpu.memory_space<vmem>> -> memref<1x128xi32, #tpu.memory_space<vmem>>
        %dma_start3A_528 = tpu.memref_squeeze %dma_start3A_527 : memref<1x128xi32, #tpu.memory_space<vmem>> -> memref<128xi32, #tpu.memory_space<vmem>>
        %dma_start3A_529 = tpu.memref_slice %arg3[%dma_start3A_519, %multiple_of3A_506] : memref<2x640000xi32, #tpu.memory_space<hbm>> -> memref<1x128xi32, #tpu.memory_space<hbm>>
        %dma_start3A_530 = tpu.memref_squeeze %dma_start3A_529 : memref<1x128xi32, #tpu.memory_space<hbm>> -> memref<128xi32, #tpu.memory_space<hbm>>
        tpu.enqueue_dma source(%dma_start3A_530 : memref<128xi32, #tpu.memory_space<hbm>>) target(%dma_start3A_528 : memref<128xi32, #tpu.memory_space<vmem>>) target_semaphore(%arg31 : memref<!tpu.dma_semaphore, #tpu.memory_space<semaphore_mem>>)
      } else {
      }
      %dma_wait3A_316 = arith.constant 0 : i32
      %dma_wait3A_317 = arith.constant 0 : i32
      %dma_wait3A_318 = tpu.memref_slice %arg5[%dma_wait3A_316, %dma_wait3A_317] : memref<1x128xi32, #tpu.memory_space<vmem>> -> memref<1x128xi32, #tpu.memory_space<vmem>>
      %dma_wait3A_319 = tpu.memref_squeeze %dma_wait3A_318 : memref<1x128xi32, #tpu.memory_space<vmem>> -> memref<128xi32, #tpu.memory_space<vmem>>
      %dma_wait3A_320 = arith.constant 0 : i32
      %dma_wait3A_321 = arith.constant 0 : i32
      %dma_wait3A_322 = tpu.memref_slice %arg2[%dma_wait3A_320, %dma_wait3A_321] : memref<10000x64xf32, #tpu.memory_space<hbm>> -> memref<10000x64xf32, #tpu.memory_space<hbm>>
      tpu.wait_indirect_dma semaphore(%arg33 : memref<!tpu.dma_semaphore, #tpu.memory_space<semaphore_mem>>) src(%dma_wait3A_322 : memref<10000x64xf32, #tpu.memory_space<hbm>>) dst(%arg19 : memref<128x64xf32, #tpu.memory_space<vmem>>)
      %lt3A_323 = arith.constant 153 : i32
      %lt3A_324 = arith.cmpi slt, %add3A_306, %lt3A_323 : i32
      %convert_element_type3A_325 = arith.extui %lt3A_324 : i1 to i32
      %cond3A_326 = arith.constant 0 : i32
      %cond3A_327 = arith.cmpi ne, %convert_element_type3A_325, %cond3A_326 : i32
      scf.if %cond3A_327 {
        %dma_wait3A_501 = arith.constant 0 : i32
        %dma_wait3A_502 = arith.constant 0 : i32
        %dma_wait3A_503 = arith.constant 0 : i32
        %dma_wait3A_504 = tpu.memref_slice %arg8[%dma_wait3A_502, %dma_wait3A_503] : memref<1x128xi32, #tpu.memory_space<vmem>> -> memref<1x128xi32, #tpu.memory_space<vmem>>
        %dma_wait3A_505 = tpu.memref_squeeze %dma_wait3A_504 : memref<1x128xi32, #tpu.memory_space<vmem>> -> memref<128xi32, #tpu.memory_space<vmem>>
        %dma_wait3A_506 = arith.constant 0 : i32
        %dma_wait3A_507 = tpu.memref_slice %arg3[%dma_wait3A_501, %dma_wait3A_506] : memref<2x640000xi32, #tpu.memory_space<hbm>> -> memref<1x128xi32, #tpu.memory_space<hbm>>
        %dma_wait3A_508 = tpu.memref_squeeze %dma_wait3A_507 : memref<1x128xi32, #tpu.memory_space<hbm>> -> memref<128xi32, #tpu.memory_space<hbm>>
        %dma_wait3A_509 = arith.constant 0 : i32
        %dma_wait3A_510 = tpu.memref_slice %arg8[%dma_wait3A_502, %dma_wait3A_509] : memref<1x128xi32, #tpu.memory_space<vmem>> -> memref<1x128xi32, #tpu.memory_space<vmem>>
        %dma_wait3A_511 = tpu.memref_squeeze %dma_wait3A_510 : memref<1x128xi32, #tpu.memory_space<vmem>> -> memref<128xi32, #tpu.memory_space<vmem>>
        %dma_wait3A_512 = arith.constant 0 : i32
        %dma_wait3A_513 = tpu.memref_slice %arg3[%dma_wait3A_501, %dma_wait3A_512] : memref<2x640000xi32, #tpu.memory_space<hbm>> -> memref<1x128xi32, #tpu.memory_space<hbm>>
        %dma_wait3A_514 = tpu.memref_squeeze %dma_wait3A_513 : memref<1x128xi32, #tpu.memory_space<hbm>> -> memref<128xi32, #tpu.memory_space<hbm>>
        tpu.wait_dma2 semaphore(%arg30 : memref<!tpu.dma_semaphore, #tpu.memory_space<semaphore_mem>>) src(%dma_wait3A_514 : memref<128xi32, #tpu.memory_space<hbm>>) dst(%dma_wait3A_511 : memref<128xi32, #tpu.memory_space<vmem>>)
        %dma_wait3A_515 = arith.constant 1 : i32
        %dma_wait3A_516 = arith.constant 0 : i32
        %dma_wait3A_517 = arith.constant 0 : i32
        %dma_wait3A_518 = tpu.memref_slice %arg14[%dma_wait3A_516, %dma_wait3A_517] : memref<1x128xi32, #tpu.memory_space<vmem>> -> memref<1x128xi32, #tpu.memory_space<vmem>>
        %dma_wait3A_519 = tpu.memref_squeeze %dma_wait3A_518 : memref<1x128xi32, #tpu.memory_space<vmem>> -> memref<128xi32, #tpu.memory_space<vmem>>
        %dma_wait3A_520 = arith.constant 0 : i32
        %dma_wait3A_521 = tpu.memref_slice %arg3[%dma_wait3A_515, %dma_wait3A_520] : memref<2x640000xi32, #tpu.memory_space<hbm>> -> memref<1x128xi32, #tpu.memory_space<hbm>>
        %dma_wait3A_522 = tpu.memref_squeeze %dma_wait3A_521 : memref<1x128xi32, #tpu.memory_space<hbm>> -> memref<128xi32, #tpu.memory_space<hbm>>
        %dma_wait3A_523 = arith.constant 0 : i32
        %dma_wait3A_524 = tpu.memref_slice %arg14[%dma_wait3A_516, %dma_wait3A_523] : memref<1x128xi32, #tpu.memory_space<vmem>> -> memref<1x128xi32, #tpu.memory_space<vmem>>
        %dma_wait3A_525 = tpu.memref_squeeze %dma_wait3A_524 : memref<1x128xi32, #tpu.memory_space<vmem>> -> memref<128xi32, #tpu.memory_space<vmem>>
        %dma_wait3A_526 = arith.constant 0 : i32
        %dma_wait3A_527 = tpu.memref_slice %arg3[%dma_wait3A_515, %dma_wait3A_526] : memref<2x640000xi32, #tpu.memory_space<hbm>> -> memref<1x128xi32, #tpu.memory_space<hbm>>
        %dma_wait3A_528 = tpu.memref_squeeze %dma_wait3A_527 : memref<1x128xi32, #tpu.memory_space<hbm>> -> memref<128xi32, #tpu.memory_space<hbm>>
        tpu.wait_dma2 semaphore(%arg30 : memref<!tpu.dma_semaphore, #tpu.memory_space<semaphore_mem>>) src(%dma_wait3A_528 : memref<128xi32, #tpu.memory_space<hbm>>) dst(%dma_wait3A_525 : memref<128xi32, #tpu.memory_space<vmem>>)
        %dma_start3A_529 = arith.constant 0 : i32
        %dma_start3A_530 = arith.constant 0 : i32
        %dma_start3A_531 = tpu.memref_slice %arg8[%dma_start3A_529, %dma_start3A_530] : memref<1x128xi32, #tpu.memory_space<vmem>> -> memref<1x128xi32, #tpu.memory_space<vmem>>
        %dma_start3A_532 = tpu.memref_squeeze %dma_start3A_531 : memref<1x128xi32, #tpu.memory_space<vmem>> -> memref<128xi32, #tpu.memory_space<vmem>>
        %dma_start3A_533 = arith.constant 0 : i32
        %dma_start3A_534 = arith.constant 0 : i32
        %dma_start3A_535 = tpu.memref_slice %arg2[%dma_start3A_533, %dma_start3A_534] : memref<10000x64xf32, #tpu.memory_space<hbm>> -> memref<10000x64xf32, #tpu.memory_space<hbm>>
        tpu.enqueue_indirect_dma source(%dma_start3A_535 : memref<10000x64xf32, #tpu.memory_space<hbm>>) target(%arg22 : memref<128x64xf32, #tpu.memory_space<vmem>>) offsets(%dma_start3A_532 : memref<128xi32, #tpu.memory_space<vmem>>) semaphore(%arg36 : memref<!tpu.dma_semaphore, #tpu.memory_space<semaphore_mem>>)
      } else {
      }
      %dma_start3A_328 = arith.constant 0 : i32
      %dma_start3A_329 = arith.constant 0 : i32
      %dma_start3A_330 = tpu.memref_slice %arg11[%dma_start3A_328, %dma_start3A_329] : memref<1x128xi32, #tpu.memory_space<vmem>> -> memref<1x128xi32, #tpu.memory_space<vmem>>
      %dma_start3A_331 = tpu.memref_squeeze %dma_start3A_330 : memref<1x128xi32, #tpu.memory_space<vmem>> -> memref<128xi32, #tpu.memory_space<vmem>>
      %dma_start3A_332 = arith.constant 0 : i32
      %dma_start3A_333 = arith.constant 0 : i32
      %dma_start3A_334 = tpu.memref_slice %arg26[%dma_start3A_332, %dma_start3A_333] : memref<10000x64xf32, #tpu.memory_space<vmem_shared>> -> memref<10000x64xf32, #tpu.memory_space<vmem_shared>>
      tpu.enqueue_indirect_dma source(%arg19 : memref<128x64xf32, #tpu.memory_space<vmem>>) target(%dma_start3A_334 : memref<10000x64xf32, #tpu.memory_space<vmem_shared>>) offsets(%dma_start3A_331 : memref<128xi32, #tpu.memory_space<vmem>>) semaphore(%arg39 : memref<!tpu.dma_semaphore, #tpu.memory_space<semaphore_mem>>) {add = true}
      %mul3A_335 = arith.constant 6 : i32
      %mul3A_336 = arith.muli %mul3A_335, %scan3A_301 : i32
      %add3A_337 = arith.constant 1 : i32
      %add3A_338 = arith.addi %mul3A_336, %add3A_337 : i32
      %ge3A_339 = arith.constant 2 : i32
      %ge3A_340 = arith.cmpi sge, %add3A_338, %ge3A_339 : i32
      %convert_element_type3A_341 = arith.extui %ge3A_340 : i1 to i32
      %cond3A_342 = arith.constant 0 : i32
      %cond3A_343 = arith.cmpi ne, %convert_element_type3A_341, %cond3A_342 : i32
      scf.if %cond3A_343 {
        %dma_wait3A_501 = arith.constant 0 : i32
        %dma_wait3A_502 = arith.constant 0 : i32
        %dma_wait3A_503 = tpu.memref_slice %arg16[%dma_wait3A_501, %dma_wait3A_502] : memref<1x128xi32, #tpu.memory_space<vmem>> -> memref<1x128xi32, #tpu.memory_space<vmem>>
        %dma_wait3A_504 = tpu.memref_squeeze %dma_wait3A_503 : memref<1x128xi32, #tpu.memory_space<vmem>> -> memref<128xi32, #tpu.memory_space<vmem>>
        %dma_wait3A_505 = arith.constant 0 : i32
        %dma_wait3A_506 = arith.constant 0 : i32
        %dma_wait3A_507 = tpu.memref_slice %arg26[%dma_wait3A_505, %dma_wait3A_506] : memref<10000x64xf32, #tpu.memory_space<vmem_shared>> -> memref<10000x64xf32, #tpu.memory_space<vmem_shared>>
        tpu.wait_indirect_dma semaphore(%arg44 : memref<!tpu.dma_semaphore, #tpu.memory_space<semaphore_mem>>) src(%arg24 : memref<128x64xf32, #tpu.memory_space<vmem>>) dst(%dma_wait3A_507 : memref<10000x64xf32, #tpu.memory_space<vmem_shared>>)
      } else {
      }
      %lt3A_344 = arith.constant 152 : i32
      %lt3A_345 = arith.cmpi slt, %add3A_338, %lt3A_344 : i32
      %convert_element_type3A_346 = arith.extui %lt3A_345 : i1 to i32
      %cond3A_347 = arith.constant 0 : i32
      %cond3A_348 = arith.cmpi ne, %convert_element_type3A_346, %cond3A_347 : i32
      scf.if %cond3A_348 {
        %add3A_501 = arith.constant 4 : i32
        %add3A_502 = arith.addi %add3A_338, %add3A_501 : i32
        %add3A_503 = arith.addi %select_n3A, %add3A_502 : i32
        %mul3A_504 = arith.constant 128 : i32
        %mul3A_505 = arith.muli %add3A_503, %mul3A_504 : i32
        %multiple_of3A_506 = tpu.assume_multiple %mul3A_505, 8 : i32
        %dma_start3A_507 = arith.constant 0 : i32
        %dma_start3A_508 = arith.constant 0 : i32
        %dma_start3A_509 = arith.constant 0 : i32
        %dma_start3A_510 = tpu.memref_slice %arg10[%dma_start3A_508, %dma_start3A_509] : memref<1x128xi32, #tpu.memory_space<vmem>> -> memref<1x128xi32, #tpu.memory_space<vmem>>
        %dma_start3A_511 = tpu.memref_squeeze %dma_start3A_510 : memref<1x128xi32, #tpu.memory_space<vmem>> -> memref<128xi32, #tpu.memory_space<vmem>>
        %dma_start3A_512 = tpu.memref_slice %arg3[%dma_start3A_507, %multiple_of3A_506] : memref<2x640000xi32, #tpu.memory_space<hbm>> -> memref<1x128xi32, #tpu.memory_space<hbm>>
        %dma_start3A_513 = tpu.memref_squeeze %dma_start3A_512 : memref<1x128xi32, #tpu.memory_space<hbm>> -> memref<128xi32, #tpu.memory_space<hbm>>
        %dma_start3A_514 = arith.constant 0 : i32
        %dma_start3A_515 = tpu.memref_slice %arg10[%dma_start3A_508, %dma_start3A_514] : memref<1x128xi32, #tpu.memory_space<vmem>> -> memref<1x128xi32, #tpu.memory_space<vmem>>
        %dma_start3A_516 = tpu.memref_squeeze %dma_start3A_515 : memref<1x128xi32, #tpu.memory_space<vmem>> -> memref<128xi32, #tpu.memory_space<vmem>>
        %dma_start3A_517 = tpu.memref_slice %arg3[%dma_start3A_507, %multiple_of3A_506] : memref<2x640000xi32, #tpu.memory_space<hbm>> -> memref<1x128xi32, #tpu.memory_space<hbm>>
        %dma_start3A_518 = tpu.memref_squeeze %dma_start3A_517 : memref<1x128xi32, #tpu.memory_space<hbm>> -> memref<128xi32, #tpu.memory_space<hbm>>
        tpu.enqueue_dma source(%dma_start3A_518 : memref<128xi32, #tpu.memory_space<hbm>>) target(%dma_start3A_516 : memref<128xi32, #tpu.memory_space<vmem>>) target_semaphore(%arg32 : memref<!tpu.dma_semaphore, #tpu.memory_space<semaphore_mem>>)
        %dma_start3A_519 = arith.constant 1 : i32
        %dma_start3A_520 = arith.constant 0 : i32
        %dma_start3A_521 = arith.constant 0 : i32
        %dma_start3A_522 = tpu.memref_slice %arg16[%dma_start3A_520, %dma_start3A_521] : memref<1x128xi32, #tpu.memory_space<vmem>> -> memref<1x128xi32, #tpu.memory_space<vmem>>
        %dma_start3A_523 = tpu.memref_squeeze %dma_start3A_522 : memref<1x128xi32, #tpu.memory_space<vmem>> -> memref<128xi32, #tpu.memory_space<vmem>>
        %dma_start3A_524 = tpu.memref_slice %arg3[%dma_start3A_519, %multiple_of3A_506] : memref<2x640000xi32, #tpu.memory_space<hbm>> -> memref<1x128xi32, #tpu.memory_space<hbm>>
        %dma_start3A_525 = tpu.memref_squeeze %dma_start3A_524 : memref<1x128xi32, #tpu.memory_space<hbm>> -> memref<128xi32, #tpu.memory_space<hbm>>
        %dma_start3A_526 = arith.constant 0 : i32
        %dma_start3A_527 = tpu.memref_slice %arg16[%dma_start3A_520, %dma_start3A_526] : memref<1x128xi32, #tpu.memory_space<vmem>> -> memref<1x128xi32, #tpu.memory_space<vmem>>
        %dma_start3A_528 = tpu.memref_squeeze %dma_start3A_527 : memref<1x128xi32, #tpu.memory_space<vmem>> -> memref<128xi32, #tpu.memory_space<vmem>>
        %dma_start3A_529 = tpu.memref_slice %arg3[%dma_start3A_519, %multiple_of3A_506] : memref<2x640000xi32, #tpu.memory_space<hbm>> -> memref<1x128xi32, #tpu.memory_space<hbm>>
        %dma_start3A_530 = tpu.memref_squeeze %dma_start3A_529 : memref<1x128xi32, #tpu.memory_space<hbm>> -> memref<128xi32, #tpu.memory_space<hbm>>
        tpu.enqueue_dma source(%dma_start3A_530 : memref<128xi32, #tpu.memory_space<hbm>>) target(%dma_start3A_528 : memref<128xi32, #tpu.memory_space<vmem>>) target_semaphore(%arg32 : memref<!tpu.dma_semaphore, #tpu.memory_space<semaphore_mem>>)
      } else {
      }
      %dma_wait3A_349 = arith.constant 0 : i32
      %dma_wait3A_350 = arith.constant 0 : i32
      %dma_wait3A_351 = tpu.memref_slice %arg6[%dma_wait3A_349, %dma_wait3A_350] : memref<1x128xi32, #tpu.memory_space<vmem>> -> memref<1x128xi32, #tpu.memory_space<vmem>>
      %dma_wait3A_352 = tpu.memref_squeeze %dma_wait3A_351 : memref<1x128xi32, #tpu.memory_space<vmem>> -> memref<128xi32, #tpu.memory_space<vmem>>
      %dma_wait3A_353 = arith.constant 0 : i32
      %dma_wait3A_354 = arith.constant 0 : i32
      %dma_wait3A_355 = tpu.memref_slice %arg2[%dma_wait3A_353, %dma_wait3A_354] : memref<10000x64xf32, #tpu.memory_space<hbm>> -> memref<10000x64xf32, #tpu.memory_space<hbm>>
      tpu.wait_indirect_dma semaphore(%arg34 : memref<!tpu.dma_semaphore, #tpu.memory_space<semaphore_mem>>) src(%dma_wait3A_355 : memref<10000x64xf32, #tpu.memory_space<hbm>>) dst(%arg20 : memref<128x64xf32, #tpu.memory_space<vmem>>)
      %lt3A_356 = arith.constant 153 : i32
      %lt3A_357 = arith.cmpi slt, %add3A_338, %lt3A_356 : i32
      %convert_element_type3A_358 = arith.extui %lt3A_357 : i1 to i32
      %cond3A_359 = arith.constant 0 : i32
      %cond3A_360 = arith.cmpi ne, %convert_element_type3A_358, %cond3A_359 : i32
      scf.if %cond3A_360 {
        %dma_wait3A_501 = arith.constant 0 : i32
        %dma_wait3A_502 = arith.constant 0 : i32
        %dma_wait3A_503 = arith.constant 0 : i32
        %dma_wait3A_504 = tpu.memref_slice %arg9[%dma_wait3A_502, %dma_wait3A_503] : memref<1x128xi32, #tpu.memory_space<vmem>> -> memref<1x128xi32, #tpu.memory_space<vmem>>
        %dma_wait3A_505 = tpu.memref_squeeze %dma_wait3A_504 : memref<1x128xi32, #tpu.memory_space<vmem>> -> memref<128xi32, #tpu.memory_space<vmem>>
        %dma_wait3A_506 = arith.constant 0 : i32
        %dma_wait3A_507 = tpu.memref_slice %arg3[%dma_wait3A_501, %dma_wait3A_506] : memref<2x640000xi32, #tpu.memory_space<hbm>> -> memref<1x128xi32, #tpu.memory_space<hbm>>
        %dma_wait3A_508 = tpu.memref_squeeze %dma_wait3A_507 : memref<1x128xi32, #tpu.memory_space<hbm>> -> memref<128xi32, #tpu.memory_space<hbm>>
        %dma_wait3A_509 = arith.constant 0 : i32
        %dma_wait3A_510 = tpu.memref_slice %arg9[%dma_wait3A_502, %dma_wait3A_509] : memref<1x128xi32, #tpu.memory_space<vmem>> -> memref<1x128xi32, #tpu.memory_space<vmem>>
        %dma_wait3A_511 = tpu.memref_squeeze %dma_wait3A_510 : memref<1x128xi32, #tpu.memory_space<vmem>> -> memref<128xi32, #tpu.memory_space<vmem>>
        %dma_wait3A_512 = arith.constant 0 : i32
        %dma_wait3A_513 = tpu.memref_slice %arg3[%dma_wait3A_501, %dma_wait3A_512] : memref<2x640000xi32, #tpu.memory_space<hbm>> -> memref<1x128xi32, #tpu.memory_space<hbm>>
        %dma_wait3A_514 = tpu.memref_squeeze %dma_wait3A_513 : memref<1x128xi32, #tpu.memory_space<hbm>> -> memref<128xi32, #tpu.memory_space<hbm>>
        tpu.wait_dma2 semaphore(%arg31 : memref<!tpu.dma_semaphore, #tpu.memory_space<semaphore_mem>>) src(%dma_wait3A_514 : memref<128xi32, #tpu.memory_space<hbm>>) dst(%dma_wait3A_511 : memref<128xi32, #tpu.memory_space<vmem>>)
        %dma_wait3A_515 = arith.constant 1 : i32
        %dma_wait3A_516 = arith.constant 0 : i32
        %dma_wait3A_517 = arith.constant 0 : i32
        %dma_wait3A_518 = tpu.memref_slice %arg15[%dma_wait3A_516, %dma_wait3A_517] : memref<1x128xi32, #tpu.memory_space<vmem>> -> memref<1x128xi32, #tpu.memory_space<vmem>>
        %dma_wait3A_519 = tpu.memref_squeeze %dma_wait3A_518 : memref<1x128xi32, #tpu.memory_space<vmem>> -> memref<128xi32, #tpu.memory_space<vmem>>
        %dma_wait3A_520 = arith.constant 0 : i32
        %dma_wait3A_521 = tpu.memref_slice %arg3[%dma_wait3A_515, %dma_wait3A_520] : memref<2x640000xi32, #tpu.memory_space<hbm>> -> memref<1x128xi32, #tpu.memory_space<hbm>>
        %dma_wait3A_522 = tpu.memref_squeeze %dma_wait3A_521 : memref<1x128xi32, #tpu.memory_space<hbm>> -> memref<128xi32, #tpu.memory_space<hbm>>
        %dma_wait3A_523 = arith.constant 0 : i32
        %dma_wait3A_524 = tpu.memref_slice %arg15[%dma_wait3A_516, %dma_wait3A_523] : memref<1x128xi32, #tpu.memory_space<vmem>> -> memref<1x128xi32, #tpu.memory_space<vmem>>
        %dma_wait3A_525 = tpu.memref_squeeze %dma_wait3A_524 : memref<1x128xi32, #tpu.memory_space<vmem>> -> memref<128xi32, #tpu.memory_space<vmem>>
        %dma_wait3A_526 = arith.constant 0 : i32
        %dma_wait3A_527 = tpu.memref_slice %arg3[%dma_wait3A_515, %dma_wait3A_526] : memref<2x640000xi32, #tpu.memory_space<hbm>> -> memref<1x128xi32, #tpu.memory_space<hbm>>
        %dma_wait3A_528 = tpu.memref_squeeze %dma_wait3A_527 : memref<1x128xi32, #tpu.memory_space<hbm>> -> memref<128xi32, #tpu.memory_space<hbm>>
        tpu.wait_dma2 semaphore(%arg31 : memref<!tpu.dma_semaphore, #tpu.memory_space<semaphore_mem>>) src(%dma_wait3A_528 : memref<128xi32, #tpu.memory_space<hbm>>) dst(%dma_wait3A_525 : memref<128xi32, #tpu.memory_space<vmem>>)
        %dma_start3A_529 = arith.constant 0 : i32
        %dma_start3A_530 = arith.constant 0 : i32
        %dma_start3A_531 = tpu.memref_slice %arg9[%dma_start3A_529, %dma_start3A_530] : memref<1x128xi32, #tpu.memory_space<vmem>> -> memref<1x128xi32, #tpu.memory_space<vmem>>
        %dma_start3A_532 = tpu.memref_squeeze %dma_start3A_531 : memref<1x128xi32, #tpu.memory_space<vmem>> -> memref<128xi32, #tpu.memory_space<vmem>>
        %dma_start3A_533 = arith.constant 0 : i32
        %dma_start3A_534 = arith.constant 0 : i32
        %dma_start3A_535 = tpu.memref_slice %arg2[%dma_start3A_533, %dma_start3A_534] : memref<10000x64xf32, #tpu.memory_space<hbm>> -> memref<10000x64xf32, #tpu.memory_space<hbm>>
        tpu.enqueue_indirect_dma source(%dma_start3A_535 : memref<10000x64xf32, #tpu.memory_space<hbm>>) target(%arg23 : memref<128x64xf32, #tpu.memory_space<vmem>>) offsets(%dma_start3A_532 : memref<128xi32, #tpu.memory_space<vmem>>) semaphore(%arg37 : memref<!tpu.dma_semaphore, #tpu.memory_space<semaphore_mem>>)
      } else {
      }
      %dma_start3A_361 = arith.constant 0 : i32
      %dma_start3A_362 = arith.constant 0 : i32
      %dma_start3A_363 = tpu.memref_slice %arg12[%dma_start3A_361, %dma_start3A_362] : memref<1x128xi32, #tpu.memory_space<vmem>> -> memref<1x128xi32, #tpu.memory_space<vmem>>
      %dma_start3A_364 = tpu.memref_squeeze %dma_start3A_363 : memref<1x128xi32, #tpu.memory_space<vmem>> -> memref<128xi32, #tpu.memory_space<vmem>>
      %dma_start3A_365 = arith.constant 0 : i32
      %dma_start3A_366 = arith.constant 0 : i32
      %dma_start3A_367 = tpu.memref_slice %arg26[%dma_start3A_365, %dma_start3A_366] : memref<10000x64xf32, #tpu.memory_space<vmem_shared>> -> memref<10000x64xf32, #tpu.memory_space<vmem_shared>>
      tpu.enqueue_indirect_dma source(%arg20 : memref<128x64xf32, #tpu.memory_space<vmem>>) target(%dma_start3A_367 : memref<10000x64xf32, #tpu.memory_space<vmem_shared>>) offsets(%dma_start3A_364 : memref<128xi32, #tpu.memory_space<vmem>>) semaphore(%arg40 : memref<!tpu.dma_semaphore, #tpu.memory_space<semaphore_mem>>) {add = true}
      %mul3A_368 = arith.constant 6 : i32
      %mul3A_369 = arith.muli %mul3A_368, %scan3A_301 : i32
      %add3A_370 = arith.constant 2 : i32
      %add3A_371 = arith.addi %mul3A_369, %add3A_370 : i32
      %ge3A_372 = arith.constant 2 : i32
      %ge3A_373 = arith.cmpi sge, %add3A_371, %ge3A_372 : i32
      %convert_element_type3A_374 = arith.extui %ge3A_373 : i1 to i32
      %cond3A_375 = arith.constant 0 : i32
      %cond3A_376 = arith.cmpi ne, %convert_element_type3A_374, %cond3A_375 : i32
      scf.if %cond3A_376 {
        %dma_wait3A_501 = arith.constant 0 : i32
        %dma_wait3A_502 = arith.constant 0 : i32
        %dma_wait3A_503 = tpu.memref_slice %arg11[%dma_wait3A_501, %dma_wait3A_502] : memref<1x128xi32, #tpu.memory_space<vmem>> -> memref<1x128xi32, #tpu.memory_space<vmem>>
        %dma_wait3A_504 = tpu.memref_squeeze %dma_wait3A_503 : memref<1x128xi32, #tpu.memory_space<vmem>> -> memref<128xi32, #tpu.memory_space<vmem>>
        %dma_wait3A_505 = arith.constant 0 : i32
        %dma_wait3A_506 = arith.constant 0 : i32
        %dma_wait3A_507 = tpu.memref_slice %arg26[%dma_wait3A_505, %dma_wait3A_506] : memref<10000x64xf32, #tpu.memory_space<vmem_shared>> -> memref<10000x64xf32, #tpu.memory_space<vmem_shared>>
        tpu.wait_indirect_dma semaphore(%arg39 : memref<!tpu.dma_semaphore, #tpu.memory_space<semaphore_mem>>) src(%arg19 : memref<128x64xf32, #tpu.memory_space<vmem>>) dst(%dma_wait3A_507 : memref<10000x64xf32, #tpu.memory_space<vmem_shared>>)
      } else {
      }
      %lt3A_377 = arith.constant 152 : i32
      %lt3A_378 = arith.cmpi slt, %add3A_371, %lt3A_377 : i32
      %convert_element_type3A_379 = arith.extui %lt3A_378 : i1 to i32
      %cond3A_380 = arith.constant 0 : i32
      %cond3A_381 = arith.cmpi ne, %convert_element_type3A_379, %cond3A_380 : i32
      scf.if %cond3A_381 {
        %add3A_501 = arith.constant 4 : i32
        %add3A_502 = arith.addi %add3A_371, %add3A_501 : i32
        %add3A_503 = arith.addi %select_n3A, %add3A_502 : i32
        %mul3A_504 = arith.constant 128 : i32
        %mul3A_505 = arith.muli %add3A_503, %mul3A_504 : i32
        %multiple_of3A_506 = tpu.assume_multiple %mul3A_505, 8 : i32
        %dma_start3A_507 = arith.constant 0 : i32
        %dma_start3A_508 = arith.constant 0 : i32
        %dma_start3A_509 = arith.constant 0 : i32
        %dma_start3A_510 = tpu.memref_slice %arg5[%dma_start3A_508, %dma_start3A_509] : memref<1x128xi32, #tpu.memory_space<vmem>> -> memref<1x128xi32, #tpu.memory_space<vmem>>
        %dma_start3A_511 = tpu.memref_squeeze %dma_start3A_510 : memref<1x128xi32, #tpu.memory_space<vmem>> -> memref<128xi32, #tpu.memory_space<vmem>>
        %dma_start3A_512 = tpu.memref_slice %arg3[%dma_start3A_507, %multiple_of3A_506] : memref<2x640000xi32, #tpu.memory_space<hbm>> -> memref<1x128xi32, #tpu.memory_space<hbm>>
        %dma_start3A_513 = tpu.memref_squeeze %dma_start3A_512 : memref<1x128xi32, #tpu.memory_space<hbm>> -> memref<128xi32, #tpu.memory_space<hbm>>
        %dma_start3A_514 = arith.constant 0 : i32
        %dma_start3A_515 = tpu.memref_slice %arg5[%dma_start3A_508, %dma_start3A_514] : memref<1x128xi32, #tpu.memory_space<vmem>> -> memref<1x128xi32, #tpu.memory_space<vmem>>
        %dma_start3A_516 = tpu.memref_squeeze %dma_start3A_515 : memref<1x128xi32, #tpu.memory_space<vmem>> -> memref<128xi32, #tpu.memory_space<vmem>>
        %dma_start3A_517 = tpu.memref_slice %arg3[%dma_start3A_507, %multiple_of3A_506] : memref<2x640000xi32, #tpu.memory_space<hbm>> -> memref<1x128xi32, #tpu.memory_space<hbm>>
        %dma_start3A_518 = tpu.memref_squeeze %dma_start3A_517 : memref<1x128xi32, #tpu.memory_space<hbm>> -> memref<128xi32, #tpu.memory_space<hbm>>
        tpu.enqueue_dma source(%dma_start3A_518 : memref<128xi32, #tpu.memory_space<hbm>>) target(%dma_start3A_516 : memref<128xi32, #tpu.memory_space<vmem>>) target_semaphore(%arg27 : memref<!tpu.dma_semaphore, #tpu.memory_space<semaphore_mem>>)
        %dma_start3A_519 = arith.constant 1 : i32
        %dma_start3A_520 = arith.constant 0 : i32
        %dma_start3A_521 = arith.constant 0 : i32
        %dma_start3A_522 = tpu.memref_slice %arg11[%dma_start3A_520, %dma_start3A_521] : memref<1x128xi32, #tpu.memory_space<vmem>> -> memref<1x128xi32, #tpu.memory_space<vmem>>
        %dma_start3A_523 = tpu.memref_squeeze %dma_start3A_522 : memref<1x128xi32, #tpu.memory_space<vmem>> -> memref<128xi32, #tpu.memory_space<vmem>>
        %dma_start3A_524 = tpu.memref_slice %arg3[%dma_start3A_519, %multiple_of3A_506] : memref<2x640000xi32, #tpu.memory_space<hbm>> -> memref<1x128xi32, #tpu.memory_space<hbm>>
        %dma_start3A_525 = tpu.memref_squeeze %dma_start3A_524 : memref<1x128xi32, #tpu.memory_space<hbm>> -> memref<128xi32, #tpu.memory_space<hbm>>
        %dma_start3A_526 = arith.constant 0 : i32
        %dma_start3A_527 = tpu.memref_slice %arg11[%dma_start3A_520, %dma_start3A_526] : memref<1x128xi32, #tpu.memory_space<vmem>> -> memref<1x128xi32, #tpu.memory_space<vmem>>
        %dma_start3A_528 = tpu.memref_squeeze %dma_start3A_527 : memref<1x128xi32, #tpu.memory_space<vmem>> -> memref<128xi32, #tpu.memory_space<vmem>>
        %dma_start3A_529 = tpu.memref_slice %arg3[%dma_start3A_519, %multiple_of3A_506] : memref<2x640000xi32, #tpu.memory_space<hbm>> -> memref<1x128xi32, #tpu.memory_space<hbm>>
        %dma_start3A_530 = tpu.memref_squeeze %dma_start3A_529 : memref<1x128xi32, #tpu.memory_space<hbm>> -> memref<128xi32, #tpu.memory_space<hbm>>
        tpu.enqueue_dma source(%dma_start3A_530 : memref<128xi32, #tpu.memory_space<hbm>>) target(%dma_start3A_528 : memref<128xi32, #tpu.memory_space<vmem>>) target_semaphore(%arg27 : memref<!tpu.dma_semaphore, #tpu.memory_space<semaphore_mem>>)
      } else {
      }
      %dma_wait3A_382 = arith.constant 0 : i32
      %dma_wait3A_383 = arith.constant 0 : i32
      %dma_wait3A_384 = tpu.memref_slice %arg7[%dma_wait3A_382, %dma_wait3A_383] : memref<1x128xi32, #tpu.memory_space<vmem>> -> memref<1x128xi32, #tpu.memory_space<vmem>>
      %dma_wait3A_385 = tpu.memref_squeeze %dma_wait3A_384 : memref<1x128xi32, #tpu.memory_space<vmem>> -> memref<128xi32, #tpu.memory_space<vmem>>
      %dma_wait3A_386 = arith.constant 0 : i32
      %dma_wait3A_387 = arith.constant 0 : i32
      %dma_wait3A_388 = tpu.memref_slice %arg2[%dma_wait3A_386, %dma_wait3A_387] : memref<10000x64xf32, #tpu.memory_space<hbm>> -> memref<10000x64xf32, #tpu.memory_space<hbm>>
      tpu.wait_indirect_dma semaphore(%arg35 : memref<!tpu.dma_semaphore, #tpu.memory_space<semaphore_mem>>) src(%dma_wait3A_388 : memref<10000x64xf32, #tpu.memory_space<hbm>>) dst(%arg21 : memref<128x64xf32, #tpu.memory_space<vmem>>)
      %lt3A_389 = arith.constant 153 : i32
      %lt3A_390 = arith.cmpi slt, %add3A_371, %lt3A_389 : i32
      %convert_element_type3A_391 = arith.extui %lt3A_390 : i1 to i32
      %cond3A_392 = arith.constant 0 : i32
      %cond3A_393 = arith.cmpi ne, %convert_element_type3A_391, %cond3A_392 : i32
      scf.if %cond3A_393 {
        %dma_wait3A_501 = arith.constant 0 : i32
        %dma_wait3A_502 = arith.constant 0 : i32
        %dma_wait3A_503 = arith.constant 0 : i32
        %dma_wait3A_504 = tpu.memref_slice %arg10[%dma_wait3A_502, %dma_wait3A_503] : memref<1x128xi32, #tpu.memory_space<vmem>> -> memref<1x128xi32, #tpu.memory_space<vmem>>
        %dma_wait3A_505 = tpu.memref_squeeze %dma_wait3A_504 : memref<1x128xi32, #tpu.memory_space<vmem>> -> memref<128xi32, #tpu.memory_space<vmem>>
        %dma_wait3A_506 = arith.constant 0 : i32
        %dma_wait3A_507 = tpu.memref_slice %arg3[%dma_wait3A_501, %dma_wait3A_506] : memref<2x640000xi32, #tpu.memory_space<hbm>> -> memref<1x128xi32, #tpu.memory_space<hbm>>
        %dma_wait3A_508 = tpu.memref_squeeze %dma_wait3A_507 : memref<1x128xi32, #tpu.memory_space<hbm>> -> memref<128xi32, #tpu.memory_space<hbm>>
        %dma_wait3A_509 = arith.constant 0 : i32
        %dma_wait3A_510 = tpu.memref_slice %arg10[%dma_wait3A_502, %dma_wait3A_509] : memref<1x128xi32, #tpu.memory_space<vmem>> -> memref<1x128xi32, #tpu.memory_space<vmem>>
        %dma_wait3A_511 = tpu.memref_squeeze %dma_wait3A_510 : memref<1x128xi32, #tpu.memory_space<vmem>> -> memref<128xi32, #tpu.memory_space<vmem>>
        %dma_wait3A_512 = arith.constant 0 : i32
        %dma_wait3A_513 = tpu.memref_slice %arg3[%dma_wait3A_501, %dma_wait3A_512] : memref<2x640000xi32, #tpu.memory_space<hbm>> -> memref<1x128xi32, #tpu.memory_space<hbm>>
        %dma_wait3A_514 = tpu.memref_squeeze %dma_wait3A_513 : memref<1x128xi32, #tpu.memory_space<hbm>> -> memref<128xi32, #tpu.memory_space<hbm>>
        tpu.wait_dma2 semaphore(%arg32 : memref<!tpu.dma_semaphore, #tpu.memory_space<semaphore_mem>>) src(%dma_wait3A_514 : memref<128xi32, #tpu.memory_space<hbm>>) dst(%dma_wait3A_511 : memref<128xi32, #tpu.memory_space<vmem>>)
        %dma_wait3A_515 = arith.constant 1 : i32
        %dma_wait3A_516 = arith.constant 0 : i32
        %dma_wait3A_517 = arith.constant 0 : i32
        %dma_wait3A_518 = tpu.memref_slice %arg16[%dma_wait3A_516, %dma_wait3A_517] : memref<1x128xi32, #tpu.memory_space<vmem>> -> memref<1x128xi32, #tpu.memory_space<vmem>>
        %dma_wait3A_519 = tpu.memref_squeeze %dma_wait3A_518 : memref<1x128xi32, #tpu.memory_space<vmem>> -> memref<128xi32, #tpu.memory_space<vmem>>
        %dma_wait3A_520 = arith.constant 0 : i32
        %dma_wait3A_521 = tpu.memref_slice %arg3[%dma_wait3A_515, %dma_wait3A_520] : memref<2x640000xi32, #tpu.memory_space<hbm>> -> memref<1x128xi32, #tpu.memory_space<hbm>>
        %dma_wait3A_522 = tpu.memref_squeeze %dma_wait3A_521 : memref<1x128xi32, #tpu.memory_space<hbm>> -> memref<128xi32, #tpu.memory_space<hbm>>
        %dma_wait3A_523 = arith.constant 0 : i32
        %dma_wait3A_524 = tpu.memref_slice %arg16[%dma_wait3A_516, %dma_wait3A_523] : memref<1x128xi32, #tpu.memory_space<vmem>> -> memref<1x128xi32, #tpu.memory_space<vmem>>
        %dma_wait3A_525 = tpu.memref_squeeze %dma_wait3A_524 : memref<1x128xi32, #tpu.memory_space<vmem>> -> memref<128xi32, #tpu.memory_space<vmem>>
        %dma_wait3A_526 = arith.constant 0 : i32
        %dma_wait3A_527 = tpu.memref_slice %arg3[%dma_wait3A_515, %dma_wait3A_526] : memref<2x640000xi32, #tpu.memory_space<hbm>> -> memref<1x128xi32, #tpu.memory_space<hbm>>
        %dma_wait3A_528 = tpu.memref_squeeze %dma_wait3A_527 : memref<1x128xi32, #tpu.memory_space<hbm>> -> memref<128xi32, #tpu.memory_space<hbm>>
        tpu.wait_dma2 semaphore(%arg32 : memref<!tpu.dma_semaphore, #tpu.memory_space<semaphore_mem>>) src(%dma_wait3A_528 : memref<128xi32, #tpu.memory_space<hbm>>) dst(%dma_wait3A_525 : memref<128xi32, #tpu.memory_space<vmem>>)
        %dma_start3A_529 = arith.constant 0 : i32
        %dma_start3A_530 = arith.constant 0 : i32
        %dma_start3A_531 = tpu.memref_slice %arg10[%dma_start3A_529, %dma_start3A_530] : memref<1x128xi32, #tpu.memory_space<vmem>> -> memref<1x128xi32, #tpu.memory_space<vmem>>
        %dma_start3A_532 = tpu.memref_squeeze %dma_start3A_531 : memref<1x128xi32, #tpu.memory_space<vmem>> -> memref<128xi32, #tpu.memory_space<vmem>>
        %dma_start3A_533 = arith.constant 0 : i32
        %dma_start3A_534 = arith.constant 0 : i32
        %dma_start3A_535 = tpu.memref_slice %arg2[%dma_start3A_533, %dma_start3A_534] : memref<10000x64xf32, #tpu.memory_space<hbm>> -> memref<10000x64xf32, #tpu.memory_space<hbm>>
        tpu.enqueue_indirect_dma source(%dma_start3A_535 : memref<10000x64xf32, #tpu.memory_space<hbm>>) target(%arg24 : memref<128x64xf32, #tpu.memory_space<vmem>>) offsets(%dma_start3A_532 : memref<128xi32, #tpu.memory_space<vmem>>) semaphore(%arg38 : memref<!tpu.dma_semaphore, #tpu.memory_space<semaphore_mem>>)
      } else {
      }
      %dma_start3A_394 = arith.constant 0 : i32
      %dma_start3A_395 = arith.constant 0 : i32
      %dma_start3A_396 = tpu.memref_slice %arg13[%dma_start3A_394, %dma_start3A_395] : memref<1x128xi32, #tpu.memory_space<vmem>> -> memref<1x128xi32, #tpu.memory_space<vmem>>
      %dma_start3A_397 = tpu.memref_squeeze %dma_start3A_396 : memref<1x128xi32, #tpu.memory_space<vmem>> -> memref<128xi32, #tpu.memory_space<vmem>>
      %dma_start3A_398 = arith.constant 0 : i32
      %dma_start3A_399 = arith.constant 0 : i32
      %dma_start3A_400 = tpu.memref_slice %arg26[%dma_start3A_398, %dma_start3A_399] : memref<10000x64xf32, #tpu.memory_space<vmem_shared>> -> memref<10000x64xf32, #tpu.memory_space<vmem_shared>>
      tpu.enqueue_indirect_dma source(%arg21 : memref<128x64xf32, #tpu.memory_space<vmem>>) target(%dma_start3A_400 : memref<10000x64xf32, #tpu.memory_space<vmem_shared>>) offsets(%dma_start3A_397 : memref<128xi32, #tpu.memory_space<vmem>>) semaphore(%arg41 : memref<!tpu.dma_semaphore, #tpu.memory_space<semaphore_mem>>) {add = true}
      %mul3A_401 = arith.constant 6 : i32
      %mul3A_402 = arith.muli %mul3A_401, %scan3A_301 : i32
      %add3A_403 = arith.constant 3 : i32
      %add3A_404 = arith.addi %mul3A_402, %add3A_403 : i32
      %ge3A_405 = arith.constant 2 : i32
      %ge3A_406 = arith.cmpi sge, %add3A_404, %ge3A_405 : i32
      %convert_element_type3A_407 = arith.extui %ge3A_406 : i1 to i32
      %cond3A_408 = arith.constant 0 : i32
      %cond3A_409 = arith.cmpi ne, %convert_element_type3A_407, %cond3A_408 : i32
      scf.if %cond3A_409 {
        %dma_wait3A_501 = arith.constant 0 : i32
        %dma_wait3A_502 = arith.constant 0 : i32
        %dma_wait3A_503 = tpu.memref_slice %arg12[%dma_wait3A_501, %dma_wait3A_502] : memref<1x128xi32, #tpu.memory_space<vmem>> -> memref<1x128xi32, #tpu.memory_space<vmem>>
        %dma_wait3A_504 = tpu.memref_squeeze %dma_wait3A_503 : memref<1x128xi32, #tpu.memory_space<vmem>> -> memref<128xi32, #tpu.memory_space<vmem>>
        %dma_wait3A_505 = arith.constant 0 : i32
        %dma_wait3A_506 = arith.constant 0 : i32
        %dma_wait3A_507 = tpu.memref_slice %arg26[%dma_wait3A_505, %dma_wait3A_506] : memref<10000x64xf32, #tpu.memory_space<vmem_shared>> -> memref<10000x64xf32, #tpu.memory_space<vmem_shared>>
        tpu.wait_indirect_dma semaphore(%arg40 : memref<!tpu.dma_semaphore, #tpu.memory_space<semaphore_mem>>) src(%arg20 : memref<128x64xf32, #tpu.memory_space<vmem>>) dst(%dma_wait3A_507 : memref<10000x64xf32, #tpu.memory_space<vmem_shared>>)
      } else {
      }
      %lt3A_410 = arith.constant 152 : i32
      %lt3A_411 = arith.cmpi slt, %add3A_404, %lt3A_410 : i32
      %convert_element_type3A_412 = arith.extui %lt3A_411 : i1 to i32
      %cond3A_413 = arith.constant 0 : i32
      %cond3A_414 = arith.cmpi ne, %convert_element_type3A_412, %cond3A_413 : i32
      scf.if %cond3A_414 {
        %add3A_501 = arith.constant 4 : i32
        %add3A_502 = arith.addi %add3A_404, %add3A_501 : i32
        %add3A_503 = arith.addi %select_n3A, %add3A_502 : i32
        %mul3A_504 = arith.constant 128 : i32
        %mul3A_505 = arith.muli %add3A_503, %mul3A_504 : i32
        %multiple_of3A_506 = tpu.assume_multiple %mul3A_505, 8 : i32
        %dma_start3A_507 = arith.constant 0 : i32
        %dma_start3A_508 = arith.constant 0 : i32
        %dma_start3A_509 = arith.constant 0 : i32
        %dma_start3A_510 = tpu.memref_slice %arg6[%dma_start3A_508, %dma_start3A_509] : memref<1x128xi32, #tpu.memory_space<vmem>> -> memref<1x128xi32, #tpu.memory_space<vmem>>
        %dma_start3A_511 = tpu.memref_squeeze %dma_start3A_510 : memref<1x128xi32, #tpu.memory_space<vmem>> -> memref<128xi32, #tpu.memory_space<vmem>>
        %dma_start3A_512 = tpu.memref_slice %arg3[%dma_start3A_507, %multiple_of3A_506] : memref<2x640000xi32, #tpu.memory_space<hbm>> -> memref<1x128xi32, #tpu.memory_space<hbm>>
        %dma_start3A_513 = tpu.memref_squeeze %dma_start3A_512 : memref<1x128xi32, #tpu.memory_space<hbm>> -> memref<128xi32, #tpu.memory_space<hbm>>
        %dma_start3A_514 = arith.constant 0 : i32
        %dma_start3A_515 = tpu.memref_slice %arg6[%dma_start3A_508, %dma_start3A_514] : memref<1x128xi32, #tpu.memory_space<vmem>> -> memref<1x128xi32, #tpu.memory_space<vmem>>
        %dma_start3A_516 = tpu.memref_squeeze %dma_start3A_515 : memref<1x128xi32, #tpu.memory_space<vmem>> -> memref<128xi32, #tpu.memory_space<vmem>>
        %dma_start3A_517 = tpu.memref_slice %arg3[%dma_start3A_507, %multiple_of3A_506] : memref<2x640000xi32, #tpu.memory_space<hbm>> -> memref<1x128xi32, #tpu.memory_space<hbm>>
        %dma_start3A_518 = tpu.memref_squeeze %dma_start3A_517 : memref<1x128xi32, #tpu.memory_space<hbm>> -> memref<128xi32, #tpu.memory_space<hbm>>
        tpu.enqueue_dma source(%dma_start3A_518 : memref<128xi32, #tpu.memory_space<hbm>>) target(%dma_start3A_516 : memref<128xi32, #tpu.memory_space<vmem>>) target_semaphore(%arg28 : memref<!tpu.dma_semaphore, #tpu.memory_space<semaphore_mem>>)
        %dma_start3A_519 = arith.constant 1 : i32
        %dma_start3A_520 = arith.constant 0 : i32
        %dma_start3A_521 = arith.constant 0 : i32
        %dma_start3A_522 = tpu.memref_slice %arg12[%dma_start3A_520, %dma_start3A_521] : memref<1x128xi32, #tpu.memory_space<vmem>> -> memref<1x128xi32, #tpu.memory_space<vmem>>
        %dma_start3A_523 = tpu.memref_squeeze %dma_start3A_522 : memref<1x128xi32, #tpu.memory_space<vmem>> -> memref<128xi32, #tpu.memory_space<vmem>>
        %dma_start3A_524 = tpu.memref_slice %arg3[%dma_start3A_519, %multiple_of3A_506] : memref<2x640000xi32, #tpu.memory_space<hbm>> -> memref<1x128xi32, #tpu.memory_space<hbm>>
        %dma_start3A_525 = tpu.memref_squeeze %dma_start3A_524 : memref<1x128xi32, #tpu.memory_space<hbm>> -> memref<128xi32, #tpu.memory_space<hbm>>
        %dma_start3A_526 = arith.constant 0 : i32
        %dma_start3A_527 = tpu.memref_slice %arg12[%dma_start3A_520, %dma_start3A_526] : memref<1x128xi32, #tpu.memory_space<vmem>> -> memref<1x128xi32, #tpu.memory_space<vmem>>
        %dma_start3A_528 = tpu.memref_squeeze %dma_start3A_527 : memref<1x128xi32, #tpu.memory_space<vmem>> -> memref<128xi32, #tpu.memory_space<vmem>>
        %dma_start3A_529 = tpu.memref_slice %arg3[%dma_start3A_519, %multiple_of3A_506] : memref<2x640000xi32, #tpu.memory_space<hbm>> -> memref<1x128xi32, #tpu.memory_space<hbm>>
        %dma_start3A_530 = tpu.memref_squeeze %dma_start3A_529 : memref<1x128xi32, #tpu.memory_space<hbm>> -> memref<128xi32, #tpu.memory_space<hbm>>
        tpu.enqueue_dma source(%dma_start3A_530 : memref<128xi32, #tpu.memory_space<hbm>>) target(%dma_start3A_528 : memref<128xi32, #tpu.memory_space<vmem>>) target_semaphore(%arg28 : memref<!tpu.dma_semaphore, #tpu.memory_space<semaphore_mem>>)
      } else {
      }
      %dma_wait3A_415 = arith.constant 0 : i32
      %dma_wait3A_416 = arith.constant 0 : i32
      %dma_wait3A_417 = tpu.memref_slice %arg8[%dma_wait3A_415, %dma_wait3A_416] : memref<1x128xi32, #tpu.memory_space<vmem>> -> memref<1x128xi32, #tpu.memory_space<vmem>>
      %dma_wait3A_418 = tpu.memref_squeeze %dma_wait3A_417 : memref<1x128xi32, #tpu.memory_space<vmem>> -> memref<128xi32, #tpu.memory_space<vmem>>
      %dma_wait3A_419 = arith.constant 0 : i32
      %dma_wait3A_420 = arith.constant 0 : i32
      %dma_wait3A_421 = tpu.memref_slice %arg2[%dma_wait3A_419, %dma_wait3A_420] : memref<10000x64xf32, #tpu.memory_space<hbm>> -> memref<10000x64xf32, #tpu.memory_space<hbm>>
      tpu.wait_indirect_dma semaphore(%arg36 : memref<!tpu.dma_semaphore, #tpu.memory_space<semaphore_mem>>) src(%dma_wait3A_421 : memref<10000x64xf32, #tpu.memory_space<hbm>>) dst(%arg22 : memref<128x64xf32, #tpu.memory_space<vmem>>)
      %lt3A_422 = arith.constant 153 : i32
      %lt3A_423 = arith.cmpi slt, %add3A_404, %lt3A_422 : i32
      %convert_element_type3A_424 = arith.extui %lt3A_423 : i1 to i32
      %cond3A_425 = arith.constant 0 : i32
      %cond3A_426 = arith.cmpi ne, %convert_element_type3A_424, %cond3A_425 : i32
      scf.if %cond3A_426 {
        %dma_wait3A_501 = arith.constant 0 : i32
        %dma_wait3A_502 = arith.constant 0 : i32
        %dma_wait3A_503 = arith.constant 0 : i32
        %dma_wait3A_504 = tpu.memref_slice %arg5[%dma_wait3A_502, %dma_wait3A_503] : memref<1x128xi32, #tpu.memory_space<vmem>> -> memref<1x128xi32, #tpu.memory_space<vmem>>
        %dma_wait3A_505 = tpu.memref_squeeze %dma_wait3A_504 : memref<1x128xi32, #tpu.memory_space<vmem>> -> memref<128xi32, #tpu.memory_space<vmem>>
        %dma_wait3A_506 = arith.constant 0 : i32
        %dma_wait3A_507 = tpu.memref_slice %arg3[%dma_wait3A_501, %dma_wait3A_506] : memref<2x640000xi32, #tpu.memory_space<hbm>> -> memref<1x128xi32, #tpu.memory_space<hbm>>
        %dma_wait3A_508 = tpu.memref_squeeze %dma_wait3A_507 : memref<1x128xi32, #tpu.memory_space<hbm>> -> memref<128xi32, #tpu.memory_space<hbm>>
        %dma_wait3A_509 = arith.constant 0 : i32
        %dma_wait3A_510 = tpu.memref_slice %arg5[%dma_wait3A_502, %dma_wait3A_509] : memref<1x128xi32, #tpu.memory_space<vmem>> -> memref<1x128xi32, #tpu.memory_space<vmem>>
        %dma_wait3A_511 = tpu.memref_squeeze %dma_wait3A_510 : memref<1x128xi32, #tpu.memory_space<vmem>> -> memref<128xi32, #tpu.memory_space<vmem>>
        %dma_wait3A_512 = arith.constant 0 : i32
        %dma_wait3A_513 = tpu.memref_slice %arg3[%dma_wait3A_501, %dma_wait3A_512] : memref<2x640000xi32, #tpu.memory_space<hbm>> -> memref<1x128xi32, #tpu.memory_space<hbm>>
        %dma_wait3A_514 = tpu.memref_squeeze %dma_wait3A_513 : memref<1x128xi32, #tpu.memory_space<hbm>> -> memref<128xi32, #tpu.memory_space<hbm>>
        tpu.wait_dma2 semaphore(%arg27 : memref<!tpu.dma_semaphore, #tpu.memory_space<semaphore_mem>>) src(%dma_wait3A_514 : memref<128xi32, #tpu.memory_space<hbm>>) dst(%dma_wait3A_511 : memref<128xi32, #tpu.memory_space<vmem>>)
        %dma_wait3A_515 = arith.constant 1 : i32
        %dma_wait3A_516 = arith.constant 0 : i32
        %dma_wait3A_517 = arith.constant 0 : i32
        %dma_wait3A_518 = tpu.memref_slice %arg11[%dma_wait3A_516, %dma_wait3A_517] : memref<1x128xi32, #tpu.memory_space<vmem>> -> memref<1x128xi32, #tpu.memory_space<vmem>>
        %dma_wait3A_519 = tpu.memref_squeeze %dma_wait3A_518 : memref<1x128xi32, #tpu.memory_space<vmem>> -> memref<128xi32, #tpu.memory_space<vmem>>
        %dma_wait3A_520 = arith.constant 0 : i32
        %dma_wait3A_521 = tpu.memref_slice %arg3[%dma_wait3A_515, %dma_wait3A_520] : memref<2x640000xi32, #tpu.memory_space<hbm>> -> memref<1x128xi32, #tpu.memory_space<hbm>>
        %dma_wait3A_522 = tpu.memref_squeeze %dma_wait3A_521 : memref<1x128xi32, #tpu.memory_space<hbm>> -> memref<128xi32, #tpu.memory_space<hbm>>
        %dma_wait3A_523 = arith.constant 0 : i32
        %dma_wait3A_524 = tpu.memref_slice %arg11[%dma_wait3A_516, %dma_wait3A_523] : memref<1x128xi32, #tpu.memory_space<vmem>> -> memref<1x128xi32, #tpu.memory_space<vmem>>
        %dma_wait3A_525 = tpu.memref_squeeze %dma_wait3A_524 : memref<1x128xi32, #tpu.memory_space<vmem>> -> memref<128xi32, #tpu.memory_space<vmem>>
        %dma_wait3A_526 = arith.constant 0 : i32
        %dma_wait3A_527 = tpu.memref_slice %arg3[%dma_wait3A_515, %dma_wait3A_526] : memref<2x640000xi32, #tpu.memory_space<hbm>> -> memref<1x128xi32, #tpu.memory_space<hbm>>
        %dma_wait3A_528 = tpu.memref_squeeze %dma_wait3A_527 : memref<1x128xi32, #tpu.memory_space<hbm>> -> memref<128xi32, #tpu.memory_space<hbm>>
        tpu.wait_dma2 semaphore(%arg27 : memref<!tpu.dma_semaphore, #tpu.memory_space<semaphore_mem>>) src(%dma_wait3A_528 : memref<128xi32, #tpu.memory_space<hbm>>) dst(%dma_wait3A_525 : memref<128xi32, #tpu.memory_space<vmem>>)
        %dma_start3A_529 = arith.constant 0 : i32
        %dma_start3A_530 = arith.constant 0 : i32
        %dma_start3A_531 = tpu.memref_slice %arg5[%dma_start3A_529, %dma_start3A_530] : memref<1x128xi32, #tpu.memory_space<vmem>> -> memref<1x128xi32, #tpu.memory_space<vmem>>
        %dma_start3A_532 = tpu.memref_squeeze %dma_start3A_531 : memref<1x128xi32, #tpu.memory_space<vmem>> -> memref<128xi32, #tpu.memory_space<vmem>>
        %dma_start3A_533 = arith.constant 0 : i32
        %dma_start3A_534 = arith.constant 0 : i32
        %dma_start3A_535 = tpu.memref_slice %arg2[%dma_start3A_533, %dma_start3A_534] : memref<10000x64xf32, #tpu.memory_space<hbm>> -> memref<10000x64xf32, #tpu.memory_space<hbm>>
        tpu.enqueue_indirect_dma source(%dma_start3A_535 : memref<10000x64xf32, #tpu.memory_space<hbm>>) target(%arg19 : memref<128x64xf32, #tpu.memory_space<vmem>>) offsets(%dma_start3A_532 : memref<128xi32, #tpu.memory_space<vmem>>) semaphore(%arg33 : memref<!tpu.dma_semaphore, #tpu.memory_space<semaphore_mem>>)
      } else {
      }
      %dma_start3A_427 = arith.constant 0 : i32
      %dma_start3A_428 = arith.constant 0 : i32
      %dma_start3A_429 = tpu.memref_slice %arg14[%dma_start3A_427, %dma_start3A_428] : memref<1x128xi32, #tpu.memory_space<vmem>> -> memref<1x128xi32, #tpu.memory_space<vmem>>
      %dma_start3A_430 = tpu.memref_squeeze %dma_start3A_429 : memref<1x128xi32, #tpu.memory_space<vmem>> -> memref<128xi32, #tpu.memory_space<vmem>>
      %dma_start3A_431 = arith.constant 0 : i32
      %dma_start3A_432 = arith.constant 0 : i32
      %dma_start3A_433 = tpu.memref_slice %arg26[%dma_start3A_431, %dma_start3A_432] : memref<10000x64xf32, #tpu.memory_space<vmem_shared>> -> memref<10000x64xf32, #tpu.memory_space<vmem_shared>>
      tpu.enqueue_indirect_dma source(%arg22 : memref<128x64xf32, #tpu.memory_space<vmem>>) target(%dma_start3A_433 : memref<10000x64xf32, #tpu.memory_space<vmem_shared>>) offsets(%dma_start3A_430 : memref<128xi32, #tpu.memory_space<vmem>>) semaphore(%arg42 : memref<!tpu.dma_semaphore, #tpu.memory_space<semaphore_mem>>) {add = true}
      %mul3A_434 = arith.constant 6 : i32
      %mul3A_435 = arith.muli %mul3A_434, %scan3A_301 : i32
      %add3A_436 = arith.constant 4 : i32
      %add3A_437 = arith.addi %mul3A_435, %add3A_436 : i32
      %ge3A_438 = arith.constant 2 : i32
      %ge3A_439 = arith.cmpi sge, %add3A_437, %ge3A_438 : i32
      %convert_element_type3A_440 = arith.extui %ge3A_439 : i1 to i32
      %cond3A_441 = arith.constant 0 : i32
      %cond3A_442 = arith.cmpi ne, %convert_element_type3A_440, %cond3A_441 : i32
      scf.if %cond3A_442 {
        %dma_wait3A_501 = arith.constant 0 : i32
        %dma_wait3A_502 = arith.constant 0 : i32
        %dma_wait3A_503 = tpu.memref_slice %arg13[%dma_wait3A_501, %dma_wait3A_502] : memref<1x128xi32, #tpu.memory_space<vmem>> -> memref<1x128xi32, #tpu.memory_space<vmem>>
        %dma_wait3A_504 = tpu.memref_squeeze %dma_wait3A_503 : memref<1x128xi32, #tpu.memory_space<vmem>> -> memref<128xi32, #tpu.memory_space<vmem>>
        %dma_wait3A_505 = arith.constant 0 : i32
        %dma_wait3A_506 = arith.constant 0 : i32
        %dma_wait3A_507 = tpu.memref_slice %arg26[%dma_wait3A_505, %dma_wait3A_506] : memref<10000x64xf32, #tpu.memory_space<vmem_shared>> -> memref<10000x64xf32, #tpu.memory_space<vmem_shared>>
        tpu.wait_indirect_dma semaphore(%arg41 : memref<!tpu.dma_semaphore, #tpu.memory_space<semaphore_mem>>) src(%arg21 : memref<128x64xf32, #tpu.memory_space<vmem>>) dst(%dma_wait3A_507 : memref<10000x64xf32, #tpu.memory_space<vmem_shared>>)
      } else {
      }
      %lt3A_443 = arith.constant 152 : i32
      %lt3A_444 = arith.cmpi slt, %add3A_437, %lt3A_443 : i32
      %convert_element_type3A_445 = arith.extui %lt3A_444 : i1 to i32
      %cond3A_446 = arith.constant 0 : i32
      %cond3A_447 = arith.cmpi ne, %convert_element_type3A_445, %cond3A_446 : i32
      scf.if %cond3A_447 {
        %add3A_501 = arith.constant 4 : i32
        %add3A_502 = arith.addi %add3A_437, %add3A_501 : i32
        %add3A_503 = arith.addi %select_n3A, %add3A_502 : i32
        %mul3A_504 = arith.constant 128 : i32
        %mul3A_505 = arith.muli %add3A_503, %mul3A_504 : i32
        %multiple_of3A_506 = tpu.assume_multiple %mul3A_505, 8 : i32
        %dma_start3A_507 = arith.constant 0 : i32
        %dma_start3A_508 = arith.constant 0 : i32
        %dma_start3A_509 = arith.constant 0 : i32
        %dma_start3A_510 = tpu.memref_slice %arg7[%dma_start3A_508, %dma_start3A_509] : memref<1x128xi32, #tpu.memory_space<vmem>> -> memref<1x128xi32, #tpu.memory_space<vmem>>
        %dma_start3A_511 = tpu.memref_squeeze %dma_start3A_510 : memref<1x128xi32, #tpu.memory_space<vmem>> -> memref<128xi32, #tpu.memory_space<vmem>>
        %dma_start3A_512 = tpu.memref_slice %arg3[%dma_start3A_507, %multiple_of3A_506] : memref<2x640000xi32, #tpu.memory_space<hbm>> -> memref<1x128xi32, #tpu.memory_space<hbm>>
        %dma_start3A_513 = tpu.memref_squeeze %dma_start3A_512 : memref<1x128xi32, #tpu.memory_space<hbm>> -> memref<128xi32, #tpu.memory_space<hbm>>
        %dma_start3A_514 = arith.constant 0 : i32
        %dma_start3A_515 = tpu.memref_slice %arg7[%dma_start3A_508, %dma_start3A_514] : memref<1x128xi32, #tpu.memory_space<vmem>> -> memref<1x128xi32, #tpu.memory_space<vmem>>
        %dma_start3A_516 = tpu.memref_squeeze %dma_start3A_515 : memref<1x128xi32, #tpu.memory_space<vmem>> -> memref<128xi32, #tpu.memory_space<vmem>>
        %dma_start3A_517 = tpu.memref_slice %arg3[%dma_start3A_507, %multiple_of3A_506] : memref<2x640000xi32, #tpu.memory_space<hbm>> -> memref<1x128xi32, #tpu.memory_space<hbm>>
        %dma_start3A_518 = tpu.memref_squeeze %dma_start3A_517 : memref<1x128xi32, #tpu.memory_space<hbm>> -> memref<128xi32, #tpu.memory_space<hbm>>
        tpu.enqueue_dma source(%dma_start3A_518 : memref<128xi32, #tpu.memory_space<hbm>>) target(%dma_start3A_516 : memref<128xi32, #tpu.memory_space<vmem>>) target_semaphore(%arg29 : memref<!tpu.dma_semaphore, #tpu.memory_space<semaphore_mem>>)
        %dma_start3A_519 = arith.constant 1 : i32
        %dma_start3A_520 = arith.constant 0 : i32
        %dma_start3A_521 = arith.constant 0 : i32
        %dma_start3A_522 = tpu.memref_slice %arg13[%dma_start3A_520, %dma_start3A_521] : memref<1x128xi32, #tpu.memory_space<vmem>> -> memref<1x128xi32, #tpu.memory_space<vmem>>
        %dma_start3A_523 = tpu.memref_squeeze %dma_start3A_522 : memref<1x128xi32, #tpu.memory_space<vmem>> -> memref<128xi32, #tpu.memory_space<vmem>>
        %dma_start3A_524 = tpu.memref_slice %arg3[%dma_start3A_519, %multiple_of3A_506] : memref<2x640000xi32, #tpu.memory_space<hbm>> -> memref<1x128xi32, #tpu.memory_space<hbm>>
        %dma_start3A_525 = tpu.memref_squeeze %dma_start3A_524 : memref<1x128xi32, #tpu.memory_space<hbm>> -> memref<128xi32, #tpu.memory_space<hbm>>
        %dma_start3A_526 = arith.constant 0 : i32
        %dma_start3A_527 = tpu.memref_slice %arg13[%dma_start3A_520, %dma_start3A_526] : memref<1x128xi32, #tpu.memory_space<vmem>> -> memref<1x128xi32, #tpu.memory_space<vmem>>
        %dma_start3A_528 = tpu.memref_squeeze %dma_start3A_527 : memref<1x128xi32, #tpu.memory_space<vmem>> -> memref<128xi32, #tpu.memory_space<vmem>>
        %dma_start3A_529 = tpu.memref_slice %arg3[%dma_start3A_519, %multiple_of3A_506] : memref<2x640000xi32, #tpu.memory_space<hbm>> -> memref<1x128xi32, #tpu.memory_space<hbm>>
        %dma_start3A_530 = tpu.memref_squeeze %dma_start3A_529 : memref<1x128xi32, #tpu.memory_space<hbm>> -> memref<128xi32, #tpu.memory_space<hbm>>
        tpu.enqueue_dma source(%dma_start3A_530 : memref<128xi32, #tpu.memory_space<hbm>>) target(%dma_start3A_528 : memref<128xi32, #tpu.memory_space<vmem>>) target_semaphore(%arg29 : memref<!tpu.dma_semaphore, #tpu.memory_space<semaphore_mem>>)
      } else {
      }
      %dma_wait3A_448 = arith.constant 0 : i32
      %dma_wait3A_449 = arith.constant 0 : i32
      %dma_wait3A_450 = tpu.memref_slice %arg9[%dma_wait3A_448, %dma_wait3A_449] : memref<1x128xi32, #tpu.memory_space<vmem>> -> memref<1x128xi32, #tpu.memory_space<vmem>>
      %dma_wait3A_451 = tpu.memref_squeeze %dma_wait3A_450 : memref<1x128xi32, #tpu.memory_space<vmem>> -> memref<128xi32, #tpu.memory_space<vmem>>
      %dma_wait3A_452 = arith.constant 0 : i32
      %dma_wait3A_453 = arith.constant 0 : i32
      %dma_wait3A_454 = tpu.memref_slice %arg2[%dma_wait3A_452, %dma_wait3A_453] : memref<10000x64xf32, #tpu.memory_space<hbm>> -> memref<10000x64xf32, #tpu.memory_space<hbm>>
      tpu.wait_indirect_dma semaphore(%arg37 : memref<!tpu.dma_semaphore, #tpu.memory_space<semaphore_mem>>) src(%dma_wait3A_454 : memref<10000x64xf32, #tpu.memory_space<hbm>>) dst(%arg23 : memref<128x64xf32, #tpu.memory_space<vmem>>)
      %lt3A_455 = arith.constant 153 : i32
      %lt3A_456 = arith.cmpi slt, %add3A_437, %lt3A_455 : i32
      %convert_element_type3A_457 = arith.extui %lt3A_456 : i1 to i32
      %cond3A_458 = arith.constant 0 : i32
      %cond3A_459 = arith.cmpi ne, %convert_element_type3A_457, %cond3A_458 : i32
      scf.if %cond3A_459 {
        %dma_wait3A_501 = arith.constant 0 : i32
        %dma_wait3A_502 = arith.constant 0 : i32
        %dma_wait3A_503 = arith.constant 0 : i32
        %dma_wait3A_504 = tpu.memref_slice %arg6[%dma_wait3A_502, %dma_wait3A_503] : memref<1x128xi32, #tpu.memory_space<vmem>> -> memref<1x128xi32, #tpu.memory_space<vmem>>
        %dma_wait3A_505 = tpu.memref_squeeze %dma_wait3A_504 : memref<1x128xi32, #tpu.memory_space<vmem>> -> memref<128xi32, #tpu.memory_space<vmem>>
        %dma_wait3A_506 = arith.constant 0 : i32
        %dma_wait3A_507 = tpu.memref_slice %arg3[%dma_wait3A_501, %dma_wait3A_506] : memref<2x640000xi32, #tpu.memory_space<hbm>> -> memref<1x128xi32, #tpu.memory_space<hbm>>
        %dma_wait3A_508 = tpu.memref_squeeze %dma_wait3A_507 : memref<1x128xi32, #tpu.memory_space<hbm>> -> memref<128xi32, #tpu.memory_space<hbm>>
        %dma_wait3A_509 = arith.constant 0 : i32
        %dma_wait3A_510 = tpu.memref_slice %arg6[%dma_wait3A_502, %dma_wait3A_509] : memref<1x128xi32, #tpu.memory_space<vmem>> -> memref<1x128xi32, #tpu.memory_space<vmem>>
        %dma_wait3A_511 = tpu.memref_squeeze %dma_wait3A_510 : memref<1x128xi32, #tpu.memory_space<vmem>> -> memref<128xi32, #tpu.memory_space<vmem>>
        %dma_wait3A_512 = arith.constant 0 : i32
        %dma_wait3A_513 = tpu.memref_slice %arg3[%dma_wait3A_501, %dma_wait3A_512] : memref<2x640000xi32, #tpu.memory_space<hbm>> -> memref<1x128xi32, #tpu.memory_space<hbm>>
        %dma_wait3A_514 = tpu.memref_squeeze %dma_wait3A_513 : memref<1x128xi32, #tpu.memory_space<hbm>> -> memref<128xi32, #tpu.memory_space<hbm>>
        tpu.wait_dma2 semaphore(%arg28 : memref<!tpu.dma_semaphore, #tpu.memory_space<semaphore_mem>>) src(%dma_wait3A_514 : memref<128xi32, #tpu.memory_space<hbm>>) dst(%dma_wait3A_511 : memref<128xi32, #tpu.memory_space<vmem>>)
        %dma_wait3A_515 = arith.constant 1 : i32
        %dma_wait3A_516 = arith.constant 0 : i32
        %dma_wait3A_517 = arith.constant 0 : i32
        %dma_wait3A_518 = tpu.memref_slice %arg12[%dma_wait3A_516, %dma_wait3A_517] : memref<1x128xi32, #tpu.memory_space<vmem>> -> memref<1x128xi32, #tpu.memory_space<vmem>>
        %dma_wait3A_519 = tpu.memref_squeeze %dma_wait3A_518 : memref<1x128xi32, #tpu.memory_space<vmem>> -> memref<128xi32, #tpu.memory_space<vmem>>
        %dma_wait3A_520 = arith.constant 0 : i32
        %dma_wait3A_521 = tpu.memref_slice %arg3[%dma_wait3A_515, %dma_wait3A_520] : memref<2x640000xi32, #tpu.memory_space<hbm>> -> memref<1x128xi32, #tpu.memory_space<hbm>>
        %dma_wait3A_522 = tpu.memref_squeeze %dma_wait3A_521 : memref<1x128xi32, #tpu.memory_space<hbm>> -> memref<128xi32, #tpu.memory_space<hbm>>
        %dma_wait3A_523 = arith.constant 0 : i32
        %dma_wait3A_524 = tpu.memref_slice %arg12[%dma_wait3A_516, %dma_wait3A_523] : memref<1x128xi32, #tpu.memory_space<vmem>> -> memref<1x128xi32, #tpu.memory_space<vmem>>
        %dma_wait3A_525 = tpu.memref_squeeze %dma_wait3A_524 : memref<1x128xi32, #tpu.memory_space<vmem>> -> memref<128xi32, #tpu.memory_space<vmem>>
        %dma_wait3A_526 = arith.constant 0 : i32
        %dma_wait3A_527 = tpu.memref_slice %arg3[%dma_wait3A_515, %dma_wait3A_526] : memref<2x640000xi32, #tpu.memory_space<hbm>> -> memref<1x128xi32, #tpu.memory_space<hbm>>
        %dma_wait3A_528 = tpu.memref_squeeze %dma_wait3A_527 : memref<1x128xi32, #tpu.memory_space<hbm>> -> memref<128xi32, #tpu.memory_space<hbm>>
        tpu.wait_dma2 semaphore(%arg28 : memref<!tpu.dma_semaphore, #tpu.memory_space<semaphore_mem>>) src(%dma_wait3A_528 : memref<128xi32, #tpu.memory_space<hbm>>) dst(%dma_wait3A_525 : memref<128xi32, #tpu.memory_space<vmem>>)
        %dma_start3A_529 = arith.constant 0 : i32
        %dma_start3A_530 = arith.constant 0 : i32
        %dma_start3A_531 = tpu.memref_slice %arg6[%dma_start3A_529, %dma_start3A_530] : memref<1x128xi32, #tpu.memory_space<vmem>> -> memref<1x128xi32, #tpu.memory_space<vmem>>
        %dma_start3A_532 = tpu.memref_squeeze %dma_start3A_531 : memref<1x128xi32, #tpu.memory_space<vmem>> -> memref<128xi32, #tpu.memory_space<vmem>>
        %dma_start3A_533 = arith.constant 0 : i32
        %dma_start3A_534 = arith.constant 0 : i32
        %dma_start3A_535 = tpu.memref_slice %arg2[%dma_start3A_533, %dma_start3A_534] : memref<10000x64xf32, #tpu.memory_space<hbm>> -> memref<10000x64xf32, #tpu.memory_space<hbm>>
        tpu.enqueue_indirect_dma source(%dma_start3A_535 : memref<10000x64xf32, #tpu.memory_space<hbm>>) target(%arg20 : memref<128x64xf32, #tpu.memory_space<vmem>>) offsets(%dma_start3A_532 : memref<128xi32, #tpu.memory_space<vmem>>) semaphore(%arg34 : memref<!tpu.dma_semaphore, #tpu.memory_space<semaphore_mem>>)
      } else {
      }
      %dma_start3A_460 = arith.constant 0 : i32
      %dma_start3A_461 = arith.constant 0 : i32
      %dma_start3A_462 = tpu.memref_slice %arg15[%dma_start3A_460, %dma_start3A_461] : memref<1x128xi32, #tpu.memory_space<vmem>> -> memref<1x128xi32, #tpu.memory_space<vmem>>
      %dma_start3A_463 = tpu.memref_squeeze %dma_start3A_462 : memref<1x128xi32, #tpu.memory_space<vmem>> -> memref<128xi32, #tpu.memory_space<vmem>>
      %dma_start3A_464 = arith.constant 0 : i32
      %dma_start3A_465 = arith.constant 0 : i32
      %dma_start3A_466 = tpu.memref_slice %arg26[%dma_start3A_464, %dma_start3A_465] : memref<10000x64xf32, #tpu.memory_space<vmem_shared>> -> memref<10000x64xf32, #tpu.memory_space<vmem_shared>>
      tpu.enqueue_indirect_dma source(%arg23 : memref<128x64xf32, #tpu.memory_space<vmem>>) target(%dma_start3A_466 : memref<10000x64xf32, #tpu.memory_space<vmem_shared>>) offsets(%dma_start3A_463 : memref<128xi32, #tpu.memory_space<vmem>>) semaphore(%arg43 : memref<!tpu.dma_semaphore, #tpu.memory_space<semaphore_mem>>) {add = true}
      %mul3A_467 = arith.constant 6 : i32
      %mul3A_468 = arith.muli %mul3A_467, %scan3A_301 : i32
      %add3A_469 = arith.constant 5 : i32
      %add3A_470 = arith.addi %mul3A_468, %add3A_469 : i32
      %ge3A_471 = arith.constant 2 : i32
      %ge3A_472 = arith.cmpi sge, %add3A_470, %ge3A_471 : i32
      %convert_element_type3A_473 = arith.extui %ge3A_472 : i1 to i32
      %cond3A_474 = arith.constant 0 : i32
      %cond3A_475 = arith.cmpi ne, %convert_element_type3A_473, %cond3A_474 : i32
      scf.if %cond3A_475 {
        %dma_wait3A_501 = arith.constant 0 : i32
        %dma_wait3A_502 = arith.constant 0 : i32
        %dma_wait3A_503 = tpu.memref_slice %arg14[%dma_wait3A_501, %dma_wait3A_502] : memref<1x128xi32, #tpu.memory_space<vmem>> -> memref<1x128xi32, #tpu.memory_space<vmem>>
        %dma_wait3A_504 = tpu.memref_squeeze %dma_wait3A_503 : memref<1x128xi32, #tpu.memory_space<vmem>> -> memref<128xi32, #tpu.memory_space<vmem>>
        %dma_wait3A_505 = arith.constant 0 : i32
        %dma_wait3A_506 = arith.constant 0 : i32
        %dma_wait3A_507 = tpu.memref_slice %arg26[%dma_wait3A_505, %dma_wait3A_506] : memref<10000x64xf32, #tpu.memory_space<vmem_shared>> -> memref<10000x64xf32, #tpu.memory_space<vmem_shared>>
        tpu.wait_indirect_dma semaphore(%arg42 : memref<!tpu.dma_semaphore, #tpu.memory_space<semaphore_mem>>) src(%arg22 : memref<128x64xf32, #tpu.memory_space<vmem>>) dst(%dma_wait3A_507 : memref<10000x64xf32, #tpu.memory_space<vmem_shared>>)
      } else {
      }
      %lt3A_476 = arith.constant 152 : i32
      %lt3A_477 = arith.cmpi slt, %add3A_470, %lt3A_476 : i32
      %convert_element_type3A_478 = arith.extui %lt3A_477 : i1 to i32
      %cond3A_479 = arith.constant 0 : i32
      %cond3A_480 = arith.cmpi ne, %convert_element_type3A_478, %cond3A_479 : i32
      scf.if %cond3A_480 {
        %add3A_501 = arith.constant 4 : i32
        %add3A_502 = arith.addi %add3A_470, %add3A_501 : i32
        %add3A_503 = arith.addi %select_n3A, %add3A_502 : i32
        %mul3A_504 = arith.constant 128 : i32
        %mul3A_505 = arith.muli %add3A_503, %mul3A_504 : i32
        %multiple_of3A_506 = tpu.assume_multiple %mul3A_505, 8 : i32
        %dma_start3A_507 = arith.constant 0 : i32
        %dma_start3A_508 = arith.constant 0 : i32
        %dma_start3A_509 = arith.constant 0 : i32
        %dma_start3A_510 = tpu.memref_slice %arg8[%dma_start3A_508, %dma_start3A_509] : memref<1x128xi32, #tpu.memory_space<vmem>> -> memref<1x128xi32, #tpu.memory_space<vmem>>
        %dma_start3A_511 = tpu.memref_squeeze %dma_start3A_510 : memref<1x128xi32, #tpu.memory_space<vmem>> -> memref<128xi32, #tpu.memory_space<vmem>>
        %dma_start3A_512 = tpu.memref_slice %arg3[%dma_start3A_507, %multiple_of3A_506] : memref<2x640000xi32, #tpu.memory_space<hbm>> -> memref<1x128xi32, #tpu.memory_space<hbm>>
        %dma_start3A_513 = tpu.memref_squeeze %dma_start3A_512 : memref<1x128xi32, #tpu.memory_space<hbm>> -> memref<128xi32, #tpu.memory_space<hbm>>
        %dma_start3A_514 = arith.constant 0 : i32
        %dma_start3A_515 = tpu.memref_slice %arg8[%dma_start3A_508, %dma_start3A_514] : memref<1x128xi32, #tpu.memory_space<vmem>> -> memref<1x128xi32, #tpu.memory_space<vmem>>
        %dma_start3A_516 = tpu.memref_squeeze %dma_start3A_515 : memref<1x128xi32, #tpu.memory_space<vmem>> -> memref<128xi32, #tpu.memory_space<vmem>>
        %dma_start3A_517 = tpu.memref_slice %arg3[%dma_start3A_507, %multiple_of3A_506] : memref<2x640000xi32, #tpu.memory_space<hbm>> -> memref<1x128xi32, #tpu.memory_space<hbm>>
        %dma_start3A_518 = tpu.memref_squeeze %dma_start3A_517 : memref<1x128xi32, #tpu.memory_space<hbm>> -> memref<128xi32, #tpu.memory_space<hbm>>
        tpu.enqueue_dma source(%dma_start3A_518 : memref<128xi32, #tpu.memory_space<hbm>>) target(%dma_start3A_516 : memref<128xi32, #tpu.memory_space<vmem>>) target_semaphore(%arg30 : memref<!tpu.dma_semaphore, #tpu.memory_space<semaphore_mem>>)
        %dma_start3A_519 = arith.constant 1 : i32
        %dma_start3A_520 = arith.constant 0 : i32
        %dma_start3A_521 = arith.constant 0 : i32
        %dma_start3A_522 = tpu.memref_slice %arg14[%dma_start3A_520, %dma_start3A_521] : memref<1x128xi32, #tpu.memory_space<vmem>> -> memref<1x128xi32, #tpu.memory_space<vmem>>
        %dma_start3A_523 = tpu.memref_squeeze %dma_start3A_522 : memref<1x128xi32, #tpu.memory_space<vmem>> -> memref<128xi32, #tpu.memory_space<vmem>>
        %dma_start3A_524 = tpu.memref_slice %arg3[%dma_start3A_519, %multiple_of3A_506] : memref<2x640000xi32, #tpu.memory_space<hbm>> -> memref<1x128xi32, #tpu.memory_space<hbm>>
        %dma_start3A_525 = tpu.memref_squeeze %dma_start3A_524 : memref<1x128xi32, #tpu.memory_space<hbm>> -> memref<128xi32, #tpu.memory_space<hbm>>
        %dma_start3A_526 = arith.constant 0 : i32
        %dma_start3A_527 = tpu.memref_slice %arg14[%dma_start3A_520, %dma_start3A_526] : memref<1x128xi32, #tpu.memory_space<vmem>> -> memref<1x128xi32, #tpu.memory_space<vmem>>
        %dma_start3A_528 = tpu.memref_squeeze %dma_start3A_527 : memref<1x128xi32, #tpu.memory_space<vmem>> -> memref<128xi32, #tpu.memory_space<vmem>>
        %dma_start3A_529 = tpu.memref_slice %arg3[%dma_start3A_519, %multiple_of3A_506] : memref<2x640000xi32, #tpu.memory_space<hbm>> -> memref<1x128xi32, #tpu.memory_space<hbm>>
        %dma_start3A_530 = tpu.memref_squeeze %dma_start3A_529 : memref<1x128xi32, #tpu.memory_space<hbm>> -> memref<128xi32, #tpu.memory_space<hbm>>
        tpu.enqueue_dma source(%dma_start3A_530 : memref<128xi32, #tpu.memory_space<hbm>>) target(%dma_start3A_528 : memref<128xi32, #tpu.memory_space<vmem>>) target_semaphore(%arg30 : memref<!tpu.dma_semaphore, #tpu.memory_space<semaphore_mem>>)
      } else {
      }
      %dma_wait3A_481 = arith.constant 0 : i32
      %dma_wait3A_482 = arith.constant 0 : i32
      %dma_wait3A_483 = tpu.memref_slice %arg10[%dma_wait3A_481, %dma_wait3A_482] : memref<1x128xi32, #tpu.memory_space<vmem>> -> memref<1x128xi32, #tpu.memory_space<vmem>>
      %dma_wait3A_484 = tpu.memref_squeeze %dma_wait3A_483 : memref<1x128xi32, #tpu.memory_space<vmem>> -> memref<128xi32, #tpu.memory_space<vmem>>
      %dma_wait3A_485 = arith.constant 0 : i32
      %dma_wait3A_486 = arith.constant 0 : i32
      %dma_wait3A_487 = tpu.memref_slice %arg2[%dma_wait3A_485, %dma_wait3A_486] : memref<10000x64xf32, #tpu.memory_space<hbm>> -> memref<10000x64xf32, #tpu.memory_space<hbm>>
      tpu.wait_indirect_dma semaphore(%arg38 : memref<!tpu.dma_semaphore, #tpu.memory_space<semaphore_mem>>) src(%dma_wait3A_487 : memref<10000x64xf32, #tpu.memory_space<hbm>>) dst(%arg24 : memref<128x64xf32, #tpu.memory_space<vmem>>)
      %lt3A_488 = arith.constant 153 : i32
      %lt3A_489 = arith.cmpi slt, %add3A_470, %lt3A_488 : i32
      %convert_element_type3A_490 = arith.extui %lt3A_489 : i1 to i32
      %cond3A_491 = arith.constant 0 : i32
      %cond3A_492 = arith.cmpi ne, %convert_element_type3A_490, %cond3A_491 : i32
      scf.if %cond3A_492 {
        %dma_wait3A_501 = arith.constant 0 : i32
        %dma_wait3A_502 = arith.constant 0 : i32
        %dma_wait3A_503 = arith.constant 0 : i32
        %dma_wait3A_504 = tpu.memref_slice %arg7[%dma_wait3A_502, %dma_wait3A_503] : memref<1x128xi32, #tpu.memory_space<vmem>> -> memref<1x128xi32, #tpu.memory_space<vmem>>
        %dma_wait3A_505 = tpu.memref_squeeze %dma_wait3A_504 : memref<1x128xi32, #tpu.memory_space<vmem>> -> memref<128xi32, #tpu.memory_space<vmem>>
        %dma_wait3A_506 = arith.constant 0 : i32
        %dma_wait3A_507 = tpu.memref_slice %arg3[%dma_wait3A_501, %dma_wait3A_506] : memref<2x640000xi32, #tpu.memory_space<hbm>> -> memref<1x128xi32, #tpu.memory_space<hbm>>
        %dma_wait3A_508 = tpu.memref_squeeze %dma_wait3A_507 : memref<1x128xi32, #tpu.memory_space<hbm>> -> memref<128xi32, #tpu.memory_space<hbm>>
        %dma_wait3A_509 = arith.constant 0 : i32
        %dma_wait3A_510 = tpu.memref_slice %arg7[%dma_wait3A_502, %dma_wait3A_509] : memref<1x128xi32, #tpu.memory_space<vmem>> -> memref<1x128xi32, #tpu.memory_space<vmem>>
        %dma_wait3A_511 = tpu.memref_squeeze %dma_wait3A_510 : memref<1x128xi32, #tpu.memory_space<vmem>> -> memref<128xi32, #tpu.memory_space<vmem>>
        %dma_wait3A_512 = arith.constant 0 : i32
        %dma_wait3A_513 = tpu.memref_slice %arg3[%dma_wait3A_501, %dma_wait3A_512] : memref<2x640000xi32, #tpu.memory_space<hbm>> -> memref<1x128xi32, #tpu.memory_space<hbm>>
        %dma_wait3A_514 = tpu.memref_squeeze %dma_wait3A_513 : memref<1x128xi32, #tpu.memory_space<hbm>> -> memref<128xi32, #tpu.memory_space<hbm>>
        tpu.wait_dma2 semaphore(%arg29 : memref<!tpu.dma_semaphore, #tpu.memory_space<semaphore_mem>>) src(%dma_wait3A_514 : memref<128xi32, #tpu.memory_space<hbm>>) dst(%dma_wait3A_511 : memref<128xi32, #tpu.memory_space<vmem>>)
        %dma_wait3A_515 = arith.constant 1 : i32
        %dma_wait3A_516 = arith.constant 0 : i32
        %dma_wait3A_517 = arith.constant 0 : i32
        %dma_wait3A_518 = tpu.memref_slice %arg13[%dma_wait3A_516, %dma_wait3A_517] : memref<1x128xi32, #tpu.memory_space<vmem>> -> memref<1x128xi32, #tpu.memory_space<vmem>>
        %dma_wait3A_519 = tpu.memref_squeeze %dma_wait3A_518 : memref<1x128xi32, #tpu.memory_space<vmem>> -> memref<128xi32, #tpu.memory_space<vmem>>
        %dma_wait3A_520 = arith.constant 0 : i32
        %dma_wait3A_521 = tpu.memref_slice %arg3[%dma_wait3A_515, %dma_wait3A_520] : memref<2x640000xi32, #tpu.memory_space<hbm>> -> memref<1x128xi32, #tpu.memory_space<hbm>>
        %dma_wait3A_522 = tpu.memref_squeeze %dma_wait3A_521 : memref<1x128xi32, #tpu.memory_space<hbm>> -> memref<128xi32, #tpu.memory_space<hbm>>
        %dma_wait3A_523 = arith.constant 0 : i32
        %dma_wait3A_524 = tpu.memref_slice %arg13[%dma_wait3A_516, %dma_wait3A_523] : memref<1x128xi32, #tpu.memory_space<vmem>> -> memref<1x128xi32, #tpu.memory_space<vmem>>
        %dma_wait3A_525 = tpu.memref_squeeze %dma_wait3A_524 : memref<1x128xi32, #tpu.memory_space<vmem>> -> memref<128xi32, #tpu.memory_space<vmem>>
        %dma_wait3A_526 = arith.constant 0 : i32
        %dma_wait3A_527 = tpu.memref_slice %arg3[%dma_wait3A_515, %dma_wait3A_526] : memref<2x640000xi32, #tpu.memory_space<hbm>> -> memref<1x128xi32, #tpu.memory_space<hbm>>
        %dma_wait3A_528 = tpu.memref_squeeze %dma_wait3A_527 : memref<1x128xi32, #tpu.memory_space<hbm>> -> memref<128xi32, #tpu.memory_space<hbm>>
        tpu.wait_dma2 semaphore(%arg29 : memref<!tpu.dma_semaphore, #tpu.memory_space<semaphore_mem>>) src(%dma_wait3A_528 : memref<128xi32, #tpu.memory_space<hbm>>) dst(%dma_wait3A_525 : memref<128xi32, #tpu.memory_space<vmem>>)
        %dma_start3A_529 = arith.constant 0 : i32
        %dma_start3A_530 = arith.constant 0 : i32
        %dma_start3A_531 = tpu.memref_slice %arg7[%dma_start3A_529, %dma_start3A_530] : memref<1x128xi32, #tpu.memory_space<vmem>> -> memref<1x128xi32, #tpu.memory_space<vmem>>
        %dma_start3A_532 = tpu.memref_squeeze %dma_start3A_531 : memref<1x128xi32, #tpu.memory_space<vmem>> -> memref<128xi32, #tpu.memory_space<vmem>>
        %dma_start3A_533 = arith.constant 0 : i32
        %dma_start3A_534 = arith.constant 0 : i32
        %dma_start3A_535 = tpu.memref_slice %arg2[%dma_start3A_533, %dma_start3A_534] : memref<10000x64xf32, #tpu.memory_space<hbm>> -> memref<10000x64xf32, #tpu.memory_space<hbm>>
        tpu.enqueue_indirect_dma source(%dma_start3A_535 : memref<10000x64xf32, #tpu.memory_space<hbm>>) target(%arg21 : memref<128x64xf32, #tpu.memory_space<vmem>>) offsets(%dma_start3A_532 : memref<128xi32, #tpu.memory_space<vmem>>) semaphore(%arg35 : memref<!tpu.dma_semaphore, #tpu.memory_space<semaphore_mem>>)
      } else {
      }
      %dma_start3A_493 = arith.constant 0 : i32
      %dma_start3A_494 = arith.constant 0 : i32
      %dma_start3A_495 = tpu.memref_slice %arg16[%dma_start3A_493, %dma_start3A_494] : memref<1x128xi32, #tpu.memory_space<vmem>> -> memref<1x128xi32, #tpu.memory_space<vmem>>
      %dma_start3A_496 = tpu.memref_squeeze %dma_start3A_495 : memref<1x128xi32, #tpu.memory_space<vmem>> -> memref<128xi32, #tpu.memory_space<vmem>>
      %dma_start3A_497 = arith.constant 0 : i32
      %dma_start3A_498 = arith.constant 0 : i32
      %dma_start3A_499 = tpu.memref_slice %arg26[%dma_start3A_497, %dma_start3A_498] : memref<10000x64xf32, #tpu.memory_space<vmem_shared>> -> memref<10000x64xf32, #tpu.memory_space<vmem_shared>>
      tpu.enqueue_indirect_dma source(%arg24 : memref<128x64xf32, #tpu.memory_space<vmem>>) target(%dma_start3A_499 : memref<10000x64xf32, #tpu.memory_space<vmem_shared>>) offsets(%dma_start3A_496 : memref<128xi32, #tpu.memory_space<vmem>>) semaphore(%arg44 : memref<!tpu.dma_semaphore, #tpu.memory_space<semaphore_mem>>) {add = true}
      %scan3A_500 = arith.constant 0 : i32
      scf.yield %scan3A_500 : i32
    }
    %scan3A_270 = arith.constant 26 : i32
    %dma_wait3A_271 = arith.constant 0 : i32
    %dma_wait3A_272 = arith.constant 0 : i32
    %dma_wait3A_273 = tpu.memref_slice %arg15[%dma_wait3A_271, %dma_wait3A_272] : memref<1x128xi32, #tpu.memory_space<vmem>> -> memref<1x128xi32, #tpu.memory_space<vmem>>
    %dma_wait3A_274 = tpu.memref_squeeze %dma_wait3A_273 : memref<1x128xi32, #tpu.memory_space<vmem>> -> memref<128xi32, #tpu.memory_space<vmem>>
    %dma_wait3A_275 = arith.constant 0 : i32
    %dma_wait3A_276 = arith.constant 0 : i32
    %dma_wait3A_277 = tpu.memref_slice %arg26[%dma_wait3A_275, %dma_wait3A_276] : memref<10000x64xf32, #tpu.memory_space<vmem_shared>> -> memref<10000x64xf32, #tpu.memory_space<vmem_shared>>
    tpu.wait_indirect_dma semaphore(%arg43 : memref<!tpu.dma_semaphore, #tpu.memory_space<semaphore_mem>>) src(%arg23 : memref<128x64xf32, #tpu.memory_space<vmem>>) dst(%dma_wait3A_277 : memref<10000x64xf32, #tpu.memory_space<vmem_shared>>)
    %dma_wait3A_278 = arith.constant 0 : i32
    %dma_wait3A_279 = arith.constant 0 : i32
    %dma_wait3A_280 = tpu.memref_slice %arg16[%dma_wait3A_278, %dma_wait3A_279] : memref<1x128xi32, #tpu.memory_space<vmem>> -> memref<1x128xi32, #tpu.memory_space<vmem>>
    %dma_wait3A_281 = tpu.memref_squeeze %dma_wait3A_280 : memref<1x128xi32, #tpu.memory_space<vmem>> -> memref<128xi32, #tpu.memory_space<vmem>>
    %dma_wait3A_282 = arith.constant 0 : i32
    %dma_wait3A_283 = arith.constant 0 : i32
    %dma_wait3A_284 = tpu.memref_slice %arg26[%dma_wait3A_282, %dma_wait3A_283] : memref<10000x64xf32, #tpu.memory_space<vmem_shared>> -> memref<10000x64xf32, #tpu.memory_space<vmem_shared>>
    tpu.wait_indirect_dma semaphore(%arg44 : memref<!tpu.dma_semaphore, #tpu.memory_space<semaphore_mem>>) src(%arg24 : memref<128x64xf32, #tpu.memory_space<vmem>>) dst(%dma_wait3A_284 : memref<10000x64xf32, #tpu.memory_space<vmem_shared>>)
    %lt3A_285 = arith.constant 8 : i32
    %lt3A_286 = arith.cmpi slt, %add3A, %lt3A_285 : i32
    %convert_element_type3A_287 = arith.extui %lt3A_286 : i1 to i32
    %cond3A_288 = arith.constant 0 : i32
    %cond3A_289 = arith.cmpi ne, %convert_element_type3A_287, %cond3A_288 : i32
    scf.if %cond3A_289 {
      %add3A_301 = arith.constant 156 : i32
      %add3A_302 = arith.addi %select_n3A, %add3A_301 : i32
      %mul3A_303 = arith.constant 128 : i32
      %mul3A_304 = arith.muli %add3A_302, %mul3A_303 : i32
      %multiple_of3A_305 = tpu.assume_multiple %mul3A_304, 8 : i32
      %run_scoped3A = arith.constant 0 : i32
      %run_scoped3A_306 = arith.constant 0 : i32
      "tpu.region"() ({
        %run_scoped3A_324 = tpu.sem_alloc : memref<!tpu.dma_semaphore, #tpu.memory_space<semaphore_mem>>
        %dma_start3A_325 = arith.constant 0 : i32
        %dma_start3A_326 = tpu.memref_slice %arg17[%run_scoped3A_306, %dma_start3A_325] : memref<1x128xi32, #tpu.memory_space<vmem>> -> memref<1x128xi32, #tpu.memory_space<vmem>>
        %dma_start3A_327 = tpu.memref_squeeze %dma_start3A_326 : memref<1x128xi32, #tpu.memory_space<vmem>> -> memref<128xi32, #tpu.memory_space<vmem>>
        %dma_start3A_328 = tpu.memref_slice %arg3[%run_scoped3A, %multiple_of3A_305] : memref<2x640000xi32, #tpu.memory_space<hbm>> -> memref<1x128xi32, #tpu.memory_space<hbm>>
        %dma_start3A_329 = tpu.memref_squeeze %dma_start3A_328 : memref<1x128xi32, #tpu.memory_space<hbm>> -> memref<128xi32, #tpu.memory_space<hbm>>
        %dma_start3A_330 = arith.constant 0 : i32
        %dma_start3A_331 = tpu.memref_slice %arg17[%run_scoped3A_306, %dma_start3A_330] : memref<1x128xi32, #tpu.memory_space<vmem>> -> memref<1x128xi32, #tpu.memory_space<vmem>>
        %dma_start3A_332 = tpu.memref_squeeze %dma_start3A_331 : memref<1x128xi32, #tpu.memory_space<vmem>> -> memref<128xi32, #tpu.memory_space<vmem>>
        %dma_start3A_333 = tpu.memref_slice %arg3[%run_scoped3A, %multiple_of3A_305] : memref<2x640000xi32, #tpu.memory_space<hbm>> -> memref<1x128xi32, #tpu.memory_space<hbm>>
        %dma_start3A_334 = tpu.memref_squeeze %dma_start3A_333 : memref<1x128xi32, #tpu.memory_space<hbm>> -> memref<128xi32, #tpu.memory_space<hbm>>
        tpu.enqueue_dma source(%dma_start3A_334 : memref<128xi32, #tpu.memory_space<hbm>>) target(%dma_start3A_332 : memref<128xi32, #tpu.memory_space<vmem>>) target_semaphore(%run_scoped3A_324 : memref<!tpu.dma_semaphore, #tpu.memory_space<semaphore_mem>>)
        %dma_wait3A_335 = arith.constant 0 : i32
        %dma_wait3A_336 = tpu.memref_slice %arg17[%run_scoped3A_306, %dma_wait3A_335] : memref<1x128xi32, #tpu.memory_space<vmem>> -> memref<1x128xi32, #tpu.memory_space<vmem>>
        %dma_wait3A_337 = tpu.memref_squeeze %dma_wait3A_336 : memref<1x128xi32, #tpu.memory_space<vmem>> -> memref<128xi32, #tpu.memory_space<vmem>>
        %dma_wait3A_338 = tpu.memref_slice %arg3[%run_scoped3A, %multiple_of3A_305] : memref<2x640000xi32, #tpu.memory_space<hbm>> -> memref<1x128xi32, #tpu.memory_space<hbm>>
        %dma_wait3A_339 = tpu.memref_squeeze %dma_wait3A_338 : memref<1x128xi32, #tpu.memory_space<hbm>> -> memref<128xi32, #tpu.memory_space<hbm>>
        %dma_wait3A_340 = arith.constant 0 : i32
        %dma_wait3A_341 = tpu.memref_slice %arg17[%run_scoped3A_306, %dma_wait3A_340] : memref<1x128xi32, #tpu.memory_space<vmem>> -> memref<1x128xi32, #tpu.memory_space<vmem>>
        %dma_wait3A_342 = tpu.memref_squeeze %dma_wait3A_341 : memref<1x128xi32, #tpu.memory_space<vmem>> -> memref<128xi32, #tpu.memory_space<vmem>>
        %dma_wait3A_343 = tpu.memref_slice %arg3[%run_scoped3A, %multiple_of3A_305] : memref<2x640000xi32, #tpu.memory_space<hbm>> -> memref<1x128xi32, #tpu.memory_space<hbm>>
        %dma_wait3A_344 = tpu.memref_squeeze %dma_wait3A_343 : memref<1x128xi32, #tpu.memory_space<hbm>> -> memref<128xi32, #tpu.memory_space<hbm>>
        tpu.wait_dma2 semaphore(%run_scoped3A_324 : memref<!tpu.dma_semaphore, #tpu.memory_space<semaphore_mem>>) src(%dma_wait3A_344 : memref<128xi32, #tpu.memory_space<hbm>>) dst(%dma_wait3A_342 : memref<128xi32, #tpu.memory_space<vmem>>)
        tpu.yield
      }) : () -> ()
      %run_scoped3A_307 = arith.constant 1 : i32
      %run_scoped3A_308 = arith.constant 0 : i32
      "tpu.region"() ({
        %run_scoped3A_324 = tpu.sem_alloc : memref<!tpu.dma_semaphore, #tpu.memory_space<semaphore_mem>>
        %dma_start3A_325 = arith.constant 0 : i32
        %dma_start3A_326 = tpu.memref_slice %arg18[%run_scoped3A_308, %dma_start3A_325] : memref<1x128xi32, #tpu.memory_space<vmem>> -> memref<1x128xi32, #tpu.memory_space<vmem>>
        %dma_start3A_327 = tpu.memref_squeeze %dma_start3A_326 : memref<1x128xi32, #tpu.memory_space<vmem>> -> memref<128xi32, #tpu.memory_space<vmem>>
        %dma_start3A_328 = tpu.memref_slice %arg3[%run_scoped3A_307, %multiple_of3A_305] : memref<2x640000xi32, #tpu.memory_space<hbm>> -> memref<1x128xi32, #tpu.memory_space<hbm>>
        %dma_start3A_329 = tpu.memref_squeeze %dma_start3A_328 : memref<1x128xi32, #tpu.memory_space<hbm>> -> memref<128xi32, #tpu.memory_space<hbm>>
        %dma_start3A_330 = arith.constant 0 : i32
        %dma_start3A_331 = tpu.memref_slice %arg18[%run_scoped3A_308, %dma_start3A_330] : memref<1x128xi32, #tpu.memory_space<vmem>> -> memref<1x128xi32, #tpu.memory_space<vmem>>
        %dma_start3A_332 = tpu.memref_squeeze %dma_start3A_331 : memref<1x128xi32, #tpu.memory_space<vmem>> -> memref<128xi32, #tpu.memory_space<vmem>>
        %dma_start3A_333 = tpu.memref_slice %arg3[%run_scoped3A_307, %multiple_of3A_305] : memref<2x640000xi32, #tpu.memory_space<hbm>> -> memref<1x128xi32, #tpu.memory_space<hbm>>
        %dma_start3A_334 = tpu.memref_squeeze %dma_start3A_333 : memref<1x128xi32, #tpu.memory_space<hbm>> -> memref<128xi32, #tpu.memory_space<hbm>>
        tpu.enqueue_dma source(%dma_start3A_334 : memref<128xi32, #tpu.memory_space<hbm>>) target(%dma_start3A_332 : memref<128xi32, #tpu.memory_space<vmem>>) target_semaphore(%run_scoped3A_324 : memref<!tpu.dma_semaphore, #tpu.memory_space<semaphore_mem>>)
        %dma_wait3A_335 = arith.constant 0 : i32
        %dma_wait3A_336 = tpu.memref_slice %arg18[%run_scoped3A_308, %dma_wait3A_335] : memref<1x128xi32, #tpu.memory_space<vmem>> -> memref<1x128xi32, #tpu.memory_space<vmem>>
        %dma_wait3A_337 = tpu.memref_squeeze %dma_wait3A_336 : memref<1x128xi32, #tpu.memory_space<vmem>> -> memref<128xi32, #tpu.memory_space<vmem>>
        %dma_wait3A_338 = tpu.memref_slice %arg3[%run_scoped3A_307, %multiple_of3A_305] : memref<2x640000xi32, #tpu.memory_space<hbm>> -> memref<1x128xi32, #tpu.memory_space<hbm>>
        %dma_wait3A_339 = tpu.memref_squeeze %dma_wait3A_338 : memref<1x128xi32, #tpu.memory_space<hbm>> -> memref<128xi32, #tpu.memory_space<hbm>>
        %dma_wait3A_340 = arith.constant 0 : i32
        %dma_wait3A_341 = tpu.memref_slice %arg18[%run_scoped3A_308, %dma_wait3A_340] : memref<1x128xi32, #tpu.memory_space<vmem>> -> memref<1x128xi32, #tpu.memory_space<vmem>>
        %dma_wait3A_342 = tpu.memref_squeeze %dma_wait3A_341 : memref<1x128xi32, #tpu.memory_space<vmem>> -> memref<128xi32, #tpu.memory_space<vmem>>
        %dma_wait3A_343 = tpu.memref_slice %arg3[%run_scoped3A_307, %multiple_of3A_305] : memref<2x640000xi32, #tpu.memory_space<hbm>> -> memref<1x128xi32, #tpu.memory_space<hbm>>
        %dma_wait3A_344 = tpu.memref_squeeze %dma_wait3A_343 : memref<1x128xi32, #tpu.memory_space<hbm>> -> memref<128xi32, #tpu.memory_space<hbm>>
        tpu.wait_dma2 semaphore(%run_scoped3A_324 : memref<!tpu.dma_semaphore, #tpu.memory_space<semaphore_mem>>) src(%dma_wait3A_344 : memref<128xi32, #tpu.memory_space<hbm>>) dst(%dma_wait3A_342 : memref<128xi32, #tpu.memory_space<vmem>>)
        tpu.yield
      }) : () -> ()
      %dma_start3A_309 = arith.constant 0 : i32
      %dma_start3A_310 = arith.constant 0 : i32
      %dma_start3A_311 = tpu.memref_slice %arg17[%dma_start3A_309, %dma_start3A_310] : memref<1x128xi32, #tpu.memory_space<vmem>> -> memref<1x128xi32, #tpu.memory_space<vmem>>
      %dma_start3A_312 = tpu.memref_squeeze %dma_start3A_311 : memref<1x128xi32, #tpu.memory_space<vmem>> -> memref<128xi32, #tpu.memory_space<vmem>>
      %dma_start3A_313 = arith.constant 0 : i32
      %dma_start3A_314 = arith.constant 0 : i32
      %dma_start3A_315 = tpu.memref_slice %arg2[%dma_start3A_313, %dma_start3A_314] : memref<10000x64xf32, #tpu.memory_space<hbm>> -> memref<10000x64xf32, #tpu.memory_space<hbm>>
      tpu.enqueue_indirect_dma source(%dma_start3A_315 : memref<10000x64xf32, #tpu.memory_space<hbm>>) target(%arg25 : memref<128x64xf32, #tpu.memory_space<vmem>>) offsets(%dma_start3A_312 : memref<128xi32, #tpu.memory_space<vmem>>) semaphore(%arg33 : memref<!tpu.dma_semaphore, #tpu.memory_space<semaphore_mem>>)
      %dma_wait3A_316 = arith.constant 0 : i32
      %dma_wait3A_317 = arith.constant 0 : i32
      %dma_wait3A_318 = tpu.memref_slice %arg17[%dma_wait3A_316, %dma_wait3A_317] : memref<1x128xi32, #tpu.memory_space<vmem>> -> memref<1x128xi32, #tpu.memory_space<vmem>>
      %dma_wait3A_319 = tpu.memref_squeeze %dma_wait3A_318 : memref<1x128xi32, #tpu.memory_space<vmem>> -> memref<128xi32, #tpu.memory_space<vmem>>
      %dma_wait3A_320 = arith.constant 0 : i32
      %dma_wait3A_321 = arith.constant 0 : i32
      %dma_wait3A_322 = tpu.memref_slice %arg2[%dma_wait3A_320, %dma_wait3A_321] : memref<10000x64xf32, #tpu.memory_space<hbm>> -> memref<10000x64xf32, #tpu.memory_space<hbm>>
      tpu.wait_indirect_dma semaphore(%arg33 : memref<!tpu.dma_semaphore, #tpu.memory_space<semaphore_mem>>) src(%dma_wait3A_322 : memref<10000x64xf32, #tpu.memory_space<hbm>>) dst(%arg25 : memref<128x64xf32, #tpu.memory_space<vmem>>)
      %run_scoped3A_323 = arith.constant 0 : i32
      "tpu.region"() ({
        %run_scoped3A_324 = tpu.sem_alloc : memref<!tpu.dma_semaphore, #tpu.memory_space<semaphore_mem>>
        %dma_start3A_325 = arith.constant 0 : i32
        %dma_start3A_326 = tpu.memref_slice %arg18[%run_scoped3A_323, %dma_start3A_325] : memref<1x128xi32, #tpu.memory_space<vmem>> -> memref<1x128xi32, #tpu.memory_space<vmem>>
        %dma_start3A_327 = tpu.memref_squeeze %dma_start3A_326 : memref<1x128xi32, #tpu.memory_space<vmem>> -> memref<128xi32, #tpu.memory_space<vmem>>
        %dma_start3A_328 = arith.constant 0 : i32
        %dma_start3A_329 = arith.constant 0 : i32
        %dma_start3A_330 = tpu.memref_slice %arg26[%dma_start3A_328, %dma_start3A_329] : memref<10000x64xf32, #tpu.memory_space<vmem_shared>> -> memref<10000x64xf32, #tpu.memory_space<vmem_shared>>
        tpu.enqueue_indirect_dma source(%arg25 : memref<128x64xf32, #tpu.memory_space<vmem>>) target(%dma_start3A_330 : memref<10000x64xf32, #tpu.memory_space<vmem_shared>>) offsets(%dma_start3A_327 : memref<128xi32, #tpu.memory_space<vmem>>) semaphore(%run_scoped3A_324 : memref<!tpu.dma_semaphore, #tpu.memory_space<semaphore_mem>>) {add = true}
        %dma_wait3A_331 = arith.constant 0 : i32
        %dma_wait3A_332 = tpu.memref_slice %arg18[%run_scoped3A_323, %dma_wait3A_331] : memref<1x128xi32, #tpu.memory_space<vmem>> -> memref<1x128xi32, #tpu.memory_space<vmem>>
        %dma_wait3A_333 = tpu.memref_squeeze %dma_wait3A_332 : memref<1x128xi32, #tpu.memory_space<vmem>> -> memref<128xi32, #tpu.memory_space<vmem>>
        %dma_wait3A_334 = arith.constant 0 : i32
        %dma_wait3A_335 = arith.constant 0 : i32
        %dma_wait3A_336 = tpu.memref_slice %arg26[%dma_wait3A_334, %dma_wait3A_335] : memref<10000x64xf32, #tpu.memory_space<vmem_shared>> -> memref<10000x64xf32, #tpu.memory_space<vmem_shared>>
        tpu.wait_indirect_dma semaphore(%run_scoped3A_324 : memref<!tpu.dma_semaphore, #tpu.memory_space<semaphore_mem>>) src(%arg25 : memref<128x64xf32, #tpu.memory_space<vmem>>) dst(%dma_wait3A_336 : memref<10000x64xf32, #tpu.memory_space<vmem_shared>>)
        tpu.yield
      }) : () -> ()
    } else {
    }
    %barrier3A_290 = arith.constant 0 : index
    tpu.barrier barrier_id(%barrier3A_290)
    %lt3A_291 = arith.constant 15 : i32
    %lt3A_292 = arith.cmpi slt, %arg1, %lt3A_291 : i32
    %convert_element_type3A_293 = arith.extui %lt3A_292 : i1 to i32
    %cond3A_294 = arith.constant 0 : i32
    %cond3A_295 = arith.cmpi ne, %convert_element_type3A_293, %cond3A_294 : i32
    scf.if %cond3A_295 {
      %mul3A_301 = arith.constant 632 : i32
      %mul3A_302 = arith.muli %arg1, %mul3A_301 : i32
      %mul3A_303 = arith.constant 632 : i32
      %mul3A_304 = arith.muli %arg1, %mul3A_303 : i32
      %mul3A_305 = arith.constant 64 : i32
      %mul3A_306 = arith.muli %arg0, %mul3A_305 : i32
      "tpu.region"() ({
        %run_scoped3A = tpu.sem_alloc : memref<!tpu.dma_semaphore, #tpu.memory_space<semaphore_mem>>
        %dma_start3A_307 = tpu.memref_slice %arg4[%mul3A_304, %mul3A_306] : memref<10000x128xf32, #tpu.memory_space<hbm>> -> memref<632x64xf32, #tpu.memory_space<hbm>>
        %dma_start3A_308 = arith.constant 0 : i32
        %dma_start3A_309 = tpu.memref_slice %arg26[%mul3A_302, %dma_start3A_308] : memref<10000x64xf32, #tpu.memory_space<vmem_shared>> -> memref<632x64xf32, #tpu.memory_space<vmem_shared>>
        tpu.enqueue_dma source(%dma_start3A_309 : memref<632x64xf32, #tpu.memory_space<vmem_shared>>) target(%dma_start3A_307 : memref<632x64xf32, #tpu.memory_space<hbm>>) target_semaphore(%run_scoped3A : memref<!tpu.dma_semaphore, #tpu.memory_space<semaphore_mem>>)
        %dma_wait3A_310 = tpu.memref_slice %arg4[%mul3A_304, %mul3A_306] : memref<10000x128xf32, #tpu.memory_space<hbm>> -> memref<632x64xf32, #tpu.memory_space<hbm>>
        %dma_wait3A_311 = arith.constant 0 : i32
        %dma_wait3A_312 = tpu.memref_slice %arg26[%mul3A_302, %dma_wait3A_311] : memref<10000x64xf32, #tpu.memory_space<vmem_shared>> -> memref<632x64xf32, #tpu.memory_space<vmem_shared>>
        tpu.wait_dma2 semaphore(%run_scoped3A : memref<!tpu.dma_semaphore, #tpu.memory_space<semaphore_mem>>) src(%dma_wait3A_312 : memref<632x64xf32, #tpu.memory_space<vmem_shared>>) dst(%dma_wait3A_310 : memref<632x64xf32, #tpu.memory_space<hbm>>)
        tpu.yield
      }) : () -> ()
    } else {
    }
    %eq3A_296 = arith.constant 15 : i32
    %eq3A_297 = arith.cmpi eq, %arg1, %eq3A_296 : i32
    %convert_element_type3A_298 = arith.extui %eq3A_297 : i1 to i32
    %cond3A_299 = arith.constant 0 : i32
    %cond3A_300 = arith.cmpi ne, %convert_element_type3A_298, %cond3A_299 : i32
    scf.if %cond3A_300 {
      %mul3A_301 = arith.constant 64 : i32
      %mul3A_302 = arith.muli %arg0, %mul3A_301 : i32
      "tpu.region"() ({
        %run_scoped3A = tpu.sem_alloc : memref<!tpu.dma_semaphore, #tpu.memory_space<semaphore_mem>>
        %dma_start3A_303 = arith.constant 9480 : i32
        %dma_start3A_304 = tpu.memref_slice %arg4[%dma_start3A_303, %mul3A_302] : memref<10000x128xf32, #tpu.memory_space<hbm>> -> memref<520x64xf32, #tpu.memory_space<hbm>>
        %dma_start3A_305 = arith.constant 9480 : i32
        %dma_start3A_306 = arith.constant 0 : i32
        %dma_start3A_307 = tpu.memref_slice %arg26[%dma_start3A_305, %dma_start3A_306] : memref<10000x64xf32, #tpu.memory_space<vmem_shared>> -> memref<520x64xf32, #tpu.memory_space<vmem_shared>>
        tpu.enqueue_dma source(%dma_start3A_307 : memref<520x64xf32, #tpu.memory_space<vmem_shared>>) target(%dma_start3A_304 : memref<520x64xf32, #tpu.memory_space<hbm>>) target_semaphore(%run_scoped3A : memref<!tpu.dma_semaphore, #tpu.memory_space<semaphore_mem>>)
        %dma_wait3A_308 = arith.constant 9480 : i32
        %dma_wait3A_309 = tpu.memref_slice %arg4[%dma_wait3A_308, %mul3A_302] : memref<10000x128xf32, #tpu.memory_space<hbm>> -> memref<520x64xf32, #tpu.memory_space<hbm>>
        %dma_wait3A_310 = arith.constant 9480 : i32
        %dma_wait3A_311 = arith.constant 0 : i32
        %dma_wait3A_312 = tpu.memref_slice %arg26[%dma_wait3A_310, %dma_wait3A_311] : memref<10000x64xf32, #tpu.memory_space<vmem_shared>> -> memref<520x64xf32, #tpu.memory_space<vmem_shared>>
        tpu.wait_dma2 semaphore(%run_scoped3A : memref<!tpu.dma_semaphore, #tpu.memory_space<semaphore_mem>>) src(%dma_wait3A_312 : memref<520x64xf32, #tpu.memory_space<vmem_shared>>) dst(%dma_wait3A_309 : memref<520x64xf32, #tpu.memory_space<hbm>>)
        tpu.yield
      }) : () -> ()
    } else {
    }
    return
  }
}

module attributes {stable_mosaic.version = 14 : i64} {
  func.func @_tc_mm_body(%arg0: memref<10000x128xf32, #tpu.memory_space<vmem>>, %arg1: memref<128x64xf32, #tpu.memory_space<vmem>>, %arg2: memref<10000x64xf32, #tpu.memory_space<vmem>>) attributes {dimension_semantics = [], scalar_prefetch = 0 : i64, scratch_operands = 0 : i64, tpu.core_type = #tpu.core_type<tc>} {
    %get3A = arith.constant 0 : index
    %get3A_0 = arith.constant 0 : index
    %get3A_1 = vector.load %arg0[%get3A, %get3A_0] : memref<10000x128xf32, #tpu.memory_space<vmem>>, vector<10000x128xf32>
    %get3A_2 = arith.constant 0 : index
    %get3A_3 = arith.constant 0 : index
    %get3A_4 = vector.load %arg1[%get3A_2, %get3A_3] : memref<128x64xf32, #tpu.memory_space<vmem>>, vector<128x64xf32>
    %dot_general3A = arith.constant dense<0.000000e+00> : vector<10000x64xf32>
    %dot_general3A_5 = tpu.matmul %get3A_1, %get3A_4, %dot_general3A {dimension_numbers = #tpu.dot_dimension_numbers<[1], [0], [0], [1], [0, 0, 1, 1], [], []>, transpose_lhs_hint = false} : vector<10000x128xf32>, vector<128x64xf32>, vector<10000x64xf32> -> vector<10000x64xf32>
    %swap3A = arith.constant 0 : index
    %swap3A_6 = arith.constant 0 : index
    %swap3A_7 = vector.load %arg2[%swap3A, %swap3A_6] : memref<10000x64xf32, #tpu.memory_space<vmem>>, vector<10000x64xf32>
    tpu.vector_store %arg2[%swap3A, %swap3A_6], %dot_general3A_5 {strides = array<i32>} : memref<10000x64xf32, #tpu.memory_space<vmem>>, vector<10000x64xf32>,
    return
  }
}

module attributes {stable_mosaic.version = 14 : i64} {
  func.func @_tc_scale_body(%arg0: memref<10000x64xf32, #tpu.memory_space<vmem>>, %arg1: memref<32x10000xf32, #tpu.memory_space<vmem>>, %arg2: memref<10000x64xf32, #tpu.memory_space<vmem>>) attributes {dimension_semantics = [], scalar_prefetch = 0 : i64, scratch_operands = 0 : i64, tpu.core_type = #tpu.core_type<tc>} {
    %get3A = arith.constant 0 : index
    %get3A_0 = arith.constant 0 : index
    %get3A_1 = vector.load %arg0[%get3A, %get3A_0] : memref<10000x64xf32, #tpu.memory_space<vmem>>, vector<10000x64xf32>
    %get3A_2 = arith.constant 0 : index
    %get3A_3 = arith.constant 0 : index
    %get3A_4 = vector.load %arg1[%get3A_2, %get3A_3] : memref<32x10000xf32, #tpu.memory_space<vmem>>, vector<32x10000xf32>
    %reduce_sum3A = arith.constant dense<0.000000e+00> : vector<10000xf32>
    %reduce_sum3A_5 = vector.multi_reduction <add>, %get3A_4, %reduce_sum3A [0] : vector<32x10000xf32> to vector<10000xf32>
    %broadcast_in_dim3A = vector.shape_cast %reduce_sum3A_5 : vector<10000xf32> to vector<1x10000xf32>
    %add3A = arith.constant 1.000000e+00 : f32
    %add3A_6 = vector.broadcast %add3A : f32 to vector<1x10000xf32>
    %add3A_7 = arith.addf %broadcast_in_dim3A, %add3A_6 : vector<1x10000xf32>
    %rsqrt3A = math.rsqrt %add3A_7 : vector<1x10000xf32>
    %transpose3A = tpu.transpose %rsqrt3A, [1, 0] : vector<1x10000xf32> -> vector<10000x1xf32>
    %mul3A = vector.broadcast %transpose3A : vector<10000x1xf32> to vector<10000x64xf32>
    %mul3A_8 = arith.mulf %get3A_1, %mul3A : vector<10000x64xf32>
    %swap3A = arith.constant 0 : index
    %swap3A_9 = arith.constant 0 : index
    %swap3A_10 = vector.load %arg2[%swap3A, %swap3A_9] : memref<10000x64xf32, #tpu.memory_space<vmem>>, vector<10000x64xf32>
    tpu.vector_store %arg2[%swap3A, %swap3A_9], %mul3A_8 {strides = array<i32>} : memref<10000x64xf32, #tpu.memory_space<vmem>>, vector<10000x64xf32>,
    return
  }
}

module attributes {stable_mosaic.version = 14 : i64} {
  func.func @_tc_mid_body(%arg0: memref<10000x128xf32, #tpu.memory_space<vmem>>, %arg1: memref<32x10000xf32, #tpu.memory_space<vmem>>, %arg2: memref<1x64xf32, #tpu.memory_space<vmem>>, %arg3: memref<1x64xf32, #tpu.memory_space<vmem>>, %arg4: memref<1x64xf32, #tpu.memory_space<vmem>>, %arg5: memref<64x64xf32, #tpu.memory_space<vmem>>, %arg6: memref<10000x64xf32, #tpu.memory_space<vmem>>) attributes {dimension_semantics = [], scalar_prefetch = 0 : i64, scratch_operands = 0 : i64, tpu.core_type = #tpu.core_type<tc>} {
    %get3A = arith.constant 0 : index
    %get3A_0 = arith.constant 0 : index
    %get3A_1 = vector.load %arg1[%get3A, %get3A_0] : memref<32x10000xf32, #tpu.memory_space<vmem>>, vector<32x10000xf32>
    %reduce_sum3A = arith.constant dense<0.000000e+00> : vector<10000xf32>
    %reduce_sum3A_2 = vector.multi_reduction <add>, %get3A_1, %reduce_sum3A [0] : vector<32x10000xf32> to vector<10000xf32>
    %broadcast_in_dim3A = vector.shape_cast %reduce_sum3A_2 : vector<10000xf32> to vector<1x10000xf32>
    %add3A = arith.constant 1.000000e+00 : f32
    %add3A_3 = vector.broadcast %add3A : f32 to vector<1x10000xf32>
    %add3A_4 = arith.addf %broadcast_in_dim3A, %add3A_3 : vector<1x10000xf32>
    %rsqrt3A = math.rsqrt %add3A_4 : vector<1x10000xf32>
    %transpose3A = tpu.transpose %rsqrt3A, [1, 0] : vector<1x10000xf32> -> vector<10000x1xf32>
    %get3A_5 = arith.constant 0 : index
    %get3A_6 = arith.constant 0 : index
    %get3A_7 = vector.load %arg0[%get3A_5, %get3A_6] : memref<10000x128xf32, #tpu.memory_space<vmem>>, vector<10000x64xf32>
    %get3A_8 = arith.constant 0 : index
    %get3A_9 = arith.constant 64 : index
    %get3A_10 = vector.load %arg0[%get3A_8, %get3A_9] : memref<10000x128xf32, #tpu.memory_space<vmem>>, vector<10000x64xf32>
    %add3A_11 = arith.addf %get3A_7, %get3A_10 : vector<10000x64xf32>
    %mul3A = vector.broadcast %transpose3A : vector<10000x1xf32> to vector<10000x64xf32>
    %mul3A_12 = arith.mulf %add3A_11, %mul3A : vector<10000x64xf32>
    %get3A_13 = arith.constant 0 : index
    %get3A_14 = arith.constant 0 : index
    %get3A_15 = vector.load %arg2[%get3A_13, %get3A_14] : memref<1x64xf32, #tpu.memory_space<vmem>>, vector<1x64xf32>
    %add3A_16 = vector.broadcast %get3A_15 : vector<1x64xf32> to vector<10000x64xf32>
    %add3A_17 = arith.addf %mul3A_12, %add3A_16 : vector<10000x64xf32>
    %get3A_18 = arith.constant 0 : index
    %get3A_19 = arith.constant 0 : index
    %get3A_20 = vector.load %arg3[%get3A_18, %get3A_19] : memref<1x64xf32, #tpu.memory_space<vmem>>, vector<1x64xf32>
    %get3A_21 = arith.constant 0 : index
    %get3A_22 = arith.constant 0 : index
    %get3A_23 = vector.load %arg4[%get3A_21, %get3A_22] : memref<1x64xf32, #tpu.memory_space<vmem>>, vector<1x64xf32>
    %reduce_sum3A_24 = vector.shape_cast %add3A_17 : vector<10000x64xf32> to vector<1x10000x64xf32>
    %reduce_sum3A_25 = arith.constant dense<0.000000e+00> : vector<1xf32>
    %reduce_sum3A_26 = vector.multi_reduction <add>, %reduce_sum3A_24, %reduce_sum3A_25 [1, 2] : vector<1x10000x64xf32> to vector<1xf32>
    %reduce_sum3A_27 = vector.shape_cast %reduce_sum3A_26 : vector<1xf32> to vector<1x1x1xf32>
    %reduce_sum3A_28 = vector.extract %reduce_sum3A_27[0, 0, 0] : f32 from vector<1x1x1xf32>
    %div3A = arith.constant 6.400000e+05 : f32
    %div3A_29 = arith.divf %reduce_sum3A_28, %div3A : f32
    %mul3A_30 = arith.mulf %add3A_17, %add3A_17 : vector<10000x64xf32>
    %reduce_sum3A_31 = vector.shape_cast %mul3A_30 : vector<10000x64xf32> to vector<1x10000x64xf32>
    %reduce_sum3A_32 = arith.constant dense<0.000000e+00> : vector<1xf32>
    %reduce_sum3A_33 = vector.multi_reduction <add>, %reduce_sum3A_31, %reduce_sum3A_32 [1, 2] : vector<1x10000x64xf32> to vector<1xf32>
    %reduce_sum3A_34 = vector.shape_cast %reduce_sum3A_33 : vector<1xf32> to vector<1x1x1xf32>
    %reduce_sum3A_35 = vector.extract %reduce_sum3A_34[0, 0, 0] : f32 from vector<1x1x1xf32>
    %div3A_36 = arith.constant 6.400000e+05 : f32
    %div3A_37 = arith.divf %reduce_sum3A_35, %div3A_36 : f32
    %mul3A_38 = arith.mulf %div3A_29, %div3A_29 : f32
    %sub3A = arith.subf %div3A_37, %mul3A_38 : f32
    %sub3A_39 = vector.broadcast %div3A_29 : f32 to vector<10000x64xf32>
    %sub3A_40 = arith.subf %add3A_17, %sub3A_39 : vector<10000x64xf32>
    %sqrt3A = math.sqrt %sub3A : f32
    %add3A_41 = arith.constant 9.99999974E-6 : f32
    %add3A_42 = arith.addf %sqrt3A, %add3A_41 : f32
    %div3A_43 = vector.broadcast %add3A_42 : f32 to vector<10000x64xf32>
    %div3A_44 = arith.divf %sub3A_40, %div3A_43 : vector<10000x64xf32>
    %mul3A_45 = vector.broadcast %get3A_20 : vector<1x64xf32> to vector<10000x64xf32>
    %mul3A_46 = arith.mulf %div3A_44, %mul3A_45 : vector<10000x64xf32>
    %add3A_47 = vector.broadcast %get3A_23 : vector<1x64xf32> to vector<10000x64xf32>
    %add3A_48 = arith.addf %mul3A_46, %add3A_47 : vector<10000x64xf32>
    %max3A = arith.constant 0.000000e+00 : f32
    %max3A_49 = vector.broadcast %max3A : f32 to vector<10000x64xf32>
    %max3A_50 = arith.maximumf %add3A_48, %max3A_49 : vector<10000x64xf32>
    %get3A_51 = arith.constant 0 : index
    %get3A_52 = arith.constant 0 : index
    %get3A_53 = vector.load %arg5[%get3A_51, %get3A_52] : memref<64x64xf32, #tpu.memory_space<vmem>>, vector<64x64xf32>
    %dot_general3A = arith.constant dense<0.000000e+00> : vector<10000x64xf32>
    %dot_general3A_54 = tpu.matmul %max3A_50, %get3A_53, %dot_general3A {dimension_numbers = #tpu.dot_dimension_numbers<[1], [0], [0], [1], [0, 0, 1, 1], [], []>, transpose_lhs_hint = false} : vector<10000x64xf32>, vector<64x64xf32>, vector<10000x64xf32> -> vector<10000x64xf32>
    %mul3A_55 = vector.broadcast %transpose3A : vector<10000x1xf32> to vector<10000x64xf32>
    %mul3A_56 = arith.mulf %dot_general3A_54, %mul3A_55 : vector<10000x64xf32>
    %swap3A = arith.constant 0 : index
    %swap3A_57 = arith.constant 0 : index
    %swap3A_58 = vector.load %arg6[%swap3A, %swap3A_57] : memref<10000x64xf32, #tpu.memory_space<vmem>>, vector<10000x64xf32>
    tpu.vector_store %arg6[%swap3A, %swap3A_57], %mul3A_56 {strides = array<i32>} : memref<10000x64xf32, #tpu.memory_space<vmem>>, vector<10000x64xf32>,
    return
  }
}

module attributes {stable_mosaic.version = 14 : i64} {
  func.func @_tc_fin_body(%arg0: memref<10000x128xf32, #tpu.memory_space<vmem>>, %arg1: memref<32x10000xf32, #tpu.memory_space<vmem>>, %arg2: memref<1x64xf32, #tpu.memory_space<vmem>>, %arg3: memref<1x64xf32, #tpu.memory_space<vmem>>, %arg4: memref<1x64xf32, #tpu.memory_space<vmem>>, %arg5: memref<64x1xf32, #tpu.memory_space<vmem>>, %arg6: memref<1x1xf32, #tpu.memory_space<vmem>>, %arg7: memref<10000x1xf32, #tpu.memory_space<vmem>>) attributes {dimension_semantics = [], scalar_prefetch = 0 : i64, scratch_operands = 0 : i64, tpu.core_type = #tpu.core_type<tc>} {
    %get3A = arith.constant 0 : index
    %get3A_0 = arith.constant 0 : index
    %get3A_1 = vector.load %arg1[%get3A, %get3A_0] : memref<32x10000xf32, #tpu.memory_space<vmem>>, vector<32x10000xf32>
    %reduce_sum3A = arith.constant dense<0.000000e+00> : vector<10000xf32>
    %reduce_sum3A_2 = vector.multi_reduction <add>, %get3A_1, %reduce_sum3A [0] : vector<32x10000xf32> to vector<10000xf32>
    %broadcast_in_dim3A = vector.shape_cast %reduce_sum3A_2 : vector<10000xf32> to vector<1x10000xf32>
    %add3A = arith.constant 1.000000e+00 : f32
    %add3A_3 = vector.broadcast %add3A : f32 to vector<1x10000xf32>
    %add3A_4 = arith.addf %broadcast_in_dim3A, %add3A_3 : vector<1x10000xf32>
    %rsqrt3A = math.rsqrt %add3A_4 : vector<1x10000xf32>
    %transpose3A = tpu.transpose %rsqrt3A, [1, 0] : vector<1x10000xf32> -> vector<10000x1xf32>
    %get3A_5 = arith.constant 0 : index
    %get3A_6 = arith.constant 0 : index
    %get3A_7 = vector.load %arg0[%get3A_5, %get3A_6] : memref<10000x128xf32, #tpu.memory_space<vmem>>, vector<10000x64xf32>
    %get3A_8 = arith.constant 0 : index
    %get3A_9 = arith.constant 64 : index
    %get3A_10 = vector.load %arg0[%get3A_8, %get3A_9] : memref<10000x128xf32, #tpu.memory_space<vmem>>, vector<10000x64xf32>
    %add3A_11 = arith.addf %get3A_7, %get3A_10 : vector<10000x64xf32>
    %mul3A = vector.broadcast %transpose3A : vector<10000x1xf32> to vector<10000x64xf32>
    %mul3A_12 = arith.mulf %add3A_11, %mul3A : vector<10000x64xf32>
    %get3A_13 = arith.constant 0 : index
    %get3A_14 = arith.constant 0 : index
    %get3A_15 = vector.load %arg2[%get3A_13, %get3A_14] : memref<1x64xf32, #tpu.memory_space<vmem>>, vector<1x64xf32>
    %add3A_16 = vector.broadcast %get3A_15 : vector<1x64xf32> to vector<10000x64xf32>
    %add3A_17 = arith.addf %mul3A_12, %add3A_16 : vector<10000x64xf32>
    %get3A_18 = arith.constant 0 : index
    %get3A_19 = arith.constant 0 : index
    %get3A_20 = vector.load %arg3[%get3A_18, %get3A_19] : memref<1x64xf32, #tpu.memory_space<vmem>>, vector<1x64xf32>
    %get3A_21 = arith.constant 0 : index
    %get3A_22 = arith.constant 0 : index
    %get3A_23 = vector.load %arg4[%get3A_21, %get3A_22] : memref<1x64xf32, #tpu.memory_space<vmem>>, vector<1x64xf32>
    %reduce_sum3A_24 = vector.shape_cast %add3A_17 : vector<10000x64xf32> to vector<1x10000x64xf32>
    %reduce_sum3A_25 = arith.constant dense<0.000000e+00> : vector<1xf32>
    %reduce_sum3A_26 = vector.multi_reduction <add>, %reduce_sum3A_24, %reduce_sum3A_25 [1, 2] : vector<1x10000x64xf32> to vector<1xf32>
    %reduce_sum3A_27 = vector.shape_cast %reduce_sum3A_26 : vector<1xf32> to vector<1x1x1xf32>
    %reduce_sum3A_28 = vector.extract %reduce_sum3A_27[0, 0, 0] : f32 from vector<1x1x1xf32>
    %div3A = arith.constant 6.400000e+05 : f32
    %div3A_29 = arith.divf %reduce_sum3A_28, %div3A : f32
    %mul3A_30 = arith.mulf %add3A_17, %add3A_17 : vector<10000x64xf32>
    %reduce_sum3A_31 = vector.shape_cast %mul3A_30 : vector<10000x64xf32> to vector<1x10000x64xf32>
    %reduce_sum3A_32 = arith.constant dense<0.000000e+00> : vector<1xf32>
    %reduce_sum3A_33 = vector.multi_reduction <add>, %reduce_sum3A_31, %reduce_sum3A_32 [1, 2] : vector<1x10000x64xf32> to vector<1xf32>
    %reduce_sum3A_34 = vector.shape_cast %reduce_sum3A_33 : vector<1xf32> to vector<1x1x1xf32>
    %reduce_sum3A_35 = vector.extract %reduce_sum3A_34[0, 0, 0] : f32 from vector<1x1x1xf32>
    %div3A_36 = arith.constant 6.400000e+05 : f32
    %div3A_37 = arith.divf %reduce_sum3A_35, %div3A_36 : f32
    %mul3A_38 = arith.mulf %div3A_29, %div3A_29 : f32
    %sub3A = arith.subf %div3A_37, %mul3A_38 : f32
    %sub3A_39 = vector.broadcast %div3A_29 : f32 to vector<10000x64xf32>
    %sub3A_40 = arith.subf %add3A_17, %sub3A_39 : vector<10000x64xf32>
    %sqrt3A = math.sqrt %sub3A : f32
    %add3A_41 = arith.constant 9.99999974E-6 : f32
    %add3A_42 = arith.addf %sqrt3A, %add3A_41 : f32
    %div3A_43 = vector.broadcast %add3A_42 : f32 to vector<10000x64xf32>
    %div3A_44 = arith.divf %sub3A_40, %div3A_43 : vector<10000x64xf32>
    %mul3A_45 = vector.broadcast %get3A_20 : vector<1x64xf32> to vector<10000x64xf32>
    %mul3A_46 = arith.mulf %div3A_44, %mul3A_45 : vector<10000x64xf32>
    %add3A_47 = vector.broadcast %get3A_23 : vector<1x64xf32> to vector<10000x64xf32>
    %add3A_48 = arith.addf %mul3A_46, %add3A_47 : vector<10000x64xf32>
    %max3A = arith.constant 0.000000e+00 : f32
    %max3A_49 = vector.broadcast %max3A : f32 to vector<10000x64xf32>
    %max3A_50 = arith.maximumf %add3A_48, %max3A_49 : vector<10000x64xf32>
    %get3A_51 = arith.constant 0 : index
    %get3A_52 = arith.constant 0 : index
    %get3A_53 = vector.load %arg5[%get3A_51, %get3A_52] : memref<64x1xf32, #tpu.memory_space<vmem>>, vector<64x1xf32>
    %dot_general3A = arith.constant dense<0.000000e+00> : vector<10000x1xf32>
    %dot_general3A_54 = tpu.matmul %max3A_50, %get3A_53, %dot_general3A {dimension_numbers = #tpu.dot_dimension_numbers<[1], [0], [0], [1], [0, 0, 1, 1], [], []>, transpose_lhs_hint = false} : vector<10000x64xf32>, vector<64x1xf32>, vector<10000x1xf32> -> vector<10000x1xf32>
    %get3A_55 = arith.constant 0 : index
    %get3A_56 = arith.constant 0 : index
    %get3A_57 = vector.load %arg6[%get3A_55, %get3A_56] : memref<1x1xf32, #tpu.memory_space<vmem>>, vector<1x1xf32>
    %add3A_58 = vector.broadcast %get3A_57 : vector<1x1xf32> to vector<10000x1xf32>
    %add3A_59 = arith.addf %dot_general3A_54, %add3A_58 : vector<10000x1xf32>
    %swap3A = arith.constant 0 : index
    %swap3A_60 = arith.constant 0 : index
    %swap3A_61 = vector.load %arg7[%swap3A, %swap3A_60] : memref<10000x1xf32, #tpu.memory_space<vmem>>, vector<10000x1xf32>
    tpu.vector_store %arg7[%swap3A, %swap3A_60], %add3A_59 {strides = array<i32>} : memref<10000x1xf32, #tpu.memory_space<vmem>>, vector<10000x1xf32>,
    return
  }
}

</mosaic_0001>

<sc_bundles>
// kernel: kernel.12.cloned.1.call-start
scs
__scs_entry_jumppad:
0x0: {  	(pc) =	sbr.rel $0x88, $3  }
0x1: {  	(tag) =	ssettag $0x0;
	lr =	simm.s32 $0x1  }
0x2: {  	[smem:$0x3F95] =	sst lr;
	_ =	strace $0xD0000000  }
0x3: {  	_ = 	snop  }
0x4: {  	_ = 	snop  }
0x5: {  	_ = 	snop  }
0x6: {  	_ = 	snop  }
0x7: {  	_ = 	snop  }
__scs_overlays_trampoline_lowered:
0x8: {  	[smem:$0x3FA4] =	sst s0  }
0x9: {  	[smem:$0x3FA5] =	sst s1  }
0xa: {  	[smem:$0x3FA6] =	sst s2  }
0xb: {  	[smem:$0x3FA7] =	sst s3  }
0xc: {  	[smem:$0x3FA8] =	sst s4  }
0xd: {  	[smem:$0x3FA9] =	sst s5  }
0xe: {  	[smem:$0x3FAA] =	sst s6  }
0xf: {  	[smem:$0x3FAB] =	sst s7  }
0x10: {  	[smem:$0x3FAC] =	sst s8  }
0x11: {  	[smem:$0x3FAD] =	sst s9;
	s0 =	simm.s32 @!p0 $0x0  }
0x12: {  	s1 =	sld [smem:$0x3F93];
	s0 =	simm.s32 @p0 $0x1  }
0x13: {  	[smem:$0x3FAE] =	sst s0;
	s0 =	simm.s32 @!p1 $0x0  }
0x14: {  	s2 =	sld [smem:$0x3F92];
	s0 =	simm.s32 @p1 $0x1  }
0x15: {  	[smem:$0x3FAF] =	sst s0;
	s0 =	simm.s32 @!p2 $0x0  }
0x16: {  	s3 =	sld [smem:$0x3FDB];
	s0 =	simm.s32 @p2 $0x1  }
0x17: {  	s4 =	simm.s32 $0x1BF5;
	[smem:$0x3FB1] =	sst s0  }
0x18: {  	s0 =	sld [smem:$0x3F94];
	_ =	swait.ge [sflag:s4], $0x0  }
0x19: {  	s7 =	sld [smem:$0x3F95]  }
0x1a: {  	s8 =	sadd.s32 $0xFFFFE003, lr  }
0x1b: {  	s9 =	sadd.s32 $0xFFFFFEF7, lr;
	s5 =	simm.s32 $0xFFFFFFFF;
	p2 =	slt.u32 s8, $0xFFFFF086  }
0x1c: {  	p1 =	slt.u32 s9, $0xF7A;
	s5 =	simm.s32 @!p2 $0x0  }
0x1d: {  	s5 =	simm.s32 @p1 $0x1;
	p0 =	seq.s32 s7, s2  }
0x1e: {  	s7 =	smul.u32 @!p0 $0xF7A, s2;
	p2 =	seq.s32 @!p0 s5, $0x0  }
0x1f: {  	s9 =	smul.u32 $0xF7A, s1;
	s8 =	simm.s32 @!p0 $0x1BF5;
	p2 =	por !p2, p0  }
0x20: {  	[sflag:s8] =	ssyncset.s32 @!p0 $0xFFFFF086;
	s6 =	sadd.s32 @!p0 s3, s7;
	s7 =	simm.s32 @!p0 $0x108  }
0x21: {  	s3 =	sadd.s32 s3, s9;
	s6 =	sadd.s32 @!p0 $0x88, s6;
	s7 =	simm.s32 @p2 $0x1082  }
0x22: {  	[simem:s7], [sflag:s8] =	dma.local @!p0 [hbm:s6], $0xF7A  }
0x23: {  	s9 =	sor.u32 $0xD0000000, s2;
	s6 =	simm.s32 $0x108;
	_ =	swait.ge @!p0 [sflag:s8], $0x0  }
0x24: {  	s3 =	sadd.s32 $0x88, s3;
	s6 =	simm.s32 @!p1 $0x1082;
	[sflag:s4] =	ssyncset.s32 $0xFFFFF086  }
0x25: {  	[simem:s6], [sflag:s4] =	dma.local [hbm:s3], $0xF7A  }
0x26: {  	[smem:$0x3F95] =	sst s1;
	(tag) =	ssettag s2;
	_ =	strace s9  }
0x27: {  	s1 =	sld [smem:$0x3FA5]  }
0x28: {  	s2 =	sld [smem:$0x3FA6]  }
0x29: {  	s4 =	sld [smem:$0x3FA8]  }
0x2a: {  	p0 =	seq.s32 s5, $0x0;
	s5 =	sld [smem:$0x3FA9]  }
0x2b: {  	s6 =	sld [smem:$0x3FAA]  }
0x2c: {  	s7 =	sld [smem:$0x3FAB]  }
0x2d: {  	s3 =	simm.s32 $0x108;
	s8 =	sld [smem:$0x3FAC]  }
0x2e: {  	s3 =	simm.s32 @!p0 $0x1082;
	s9 =	sld [smem:$0x3FAD]  }
0x2f: {  	lr =	sadd.s32 s0, s3;
	s0 =	sld [smem:$0x3FA4]  }
0x30: {  	s3 =	sld [smem:$0x3FA7]  }
0x31: {  	[smem:$0x3FB0] =	sst s10  }
0x32: {  	s10 =	sld [smem:$0x3FAE];
	_ =	sdelay $0x3  }
0x33: {  	p0 =	seq.s32 s10, $0x1;
	s10 =	sld [smem:$0x3FB0];
	_ =	sdelay $0x3  }
0x34: {  	[smem:$0x3FB0] =	sst s10  }
0x35: {  	s10 =	sld [smem:$0x3FAF];
	_ =	sdelay $0x3  }
0x36: {  	p1 =	seq.s32 s10, $0x1;
	s10 =	sld [smem:$0x3FB0];
	_ =	sdelay $0x3  }
0x37: {  	[smem:$0x3FB0] =	sst s10  }
0x38: {  	s10 =	sld [smem:$0x3FB1]  }
0x39: {  	_ = 	snop;
	(pc) =	sbr.ind lr, $3  }
0x3a: {  	_ = 	snop  }
0x3b: {  	_ = 	snop  }
0x3c: {  	p2 =	seq.s32 s10, $0x1;
	s10 =	sld [smem:$0x3FB0]  }
0x3d: {  	_ =	shalt  }
0x3e: {  	_ =	shalt  }
0x3f: {  	_ =	shalt  }
0x40: {  	_ =	shalt  }
0x41: {  	_ =	shalt  }
0x42: {  	_ =	shalt  }
0x43: {  	_ =	shalt  }
0x44: {  	_ =	shalt  }
0x45: {  	_ =	shalt  }
0x46: {  	_ =	shalt  }
0x47: {  	_ =	shalt  }
0x48: {  	_ =	shalt  }
0x49: {  	_ =	shalt  }
0x4a: {  	_ =	shalt  }
0x4b: {  	_ =	shalt  }
0x4c: {  	_ =	shalt  }
0x4d: {  	_ =	shalt  }
0x4e: {  	_ =	shalt  }
0x4f: {  	_ =	shalt  }
0x50: {  	_ =	shalt  }
0x51: {  	_ =	shalt  }
0x52: {  	_ =	shalt  }
0x53: {  	_ =	shalt  }
0x54: {  	_ =	shalt  }
0x55: {  	_ =	shalt  }
0x56: {  	_ =	shalt  }
0x57: {  	_ =	shalt  }
0x58: {  	_ =	shalt  }
0x59: {  	_ =	shalt  }
0x5a: {  	_ =	shalt  }
0x5b: {  	_ =	shalt  }
0x5c: {  	_ =	shalt  }
0x5d: {  	_ =	shalt  }
0x5e: {  	_ =	shalt  }
0x5f: {  	_ =	shalt  }
0x60: {  	_ =	shalt  }
0x61: {  	_ =	shalt  }
0x62: {  	_ =	shalt  }
0x63: {  	_ =	shalt  }
0x64: {  	_ =	shalt  }
0x65: {  	_ =	shalt  }
0x66: {  	_ =	shalt  }
0x67: {  	_ =	shalt  }
0x68: {  	_ =	shalt  }
0x69: {  	_ =	shalt  }
0x6a: {  	_ =	shalt  }
0x6b: {  	_ =	shalt  }
0x6c: {  	_ =	shalt  }
0x6d: {  	_ =	shalt  }
0x6e: {  	_ =	shalt  }
0x6f: {  	_ =	shalt  }
0x70: {  	_ =	shalt  }
0x71: {  	_ =	shalt  }
0x72: {  	_ =	shalt  }
0x73: {  	_ =	shalt  }
0x74: {  	_ =	shalt  }
0x75: {  	_ =	shalt  }
0x76: {  	_ =	shalt  }
0x77: {  	_ =	shalt  }
0x78: {  	_ =	shalt  }
0x79: {  	_ =	shalt  }
0x7a: {  	_ =	shalt  }
0x7b: {  	_ =	shalt  }
0x7c: {  	_ =	shalt  }
0x7d: {  	_ =	shalt  }
0x7e: {  	_ =	shalt  }
0x7f: {  	_ =	shalt  }
0x80: {  	_ =	shalt  }
0x81: {  	_ =	shalt  }
0x82: {  	_ =	shalt  }
0x83: {  	_ =	shalt  }
0x84: {  	_ =	shalt  }
0x85: {  	_ =	shalt  }
0x86: {  	_ =	shalt  }
0x87: {  	_ =	shalt  }
.Lfunc_end0:
.L_simem_size_0:
called_computation.1_lowered:
.L_overlay_start_0:
0x88: {  	s2 =	sld [smem:$0x3FD9]  }
0x89: {  	s3 =	sld [smem:$0x3FFE];
	_ =	sdelay $0x1  }
0x8a: {  	s1 =	srdreg.scid  }
0x8b: {  	s0 =	sand.u32 $0x1, s1  }
0x8c: {  	s16 =	sshll.u32 s0, $0xA;
	s2 =	sadd.s32 s3, s2  }
0x8d: {  	s2 =	sadd.s32 s2, s16  }
0x8e: {  	[smem:$0x3FBC] =	sst s2  }
0x8f: {  	_ = 	snop  }
0x90: {  	(tm) =	ssettm $0x1  }
0x91: {  	s17 =	sld [smem:$0x3FFB];
	_ =	sdelay $0x3  }
0x92: {  	_ =	strace s17  }
0x93: {  	s2 =	sld [smem:$0x3FFC];
	_ =	sdelay $0x3  }
0x94: {  	_ =	strace s2  }
0x95: {  	s2 =	sld [smem:$0x3FFD];
	_ =	sdelay $0x3  }
0x96: {  	_ =	strace s2  }
0x97: {  	_ =	strace $0x8FFFFFFF  }
0x98: {  	s18 =	sld [smem:$0x3FDB];
	_ =	sdelay $0x1  }
0x99: {  	s19 =	simm.s32 $_scs_section_size  }
0x9a: {  	s4 =	simm.s32 $_size__tile_overlayer_lowered;
	s5 =	simm.s32 $_tile_overlayer_lowered  }
0x9b: {  	s22 =	simm.s32 $0x1BFF;
	s21 =	sshll.u32 s5, $0x1;
	s2 =	sadd.s32 s19, s18  }
0x9c: {  	s6 =	simm.s32 $0x0;
	s20 =	sshll.u32 s4, $0x1;
	s4 =	sadd.s32 s21, s2  }
0x9d: {  	[timem:s6], [sflag:s22] =	dma.local [hbm:s4], s20  }
0x9e: {  	_ =	swait.ge [sflag:s22], s20  }
0x9f: {  	s3 =	ssub.s32 $0x0, s20;
	[sflag:s22] =	ssyncset.done $0x0  }
0xa0: {  	[sflag:s22] =	ssyncadd.s32 s3;
	_ =	sdelay $0x1  }
0xa1: {  	s23 =	simm.s32 $0x1B8B  }
0xa2: {  	_ =	swait.ge [sflag:s23], $0x1  }
0xa3: {  	[sflag:s23] =	ssyncset.done $0x0  }
0xa4: {  	s25 =	simm.s32 $0x1B8E;
	s24 =	sld [smem:$0x3FFE];
	[sflag:s23] =	ssyncadd.s32 $0xFFFFFFFF  }
0xa5: {  	s26 =	simm.s32 $execute0_lowered;
	[smem:$0x3FD2] =	sst s25  }
0xa6: {  	s4 =	sshll.u32 s26, $0x1;
	_ =	strace $0x80000049;
	[dreg:$0x1] =	wrdreg $0xFFFFFFFF  }
0xa7: {  	s28 =	simm.s32 $_size_execute0_lowered;
	s2 =	sadd.s32 s2, s4;
	[dreg:$0x0] =	wrdreg $0x0  }
0xa8: {  	s4 =	sshll.u32 s28, $0x1;
	[dreg:$0x2] =	wrdreg s2  }
0xa9: {  	[dreg:$0x3] =	wrdreg s4  }
0xaa: {  	[dreg:$0x4] =	wrdreg $0xC0  }
0xab: {  	_ =	task [dreg:s6], $0x5FFFF  }
0xac: {  	[dreg:$0x1] =	wrdreg $0xFFFFFFFF  }
0xad: {  	[dreg:$0x0] =	wrdreg $0x60  }
0xae: {  	[dreg:$0x2] =	wrdreg s24  }
0xaf: {  	[dreg:$0x3] =	wrdreg $0xE7000  }
0xb0: {  	[dreg:$0x4] =	wrdreg $0x9  }
0xb1: {  	_ =	task.clear_ibuf [dreg:s6], $0x5FFFF;
	_ =	strace $0x90000049  }
0xb2: {  	s29 =	simm.s32 $0x9;
	_ =	strace $0x8000004B  }
0xb3: {  	_ =	swait.ge [sflag:s29], $0x1  }
0xb4: {  	[sflag:s29] =	ssyncadd.s32 $0xFFFFFFFF  }
0xb5: {  	_ =	strace $0x9000004B  }
0xb6: {  	_ =	sfence  }
0xb7: {  	s30 =	sld [smem:$0x0];
	_ =	sdelay $0x2  }
0xb8: {  	s31 =	sshll.u32 s1, $0xD;
	s1 =	sshrl.u32 s1, $0x2  }
0xb9: {  	s3 =	sand.u32 $0x4000, s31;
	s1 =	sadd.s32 s1, s30  }
0xba: {  	s0 =	sor.u32 s3, s0;
	s1 =	sshll.u32 s1, $0x11  }
0xbb: {  	s0 =	sor.u32 s1, s0  }
0xbc: {  	s0 =	sadd.s32 $0x8F2B, s0  }
0xbd: {  	[sflag:s0] =	ssyncadd.remote.s32 $0x1  }
0xbe: {  	_ =	sfence.sel $0xFFFF  }
0xbf: {  	[dreg:$0x0] =	wrdreg $0xFFFFFFFF;
	(pc) =	sbr.abs _section_cstart, $3  }
0xc0: {  	[dreg:$0x1] =	wrdreg $0xFFFFFFFF  }
0xc1: {  	_ =	task.clear_ibuf [dreg:s6], $0x2FFFF;
	_ =	strace $0x9FFFFFFF  }
0xc2: {  	(tm) =	ssettm $0x7FFFFFFF  }
0xc3: {  	_ =	shalt  }
tec
execute0_lowered:
.L_overlay_start_1:
0x0: {  	(tag) =	ssettag $0x1  }
0x1: {  	s6 =	rddreg [dreg:$0x0]  }
0x2: {  	s1 =	rddreg [dreg:$0x1];
	s0 =	srdreg.scid  }
0x3: {  	s3 =	simm.s32 $0x0;
	s20 =	stileid.u32;
	s30 =	simm.s32 $0x500  }
0x4: {  	s31 =	simm.s32 $0x6700;
	s7 =	sand.u32 $0x1, s0;
	[smem:$0x7FF] =	sst s3  }
0x5: {  	s4 =	sadd.s32 $0x29C00, s6;
	s5 =	sadd.s32 $0x2A00, s6;
	s16 =	smul.u32 $0x9E00, s20  }
0x6: {  	s12 =	sadd.s32 $0x3D600, s6;
	p2 =	sne.s32 s20, $0xF;
	s18 =	smul.u32 $0x27800, s20  }
0x7: {  	s6 =	sadd.s32 $0x3C440, s6;
	s23 =	smul.u32 $0x13C00, s20;
	s0 =	sshll.u32 s7, $0x4  }
0x8: {  	_ =	strace $0x8000004A;
	s8 =	ssub.s32 $0x2, s7;
	p1 =	seq.s32 s7, $0x0  }
0x9: {  	[dreg:$0x3] =	wrdreg s6;
	s24 =	sshll.u32 s7, $0x6;
	s26 =	smul.u32 $0x9C00, s7  }
0xa: {  	s29 =	smul.u32 $0x4E000, s7;
	s0 =	sor.u32 s20, s0;
	s10 =	sshrl.u32 s8, $0x1  }
0xb: {  	p3 =	por !p1, !p2;
	s17 =	sshrl.u32 s16, $0x3;
	s2 =	smul.u32 $0x9C, s0  }
0xc: {  	s19 =	sshrl.u32 s18, $0x2;
	s9 =	smul.u32 $0x9D, s0;
	p0 =	slt.u32 s0, $0x8  }
0xd: {  	s6 =	sadd.s32 s4, s17;
	s15 =	sadd.s32 s19, s1;
	s14 =	smin.u32 s0, $0x8  }
0xe: {  	p5 =	sgt.u32 s0, $0x7;
	s0 =	simm.s32 $0x0;
	[dreg:$0x4] =	wrdreg s6  }
0xf: {  	[dreg:$0x5] =	wrdreg s15;
	s11 =	sadd.s32 $0x8, s2;
	s2 =	ssub.s32 s8, s10  }
0x10: {  	s8 =	sadd.s32 s16, s1;
	s11 =	smov.u32 @p0 s9;
	p0 =	seq.s32 s20, $0xF  }
0x11: {  	s16 =	smul.u32 $0x9C0, s20;
	s10 =	sadd.s32 s26, s5;
	p4 =	por !p1, !p0  }
0x12: {  	p1 =	por !p3, !p3;
	s21 =	sshll.u32 s11, $0x4;
	p3 =	por !p4, !p4  }
0x13: {  	s10 =	sadd.s32 s16, s10;
	s22 =	sand.u32 $0x1FFFFFF0, s21;
	s9 =	simm.s32 @!p3 $0x0  }
0x14: {  	s9 =	simm.s32 @p3 $0x1;
	p3 =	seq.s32 s7, $0x1;
	s7 =	sshll.u32 s7, $0x3  }
0x15: {  	[smem:$0x7F9] =	sst s9;
	s6 =	simm.s32 @!p3 $0x0;
	s9 =	sadd.s32 s5, s21  }
0x16: {  	s7 =	sadd.s32 s7, s12;
	s6 =	simm.s32 @p3 $0x1;
	[dreg:$0x6] =	wrdreg s9  }
0x17: {  	s16 =	sadd.s32 $0x25080, s7;
	[smem:$0x7FA] =	sst s6;
	s6 =	sadd.s32 s5, s22  }
0x18: {  	s17 =	sshll.u32 s14, $0x7;
	[dreg:$0x17] =	wrdreg s16;
	s25 =	sadd.s32 $0x13880, s6  }
0x19: {  	s9 =	sor.u32 s24, s23;
	s28 =	sadd.s32 $0x10, s6;
	[dreg:$0x7] =	wrdreg s25  }
0x1a: {  	s9 =	sshrl.u32 s9, $0x3;
	s13 =	sadd.s32 $0x13890, s6;
	[dreg:$0x8] =	wrdreg s28  }
0x1b: {  	s18 =	sshll.u32 s14, $0x4;
	s9 =	sadd.s32 s12, s9;
	[dreg:$0x9] =	wrdreg s13  }
0x1c: {  	p2 =	por !p2, !p3;
	s12 =	sadd.s32 $0x9C0, s6;
	[dreg:$0xa] =	wrdreg s9  }
0x1d: {  	s14 =	sadd.s32 $0x14240, s6;
	s13 =	smul.u32 $0x4E00, s20;
	[dreg:$0x15] =	wrdreg s12  }
0x1e: {  	p4 =	por !p2, !p2;
	[dreg:$0x16] =	wrdreg s14;
	s14 =	simm.s32 $0x10  }
0x1f: {  	s9 =	sadd.s32 s13, s29;
	s13 =	sadd.s32 s18, s10;
	s29 =	sadd.s32 $0x20, s6  }
0x20: {  	s18 =	sshrl.u32 s8, $0x3;
	s8 =	simm.s32 $0x5;
	[dreg:$0x11] =	wrdreg s29  }
0x21: {  	s9 =	sadd.s32 s17, s9;
	s17 =	smax.u32 s2, $0x1;
	[dreg:$0x19] =	wrdreg s18  }
0x22: {  	s29 =	sadd.s32 $0x9C200, s1;
	s2 =	simm.s32 $0x3;
	s19 =	sadd.s32 $0x9C880, s9  }
0x23: {  	s11 =	sadd.s32 $0x9C800, s9;
	s21 =	sadd.s32 $0x9C780, s9;
	s25 =	sadd.s32 $0x9C700, s9  }
0x24: {  	s26 =	sadd.s32 $0x9C680, s9;
	s9 =	sadd.s32 $0x9C600, s9;
	[dreg:$0x18] =	wrdreg s17  }
0x25: {  	[smem:$0x7FD] =	sst s29;
	s22 =	sshrl.u32 s11, $0x3;
	s11 =	sadd.s32 $0x138B0, s6  }
0x26: {  	s10 =	sshrl.u32 s19, $0x3;
	s19 =	sadd.s32 $0x94200, s1;
	[dreg:$0x14] =	wrdreg s11  }
0x27: {  	s23 =	sshrl.u32 s21, $0x3;
	s21 =	sadd.s32 $0x2000, s15;
	[dreg:$0x1a] =	wrdreg s19  }
0x28: {  	s28 =	sshrl.u32 s26, $0x3;
	s26 =	sadd.s32 $0x98200, s1;
	[dreg:$0x1b] =	wrdreg s21  }
0x29: {  	s9 =	sshrl.u32 s9, $0x3;
	s10 =	sadd.s32 s10, s5;
	[smem:$0x7FB] =	sst s26  }
0x2a: {  	s24 =	sadd.s32 s23, s5;
	s23 =	sadd.s32 $0x6000, s15;
	[dreg:$0xb] =	wrdreg s10  }
0x2b: {  	s19 =	simm.s32 $0x180;
	s26 =	simm.s32 $0x4;
	[dreg:$0xd] =	wrdreg s24  }
0x2c: {  	s11 =	simm.s32 $0xF;
	s10 =	sadd.s32 s22, s5;
	[dreg:$0x1d] =	wrdreg s23  }
0x2d: {  	s21 =	simm.s32 $0x580;
	s22 =	sadd.s32 $0x4000, s15;
	[dreg:$0xc] =	wrdreg s10  }
0x2e: {  	s24 =	sadd.s32 $0x8000, s15;
	s15 =	simm.s32 $0xC;
	[dreg:$0x1c] =	wrdreg s22  }
0x2f: {  	s10 =	sshrl.u32 s25, $0x3;
	[dreg:$0x1e] =	wrdreg s24;
	s25 =	sadd.s32 $0x96200, s1  }
0x30: {  	s23 =	simm.s32 $0x8700;
	s10 =	sadd.s32 s10, s5;
	[dreg:$0x1f] =	wrdreg s25  }
0x31: {  	s22 =	simm.s32 $0x580;
	[dreg:$0xe] =	wrdreg s10;
	s10 =	sadd.s32 s28, s5  }
.Ltmp0:
0x32: {  	s5 =	sadd.s32 s9, s5;
	[dreg:$0xf] =	wrdreg s10;
	(pc) =	sbr.rel .LBB2_1-.Ltmp0, $4  }
0x33: {  	s24 =	simm.s32 $0x6;
	s9 =	sadd.s32 $0x138A0, s6;
	[dreg:$0x10] =	wrdreg s5  }
0x34: {  	s25 =	simm.s32 $0x280;
	s28 =	sadd.s32 $0x9A200, s1;
	[dreg:$0x12] =	wrdreg s9  }
0x35: {  	s10 =	sadd.s32 $0x30, s6;
	[smem:$0x7FC] =	sst s28;
	s5 =	simm.s32 $0x80  }
0x36: {  	v0 =	vimm.f32 $0.0e+00;
	s6 =	simm.s32 $0x9;
	s9 =	simm.s32 $0xE;
	[dreg:$0x13] =	wrdreg s10  }
.LBB2_12:
0x37: {  	s12 =	rddreg [dreg:$0x15];
	s7 =	simm.s32 $0x600;
	s16 =	simm.s32 $0x13  }
0x38: {  	[tilespmem:s7], [sflag:$0x13] =	stream.linear.gather [hbm4b:s12+s3], $0x80, $0x38;
	[tilespmem:$0x18340] =	vst v63  }
0x39: {  	_ =	swait.ge [sflag:s16], $0x80  }
0x3a: {  	[sflag:s16] =	ssyncset.done $0x0  }
0x3b: {  	s10 =	simm.s32 $0x680;
	s20 =	rddreg [dreg:$0x16];
	[sflag:s16] =	ssyncadd.s32 $0xFFFFFF80  }
0x3c: {  	[tilespmem:s10], [sflag:$0x13] =	stream.linear.gather [hbm4b:s20+s3], $0x80, $0x38;
	[tilespmem:$0x18340] =	vst v63  }
0x3d: {  	_ =	swait.ge [sflag:s16], $0x80  }
0x3e: {  	[sflag:s16] =	ssyncset.done $0x0  }
0x3f: {  	s28 =	simm.s32 $0xC700;
	s29 =	simm.s32 $0x7;
	[sflag:s16] =	ssyncadd.s32 $0xFFFFFF80  }
0x40: {  	[tilespmem:s28], [sflag:$0x7] =	stream.indirect.gather [hbm4b:s4+s5], $0x40, s7, s5, $0xb8;
	[tilespmem:$0x18340] =	vst v63  }
0x41: {  	_ =	swait.ge [sflag:s29], $0x2000  }
0x42: {  	[sflag:s29] =	ssyncset.done $0x0  }
0x43: {  	[sflag:s29] =	ssyncadd.s32 $0xFFFFE000  }
0x44: {  	[spmem:s1] =	stream.indirect.scatter.add.f32 [tilespmem:s28], [sflag:$0x13], $0x40, s10, s5, $0xb8;
	[tilespmem:$0x18340] =	vst v63  }
0x45: {  	_ =	swait.ge [sflag:s16], $0x2000  }
0x46: {  	[sflag:s16] =	ssyncset.done $0x0  }
0x47: {  	[sflag:s16] =	ssyncadd.s32 $0xFFFFE000  }
0x48: {  	[bflag:$0x0] =	sbarrier.arrive $0xFFFF  }
0x49: {  	s20 =	stileid.u32;
	s7 =	sld [smem:$0x7F7]  }
.LBB2_14:
0x4a: {  	s12 =	rddreg [dreg:$0x5]  }
0x4b: {  	s10 =	sld [smem:$0x7F8]  }
0x4c: {  	s16 =	rddreg [dreg:$0xa]  }
0x4d: {  	s17 =	simm.s32 $0x1;
	s29 =	simm.s32 $0x13;
	s12 =	sshrl.u32 s12, $0x3  }
0x4e: {  	[hbm:s16@s14], [sflag:s10] =	dma.strided [spmem:s12@s0], $0x13C0, s17, $0x8   }
0x4f: {  	_ =	swait.ge [sflag:s29], $0x13C0  }
0x50: {  	[sflag:s29] =	ssyncset.done $0x0  }
0x51: {  	[sflag:s29] =	ssyncadd.s32 $0xFFFFEC40  }
.LBB2_15:
0x52: {  	s12 =	sshll.u32 @p6 s20, $0x6;
	s16 =	rddreg [dreg:$0x1a]  }
0x53: {  	s17 =	simm.s32 @p6 $0x1;
	s18 =	simm.s32 @p6 $0x10;
	s19 =	simm.s32 @p6 $0x8  }
0x54: {  	s29 =	rddreg [dreg:$0x17];
	s12 =	sor.u32 @p6 $0x1C13, s12;
	s16 =	sshrl.u32 @p6 s16, $0x3  }
0x55: {  	[hbm:s29@s18], [sflag:s12] =	dma.strided @p6 [spmem:s16@s19], $0x1040, s17, $0x8   }
0x56: {  	s12 =	simm.s32 @p6 $0x13  }
0x57: {  	_ =	swait.ge @p6 [sflag:s12], $0x1040  }
0x58: {  	s0 =	sadd.s32 $0x1, s7;
	s29 =	rddreg [dreg:$0x18]  }
0x59: {  	p2 =	sne.s32 s0, s29  }
.Ltmp1:
0x5a: {  	_ = 	snop;
	(pc) =	sbr.rel @!p2 .LBB2_16-.Ltmp1, $3  }
0x5b: {  	_ =	sdelay $0x1  }
0x5c: {  	[sflag:s12] =	ssyncset.done @p6 $0x0  }
0x5d: {  	s19 =	simm.s32 $0x180;
	[sflag:s12] =	ssyncadd.s32 @p6 $0xFFFFEFC0  }
.LBB2_1:
0x5e: {  	s17 =	simm.s32 $0x100;
	s16 =	simm.s32 $0x0  }
.LBB2_2:
0x5f: {  	p2 =	sne.s32 s17, $0x7F00;
	[tilespmem:s16+$0x730] =	vst v0;
	s18 =	smov.u32 s17;
	s17 =	sadd.s32 $0x100, s17  }
.Ltmp2:
0x60: {  	[tilespmem:s16+$0x720] =	vst v0;
	(pc) =	sbr.rel @p2 .LBB2_2-.Ltmp2, $3  }
0x61: {  	[tilespmem:s16+$0x700] =	vst v0  }
0x62: {  	[tilespmem:s16+$0x710] =	vst v0;
	_ =	sdelay $0x1  }
0x63: {  	s16 =	sshra.s32 s18, $0x2  }
.Ltmp3:
0x64: {  	(pc) =	sbr.rel @!p1 .LBB2_6-.Ltmp3, $4  }
0x65: {  	[tilespmem:s16+$0x730] =	vst v0  }
0x66: {  	[tilespmem:s16+$0x720] =	vst v0;
	s17 =	sshll.u32 s20, $0x6  }
0x67: {  	[tilespmem:s16+$0x700] =	vst v0;
	[smem:$0x7F7] =	sst s0;
	s7 =	sor.u32 $0x1C13, s17  }
0x68: {  	[tilespmem:s16+$0x710] =	vst v0;
	[smem:$0x7F8] =	sst s7  }
0x69: {  	s12 =	rddreg [dreg:$0x4]  }
.Ltmp4:
0x6a: {  	s16 =	rddreg [dreg:$0x19];
	s29 =	simm.s32 $0x13;
	(pc) =	sbr.rel .LBB2_5-.Ltmp4, $4  }
0x6b: {  	[spmem:s16], [sflag:s7] =	dma.local [hbm:s12], $0x13C0  }
0x6c: {  	_ =	swait.ge [sflag:s29], $0x13C0  }
0x6d: {  	[sflag:s29] =	ssyncset.done $0x0  }
0x6e: {  	p6 =	por $0x0, $0x0;
	s20 =	simm.s32 $0x480;
	[sflag:s29] =	ssyncadd.s32 $0xFFFFEC40  }
.LBB2_6:
0x6f: {  	s0 =	sld [smem:$0x7F9];
	_ =	sdelay $0x2  }
0x70: {  	p2 =	seq.s32 s0, $0x1  }
.Ltmp5:
0x71: {  	_ = 	snop;
	(pc) =	sbr.rel @!p2 .LBB2_5-.Ltmp5, $2  }
0x72: {  	_ =	sdelay $0x2  }
0x73: {  	p6 =	por p0, p0;
	s20 =	simm.s32 $0x480  }
0x74: {  	s12 =	rddreg [dreg:$0x1a]  }
0x75: {  	s28 =	rddreg [dreg:$0x3];
	s0 =	simm.s32 $0x1FD3  }
.Ltmp6:
0x76: {  	s29 =	simm.s32 $0x13;
	s16 =	sshrl.u32 s12, $0x3;
	(pc) =	sbr.rel .LBB2_8-.Ltmp6, $4  }
0x77: {  	[spmem:s16], [sflag:s0] =	dma.local [hbm:s28], $0x1040  }
0x78: {  	_ =	swait.ge [sflag:s29], $0x1040  }
0x79: {  	[sflag:s29] =	ssyncset.done $0x0  }
0x7a: {  	p6 =	por $0x1, $0x1;
	[sflag:s29] =	ssyncadd.s32 $0xFFFFEFC0  }
.LBB2_5:
0x7b: {  	s16 =	simm.s32 @p4 $0x700;
	s12 =	rddreg [dreg:$0x5];
	s17 =	simm.s32 @p4 $0x13  }
0x7c: {  	[spmem:s12] =	stream.linear.scatter @p4 [tilespmem:s16], [sflag:$0x13], $0x2000, $0x38;
	[tilespmem:$0x18340] =	vst v63  }
0x7d: {  	_ =	swait.ge @p4 [sflag:s17], $0x2000  }
0x7e: {  	[sflag:s17] =	ssyncset.done @p4 $0x0  }
0x7f: {  	s12 =	rddreg [dreg:$0x1b];
	[sflag:s17] =	ssyncadd.s32 @p4 $0xFFFFE000  }
0x80: {  	[spmem:s12] =	stream.linear.scatter @p4 [tilespmem:s16], [sflag:$0x13], $0x2000, $0x38;
	[tilespmem:$0x18340] =	vst v63  }
0x81: {  	_ =	swait.ge @p4 [sflag:s17], $0x2000  }
0x82: {  	[sflag:s17] =	ssyncset.done @p4 $0x0  }
0x83: {  	s12 =	rddreg [dreg:$0x1c];
	[sflag:s17] =	ssyncadd.s32 @p4 $0xFFFFE000  }
0x84: {  	[spmem:s12] =	stream.linear.scatter @p4 [tilespmem:s16], [sflag:$0x13], $0x2000, $0x38;
	[tilespmem:$0x18340] =	vst v63  }
0x85: {  	_ =	swait.ge @p4 [sflag:s17], $0x2000  }
0x86: {  	[sflag:s17] =	ssyncset.done @p4 $0x0  }
0x87: {  	s12 =	rddreg [dreg:$0x1d];
	[sflag:s17] =	ssyncadd.s32 @p4 $0xFFFFE000  }
0x88: {  	[spmem:s12] =	stream.linear.scatter @p4 [tilespmem:s16], [sflag:$0x13], $0x2000, $0x38;
	[tilespmem:$0x18340] =	vst v63  }
0x89: {  	_ =	swait.ge @p4 [sflag:s17], $0x2000  }
0x8a: {  	[sflag:s17] =	ssyncset.done @p4 $0x0;
	s0 =	sld [smem:$0x7FA]  }
0x8b: {  	s12 =	rddreg [dreg:$0x1e];
	[sflag:s17] =	ssyncadd.s32 @p4 $0xFFFFE000  }
0x8c: {  	[spmem:s12] =	stream.linear.scatter @p4 [tilespmem:s16], [sflag:$0x13], $0x1E00, $0x38;
	[tilespmem:$0x18340] =	vst v63  }
0x8d: {  	p2 =	por @p4 $0x1, $0x1;
	p3 =	seq.s32 s0, $0x1  }
0x8e: {  	p2 =	por @!p4 p3, p3  }
0x8f: {  	_ =	swait.ge @p4 [sflag:s17], $0x1E00;
	p2 =	por !p2, !p6  }
0x90: {  	[sflag:s17] =	ssyncset.done @p4 $0x0;
	s12 =	rddreg [dreg:$0x1a];
	p2 =	por !p2, !p2  }
0x91: {  	[sflag:s17] =	ssyncadd.s32 @p4 $0xFFFFE200;
	s16 =	simm.s32 @p2 $0x700;
	s17 =	simm.s32 @p2 $0x13  }
0x92: {  	[spmem:s12] =	stream.linear.scatter @p2 [tilespmem:s16], [sflag:$0x13], $0x2000, $0x38;
	[tilespmem:$0x18340] =	vst v63  }
0x93: {  	_ =	swait.ge @p2 [sflag:s17], $0x2000  }
0x94: {  	[sflag:s17] =	ssyncset.done @p2 $0x0  }
0x95: {  	s12 =	rddreg [dreg:$0x1f];
	[sflag:s17] =	ssyncadd.s32 @p2 $0xFFFFE000  }
0x96: {  	[spmem:s12] =	stream.linear.scatter @p2 [tilespmem:s16], [sflag:$0x13], $0x2000, $0x38;
	[tilespmem:$0x18340] =	vst v63  }
0x97: {  	_ =	swait.ge @p2 [sflag:s17], $0x2000  }
0x98: {  	s12 =	sld [smem:$0x7FB]  }
0x99: {  	[sflag:s17] =	ssyncset.done @p2 $0x0  }
0x9a: {  	[sflag:s17] =	ssyncadd.s32 @p2 $0xFFFFE000  }
0x9b: {  	[spmem:s12] =	stream.linear.scatter @p2 [tilespmem:s16], [sflag:$0x13], $0x2000, $0x38;
	[tilespmem:$0x18340] =	vst v63  }
0x9c: {  	_ =	swait.ge @p2 [sflag:s17], $0x2000  }
0x9d: {  	s12 =	sld [smem:$0x7FC]  }
0x9e: {  	[sflag:s17] =	ssyncset.done @p2 $0x0  }
0x9f: {  	[sflag:s17] =	ssyncadd.s32 @p2 $0xFFFFE000  }
0xa0: {  	[spmem:s12] =	stream.linear.scatter @p2 [tilespmem:s16], [sflag:$0x13], $0x2000, $0x38;
	[tilespmem:$0x18340] =	vst v63  }
0xa1: {  	_ =	swait.ge @p2 [sflag:s17], $0x2000  }
0xa2: {  	s12 =	sld [smem:$0x7FD]  }
0xa3: {  	[sflag:s17] =	ssyncset.done @p2 $0x0  }
0xa4: {  	[sflag:s17] =	ssyncadd.s32 @p2 $0xFFFFE000  }
0xa5: {  	[spmem:s12] =	stream.linear.scatter @p2 [tilespmem:s16], [sflag:$0x13], $0x200, $0x38;
	[tilespmem:$0x18340] =	vst v63  }
0xa6: {  	_ =	swait.ge @p2 [sflag:s17], $0x200  }
0xa7: {  	[sflag:s17] =	ssyncset.done @p2 $0x0  }
0xa8: {  	[sflag:s17] =	ssyncadd.s32 @p2 $0xFFFFFE00  }
.LBB2_8:
0xa9: {  	[bflag:$0x0] =	sbarrier.arrive $0xFFFF  }
0xaa: {  	s16 =	simm.s32 $0x0;
	s12 =	rddreg [dreg:$0x6]  }
0xab: {  	[tilespmem:s16], [sflag:$0x1] =	stream.linear.gather [hbm4b:s12+s16], $0x80, $0x38;
	[tilespmem:$0x18340] =	vst v63  }
0xac: {  	s17 =	simm.s32 $0x300;
	s29 =	rddreg [dreg:$0x7]  }
0xad: {  	[tilespmem:s17], [sflag:$0x1] =	stream.linear.gather [hbm4b:s29+s16], $0x80, $0x38;
	[tilespmem:$0x18340] =	vst v63  }
0xae: {  	s0 =	rddreg [dreg:$0x8]  }
0xaf: {  	[tilespmem:s5], [sflag:$0x2] =	stream.linear.gather [hbm4b:s0+s16], $0x80, $0x38;
	[tilespmem:$0x18340] =	vst v63  }
0xb0: {  	s10 =	simm.s32 $0x380;
	s7 =	rddreg [dreg:$0x9]  }
0xb1: {  	[tilespmem:s10], [sflag:$0x2] =	stream.linear.gather [hbm4b:s7+s16], $0x80, $0x38;
	[tilespmem:$0x18340] =	vst v63  }
0xb2: {  	s18 =	rddreg [dreg:$0x11];
	s17 =	simm.s32 $0x100  }
0xb3: {  	[tilespmem:s17], [sflag:$0x3] =	stream.linear.gather [hbm4b:s18+s16], $0x80, $0x38;
	[tilespmem:$0x18340] =	vst v63  }
0xb4: {  	s29 =	rddreg [dreg:$0x12];
	s18 =	simm.s32 $0x400  }
0xb5: {  	[tilespmem:s18], [sflag:$0x3] =	stream.linear.gather [hbm4b:s29+s16], $0x80, $0x38;
	[tilespmem:$0x18340] =	vst v63  }
0xb6: {  	s0 =	rddreg [dreg:$0x13]  }
0xb7: {  	[tilespmem:s19], [sflag:$0x4] =	stream.linear.gather [hbm4b:s0+s16], $0x80, $0x38;
	[tilespmem:$0x18340] =	vst v63  }
0xb8: {  	s7 =	rddreg [dreg:$0x14];
	s10 =	simm.s32 $0x1  }
0xb9: {  	[tilespmem:s20], [sflag:$0x4] =	stream.linear.gather [hbm4b:s7+s16], $0x80, $0x38;
	[tilespmem:$0x18340] =	vst v63  }
0xba: {  	_ =	swait.ge [sflag:s10], $0x80  }
0xbb: {  	[sflag:s10] =	ssyncset.done $0x0  }
0xbc: {  	[sflag:s10] =	ssyncadd.s32 $0xFFFFFF80  }
0xbd: {  	_ =	swait.ge [sflag:s10], $0x80  }
0xbe: {  	[sflag:s10] =	ssyncset.done $0x0  }
0xbf: {  	s18 =	simm.s32 $0x700;
	s20 =	simm.s32 $0x2;
	[sflag:s10] =	ssyncadd.s32 $0xFFFFFF80  }
0xc0: {  	[tilespmem:s18], [sflag:$0x7] =	stream.indirect.gather [hbm4b:s4+s5], $0x40, s16, s5, $0xb8;
	[tilespmem:$0x18340] =	vst v63  }
0xc1: {  	_ =	swait.ge [sflag:s20], $0x80  }
0xc2: {  	[sflag:s20] =	ssyncset.done $0x0  }
0xc3: {  	[sflag:s20] =	ssyncadd.s32 $0xFFFFFF80  }
0xc4: {  	_ =	swait.ge [sflag:s20], $0x80  }
0xc5: {  	[sflag:s20] =	ssyncset.done $0x0  }
0xc6: {  	s29 =	simm.s32 $0x2700;
	[sflag:s20] =	ssyncadd.s32 $0xFFFFFF80  }
0xc7: {  	[tilespmem:s29], [sflag:$0x8] =	stream.indirect.gather [hbm4b:s4+s5], $0x40, s5, s5, $0xb8;
	[tilespmem:$0x18340] =	vst v63  }
0xc8: {  	_ =	swait.ge [sflag:s2], $0x80  }
0xc9: {  	[sflag:s2] =	ssyncset.done $0x0  }
0xca: {  	[sflag:s2] =	ssyncadd.s32 $0xFFFFFF80  }
0xcb: {  	_ =	swait.ge [sflag:s2], $0x80  }
0xcc: {  	s28 =	simm.s32 $0x480;
	[sflag:s2] =	ssyncset.done $0x0  }
0xcd: {  	s7 =	simm.s32 $0x4700;
	s10 =	simm.s32 $0xA700;
	[sflag:s2] =	ssyncadd.s32 $0xFFFFFF80  }
0xce: {  	[tilespmem:s7], [sflag:$0x9] =	stream.indirect.gather [hbm4b:s4+s5], $0x40, s17, s5, $0xb8;
	[tilespmem:$0x18340] =	vst v63  }
.LBB2_9:
0xcf: {  	p2 =	seq.s32 s16, $0x0  }
0xd0: {  	s18 =	simm.s32 @!p2 $0x11  }
0xd1: {  	_ =	swait.ge @!p2 [sflag:s18], $0x2000  }
0xd2: {  	s17 =	sadd.s32 s16, s13;
	[sflag:s18] =	ssyncset.done @!p2 $0x0  }
0xd3: {  	s20 =	simm.s32 $0x200;
	s12 =	sadd.s32 $0x40, s17;
	[sflag:s18] =	ssyncadd.s32 @!p2 $0xFFFFE000  }
0xd4: {  	[tilespmem:s20], [sflag:$0x5] =	stream.linear.gather [hbm4b:s12+s3], $0x80, $0x38;
	[tilespmem:$0x18340] =	vst v63  }
0xd5: {  	s12 =	rddreg [dreg:$0x10]  }
0xd6: {  	s0 =	simm.s32 $0x7;
	s29 =	sadd.s32 s16, s12  }
0xd7: {  	[tilespmem:s30], [sflag:$0x5] =	stream.linear.gather [hbm4b:s29+s3], $0x80, $0x38;
	[tilespmem:$0x18340] =	vst v63  }
0xd8: {  	_ =	swait.ge [sflag:s0], $0x2000  }
0xd9: {  	[sflag:s0] =	ssyncset.done $0x0  }
0xda: {  	[sflag:s0] =	ssyncadd.s32 $0xFFFFE000  }
0xdb: {  	_ =	swait.ge [sflag:s26], $0x80  }
0xdc: {  	[sflag:s26] =	ssyncset.done $0x0  }
0xdd: {  	[sflag:s26] =	ssyncadd.s32 $0xFFFFFF80  }
0xde: {  	_ =	swait.ge [sflag:s26], $0x80  }
0xdf: {  	[sflag:s26] =	ssyncset.done $0x0  }
0xe0: {  	[sflag:s26] =	ssyncadd.s32 $0xFFFFFF80  }
0xe1: {  	[tilespmem:s31], [sflag:$0xA] =	stream.indirect.gather [hbm4b:s4+s5], $0x40, s19, s5, $0xb8;
	[tilespmem:$0x18340] =	vst v63  }
0xe2: {  	s18 =	simm.s32 $0x300;
	s19 =	simm.s32 $0x700  }
0xe3: {  	[spmem:s1] =	stream.indirect.scatter.add.f32 [tilespmem:s19], [sflag:$0xD], $0x40, s18, s5, $0xb8;
	[tilespmem:$0x18340] =	vst v63  }
0xe4: {  	s18 =	simm.s32 @!p2 $0x12  }
0xe5: {  	_ =	swait.ge @!p2 [sflag:s18], $0x2000  }
0xe6: {  	[sflag:s18] =	ssyncset.done @!p2 $0x0  }
0xe7: {  	s29 =	sadd.s32 $0x50, s17;
	s0 =	rddreg [dreg:$0xf];
	[sflag:s18] =	ssyncadd.s32 @!p2 $0xFFFFE000  }
0xe8: {  	[tilespmem:s25], [sflag:$0x6] =	stream.linear.gather [hbm4b:s29+s3], $0x80, $0x38;
	[tilespmem:$0x18340] =	vst v63  }
0xe9: {  	s12 =	sadd.s32 s16, s0;
	s18 =	simm.s32 $0x8  }
0xea: {  	[tilespmem:s22], [sflag:$0x6] =	stream.linear.gather [hbm4b:s12+s3], $0x80, $0x38;
	[tilespmem:$0x18340] =	vst v63  }
0xeb: {  	_ =	swait.ge [sflag:s18], $0x2000  }
0xec: {  	[sflag:s18] =	ssyncset.done $0x0  }
0xed: {  	[sflag:s18] =	ssyncadd.s32 $0xFFFFE000  }
0xee: {  	_ =	swait.ge [sflag:s8], $0x80  }
0xef: {  	[sflag:s8] =	ssyncset.done $0x0  }
0xf0: {  	[sflag:s8] =	ssyncadd.s32 $0xFFFFFF80  }
0xf1: {  	_ =	swait.ge [sflag:s8], $0x80  }
0xf2: {  	[sflag:s8] =	ssyncset.done $0x0  }
0xf3: {  	s19 =	simm.s32 $0x380;
	[sflag:s8] =	ssyncadd.s32 $0xFFFFFF80  }
0xf4: {  	[tilespmem:s23], [sflag:$0xB] =	stream.indirect.gather [hbm4b:s4+s5], $0x40, s20, s5, $0xb8;
	[tilespmem:$0x18340] =	vst v63  }
0xf5: {  	p2 =	seq.s32 s16, $0x960;
	s22 =	simm.s32 $0xD;
	s20 =	simm.s32 $0x2700  }
0xf6: {  	[spmem:s1] =	stream.indirect.scatter.add.f32 [tilespmem:s20], [sflag:$0xE], $0x40, s19, s5, $0xb8;
	[tilespmem:$0x18340] =	vst v63  }
0xf7: {  	s18 =	sadd.s32 @!p2 s16, s13;
	_ =	swait.ge [sflag:s22], $0x2000  }
0xf8: {  	s18 =	sadd.s32 @!p2 $0x60, s18;
	[sflag:s22] =	ssyncset.done $0x0  }
0xf9: {  	s19 =	simm.s32 @!p2 $0x0;
	s12 =	rddreg [dreg:$0xe];
	[sflag:s22] =	ssyncadd.s32 $0xFFFFE000  }
0xfa: {  	[tilespmem:s19], [sflag:$0x1] =	stream.linear.gather @!p2 [hbm4b:s18+s19], $0x80, $0x38;
	[tilespmem:$0x18340] =	vst v63  }
0xfb: {  	s29 =	simm.s32 @!p2 $0x300;
	s18 =	sadd.s32 @!p2 s16, s12  }
0xfc: {  	[tilespmem:s29], [sflag:$0x1] =	stream.linear.gather @!p2 [hbm4b:s18+s19], $0x80, $0x38;
	[tilespmem:$0x18340] =	vst v63  }
0xfd: {  	_ =	swait.ge [sflag:s6], $0x2000  }
0xfe: {  	[sflag:s6] =	ssyncset.done $0x0  }
0xff: {  	[sflag:s6] =	ssyncadd.s32 $0xFFFFE000  }
0x100: {  	_ =	swait.ge [sflag:s24], $0x80  }
0x101: {  	[sflag:s24] =	ssyncset.done $0x0  }
0x102: {  	[sflag:s24] =	ssyncadd.s32 $0xFFFFFF80  }
0x103: {  	_ =	swait.ge [sflag:s24], $0x80  }
0x104: {  	[sflag:s24] =	ssyncset.done $0x0  }
0x105: {  	[sflag:s24] =	ssyncadd.s32 $0xFFFFFF80  }
0x106: {  	[tilespmem:s10], [sflag:$0xC] =	stream.indirect.gather [hbm4b:s4+s5], $0x40, s25, s5, $0xb8;
	[tilespmem:$0x18340] =	vst v63  }
0x107: {  	s29 =	simm.s32 $0x400  }
0x108: {  	[spmem:s1] =	stream.indirect.scatter.add.f32 [tilespmem:s7], [sflag:$0xF], $0x40, s29, s5, $0xb8;
	[tilespmem:$0x18340] =	vst v63  }
0x109: {  	p3 =	sne.s32 s16, $0x960;
	_ =	swait.ge [sflag:s9], $0x2000  }
0x10a: {  	s12 =	simm.s32 @p3 $0x80;
	s18 =	sadd.s32 @p3 s16, s13;
	[sflag:s9] =	ssyncset.done $0x0  }
0x10b: {  	s19 =	sadd.s32 @p3 $0x70, s18;
	s29 =	simm.s32 @p3 $0x0;
	[sflag:s9] =	ssyncadd.s32 $0xFFFFE000  }
0x10c: {  	[tilespmem:s12], [sflag:$0x2] =	stream.linear.gather @p3 [hbm4b:s19+s29], $0x80, $0x38;
	[tilespmem:$0x18340] =	vst v63  }
0x10d: {  	s19 =	rddreg [dreg:$0xd]  }
0x10e: {  	s20 =	simm.s32 @p3 $0x380;
	s19 =	sadd.s32 @p3 s16, s19  }
0x10f: {  	[tilespmem:s20], [sflag:$0x2] =	stream.linear.gather @p3 [hbm4b:s19+s29], $0x80, $0x38;
	[tilespmem:$0x18340] =	vst v63  }
0x110: {  	s19 =	simm.s32 @p3 $0xA  }
0x111: {  	_ =	swait.ge @p3 [sflag:s19], $0x2000  }
0x112: {  	[sflag:s19] =	ssyncset.done @p3 $0x0  }
0x113: {  	[sflag:s19] =	ssyncadd.s32 @p3 $0xFFFFE000;
	s19 =	simm.s32 @p3 $0x1  }
0x114: {  	_ =	swait.ge @p3 [sflag:s19], $0x80  }
0x115: {  	[sflag:s19] =	ssyncset.done @p3 $0x0  }
0x116: {  	[sflag:s19] =	ssyncadd.s32 @p3 $0xFFFFFF80  }
0x117: {  	_ =	swait.ge @p3 [sflag:s19], $0x80  }
0x118: {  	[sflag:s19] =	ssyncset.done @p3 $0x0  }
0x119: {  	[sflag:s19] =	ssyncadd.s32 @p3 $0xFFFFFF80;
	s19 =	simm.s32 @p3 $0x700  }
0x11a: {  	[tilespmem:s19], [sflag:$0x7] =	stream.indirect.gather @p3 [hbm4b:s4+s12], $0x40, s29, s12, $0xb8;
	[tilespmem:$0x18340] =	vst v63  }
0x11b: {  	s19 =	simm.s32 @!p3 $0xA  }
0x11c: {  	_ =	swait.ge @!p3 [sflag:s19], $0x2000  }
0x11d: {  	[sflag:s19] =	ssyncset.done @!p3 $0x0  }
0x11e: {  	[sflag:s19] =	ssyncadd.s32 @!p3 $0xFFFFE000  }
0x11f: {  	[spmem:s1] =	stream.indirect.scatter.add.f32 [tilespmem:s31], [sflag:$0x10], $0x40, s28, s5, $0xb8;
	[tilespmem:$0x18340] =	vst v63  }
0x120: {  	_ =	swait.ge [sflag:s11], $0x2000  }
0x121: {  	[sflag:s11] =	ssyncset.done $0x0  }
0x122: {  	s18 =	sadd.s32 @p3 $0x80, s18;
	s19 =	simm.s32 @p3 $0x100;
	[sflag:s11] =	ssyncadd.s32 $0xFFFFE000  }
0x123: {  	[tilespmem:s19], [sflag:$0x3] =	stream.linear.gather @p3 [hbm4b:s18+s29], $0x80, $0x38;
	[tilespmem:$0x18340] =	vst v63  }
0x124: {  	s18 =	rddreg [dreg:$0xc]  }
0x125: {  	s19 =	simm.s32 @p3 $0x400;
	s18 =	sadd.s32 @p3 s16, s18  }
0x126: {  	[tilespmem:s19], [sflag:$0x3] =	stream.linear.gather @p3 [hbm4b:s18+s29], $0x80, $0x38;
	[tilespmem:$0x18340] =	vst v63  }
0x127: {  	s18 =	simm.s32 @p3 $0xB  }
0x128: {  	_ =	swait.ge @p3 [sflag:s18], $0x2000  }
0x129: {  	[sflag:s18] =	ssyncset.done @p3 $0x0  }
0x12a: {  	[sflag:s18] =	ssyncadd.s32 @p3 $0xFFFFE000;
	s18 =	simm.s32 @p3 $0x2  }
0x12b: {  	_ =	swait.ge @p3 [sflag:s18], $0x80  }
0x12c: {  	[sflag:s18] =	ssyncset.done @p3 $0x0  }
0x12d: {  	[sflag:s18] =	ssyncadd.s32 @p3 $0xFFFFFF80  }
0x12e: {  	_ =	swait.ge @p3 [sflag:s18], $0x80  }
0x12f: {  	[sflag:s18] =	ssyncset.done @p3 $0x0  }
0x130: {  	[sflag:s18] =	ssyncadd.s32 @p3 $0xFFFFFF80;
	s18 =	simm.s32 @p3 $0x2700  }
0x131: {  	[tilespmem:s18], [sflag:$0x8] =	stream.indirect.gather @p3 [hbm4b:s4+s12], $0x40, s12, s12, $0xb8;
	[tilespmem:$0x18340] =	vst v63  }
0x132: {  	s12 =	simm.s32 @!p3 $0xB  }
0x133: {  	_ =	swait.ge @!p3 [sflag:s12], $0x2000  }
0x134: {  	[sflag:s12] =	ssyncset.done @!p3 $0x0  }
.Ltmp7:
0x135: {  	[sflag:s12] =	ssyncadd.s32 @!p3 $0xFFFFE000;
	(pc) =	sbr.rel @p2 .LBB2_11-.Ltmp7, $4  }
0x136: {  	[spmem:s1] =	stream.indirect.scatter.add.f32 [tilespmem:s23], [sflag:$0x11], $0x40, s30, s5, $0xb8;
	[tilespmem:$0x18340] =	vst v63  }
0x137: {  	s0 =	simm.s32 $0x8;
	_ =	swait.ge [sflag:s14], $0x2000  }
0x138: {  	s22 =	simm.s32 $0x180;
	s10 =	simm.s32 $0xA700;
	[sflag:s14] =	ssyncset.done $0x0  }
0x139: {  	s7 =	simm.s32 $0x4700;
	s18 =	simm.s32 $0x480;
	[sflag:s14] =	ssyncadd.s32 $0xFFFFE000  }
0x13a: {  	s12 =	sadd.s32 $0x90, s17  }
0x13b: {  	[tilespmem:s22], [sflag:$0x4] =	stream.linear.gather [hbm4b:s12+s3], $0x80, $0x38;
	[tilespmem:$0x18340] =	vst v63  }
0x13c: {  	s22 =	rddreg [dreg:$0xb]  }
0x13d: {  	s12 =	sadd.s32 s16, s22  }
0x13e: {  	[tilespmem:s18], [sflag:$0x4] =	stream.linear.gather [hbm4b:s12+s3], $0x80, $0x38;
	[tilespmem:$0x18340] =	vst v63  }
0x13f: {  	_ =	swait.ge [sflag:s15], $0x2000  }
0x140: {  	[sflag:s15] =	ssyncset.done $0x0  }
0x141: {  	[sflag:s15] =	ssyncadd.s32 $0xFFFFE000  }
0x142: {  	_ =	swait.ge [sflag:s2], $0x80  }
0x143: {  	[sflag:s2] =	ssyncset.done $0x0  }
0x144: {  	[sflag:s2] =	ssyncadd.s32 $0xFFFFFF80  }
0x145: {  	_ =	swait.ge [sflag:s2], $0x80  }
0x146: {  	[sflag:s2] =	ssyncset.done $0x0  }
.Ltmp8:
0x147: {  	s29 =	simm.s32 $0x100;
	[sflag:s2] =	ssyncadd.s32 $0xFFFFFF80;
	(pc) =	sbr.rel .LBB2_9-.Ltmp8, $4  }
0x148: {  	[tilespmem:s7], [sflag:$0x9] =	stream.indirect.gather [hbm4b:s4+s5], $0x40, s29, s5, $0xb8;
	[tilespmem:$0x18340] =	vst v63  }
0x149: {  	s19 =	simm.s32 $0x180;
	s28 =	simm.s32 $0x480;
	s16 =	sadd.s32 $0x60, s16  }
0x14a: {  	[spmem:s1] =	stream.indirect.scatter.add.f32 [tilespmem:s10], [sflag:$0x12], $0x40, s21, s5, $0xb8;
	[tilespmem:$0x18340] =	vst v63  }
0x14b: {  	s22 =	simm.s32 $0x580;
	s7 =	simm.s32 $0x4700;
	s10 =	simm.s32 $0xA700  }
.LBB2_11:
0x14c: {  	_ =	swait.ge [sflag:s15], $0x2000  }
0x14d: {  	[sflag:s15] =	ssyncset.done $0x0  }
0x14e: {  	s7 =	simm.s32 $0x11;
	[sflag:s15] =	ssyncadd.s32 $0xFFFFE000  }
0x14f: {  	[spmem:s1] =	stream.indirect.scatter.add.f32 [tilespmem:s10], [sflag:$0x12], $0x40, s21, s5, $0xb8;
	[tilespmem:$0x18340] =	vst v63  }
0x150: {  	_ =	swait.ge [sflag:s7], $0x2000  }
.Ltmp9:
0x151: {  	[sflag:s7] =	ssyncset.done $0x0;
	(pc) =	sbr.rel @!p5 .LBB2_12-.Ltmp9, $4  }
0x152: {  	s29 =	simm.s32 $0x12;
	[sflag:s7] =	ssyncadd.s32 $0xFFFFE000  }
0x153: {  	_ =	swait.ge [sflag:s29], $0x2000  }
0x154: {  	[sflag:s29] =	ssyncset.done $0x0  }
0x155: {  	s22 =	simm.s32 $0x580;
	[sflag:s29] =	ssyncadd.s32 $0xFFFFE000  }
.Ltmp10:
0x156: {  	(pc) =	sbr.rel @p0 .LBB2_15-.Ltmp10, $4  }
.Ltmp11:
0x157: {  	(pc) =	sbr.rel @!p0 .LBB2_14-.Ltmp11, $4  }
0x158: {  	_ = 	snop  }
0x159: {  	[bflag:$0x0] =	sbarrier.arrive $0xFFFF  }
0x15a: {  	s20 =	stileid.u32;
	s7 =	sld [smem:$0x7F7]  }
0x15b: {  	_ = 	snop  }
.LBB2_16:
0x15c: {  	_ =	sfence.sel $0x180000  }
0x15d: {  	[bflag:$0x0] =	sbarrier.arrive $0xFFFF  }
0x15e: {  	_ =	strace $0x9000004A  }
0x15f: {  	[bflag:$0x2] =	sbarrier.arrive $0xFFFF  }
0x160: {  	p0 =	sne.s32 s20, $0x0;
	s0 =	rddreg [dreg:$0x2]  }
0x161: {  	s0 =	sadd.s32 @!p0 $0x100000, s0  }
0x162: {  	[sflag:s0] =	ssyncadd.tile.s32 @!p0 $0x1;
	_ =	shalt  }
.Lfunc_end2:
_tile_overlayer_lowered:
.L_overlay_start_2:
0x163: {  	(tag) =	ssettag $0x2  }
0x164: {  	s0 =	rddreg [dreg:$0x0];
	s2 =	stileid.u32  }
0x165: {  	s1 =	rddreg [dreg:$0x1];
	p0 =	sne.s32 s2, $0x0  }
0x166: {  	s3 =	rddreg [dreg:$0x2];
	[bflag:$0x3] =	sbarrier.arrive $0xFFFF;
	s2 =	simm.s32 @!p0 $0x1C13  }
0x167: {  	[timem:s3], [sflag:s2] =	dma.local @!p0 [hbm:s0], s1  }
0x168: {  	s0 =	simm.s32 @!p0 $0x13  }
0x169: {  	_ =	swait.ge @!p0 [sflag:s0], s1  }
0x16a: {  	s1 =	ssub.s32 @!p0 $0x0, s1;
	[sflag:s0] =	ssyncset.done @!p0 $0x0  }
0x16b: {  	[sflag:s0] =	ssyncadd.s32 @!p0 s1  }
0x16c: {  	[bflag:$0x3] =	sbarrier.arrive $0xFFFF  }
0x16d: {  	_ =	shalt  }

// kernel: kernel.15.cloned.1.call-start
scs
__scs_entry_jumppad:
0x0: {  	(pc) =	sbr.rel $0x88, $3  }
0x1: {  	(tag) =	ssettag $0x0;
	lr =	simm.s32 $0x1  }
0x2: {  	[smem:$0x3F95] =	sst lr;
	_ =	strace $0xD0000000  }
0x3: {  	_ = 	snop  }
0x4: {  	_ = 	snop  }
0x5: {  	_ = 	snop  }
0x6: {  	_ = 	snop  }
0x7: {  	_ = 	snop  }
__scs_overlays_trampoline_lowered:
0x8: {  	[smem:$0x3FA4] =	sst s0  }
0x9: {  	[smem:$0x3FA5] =	sst s1  }
0xa: {  	[smem:$0x3FA6] =	sst s2  }
0xb: {  	[smem:$0x3FA7] =	sst s3  }
0xc: {  	[smem:$0x3FA8] =	sst s4  }
0xd: {  	[smem:$0x3FA9] =	sst s5  }
0xe: {  	[smem:$0x3FAA] =	sst s6  }
0xf: {  	[smem:$0x3FAB] =	sst s7  }
0x10: {  	[smem:$0x3FAC] =	sst s8  }
0x11: {  	[smem:$0x3FAD] =	sst s9;
	s0 =	simm.s32 @!p0 $0x0  }
0x12: {  	s1 =	sld [smem:$0x3F93];
	s0 =	simm.s32 @p0 $0x1  }
0x13: {  	[smem:$0x3FAE] =	sst s0;
	s0 =	simm.s32 @!p1 $0x0  }
0x14: {  	s2 =	sld [smem:$0x3F92];
	s0 =	simm.s32 @p1 $0x1  }
0x15: {  	[smem:$0x3FAF] =	sst s0;
	s0 =	simm.s32 @!p2 $0x0  }
0x16: {  	s3 =	sld [smem:$0x3FDB];
	s0 =	simm.s32 @p2 $0x1  }
0x17: {  	s4 =	simm.s32 $0x1BF5;
	[smem:$0x3FB1] =	sst s0  }
0x18: {  	s0 =	sld [smem:$0x3F94];
	_ =	swait.ge [sflag:s4], $0x0  }
0x19: {  	s7 =	sld [smem:$0x3F95]  }
0x1a: {  	s8 =	sadd.s32 $0xFFFFE003, lr  }
0x1b: {  	s9 =	sadd.s32 $0xFFFFFEF7, lr;
	s5 =	simm.s32 $0xFFFFFFFF;
	p2 =	slt.u32 s8, $0xFFFFF086  }
0x1c: {  	p1 =	slt.u32 s9, $0xF7A;
	s5 =	simm.s32 @!p2 $0x0  }
0x1d: {  	s5 =	simm.s32 @p1 $0x1;
	p0 =	seq.s32 s7, s2  }
0x1e: {  	s7 =	smul.u32 @!p0 $0xF7A, s2;
	p2 =	seq.s32 @!p0 s5, $0x0  }
0x1f: {  	s9 =	smul.u32 $0xF7A, s1;
	s8 =	simm.s32 @!p0 $0x1BF5;
	p2 =	por !p2, p0  }
0x20: {  	[sflag:s8] =	ssyncset.s32 @!p0 $0xFFFFF086;
	s6 =	sadd.s32 @!p0 s3, s7;
	s7 =	simm.s32 @!p0 $0x108  }
0x21: {  	s3 =	sadd.s32 s3, s9;
	s6 =	sadd.s32 @!p0 $0x88, s6;
	s7 =	simm.s32 @p2 $0x1082  }
0x22: {  	[simem:s7], [sflag:s8] =	dma.local @!p0 [hbm:s6], $0xF7A  }
0x23: {  	s9 =	sor.u32 $0xD0000000, s2;
	s6 =	simm.s32 $0x108;
	_ =	swait.ge @!p0 [sflag:s8], $0x0  }
0x24: {  	s3 =	sadd.s32 $0x88, s3;
	s6 =	simm.s32 @!p1 $0x1082;
	[sflag:s4] =	ssyncset.s32 $0xFFFFF086  }
0x25: {  	[simem:s6], [sflag:s4] =	dma.local [hbm:s3], $0xF7A  }
0x26: {  	[smem:$0x3F95] =	sst s1;
	(tag) =	ssettag s2;
	_ =	strace s9  }
0x27: {  	s1 =	sld [smem:$0x3FA5]  }
0x28: {  	s2 =	sld [smem:$0x3FA6]  }
0x29: {  	s4 =	sld [smem:$0x3FA8]  }
0x2a: {  	p0 =	seq.s32 s5, $0x0;
	s5 =	sld [smem:$0x3FA9]  }
0x2b: {  	s6 =	sld [smem:$0x3FAA]  }
0x2c: {  	s7 =	sld [smem:$0x3FAB]  }
0x2d: {  	s3 =	simm.s32 $0x108;
	s8 =	sld [smem:$0x3FAC]  }
0x2e: {  	s3 =	simm.s32 @!p0 $0x1082;
	s9 =	sld [smem:$0x3FAD]  }
0x2f: {  	lr =	sadd.s32 s0, s3;
	s0 =	sld [smem:$0x3FA4]  }
0x30: {  	s3 =	sld [smem:$0x3FA7]  }
0x31: {  	[smem:$0x3FB0] =	sst s10  }
0x32: {  	s10 =	sld [smem:$0x3FAE];
	_ =	sdelay $0x3  }
0x33: {  	p0 =	seq.s32 s10, $0x1;
	s10 =	sld [smem:$0x3FB0];
	_ =	sdelay $0x3  }
0x34: {  	[smem:$0x3FB0] =	sst s10  }
0x35: {  	s10 =	sld [smem:$0x3FAF];
	_ =	sdelay $0x3  }
0x36: {  	p1 =	seq.s32 s10, $0x1;
	s10 =	sld [smem:$0x3FB0];
	_ =	sdelay $0x3  }
0x37: {  	[smem:$0x3FB0] =	sst s10  }
0x38: {  	s10 =	sld [smem:$0x3FB1]  }
0x39: {  	_ = 	snop;
	(pc) =	sbr.ind lr, $3  }
0x3a: {  	_ = 	snop  }
0x3b: {  	_ = 	snop  }
0x3c: {  	p2 =	seq.s32 s10, $0x1;
	s10 =	sld [smem:$0x3FB0]  }
0x3d: {  	_ =	shalt  }
0x3e: {  	_ =	shalt  }
0x3f: {  	_ =	shalt  }
0x40: {  	_ =	shalt  }
0x41: {  	_ =	shalt  }
0x42: {  	_ =	shalt  }
0x43: {  	_ =	shalt  }
0x44: {  	_ =	shalt  }
0x45: {  	_ =	shalt  }
0x46: {  	_ =	shalt  }
0x47: {  	_ =	shalt  }
0x48: {  	_ =	shalt  }
0x49: {  	_ =	shalt  }
0x4a: {  	_ =	shalt  }
0x4b: {  	_ =	shalt  }
0x4c: {  	_ =	shalt  }
0x4d: {  	_ =	shalt  }
0x4e: {  	_ =	shalt  }
0x4f: {  	_ =	shalt  }
0x50: {  	_ =	shalt  }
0x51: {  	_ =	shalt  }
0x52: {  	_ =	shalt  }
0x53: {  	_ =	shalt  }
0x54: {  	_ =	shalt  }
0x55: {  	_ =	shalt  }
0x56: {  	_ =	shalt  }
0x57: {  	_ =	shalt  }
0x58: {  	_ =	shalt  }
0x59: {  	_ =	shalt  }
0x5a: {  	_ =	shalt  }
0x5b: {  	_ =	shalt  }
0x5c: {  	_ =	shalt  }
0x5d: {  	_ =	shalt  }
0x5e: {  	_ =	shalt  }
0x5f: {  	_ =	shalt  }
0x60: {  	_ =	shalt  }
0x61: {  	_ =	shalt  }
0x62: {  	_ =	shalt  }
0x63: {  	_ =	shalt  }
0x64: {  	_ =	shalt  }
0x65: {  	_ =	shalt  }
0x66: {  	_ =	shalt  }
0x67: {  	_ =	shalt  }
0x68: {  	_ =	shalt  }
0x69: {  	_ =	shalt  }
0x6a: {  	_ =	shalt  }
0x6b: {  	_ =	shalt  }
0x6c: {  	_ =	shalt  }
0x6d: {  	_ =	shalt  }
0x6e: {  	_ =	shalt  }
0x6f: {  	_ =	shalt  }
0x70: {  	_ =	shalt  }
0x71: {  	_ =	shalt  }
0x72: {  	_ =	shalt  }
0x73: {  	_ =	shalt  }
0x74: {  	_ =	shalt  }
0x75: {  	_ =	shalt  }
0x76: {  	_ =	shalt  }
0x77: {  	_ =	shalt  }
0x78: {  	_ =	shalt  }
0x79: {  	_ =	shalt  }
0x7a: {  	_ =	shalt  }
0x7b: {  	_ =	shalt  }
0x7c: {  	_ =	shalt  }
0x7d: {  	_ =	shalt  }
0x7e: {  	_ =	shalt  }
0x7f: {  	_ =	shalt  }
0x80: {  	_ =	shalt  }
0x81: {  	_ =	shalt  }
0x82: {  	_ =	shalt  }
0x83: {  	_ =	shalt  }
0x84: {  	_ =	shalt  }
0x85: {  	_ =	shalt  }
0x86: {  	_ =	shalt  }
0x87: {  	_ =	shalt  }
.Lfunc_end0:
.L_simem_size_0:
called_computation.2_lowered:
.L_overlay_start_0:
0x88: {  	s2 =	sld [smem:$0x3FD9]  }
0x89: {  	s3 =	sld [smem:$0x3FFE];
	_ =	sdelay $0x1  }
0x8a: {  	s1 =	srdreg.scid  }
0x8b: {  	s0 =	sand.u32 $0x1, s1  }
0x8c: {  	s16 =	sshll.u32 s0, $0xA;
	s2 =	sadd.s32 s3, s2  }
0x8d: {  	s2 =	sadd.s32 s2, s16  }
0x8e: {  	[smem:$0x3FBC] =	sst s2  }
0x8f: {  	_ = 	snop  }
0x90: {  	(tm) =	ssettm $0x1  }
0x91: {  	s17 =	sld [smem:$0x3FFB];
	_ =	sdelay $0x3  }
0x92: {  	_ =	strace s17  }
0x93: {  	s2 =	sld [smem:$0x3FFC];
	_ =	sdelay $0x3  }
0x94: {  	_ =	strace s2  }
0x95: {  	s2 =	sld [smem:$0x3FFD];
	_ =	sdelay $0x3  }
0x96: {  	_ =	strace s2  }
0x97: {  	_ =	strace $0x8FFFFFFF  }
0x98: {  	s18 =	sld [smem:$0x3FDB];
	_ =	sdelay $0x1  }
0x99: {  	s19 =	simm.s32 $_scs_section_size  }
0x9a: {  	s4 =	simm.s32 $_size__tile_overlayer_lowered;
	s5 =	simm.s32 $_tile_overlayer_lowered  }
0x9b: {  	s22 =	simm.s32 $0x1BFF;
	s21 =	sshll.u32 s5, $0x1;
	s2 =	sadd.s32 s19, s18  }
0x9c: {  	s6 =	simm.s32 $0x0;
	s20 =	sshll.u32 s4, $0x1;
	s4 =	sadd.s32 s21, s2  }
0x9d: {  	[timem:s6], [sflag:s22] =	dma.local [hbm:s4], s20  }
0x9e: {  	_ =	swait.ge [sflag:s22], s20  }
0x9f: {  	s3 =	ssub.s32 $0x0, s20;
	[sflag:s22] =	ssyncset.done $0x0  }
0xa0: {  	[sflag:s22] =	ssyncadd.s32 s3;
	_ =	sdelay $0x1  }
0xa1: {  	s23 =	simm.s32 $0x1B8B  }
0xa2: {  	_ =	swait.ge [sflag:s23], $0x1  }
0xa3: {  	[sflag:s23] =	ssyncset.done $0x0  }
0xa4: {  	s25 =	simm.s32 $0x1B8E;
	s24 =	sld [smem:$0x3FFE];
	[sflag:s23] =	ssyncadd.s32 $0xFFFFFFFF  }
0xa5: {  	s26 =	simm.s32 $execute0_lowered;
	[smem:$0x3FD2] =	sst s25  }
0xa6: {  	s4 =	sshll.u32 s26, $0x1;
	_ =	strace $0x8000004C;
	[dreg:$0x1] =	wrdreg $0xFFFFFFFF  }
0xa7: {  	s28 =	simm.s32 $_size_execute0_lowered;
	s2 =	sadd.s32 s2, s4;
	[dreg:$0x0] =	wrdreg $0x0  }
0xa8: {  	s4 =	sshll.u32 s28, $0x1;
	[dreg:$0x2] =	wrdreg s2  }
0xa9: {  	[dreg:$0x3] =	wrdreg s4  }
0xaa: {  	[dreg:$0x4] =	wrdreg $0xC0  }
0xab: {  	_ =	task [dreg:s6], $0x5FFFF  }
0xac: {  	[dreg:$0x1] =	wrdreg $0xFFFFFFFF  }
0xad: {  	[dreg:$0x0] =	wrdreg $0x60  }
0xae: {  	[dreg:$0x2] =	wrdreg s24  }
0xaf: {  	[dreg:$0x3] =	wrdreg $0xE7000  }
0xb0: {  	[dreg:$0x4] =	wrdreg $0x9  }
0xb1: {  	_ =	task.clear_ibuf [dreg:s6], $0x5FFFF;
	_ =	strace $0x9000004C  }
0xb2: {  	s29 =	simm.s32 $0x9;
	_ =	strace $0x8000004E  }
0xb3: {  	_ =	swait.ge [sflag:s29], $0x1  }
0xb4: {  	[sflag:s29] =	ssyncadd.s32 $0xFFFFFFFF  }
0xb5: {  	_ =	strace $0x9000004E  }
0xb6: {  	_ =	sfence  }
0xb7: {  	s30 =	sld [smem:$0x0];
	_ =	sdelay $0x2  }
0xb8: {  	s31 =	sshll.u32 s1, $0xD;
	s1 =	sshrl.u32 s1, $0x2  }
0xb9: {  	s3 =	sand.u32 $0x4000, s31;
	s1 =	sadd.s32 s1, s30  }
0xba: {  	s0 =	sor.u32 s3, s0;
	s1 =	sshll.u32 s1, $0x11  }
0xbb: {  	s0 =	sor.u32 s1, s0  }
0xbc: {  	s0 =	sadd.s32 $0x8F2B, s0  }
0xbd: {  	[sflag:s0] =	ssyncadd.remote.s32 $0x1  }
0xbe: {  	_ =	sfence.sel $0xFFFF  }
0xbf: {  	[dreg:$0x0] =	wrdreg $0xFFFFFFFF;
	(pc) =	sbr.abs _section_cstart, $3  }
0xc0: {  	[dreg:$0x1] =	wrdreg $0xFFFFFFFF  }
0xc1: {  	_ =	task.clear_ibuf [dreg:s6], $0x2FFFF;
	_ =	strace $0x9FFFFFFF  }
0xc2: {  	(tm) =	ssettm $0x7FFFFFFF  }
0xc3: {  	_ =	shalt  }
tec
execute0_lowered:
.L_overlay_start_1:
0x0: {  	(tag) =	ssettag $0x1  }
0x1: {  	s6 =	rddreg [dreg:$0x0]  }
0x2: {  	s1 =	rddreg [dreg:$0x1];
	s0 =	srdreg.scid  }
0x3: {  	s3 =	simm.s32 $0x0;
	s20 =	stileid.u32;
	s30 =	simm.s32 $0x500  }
0x4: {  	s31 =	simm.s32 $0x6700;
	s7 =	sand.u32 $0x1, s0;
	[smem:$0x7FF] =	sst s3  }
0x5: {  	s4 =	sadd.s32 $0x29C00, s6;
	s5 =	sadd.s32 $0x2A00, s6;
	s16 =	smul.u32 $0x9E00, s20  }
0x6: {  	s12 =	sadd.s32 $0x3D600, s6;
	p2 =	sne.s32 s20, $0xF;
	s18 =	smul.u32 $0x27800, s20  }
0x7: {  	s6 =	sadd.s32 $0x3C440, s6;
	s23 =	smul.u32 $0x13C00, s20;
	s0 =	sshll.u32 s7, $0x4  }
0x8: {  	_ =	strace $0x8000004D;
	s8 =	ssub.s32 $0x2, s7;
	p1 =	seq.s32 s7, $0x0  }
0x9: {  	[dreg:$0x3] =	wrdreg s6;
	s24 =	sshll.u32 s7, $0x6;
	s26 =	smul.u32 $0x9C00, s7  }
0xa: {  	s29 =	smul.u32 $0x4E000, s7;
	s0 =	sor.u32 s20, s0;
	s10 =	sshrl.u32 s8, $0x1  }
0xb: {  	p3 =	por !p1, !p2;
	s17 =	sshrl.u32 s16, $0x3;
	s2 =	smul.u32 $0x9C, s0  }
0xc: {  	s19 =	sshrl.u32 s18, $0x2;
	s9 =	smul.u32 $0x9D, s0;
	p0 =	slt.u32 s0, $0x8  }
0xd: {  	s6 =	sadd.s32 s4, s17;
	s15 =	sadd.s32 s19, s1;
	s14 =	smin.u32 s0, $0x8  }
0xe: {  	p5 =	sgt.u32 s0, $0x7;
	s0 =	simm.s32 $0x0;
	[dreg:$0x4] =	wrdreg s6  }
0xf: {  	[dreg:$0x5] =	wrdreg s15;
	s11 =	sadd.s32 $0x8, s2;
	s2 =	ssub.s32 s8, s10  }
0x10: {  	s8 =	sadd.s32 s16, s1;
	s11 =	smov.u32 @p0 s9;
	p0 =	seq.s32 s20, $0xF  }
0x11: {  	s16 =	smul.u32 $0x9C0, s20;
	s10 =	sadd.s32 s26, s5;
	p4 =	por !p1, !p0  }
0x12: {  	p1 =	por !p3, !p3;
	s21 =	sshll.u32 s11, $0x4;
	p3 =	por !p4, !p4  }
0x13: {  	s10 =	sadd.s32 s16, s10;
	s22 =	sand.u32 $0x1FFFFFF0, s21;
	s9 =	simm.s32 @!p3 $0x0  }
0x14: {  	s9 =	simm.s32 @p3 $0x1;
	p3 =	seq.s32 s7, $0x1;
	s7 =	sshll.u32 s7, $0x3  }
0x15: {  	[smem:$0x7F9] =	sst s9;
	s6 =	simm.s32 @!p3 $0x0;
	s9 =	sadd.s32 s5, s21  }
0x16: {  	s7 =	sadd.s32 s7, s12;
	s6 =	simm.s32 @p3 $0x1;
	[dreg:$0x6] =	wrdreg s9  }
0x17: {  	s16 =	sadd.s32 $0x25080, s7;
	[smem:$0x7FA] =	sst s6;
	s6 =	sadd.s32 s5, s22  }
0x18: {  	s17 =	sshll.u32 s14, $0x7;
	[dreg:$0x17] =	wrdreg s16;
	s25 =	sadd.s32 $0x13880, s6  }
0x19: {  	s9 =	sor.u32 s24, s23;
	s28 =	sadd.s32 $0x10, s6;
	[dreg:$0x7] =	wrdreg s25  }
0x1a: {  	s9 =	sshrl.u32 s9, $0x3;
	s13 =	sadd.s32 $0x13890, s6;
	[dreg:$0x8] =	wrdreg s28  }
0x1b: {  	s18 =	sshll.u32 s14, $0x4;
	s9 =	sadd.s32 s12, s9;
	[dreg:$0x9] =	wrdreg s13  }
0x1c: {  	p2 =	por !p2, !p3;
	s12 =	sadd.s32 $0x9C0, s6;
	[dreg:$0xa] =	wrdreg s9  }
0x1d: {  	s14 =	sadd.s32 $0x14240, s6;
	s13 =	smul.u32 $0x4E00, s20;
	[dreg:$0x15] =	wrdreg s12  }
0x1e: {  	p4 =	por !p2, !p2;
	[dreg:$0x16] =	wrdreg s14;
	s14 =	simm.s32 $0x10  }
0x1f: {  	s9 =	sadd.s32 s13, s29;
	s13 =	sadd.s32 s18, s10;
	s29 =	sadd.s32 $0x20, s6  }
0x20: {  	s18 =	sshrl.u32 s8, $0x3;
	s8 =	simm.s32 $0x5;
	[dreg:$0x11] =	wrdreg s29  }
0x21: {  	s9 =	sadd.s32 s17, s9;
	s17 =	smax.u32 s2, $0x1;
	[dreg:$0x19] =	wrdreg s18  }
0x22: {  	s29 =	sadd.s32 $0x9C200, s1;
	s2 =	simm.s32 $0x3;
	s19 =	sadd.s32 $0x9C880, s9  }
0x23: {  	s11 =	sadd.s32 $0x9C800, s9;
	s21 =	sadd.s32 $0x9C780, s9;
	s25 =	sadd.s32 $0x9C700, s9  }
0x24: {  	s26 =	sadd.s32 $0x9C680, s9;
	s9 =	sadd.s32 $0x9C600, s9;
	[dreg:$0x18] =	wrdreg s17  }
0x25: {  	[smem:$0x7FD] =	sst s29;
	s22 =	sshrl.u32 s11, $0x3;
	s11 =	sadd.s32 $0x138B0, s6  }
0x26: {  	s10 =	sshrl.u32 s19, $0x3;
	s19 =	sadd.s32 $0x94200, s1;
	[dreg:$0x14] =	wrdreg s11  }
0x27: {  	s23 =	sshrl.u32 s21, $0x3;
	s21 =	sadd.s32 $0x2000, s15;
	[dreg:$0x1a] =	wrdreg s19  }
0x28: {  	s28 =	sshrl.u32 s26, $0x3;
	s26 =	sadd.s32 $0x98200, s1;
	[dreg:$0x1b] =	wrdreg s21  }
0x29: {  	s9 =	sshrl.u32 s9, $0x3;
	s10 =	sadd.s32 s10, s5;
	[smem:$0x7FB] =	sst s26  }
0x2a: {  	s24 =	sadd.s32 s23, s5;
	s23 =	sadd.s32 $0x6000, s15;
	[dreg:$0xb] =	wrdreg s10  }
0x2b: {  	s19 =	simm.s32 $0x180;
	s26 =	simm.s32 $0x4;
	[dreg:$0xd] =	wrdreg s24  }
0x2c: {  	s11 =	simm.s32 $0xF;
	s10 =	sadd.s32 s22, s5;
	[dreg:$0x1d] =	wrdreg s23  }
0x2d: {  	s21 =	simm.s32 $0x580;
	s22 =	sadd.s32 $0x4000, s15;
	[dreg:$0xc] =	wrdreg s10  }
0x2e: {  	s24 =	sadd.s32 $0x8000, s15;
	s15 =	simm.s32 $0xC;
	[dreg:$0x1c] =	wrdreg s22  }
0x2f: {  	s10 =	sshrl.u32 s25, $0x3;
	[dreg:$0x1e] =	wrdreg s24;
	s25 =	sadd.s32 $0x96200, s1  }
0x30: {  	s23 =	simm.s32 $0x8700;
	s10 =	sadd.s32 s10, s5;
	[dreg:$0x1f] =	wrdreg s25  }
0x31: {  	s22 =	simm.s32 $0x580;
	[dreg:$0xe] =	wrdreg s10;
	s10 =	sadd.s32 s28, s5  }
.Ltmp0:
0x32: {  	s5 =	sadd.s32 s9, s5;
	[dreg:$0xf] =	wrdreg s10;
	(pc) =	sbr.rel .LBB2_1-.Ltmp0, $4  }
0x33: {  	s24 =	simm.s32 $0x6;
	s9 =	sadd.s32 $0x138A0, s6;
	[dreg:$0x10] =	wrdreg s5  }
0x34: {  	s25 =	simm.s32 $0x280;
	s28 =	sadd.s32 $0x9A200, s1;
	[dreg:$0x12] =	wrdreg s9  }
0x35: {  	s10 =	sadd.s32 $0x30, s6;
	[smem:$0x7FC] =	sst s28;
	s5 =	simm.s32 $0x80  }
0x36: {  	v0 =	vimm.f32 $0.0e+00;
	s6 =	simm.s32 $0x9;
	s9 =	simm.s32 $0xE;
	[dreg:$0x13] =	wrdreg s10  }
.LBB2_12:
0x37: {  	s12 =	rddreg [dreg:$0x15];
	s7 =	simm.s32 $0x600;
	s16 =	simm.s32 $0x13  }
0x38: {  	[tilespmem:s7], [sflag:$0x13] =	stream.linear.gather [hbm4b:s12+s3], $0x80, $0x38;
	[tilespmem:$0x18340] =	vst v63  }
0x39: {  	_ =	swait.ge [sflag:s16], $0x80  }
0x3a: {  	[sflag:s16] =	ssyncset.done $0x0  }
0x3b: {  	s10 =	simm.s32 $0x680;
	s20 =	rddreg [dreg:$0x16];
	[sflag:s16] =	ssyncadd.s32 $0xFFFFFF80  }
0x3c: {  	[tilespmem:s10], [sflag:$0x13] =	stream.linear.gather [hbm4b:s20+s3], $0x80, $0x38;
	[tilespmem:$0x18340] =	vst v63  }
0x3d: {  	_ =	swait.ge [sflag:s16], $0x80  }
0x3e: {  	[sflag:s16] =	ssyncset.done $0x0  }
0x3f: {  	s28 =	simm.s32 $0xC700;
	s29 =	simm.s32 $0x7;
	[sflag:s16] =	ssyncadd.s32 $0xFFFFFF80  }
0x40: {  	[tilespmem:s28], [sflag:$0x7] =	stream.indirect.gather [hbm4b:s4+s5], $0x40, s7, s5, $0xb8;
	[tilespmem:$0x18340] =	vst v63  }
0x41: {  	_ =	swait.ge [sflag:s29], $0x2000  }
0x42: {  	[sflag:s29] =	ssyncset.done $0x0  }
0x43: {  	[sflag:s29] =	ssyncadd.s32 $0xFFFFE000  }
0x44: {  	[spmem:s1] =	stream.indirect.scatter.add.f32 [tilespmem:s28], [sflag:$0x13], $0x40, s10, s5, $0xb8;
	[tilespmem:$0x18340] =	vst v63  }
0x45: {  	_ =	swait.ge [sflag:s16], $0x2000  }
0x46: {  	[sflag:s16] =	ssyncset.done $0x0  }
0x47: {  	[sflag:s16] =	ssyncadd.s32 $0xFFFFE000  }
0x48: {  	[bflag:$0x0] =	sbarrier.arrive $0xFFFF  }
0x49: {  	s20 =	stileid.u32;
	s7 =	sld [smem:$0x7F7]  }
.LBB2_14:
0x4a: {  	s12 =	rddreg [dreg:$0x5]  }
0x4b: {  	s10 =	sld [smem:$0x7F8]  }
0x4c: {  	s16 =	rddreg [dreg:$0xa]  }
0x4d: {  	s17 =	simm.s32 $0x1;
	s29 =	simm.s32 $0x13;
	s12 =	sshrl.u32 s12, $0x3  }
0x4e: {  	[hbm:s16@s14], [sflag:s10] =	dma.strided [spmem:s12@s0], $0x13C0, s17, $0x8   }
0x4f: {  	_ =	swait.ge [sflag:s29], $0x13C0  }
0x50: {  	[sflag:s29] =	ssyncset.done $0x0  }
0x51: {  	[sflag:s29] =	ssyncadd.s32 $0xFFFFEC40  }
.LBB2_15:
0x52: {  	s12 =	sshll.u32 @p6 s20, $0x6;
	s16 =	rddreg [dreg:$0x1a]  }
0x53: {  	s17 =	simm.s32 @p6 $0x1;
	s18 =	simm.s32 @p6 $0x10;
	s19 =	simm.s32 @p6 $0x8  }
0x54: {  	s29 =	rddreg [dreg:$0x17];
	s12 =	sor.u32 @p6 $0x1C13, s12;
	s16 =	sshrl.u32 @p6 s16, $0x3  }
0x55: {  	[hbm:s29@s18], [sflag:s12] =	dma.strided @p6 [spmem:s16@s19], $0x1040, s17, $0x8   }
0x56: {  	s12 =	simm.s32 @p6 $0x13  }
0x57: {  	_ =	swait.ge @p6 [sflag:s12], $0x1040  }
0x58: {  	s0 =	sadd.s32 $0x1, s7;
	s29 =	rddreg [dreg:$0x18]  }
0x59: {  	p2 =	sne.s32 s0, s29  }
.Ltmp1:
0x5a: {  	_ = 	snop;
	(pc) =	sbr.rel @!p2 .LBB2_16-.Ltmp1, $3  }
0x5b: {  	_ =	sdelay $0x1  }
0x5c: {  	[sflag:s12] =	ssyncset.done @p6 $0x0  }
0x5d: {  	s19 =	simm.s32 $0x180;
	[sflag:s12] =	ssyncadd.s32 @p6 $0xFFFFEFC0  }
.LBB2_1:
0x5e: {  	s17 =	simm.s32 $0x100;
	s16 =	simm.s32 $0x0  }
.LBB2_2:
0x5f: {  	p2 =	sne.s32 s17, $0x7F00;
	[tilespmem:s16+$0x730] =	vst v0;
	s18 =	smov.u32 s17;
	s17 =	sadd.s32 $0x100, s17  }
.Ltmp2:
0x60: {  	[tilespmem:s16+$0x720] =	vst v0;
	(pc) =	sbr.rel @p2 .LBB2_2-.Ltmp2, $3  }
0x61: {  	[tilespmem:s16+$0x700] =	vst v0  }
0x62: {  	[tilespmem:s16+$0x710] =	vst v0;
	_ =	sdelay $0x1  }
0x63: {  	s16 =	sshra.s32 s18, $0x2  }
.Ltmp3:
0x64: {  	(pc) =	sbr.rel @!p1 .LBB2_6-.Ltmp3, $4  }
0x65: {  	[tilespmem:s16+$0x730] =	vst v0  }
0x66: {  	[tilespmem:s16+$0x720] =	vst v0;
	s17 =	sshll.u32 s20, $0x6  }
0x67: {  	[tilespmem:s16+$0x700] =	vst v0;
	[smem:$0x7F7] =	sst s0;
	s7 =	sor.u32 $0x1C13, s17  }
0x68: {  	[tilespmem:s16+$0x710] =	vst v0;
	[smem:$0x7F8] =	sst s7  }
0x69: {  	s12 =	rddreg [dreg:$0x4]  }
.Ltmp4:
0x6a: {  	s16 =	rddreg [dreg:$0x19];
	s29 =	simm.s32 $0x13;
	(pc) =	sbr.rel .LBB2_5-.Ltmp4, $4  }
0x6b: {  	[spmem:s16], [sflag:s7] =	dma.local [hbm:s12], $0x13C0  }
0x6c: {  	_ =	swait.ge [sflag:s29], $0x13C0  }
0x6d: {  	[sflag:s29] =	ssyncset.done $0x0  }
0x6e: {  	p6 =	por $0x0, $0x0;
	s20 =	simm.s32 $0x480;
	[sflag:s29] =	ssyncadd.s32 $0xFFFFEC40  }
.LBB2_6:
0x6f: {  	s0 =	sld [smem:$0x7F9];
	_ =	sdelay $0x2  }
0x70: {  	p2 =	seq.s32 s0, $0x1  }
.Ltmp5:
0x71: {  	_ = 	snop;
	(pc) =	sbr.rel @!p2 .LBB2_5-.Ltmp5, $2  }
0x72: {  	_ =	sdelay $0x2  }
0x73: {  	p6 =	por p0, p0;
	s20 =	simm.s32 $0x480  }
0x74: {  	s12 =	rddreg [dreg:$0x1a]  }
0x75: {  	s28 =	rddreg [dreg:$0x3];
	s0 =	simm.s32 $0x1FD3  }
.Ltmp6:
0x76: {  	s29 =	simm.s32 $0x13;
	s16 =	sshrl.u32 s12, $0x3;
	(pc) =	sbr.rel .LBB2_8-.Ltmp6, $4  }
0x77: {  	[spmem:s16], [sflag:s0] =	dma.local [hbm:s28], $0x1040  }
0x78: {  	_ =	swait.ge [sflag:s29], $0x1040  }
0x79: {  	[sflag:s29] =	ssyncset.done $0x0  }
0x7a: {  	p6 =	por $0x1, $0x1;
	[sflag:s29] =	ssyncadd.s32 $0xFFFFEFC0  }
.LBB2_5:
0x7b: {  	s16 =	simm.s32 @p4 $0x700;
	s12 =	rddreg [dreg:$0x5];
	s17 =	simm.s32 @p4 $0x13  }
0x7c: {  	[spmem:s12] =	stream.linear.scatter @p4 [tilespmem:s16], [sflag:$0x13], $0x2000, $0x38;
	[tilespmem:$0x18340] =	vst v63  }
0x7d: {  	_ =	swait.ge @p4 [sflag:s17], $0x2000  }
0x7e: {  	[sflag:s17] =	ssyncset.done @p4 $0x0  }
0x7f: {  	s12 =	rddreg [dreg:$0x1b];
	[sflag:s17] =	ssyncadd.s32 @p4 $0xFFFFE000  }
0x80: {  	[spmem:s12] =	stream.linear.scatter @p4 [tilespmem:s16], [sflag:$0x13], $0x2000, $0x38;
	[tilespmem:$0x18340] =	vst v63  }
0x81: {  	_ =	swait.ge @p4 [sflag:s17], $0x2000  }
0x82: {  	[sflag:s17] =	ssyncset.done @p4 $0x0  }
0x83: {  	s12 =	rddreg [dreg:$0x1c];
	[sflag:s17] =	ssyncadd.s32 @p4 $0xFFFFE000  }
0x84: {  	[spmem:s12] =	stream.linear.scatter @p4 [tilespmem:s16], [sflag:$0x13], $0x2000, $0x38;
	[tilespmem:$0x18340] =	vst v63  }
0x85: {  	_ =	swait.ge @p4 [sflag:s17], $0x2000  }
0x86: {  	[sflag:s17] =	ssyncset.done @p4 $0x0  }
0x87: {  	s12 =	rddreg [dreg:$0x1d];
	[sflag:s17] =	ssyncadd.s32 @p4 $0xFFFFE000  }
0x88: {  	[spmem:s12] =	stream.linear.scatter @p4 [tilespmem:s16], [sflag:$0x13], $0x2000, $0x38;
	[tilespmem:$0x18340] =	vst v63  }
0x89: {  	_ =	swait.ge @p4 [sflag:s17], $0x2000  }
0x8a: {  	[sflag:s17] =	ssyncset.done @p4 $0x0;
	s0 =	sld [smem:$0x7FA]  }
0x8b: {  	s12 =	rddreg [dreg:$0x1e];
	[sflag:s17] =	ssyncadd.s32 @p4 $0xFFFFE000  }
0x8c: {  	[spmem:s12] =	stream.linear.scatter @p4 [tilespmem:s16], [sflag:$0x13], $0x1E00, $0x38;
	[tilespmem:$0x18340] =	vst v63  }
0x8d: {  	p2 =	por @p4 $0x1, $0x1;
	p3 =	seq.s32 s0, $0x1  }
0x8e: {  	p2 =	por @!p4 p3, p3  }
0x8f: {  	_ =	swait.ge @p4 [sflag:s17], $0x1E00;
	p2 =	por !p2, !p6  }
0x90: {  	[sflag:s17] =	ssyncset.done @p4 $0x0;
	s12 =	rddreg [dreg:$0x1a];
	p2 =	por !p2, !p2  }
0x91: {  	[sflag:s17] =	ssyncadd.s32 @p4 $0xFFFFE200;
	s16 =	simm.s32 @p2 $0x700;
	s17 =	simm.s32 @p2 $0x13  }
0x92: {  	[spmem:s12] =	stream.linear.scatter @p2 [tilespmem:s16], [sflag:$0x13], $0x2000, $0x38;
	[tilespmem:$0x18340] =	vst v63  }
0x93: {  	_ =	swait.ge @p2 [sflag:s17], $0x2000  }
0x94: {  	[sflag:s17] =	ssyncset.done @p2 $0x0  }
0x95: {  	s12 =	rddreg [dreg:$0x1f];
	[sflag:s17] =	ssyncadd.s32 @p2 $0xFFFFE000  }
0x96: {  	[spmem:s12] =	stream.linear.scatter @p2 [tilespmem:s16], [sflag:$0x13], $0x2000, $0x38;
	[tilespmem:$0x18340] =	vst v63  }
0x97: {  	_ =	swait.ge @p2 [sflag:s17], $0x2000  }
0x98: {  	s12 =	sld [smem:$0x7FB]  }
0x99: {  	[sflag:s17] =	ssyncset.done @p2 $0x0  }
0x9a: {  	[sflag:s17] =	ssyncadd.s32 @p2 $0xFFFFE000  }
0x9b: {  	[spmem:s12] =	stream.linear.scatter @p2 [tilespmem:s16], [sflag:$0x13], $0x2000, $0x38;
	[tilespmem:$0x18340] =	vst v63  }
0x9c: {  	_ =	swait.ge @p2 [sflag:s17], $0x2000  }
0x9d: {  	s12 =	sld [smem:$0x7FC]  }
0x9e: {  	[sflag:s17] =	ssyncset.done @p2 $0x0  }
0x9f: {  	[sflag:s17] =	ssyncadd.s32 @p2 $0xFFFFE000  }
0xa0: {  	[spmem:s12] =	stream.linear.scatter @p2 [tilespmem:s16], [sflag:$0x13], $0x2000, $0x38;
	[tilespmem:$0x18340] =	vst v63  }
0xa1: {  	_ =	swait.ge @p2 [sflag:s17], $0x2000  }
0xa2: {  	s12 =	sld [smem:$0x7FD]  }
0xa3: {  	[sflag:s17] =	ssyncset.done @p2 $0x0  }
0xa4: {  	[sflag:s17] =	ssyncadd.s32 @p2 $0xFFFFE000  }
0xa5: {  	[spmem:s12] =	stream.linear.scatter @p2 [tilespmem:s16], [sflag:$0x13], $0x200, $0x38;
	[tilespmem:$0x18340] =	vst v63  }
0xa6: {  	_ =	swait.ge @p2 [sflag:s17], $0x200  }
0xa7: {  	[sflag:s17] =	ssyncset.done @p2 $0x0  }
0xa8: {  	[sflag:s17] =	ssyncadd.s32 @p2 $0xFFFFFE00  }
.LBB2_8:
0xa9: {  	[bflag:$0x0] =	sbarrier.arrive $0xFFFF  }
0xaa: {  	s16 =	simm.s32 $0x0;
	s12 =	rddreg [dreg:$0x6]  }
0xab: {  	[tilespmem:s16], [sflag:$0x1] =	stream.linear.gather [hbm4b:s12+s16], $0x80, $0x38;
	[tilespmem:$0x18340] =	vst v63  }
0xac: {  	s17 =	simm.s32 $0x300;
	s29 =	rddreg [dreg:$0x7]  }
0xad: {  	[tilespmem:s17], [sflag:$0x1] =	stream.linear.gather [hbm4b:s29+s16], $0x80, $0x38;
	[tilespmem:$0x18340] =	vst v63  }
0xae: {  	s0 =	rddreg [dreg:$0x8]  }
0xaf: {  	[tilespmem:s5], [sflag:$0x2] =	stream.linear.gather [hbm4b:s0+s16], $0x80, $0x38;
	[tilespmem:$0x18340] =	vst v63  }
0xb0: {  	s10 =	simm.s32 $0x380;
	s7 =	rddreg [dreg:$0x9]  }
0xb1: {  	[tilespmem:s10], [sflag:$0x2] =	stream.linear.gather [hbm4b:s7+s16], $0x80, $0x38;
	[tilespmem:$0x18340] =	vst v63  }
0xb2: {  	s18 =	rddreg [dreg:$0x11];
	s17 =	simm.s32 $0x100  }
0xb3: {  	[tilespmem:s17], [sflag:$0x3] =	stream.linear.gather [hbm4b:s18+s16], $0x80, $0x38;
	[tilespmem:$0x18340] =	vst v63  }
0xb4: {  	s29 =	rddreg [dreg:$0x12];
	s18 =	simm.s32 $0x400  }
0xb5: {  	[tilespmem:s18], [sflag:$0x3] =	stream.linear.gather [hbm4b:s29+s16], $0x80, $0x38;
	[tilespmem:$0x18340] =	vst v63  }
0xb6: {  	s0 =	rddreg [dreg:$0x13]  }
0xb7: {  	[tilespmem:s19], [sflag:$0x4] =	stream.linear.gather [hbm4b:s0+s16], $0x80, $0x38;
	[tilespmem:$0x18340] =	vst v63  }
0xb8: {  	s7 =	rddreg [dreg:$0x14];
	s10 =	simm.s32 $0x1  }
0xb9: {  	[tilespmem:s20], [sflag:$0x4] =	stream.linear.gather [hbm4b:s7+s16], $0x80, $0x38;
	[tilespmem:$0x18340] =	vst v63  }
0xba: {  	_ =	swait.ge [sflag:s10], $0x80  }
0xbb: {  	[sflag:s10] =	ssyncset.done $0x0  }
0xbc: {  	[sflag:s10] =	ssyncadd.s32 $0xFFFFFF80  }
0xbd: {  	_ =	swait.ge [sflag:s10], $0x80  }
0xbe: {  	[sflag:s10] =	ssyncset.done $0x0  }
0xbf: {  	s18 =	simm.s32 $0x700;
	s20 =	simm.s32 $0x2;
	[sflag:s10] =	ssyncadd.s32 $0xFFFFFF80  }
0xc0: {  	[tilespmem:s18], [sflag:$0x7] =	stream.indirect.gather [hbm4b:s4+s5], $0x40, s16, s5, $0xb8;
	[tilespmem:$0x18340] =	vst v63  }
0xc1: {  	_ =	swait.ge [sflag:s20], $0x80  }
0xc2: {  	[sflag:s20] =	ssyncset.done $0x0  }
0xc3: {  	[sflag:s20] =	ssyncadd.s32 $0xFFFFFF80  }
0xc4: {  	_ =	swait.ge [sflag:s20], $0x80  }
0xc5: {  	[sflag:s20] =	ssyncset.done $0x0  }
0xc6: {  	s29 =	simm.s32 $0x2700;
	[sflag:s20] =	ssyncadd.s32 $0xFFFFFF80  }
0xc7: {  	[tilespmem:s29], [sflag:$0x8] =	stream.indirect.gather [hbm4b:s4+s5], $0x40, s5, s5, $0xb8;
	[tilespmem:$0x18340] =	vst v63  }
0xc8: {  	_ =	swait.ge [sflag:s2], $0x80  }
0xc9: {  	[sflag:s2] =	ssyncset.done $0x0  }
0xca: {  	[sflag:s2] =	ssyncadd.s32 $0xFFFFFF80  }
0xcb: {  	_ =	swait.ge [sflag:s2], $0x80  }
0xcc: {  	s28 =	simm.s32 $0x480;
	[sflag:s2] =	ssyncset.done $0x0  }
0xcd: {  	s7 =	simm.s32 $0x4700;
	s10 =	simm.s32 $0xA700;
	[sflag:s2] =	ssyncadd.s32 $0xFFFFFF80  }
0xce: {  	[tilespmem:s7], [sflag:$0x9] =	stream.indirect.gather [hbm4b:s4+s5], $0x40, s17, s5, $0xb8;
	[tilespmem:$0x18340] =	vst v63  }
.LBB2_9:
0xcf: {  	p2 =	seq.s32 s16, $0x0  }
0xd0: {  	s18 =	simm.s32 @!p2 $0x11  }
0xd1: {  	_ =	swait.ge @!p2 [sflag:s18], $0x2000  }
0xd2: {  	s17 =	sadd.s32 s16, s13;
	[sflag:s18] =	ssyncset.done @!p2 $0x0  }
0xd3: {  	s20 =	simm.s32 $0x200;
	s12 =	sadd.s32 $0x40, s17;
	[sflag:s18] =	ssyncadd.s32 @!p2 $0xFFFFE000  }
0xd4: {  	[tilespmem:s20], [sflag:$0x5] =	stream.linear.gather [hbm4b:s12+s3], $0x80, $0x38;
	[tilespmem:$0x18340] =	vst v63  }
0xd5: {  	s12 =	rddreg [dreg:$0x10]  }
0xd6: {  	s0 =	simm.s32 $0x7;
	s29 =	sadd.s32 s16, s12  }
0xd7: {  	[tilespmem:s30], [sflag:$0x5] =	stream.linear.gather [hbm4b:s29+s3], $0x80, $0x38;
	[tilespmem:$0x18340] =	vst v63  }
0xd8: {  	_ =	swait.ge [sflag:s0], $0x2000  }
0xd9: {  	[sflag:s0] =	ssyncset.done $0x0  }
0xda: {  	[sflag:s0] =	ssyncadd.s32 $0xFFFFE000  }
0xdb: {  	_ =	swait.ge [sflag:s26], $0x80  }
0xdc: {  	[sflag:s26] =	ssyncset.done $0x0  }
0xdd: {  	[sflag:s26] =	ssyncadd.s32 $0xFFFFFF80  }
0xde: {  	_ =	swait.ge [sflag:s26], $0x80  }
0xdf: {  	[sflag:s26] =	ssyncset.done $0x0  }
0xe0: {  	[sflag:s26] =	ssyncadd.s32 $0xFFFFFF80  }
0xe1: {  	[tilespmem:s31], [sflag:$0xA] =	stream.indirect.gather [hbm4b:s4+s5], $0x40, s19, s5, $0xb8;
	[tilespmem:$0x18340] =	vst v63  }
0xe2: {  	s18 =	simm.s32 $0x300;
	s19 =	simm.s32 $0x700  }
0xe3: {  	[spmem:s1] =	stream.indirect.scatter.add.f32 [tilespmem:s19], [sflag:$0xD], $0x40, s18, s5, $0xb8;
	[tilespmem:$0x18340] =	vst v63  }
0xe4: {  	s18 =	simm.s32 @!p2 $0x12  }
0xe5: {  	_ =	swait.ge @!p2 [sflag:s18], $0x2000  }
0xe6: {  	[sflag:s18] =	ssyncset.done @!p2 $0x0  }
0xe7: {  	s29 =	sadd.s32 $0x50, s17;
	s0 =	rddreg [dreg:$0xf];
	[sflag:s18] =	ssyncadd.s32 @!p2 $0xFFFFE000  }
0xe8: {  	[tilespmem:s25], [sflag:$0x6] =	stream.linear.gather [hbm4b:s29+s3], $0x80, $0x38;
	[tilespmem:$0x18340] =	vst v63  }
0xe9: {  	s12 =	sadd.s32 s16, s0;
	s18 =	simm.s32 $0x8  }
0xea: {  	[tilespmem:s22], [sflag:$0x6] =	stream.linear.gather [hbm4b:s12+s3], $0x80, $0x38;
	[tilespmem:$0x18340] =	vst v63  }
0xeb: {  	_ =	swait.ge [sflag:s18], $0x2000  }
0xec: {  	[sflag:s18] =	ssyncset.done $0x0  }
0xed: {  	[sflag:s18] =	ssyncadd.s32 $0xFFFFE000  }
0xee: {  	_ =	swait.ge [sflag:s8], $0x80  }
0xef: {  	[sflag:s8] =	ssyncset.done $0x0  }
0xf0: {  	[sflag:s8] =	ssyncadd.s32 $0xFFFFFF80  }
0xf1: {  	_ =	swait.ge [sflag:s8], $0x80  }
0xf2: {  	[sflag:s8] =	ssyncset.done $0x0  }
0xf3: {  	s19 =	simm.s32 $0x380;
	[sflag:s8] =	ssyncadd.s32 $0xFFFFFF80  }
0xf4: {  	[tilespmem:s23], [sflag:$0xB] =	stream.indirect.gather [hbm4b:s4+s5], $0x40, s20, s5, $0xb8;
	[tilespmem:$0x18340] =	vst v63  }
0xf5: {  	p2 =	seq.s32 s16, $0x960;
	s22 =	simm.s32 $0xD;
	s20 =	simm.s32 $0x2700  }
0xf6: {  	[spmem:s1] =	stream.indirect.scatter.add.f32 [tilespmem:s20], [sflag:$0xE], $0x40, s19, s5, $0xb8;
	[tilespmem:$0x18340] =	vst v63  }
0xf7: {  	s18 =	sadd.s32 @!p2 s16, s13;
	_ =	swait.ge [sflag:s22], $0x2000  }
0xf8: {  	s18 =	sadd.s32 @!p2 $0x60, s18;
	[sflag:s22] =	ssyncset.done $0x0  }
0xf9: {  	s19 =	simm.s32 @!p2 $0x0;
	s12 =	rddreg [dreg:$0xe];
	[sflag:s22] =	ssyncadd.s32 $0xFFFFE000  }
0xfa: {  	[tilespmem:s19], [sflag:$0x1] =	stream.linear.gather @!p2 [hbm4b:s18+s19], $0x80, $0x38;
	[tilespmem:$0x18340] =	vst v63  }
0xfb: {  	s29 =	simm.s32 @!p2 $0x300;
	s18 =	sadd.s32 @!p2 s16, s12  }
0xfc: {  	[tilespmem:s29], [sflag:$0x1] =	stream.linear.gather @!p2 [hbm4b:s18+s19], $0x80, $0x38;
	[tilespmem:$0x18340] =	vst v63  }
0xfd: {  	_ =	swait.ge [sflag:s6], $0x2000  }
0xfe: {  	[sflag:s6] =	ssyncset.done $0x0  }
0xff: {  	[sflag:s6] =	ssyncadd.s32 $0xFFFFE000  }
0x100: {  	_ =	swait.ge [sflag:s24], $0x80  }
0x101: {  	[sflag:s24] =	ssyncset.done $0x0  }
0x102: {  	[sflag:s24] =	ssyncadd.s32 $0xFFFFFF80  }
0x103: {  	_ =	swait.ge [sflag:s24], $0x80  }
0x104: {  	[sflag:s24] =	ssyncset.done $0x0  }
0x105: {  	[sflag:s24] =	ssyncadd.s32 $0xFFFFFF80  }
0x106: {  	[tilespmem:s10], [sflag:$0xC] =	stream.indirect.gather [hbm4b:s4+s5], $0x40, s25, s5, $0xb8;
	[tilespmem:$0x18340] =	vst v63  }
0x107: {  	s29 =	simm.s32 $0x400  }
0x108: {  	[spmem:s1] =	stream.indirect.scatter.add.f32 [tilespmem:s7], [sflag:$0xF], $0x40, s29, s5, $0xb8;
	[tilespmem:$0x18340] =	vst v63  }
0x109: {  	p3 =	sne.s32 s16, $0x960;
	_ =	swait.ge [sflag:s9], $0x2000  }
0x10a: {  	s12 =	simm.s32 @p3 $0x80;
	s18 =	sadd.s32 @p3 s16, s13;
	[sflag:s9] =	ssyncset.done $0x0  }
0x10b: {  	s19 =	sadd.s32 @p3 $0x70, s18;
	s29 =	simm.s32 @p3 $0x0;
	[sflag:s9] =	ssyncadd.s32 $0xFFFFE000  }
0x10c: {  	[tilespmem:s12], [sflag:$0x2] =	stream.linear.gather @p3 [hbm4b:s19+s29], $0x80, $0x38;
	[tilespmem:$0x18340] =	vst v63  }
0x10d: {  	s19 =	rddreg [dreg:$0xd]  }
0x10e: {  	s20 =	simm.s32 @p3 $0x380;
	s19 =	sadd.s32 @p3 s16, s19  }
0x10f: {  	[tilespmem:s20], [sflag:$0x2] =	stream.linear.gather @p3 [hbm4b:s19+s29], $0x80, $0x38;
	[tilespmem:$0x18340] =	vst v63  }
0x110: {  	s19 =	simm.s32 @p3 $0xA  }
0x111: {  	_ =	swait.ge @p3 [sflag:s19], $0x2000  }
0x112: {  	[sflag:s19] =	ssyncset.done @p3 $0x0  }
0x113: {  	[sflag:s19] =	ssyncadd.s32 @p3 $0xFFFFE000;
	s19 =	simm.s32 @p3 $0x1  }
0x114: {  	_ =	swait.ge @p3 [sflag:s19], $0x80  }
0x115: {  	[sflag:s19] =	ssyncset.done @p3 $0x0  }
0x116: {  	[sflag:s19] =	ssyncadd.s32 @p3 $0xFFFFFF80  }
0x117: {  	_ =	swait.ge @p3 [sflag:s19], $0x80  }
0x118: {  	[sflag:s19] =	ssyncset.done @p3 $0x0  }
0x119: {  	[sflag:s19] =	ssyncadd.s32 @p3 $0xFFFFFF80;
	s19 =	simm.s32 @p3 $0x700  }
0x11a: {  	[tilespmem:s19], [sflag:$0x7] =	stream.indirect.gather @p3 [hbm4b:s4+s12], $0x40, s29, s12, $0xb8;
	[tilespmem:$0x18340] =	vst v63  }
0x11b: {  	s19 =	simm.s32 @!p3 $0xA  }
0x11c: {  	_ =	swait.ge @!p3 [sflag:s19], $0x2000  }
0x11d: {  	[sflag:s19] =	ssyncset.done @!p3 $0x0  }
0x11e: {  	[sflag:s19] =	ssyncadd.s32 @!p3 $0xFFFFE000  }
0x11f: {  	[spmem:s1] =	stream.indirect.scatter.add.f32 [tilespmem:s31], [sflag:$0x10], $0x40, s28, s5, $0xb8;
	[tilespmem:$0x18340] =	vst v63  }
0x120: {  	_ =	swait.ge [sflag:s11], $0x2000  }
0x121: {  	[sflag:s11] =	ssyncset.done $0x0  }
0x122: {  	s18 =	sadd.s32 @p3 $0x80, s18;
	s19 =	simm.s32 @p3 $0x100;
	[sflag:s11] =	ssyncadd.s32 $0xFFFFE000  }
0x123: {  	[tilespmem:s19], [sflag:$0x3] =	stream.linear.gather @p3 [hbm4b:s18+s29], $0x80, $0x38;
	[tilespmem:$0x18340] =	vst v63  }
0x124: {  	s18 =	rddreg [dreg:$0xc]  }
0x125: {  	s19 =	simm.s32 @p3 $0x400;
	s18 =	sadd.s32 @p3 s16, s18  }
0x126: {  	[tilespmem:s19], [sflag:$0x3] =	stream.linear.gather @p3 [hbm4b:s18+s29], $0x80, $0x38;
	[tilespmem:$0x18340] =	vst v63  }
0x127: {  	s18 =	simm.s32 @p3 $0xB  }
0x128: {  	_ =	swait.ge @p3 [sflag:s18], $0x2000  }
0x129: {  	[sflag:s18] =	ssyncset.done @p3 $0x0  }
0x12a: {  	[sflag:s18] =	ssyncadd.s32 @p3 $0xFFFFE000;
	s18 =	simm.s32 @p3 $0x2  }
0x12b: {  	_ =	swait.ge @p3 [sflag:s18], $0x80  }
0x12c: {  	[sflag:s18] =	ssyncset.done @p3 $0x0  }
0x12d: {  	[sflag:s18] =	ssyncadd.s32 @p3 $0xFFFFFF80  }
0x12e: {  	_ =	swait.ge @p3 [sflag:s18], $0x80  }
0x12f: {  	[sflag:s18] =	ssyncset.done @p3 $0x0  }
0x130: {  	[sflag:s18] =	ssyncadd.s32 @p3 $0xFFFFFF80;
	s18 =	simm.s32 @p3 $0x2700  }
0x131: {  	[tilespmem:s18], [sflag:$0x8] =	stream.indirect.gather @p3 [hbm4b:s4+s12], $0x40, s12, s12, $0xb8;
	[tilespmem:$0x18340] =	vst v63  }
0x132: {  	s12 =	simm.s32 @!p3 $0xB  }
0x133: {  	_ =	swait.ge @!p3 [sflag:s12], $0x2000  }
0x134: {  	[sflag:s12] =	ssyncset.done @!p3 $0x0  }
.Ltmp7:
0x135: {  	[sflag:s12] =	ssyncadd.s32 @!p3 $0xFFFFE000;
	(pc) =	sbr.rel @p2 .LBB2_11-.Ltmp7, $4  }
0x136: {  	[spmem:s1] =	stream.indirect.scatter.add.f32 [tilespmem:s23], [sflag:$0x11], $0x40, s30, s5, $0xb8;
	[tilespmem:$0x18340] =	vst v63  }
0x137: {  	s0 =	simm.s32 $0x8;
	_ =	swait.ge [sflag:s14], $0x2000  }
0x138: {  	s22 =	simm.s32 $0x180;
	s10 =	simm.s32 $0xA700;
	[sflag:s14] =	ssyncset.done $0x0  }
0x139: {  	s7 =	simm.s32 $0x4700;
	s18 =	simm.s32 $0x480;
	[sflag:s14] =	ssyncadd.s32 $0xFFFFE000  }
0x13a: {  	s12 =	sadd.s32 $0x90, s17  }
0x13b: {  	[tilespmem:s22], [sflag:$0x4] =	stream.linear.gather [hbm4b:s12+s3], $0x80, $0x38;
	[tilespmem:$0x18340] =	vst v63  }
0x13c: {  	s22 =	rddreg [dreg:$0xb]  }
0x13d: {  	s12 =	sadd.s32 s16, s22  }
0x13e: {  	[tilespmem:s18], [sflag:$0x4] =	stream.linear.gather [hbm4b:s12+s3], $0x80, $0x38;
	[tilespmem:$0x18340] =	vst v63  }
0x13f: {  	_ =	swait.ge [sflag:s15], $0x2000  }
0x140: {  	[sflag:s15] =	ssyncset.done $0x0  }
0x141: {  	[sflag:s15] =	ssyncadd.s32 $0xFFFFE000  }
0x142: {  	_ =	swait.ge [sflag:s2], $0x80  }
0x143: {  	[sflag:s2] =	ssyncset.done $0x0  }
0x144: {  	[sflag:s2] =	ssyncadd.s32 $0xFFFFFF80  }
0x145: {  	_ =	swait.ge [sflag:s2], $0x80  }
0x146: {  	[sflag:s2] =	ssyncset.done $0x0  }
.Ltmp8:
0x147: {  	s29 =	simm.s32 $0x100;
	[sflag:s2] =	ssyncadd.s32 $0xFFFFFF80;
	(pc) =	sbr.rel .LBB2_9-.Ltmp8, $4  }
0x148: {  	[tilespmem:s7], [sflag:$0x9] =	stream.indirect.gather [hbm4b:s4+s5], $0x40, s29, s5, $0xb8;
	[tilespmem:$0x18340] =	vst v63  }
0x149: {  	s19 =	simm.s32 $0x180;
	s28 =	simm.s32 $0x480;
	s16 =	sadd.s32 $0x60, s16  }
0x14a: {  	[spmem:s1] =	stream.indirect.scatter.add.f32 [tilespmem:s10], [sflag:$0x12], $0x40, s21, s5, $0xb8;
	[tilespmem:$0x18340] =	vst v63  }
0x14b: {  	s22 =	simm.s32 $0x580;
	s7 =	simm.s32 $0x4700;
	s10 =	simm.s32 $0xA700  }
.LBB2_11:
0x14c: {  	_ =	swait.ge [sflag:s15], $0x2000  }
0x14d: {  	[sflag:s15] =	ssyncset.done $0x0  }
0x14e: {  	s7 =	simm.s32 $0x11;
	[sflag:s15] =	ssyncadd.s32 $0xFFFFE000  }
0x14f: {  	[spmem:s1] =	stream.indirect.scatter.add.f32 [tilespmem:s10], [sflag:$0x12], $0x40, s21, s5, $0xb8;
	[tilespmem:$0x18340] =	vst v63  }
0x150: {  	_ =	swait.ge [sflag:s7], $0x2000  }
.Ltmp9:
0x151: {  	[sflag:s7] =	ssyncset.done $0x0;
	(pc) =	sbr.rel @!p5 .LBB2_12-.Ltmp9, $4  }
0x152: {  	s29 =	simm.s32 $0x12;
	[sflag:s7] =	ssyncadd.s32 $0xFFFFE000  }
0x153: {  	_ =	swait.ge [sflag:s29], $0x2000  }
0x154: {  	[sflag:s29] =	ssyncset.done $0x0  }
0x155: {  	s22 =	simm.s32 $0x580;
	[sflag:s29] =	ssyncadd.s32 $0xFFFFE000  }
.Ltmp10:
0x156: {  	(pc) =	sbr.rel @p0 .LBB2_15-.Ltmp10, $4  }
.Ltmp11:
0x157: {  	(pc) =	sbr.rel @!p0 .LBB2_14-.Ltmp11, $4  }
0x158: {  	_ = 	snop  }
0x159: {  	[bflag:$0x0] =	sbarrier.arrive $0xFFFF  }
0x15a: {  	s20 =	stileid.u32;
	s7 =	sld [smem:$0x7F7]  }
0x15b: {  	_ = 	snop  }
.LBB2_16:
0x15c: {  	_ =	sfence.sel $0x180000  }
0x15d: {  	[bflag:$0x0] =	sbarrier.arrive $0xFFFF  }
0x15e: {  	_ =	strace $0x9000004D  }
0x15f: {  	[bflag:$0x2] =	sbarrier.arrive $0xFFFF  }
0x160: {  	p0 =	sne.s32 s20, $0x0;
	s0 =	rddreg [dreg:$0x2]  }
0x161: {  	s0 =	sadd.s32 @!p0 $0x100000, s0  }
0x162: {  	[sflag:s0] =	ssyncadd.tile.s32 @!p0 $0x1;
	_ =	shalt  }
.Lfunc_end2:
_tile_overlayer_lowered:
.L_overlay_start_2:
0x163: {  	(tag) =	ssettag $0x2  }
0x164: {  	s0 =	rddreg [dreg:$0x0];
	s2 =	stileid.u32  }
0x165: {  	s1 =	rddreg [dreg:$0x1];
	p0 =	sne.s32 s2, $0x0  }
0x166: {  	s3 =	rddreg [dreg:$0x2];
	[bflag:$0x3] =	sbarrier.arrive $0xFFFF;
	s2 =	simm.s32 @!p0 $0x1C13  }
0x167: {  	[timem:s3], [sflag:s2] =	dma.local @!p0 [hbm:s0], s1  }
0x168: {  	s0 =	simm.s32 @!p0 $0x13  }
0x169: {  	_ =	swait.ge @!p0 [sflag:s0], s1  }
0x16a: {  	s1 =	ssub.s32 @!p0 $0x0, s1;
	[sflag:s0] =	ssyncset.done @!p0 $0x0  }
0x16b: {  	[sflag:s0] =	ssyncadd.s32 @!p0 s1  }
0x16c: {  	[bflag:$0x3] =	sbarrier.arrive $0xFFFF  }
0x16d: {  	_ =	shalt  }

// kernel: kernel.9.cloned.1.call-start
scs
__scs_entry_jumppad:
0x0: {  	(pc) =	sbr.rel $0x88, $3  }
0x1: {  	(tag) =	ssettag $0x0;
	lr =	simm.s32 $0x1  }
0x2: {  	[smem:$0x3F95] =	sst lr;
	_ =	strace $0xD0000000  }
0x3: {  	_ = 	snop  }
0x4: {  	_ = 	snop  }
0x5: {  	_ = 	snop  }
0x6: {  	_ = 	snop  }
0x7: {  	_ = 	snop  }
__scs_overlays_trampoline_lowered:
0x8: {  	[smem:$0x3FA4] =	sst s0  }
0x9: {  	[smem:$0x3FA5] =	sst s1  }
0xa: {  	[smem:$0x3FA6] =	sst s2  }
0xb: {  	[smem:$0x3FA7] =	sst s3  }
0xc: {  	[smem:$0x3FA8] =	sst s4  }
0xd: {  	[smem:$0x3FA9] =	sst s5  }
0xe: {  	[smem:$0x3FAA] =	sst s6  }
0xf: {  	[smem:$0x3FAB] =	sst s7  }
0x10: {  	[smem:$0x3FAC] =	sst s8  }
0x11: {  	[smem:$0x3FAD] =	sst s9;
	s0 =	simm.s32 @!p0 $0x0  }
0x12: {  	s1 =	sld [smem:$0x3F93];
	s0 =	simm.s32 @p0 $0x1  }
0x13: {  	[smem:$0x3FAE] =	sst s0;
	s0 =	simm.s32 @!p1 $0x0  }
0x14: {  	s2 =	sld [smem:$0x3F92];
	s0 =	simm.s32 @p1 $0x1  }
0x15: {  	[smem:$0x3FAF] =	sst s0;
	s0 =	simm.s32 @!p2 $0x0  }
0x16: {  	s3 =	sld [smem:$0x3FDB];
	s0 =	simm.s32 @p2 $0x1  }
0x17: {  	s4 =	simm.s32 $0x1BF5;
	[smem:$0x3FB1] =	sst s0  }
0x18: {  	s0 =	sld [smem:$0x3F94];
	_ =	swait.ge [sflag:s4], $0x0  }
0x19: {  	s7 =	sld [smem:$0x3F95]  }
0x1a: {  	s8 =	sadd.s32 $0xFFFFE003, lr  }
0x1b: {  	s9 =	sadd.s32 $0xFFFFFEF7, lr;
	s5 =	simm.s32 $0xFFFFFFFF;
	p2 =	slt.u32 s8, $0xFFFFF086  }
0x1c: {  	p1 =	slt.u32 s9, $0xF7A;
	s5 =	simm.s32 @!p2 $0x0  }
0x1d: {  	s5 =	simm.s32 @p1 $0x1;
	p0 =	seq.s32 s7, s2  }
0x1e: {  	s7 =	smul.u32 @!p0 $0xF7A, s2;
	p2 =	seq.s32 @!p0 s5, $0x0  }
0x1f: {  	s9 =	smul.u32 $0xF7A, s1;
	s8 =	simm.s32 @!p0 $0x1BF5;
	p2 =	por !p2, p0  }
0x20: {  	[sflag:s8] =	ssyncset.s32 @!p0 $0xFFFFF086;
	s6 =	sadd.s32 @!p0 s3, s7;
	s7 =	simm.s32 @!p0 $0x108  }
0x21: {  	s3 =	sadd.s32 s3, s9;
	s6 =	sadd.s32 @!p0 $0x88, s6;
	s7 =	simm.s32 @p2 $0x1082  }
0x22: {  	[simem:s7], [sflag:s8] =	dma.local @!p0 [hbm:s6], $0xF7A  }
0x23: {  	s9 =	sor.u32 $0xD0000000, s2;
	s6 =	simm.s32 $0x108;
	_ =	swait.ge @!p0 [sflag:s8], $0x0  }
0x24: {  	s3 =	sadd.s32 $0x88, s3;
	s6 =	simm.s32 @!p1 $0x1082;
	[sflag:s4] =	ssyncset.s32 $0xFFFFF086  }
0x25: {  	[simem:s6], [sflag:s4] =	dma.local [hbm:s3], $0xF7A  }
0x26: {  	[smem:$0x3F95] =	sst s1;
	(tag) =	ssettag s2;
	_ =	strace s9  }
0x27: {  	s1 =	sld [smem:$0x3FA5]  }
0x28: {  	s2 =	sld [smem:$0x3FA6]  }
0x29: {  	s4 =	sld [smem:$0x3FA8]  }
0x2a: {  	p0 =	seq.s32 s5, $0x0;
	s5 =	sld [smem:$0x3FA9]  }
0x2b: {  	s6 =	sld [smem:$0x3FAA]  }
0x2c: {  	s7 =	sld [smem:$0x3FAB]  }
0x2d: {  	s3 =	simm.s32 $0x108;
	s8 =	sld [smem:$0x3FAC]  }
0x2e: {  	s3 =	simm.s32 @!p0 $0x1082;
	s9 =	sld [smem:$0x3FAD]  }
0x2f: {  	lr =	sadd.s32 s0, s3;
	s0 =	sld [smem:$0x3FA4]  }
0x30: {  	s3 =	sld [smem:$0x3FA7]  }
0x31: {  	[smem:$0x3FB0] =	sst s10  }
0x32: {  	s10 =	sld [smem:$0x3FAE];
	_ =	sdelay $0x3  }
0x33: {  	p0 =	seq.s32 s10, $0x1;
	s10 =	sld [smem:$0x3FB0];
	_ =	sdelay $0x3  }
0x34: {  	[smem:$0x3FB0] =	sst s10  }
0x35: {  	s10 =	sld [smem:$0x3FAF];
	_ =	sdelay $0x3  }
0x36: {  	p1 =	seq.s32 s10, $0x1;
	s10 =	sld [smem:$0x3FB0];
	_ =	sdelay $0x3  }
0x37: {  	[smem:$0x3FB0] =	sst s10  }
0x38: {  	s10 =	sld [smem:$0x3FB1]  }
0x39: {  	_ = 	snop;
	(pc) =	sbr.ind lr, $3  }
0x3a: {  	_ = 	snop  }
0x3b: {  	_ = 	snop  }
0x3c: {  	p2 =	seq.s32 s10, $0x1;
	s10 =	sld [smem:$0x3FB0]  }
0x3d: {  	_ =	shalt  }
0x3e: {  	_ =	shalt  }
0x3f: {  	_ =	shalt  }
0x40: {  	_ =	shalt  }
0x41: {  	_ =	shalt  }
0x42: {  	_ =	shalt  }
0x43: {  	_ =	shalt  }
0x44: {  	_ =	shalt  }
0x45: {  	_ =	shalt  }
0x46: {  	_ =	shalt  }
0x47: {  	_ =	shalt  }
0x48: {  	_ =	shalt  }
0x49: {  	_ =	shalt  }
0x4a: {  	_ =	shalt  }
0x4b: {  	_ =	shalt  }
0x4c: {  	_ =	shalt  }
0x4d: {  	_ =	shalt  }
0x4e: {  	_ =	shalt  }
0x4f: {  	_ =	shalt  }
0x50: {  	_ =	shalt  }
0x51: {  	_ =	shalt  }
0x52: {  	_ =	shalt  }
0x53: {  	_ =	shalt  }
0x54: {  	_ =	shalt  }
0x55: {  	_ =	shalt  }
0x56: {  	_ =	shalt  }
0x57: {  	_ =	shalt  }
0x58: {  	_ =	shalt  }
0x59: {  	_ =	shalt  }
0x5a: {  	_ =	shalt  }
0x5b: {  	_ =	shalt  }
0x5c: {  	_ =	shalt  }
0x5d: {  	_ =	shalt  }
0x5e: {  	_ =	shalt  }
0x5f: {  	_ =	shalt  }
0x60: {  	_ =	shalt  }
0x61: {  	_ =	shalt  }
0x62: {  	_ =	shalt  }
0x63: {  	_ =	shalt  }
0x64: {  	_ =	shalt  }
0x65: {  	_ =	shalt  }
0x66: {  	_ =	shalt  }
0x67: {  	_ =	shalt  }
0x68: {  	_ =	shalt  }
0x69: {  	_ =	shalt  }
0x6a: {  	_ =	shalt  }
0x6b: {  	_ =	shalt  }
0x6c: {  	_ =	shalt  }
0x6d: {  	_ =	shalt  }
0x6e: {  	_ =	shalt  }
0x6f: {  	_ =	shalt  }
0x70: {  	_ =	shalt  }
0x71: {  	_ =	shalt  }
0x72: {  	_ =	shalt  }
0x73: {  	_ =	shalt  }
0x74: {  	_ =	shalt  }
0x75: {  	_ =	shalt  }
0x76: {  	_ =	shalt  }
0x77: {  	_ =	shalt  }
0x78: {  	_ =	shalt  }
0x79: {  	_ =	shalt  }
0x7a: {  	_ =	shalt  }
0x7b: {  	_ =	shalt  }
0x7c: {  	_ =	shalt  }
0x7d: {  	_ =	shalt  }
0x7e: {  	_ =	shalt  }
0x7f: {  	_ =	shalt  }
0x80: {  	_ =	shalt  }
0x81: {  	_ =	shalt  }
0x82: {  	_ =	shalt  }
0x83: {  	_ =	shalt  }
0x84: {  	_ =	shalt  }
0x85: {  	_ =	shalt  }
0x86: {  	_ =	shalt  }
0x87: {  	_ =	shalt  }
.Lfunc_end0:
.L_simem_size_0:
called_computation_lowered:
.L_overlay_start_0:
0x88: {  	s2 =	sld [smem:$0x3FD9]  }
0x89: {  	s3 =	sld [smem:$0x3FFE];
	_ =	sdelay $0x1  }
0x8a: {  	s1 =	srdreg.scid  }
0x8b: {  	s0 =	sand.u32 $0x1, s1  }
0x8c: {  	s16 =	sshll.u32 s0, $0xA;
	s2 =	sadd.s32 s3, s2  }
0x8d: {  	s2 =	sadd.s32 s2, s16  }
0x8e: {  	[smem:$0x3FBC] =	sst s2  }
0x8f: {  	_ = 	snop  }
0x90: {  	(tm) =	ssettm $0x1  }
0x91: {  	s17 =	sld [smem:$0x3FFB];
	_ =	sdelay $0x3  }
0x92: {  	_ =	strace s17  }
0x93: {  	s2 =	sld [smem:$0x3FFC];
	_ =	sdelay $0x3  }
0x94: {  	_ =	strace s2  }
0x95: {  	s2 =	sld [smem:$0x3FFD];
	_ =	sdelay $0x3  }
0x96: {  	_ =	strace s2  }
0x97: {  	_ =	strace $0x8FFFFFFF  }
0x98: {  	s18 =	sld [smem:$0x3FDB];
	_ =	sdelay $0x1  }
0x99: {  	s19 =	simm.s32 $_scs_section_size  }
0x9a: {  	s4 =	simm.s32 $_size__tile_overlayer_lowered;
	s5 =	simm.s32 $_tile_overlayer_lowered  }
0x9b: {  	s22 =	simm.s32 $0x1BFF;
	s21 =	sshll.u32 s5, $0x1;
	s2 =	sadd.s32 s19, s18  }
0x9c: {  	s6 =	simm.s32 $0x0;
	s20 =	sshll.u32 s4, $0x1;
	s4 =	sadd.s32 s21, s2  }
0x9d: {  	[timem:s6], [sflag:s22] =	dma.local [hbm:s4], s20  }
0x9e: {  	_ =	swait.ge [sflag:s22], s20  }
0x9f: {  	s3 =	ssub.s32 $0x0, s20;
	[sflag:s22] =	ssyncset.done $0x0  }
0xa0: {  	[sflag:s22] =	ssyncadd.s32 s3;
	_ =	sdelay $0x1  }
0xa1: {  	s23 =	simm.s32 $0x1B8B  }
0xa2: {  	_ =	swait.ge [sflag:s23], $0x1  }
0xa3: {  	[sflag:s23] =	ssyncset.done $0x0  }
0xa4: {  	s25 =	simm.s32 $0x1B8E;
	s24 =	sld [smem:$0x3FFE];
	[sflag:s23] =	ssyncadd.s32 $0xFFFFFFFF  }
0xa5: {  	s26 =	simm.s32 $execute0_lowered;
	[smem:$0x3FD2] =	sst s25  }
0xa6: {  	s4 =	sshll.u32 s26, $0x1;
	_ =	strace $0x80000046;
	[dreg:$0x1] =	wrdreg $0xFFFFFFFF  }
0xa7: {  	s28 =	simm.s32 $_size_execute0_lowered;
	s2 =	sadd.s32 s2, s4;
	[dreg:$0x0] =	wrdreg $0x0  }
0xa8: {  	s4 =	sshll.u32 s28, $0x1;
	[dreg:$0x2] =	wrdreg s2  }
0xa9: {  	[dreg:$0x3] =	wrdreg s4  }
0xaa: {  	[dreg:$0x4] =	wrdreg $0xC0  }
0xab: {  	_ =	task [dreg:s6], $0x5FFFF  }
0xac: {  	[dreg:$0x1] =	wrdreg $0xFFFFFFFF  }
0xad: {  	[dreg:$0x0] =	wrdreg $0x60  }
0xae: {  	[dreg:$0x2] =	wrdreg s24  }
0xaf: {  	[dreg:$0x3] =	wrdreg $0x9  }
0xb0: {  	_ =	task.clear_ibuf [dreg:s6], $0x4FFFF;
	_ =	strace $0x90000046  }
0xb1: {  	s29 =	simm.s32 $0x9;
	_ =	strace $0x80000048  }
0xb2: {  	_ =	swait.ge [sflag:s29], $0x1  }
0xb3: {  	[sflag:s29] =	ssyncadd.s32 $0xFFFFFFFF  }
0xb4: {  	_ =	strace $0x90000048  }
0xb5: {  	_ =	sfence  }
0xb6: {  	s30 =	sld [smem:$0x0];
	_ =	sdelay $0x2  }
0xb7: {  	s31 =	sshll.u32 s1, $0xD;
	s1 =	sshrl.u32 s1, $0x2  }
0xb8: {  	s3 =	sand.u32 $0x4000, s31;
	s1 =	sadd.s32 s1, s30  }
0xb9: {  	s0 =	sor.u32 s3, s0;
	s1 =	sshll.u32 s1, $0x11  }
0xba: {  	s0 =	sor.u32 s1, s0  }
0xbb: {  	s0 =	sadd.s32 $0x8F2B, s0  }
0xbc: {  	[sflag:s0] =	ssyncadd.remote.s32 $0x1  }
0xbd: {  	_ =	sfence.sel $0xFFFF  }
0xbe: {  	[dreg:$0x0] =	wrdreg $0xFFFFFFFF;
	(pc) =	sbr.abs _section_cstart, $3  }
0xbf: {  	[dreg:$0x1] =	wrdreg $0xFFFFFFFF  }
0xc0: {  	_ =	task.clear_ibuf [dreg:s6], $0x2FFFF;
	_ =	strace $0x9FFFFFFF  }
0xc1: {  	(tm) =	ssettm $0x7FFFFFFF  }
tec
execute0_lowered:
.L_overlay_start_1:
0x0: {  	(tag) =	ssettag $0x1  }
0x1: {  	s0 =	srdreg.scid  }
0x2: {  	s4 =	rddreg [dreg:$0x0];
	s2 =	simm.s32 $0x0;
	s3 =	sand.u32 $0x1, s0  }
0x3: {  	s8 =	simm.s32 $0x2;
	s0 =	stileid.u32;
	s1 =	sshll.u32 s3, $0x4  }
0x4: {  	s9 =	simm.s32 $0x0;
	[smem:$0x7FF] =	sst s2;
	s5 =	sor.u32 s0, s1  }
0x5: {  	s3 =	ssub.s32 $0x2, s3;
	s1 =	rddreg [dreg:$0x1];
	s6 =	smul.u32 $0x4E20, s5  }
0x6: {  	_ =	strace $0x80000047;
	s7 =	sshrl.u32 s3, $0x1;
	s5 =	smul.u32 $0x4E2, s5  }
0x7: {  	s31 =	ssub.s32 s3, s7;
	s7 =	simm.s32 $0x4E20;
	s6 =	sshrl.u32 s6, $0x3  }
0x8: {  	s6 =	sadd.s32 s4, s6;
	s4 =	sadd.s32 s5, s4;
	s5 =	smax.u32 s31, $0x1  }
0x9: {  	v0 =	vimm.f32 $0.0e+00;
	v1 =	vimm.f32 $1.000000000e+00;
	s3 =	sadd.s32 $0x16280, s6;
	s4 =	sadd.s32 $0x29C00, s4;
	s6 =	simm.s32 $0x1  }
.LBB2_1:
0xa: {  	[tilespmem:s2], [sflag:$0x1] =	stream.linear.gather [hbm4b:s3+s2], $0x4E20, $0x38;
	[tilespmem:$0x7530] =	vst v63  }
0xb: {  	s10 =	simm.s32 $0x40;
	s11 =	simm.s32 $0x0  }
.LBB2_2:
0xc: {  	p0 =	sne.s32 s10, $0x9C00;
	[tilespmem:s11+$0x4E20] =	vst v0;
	s11 =	smov.u32 s10;
	s10 =	sadd.s32 $0x40, s10  }
.Ltmp0:
0xd: {  	(pc) =	sbr.rel @p0 .LBB2_2-.Ltmp0, $2  }
0xe: {  	_ =	sdelay $0x2  }
0xf: {  	s11 =	sshra.s32 s11, $0x2  }
0x10: {  	[tilespmem:s11+$0x4E20] =	vst v0  }
0x11: {  	_ =	swait.ge [sflag:s6], $0x4E20  }
0x12: {  	[sflag:s6] =	ssyncset.done $0x0  }
0x13: {  	s10 =	simm.s32 $0x0;
	[sflag:s6] =	ssyncadd.s32 $0xFFFFB1E0  }
.LBB2_4:
0x14: {  	s11 =	sshra.s32 s10, $0x2  }
0x15: {  	v2 =	vld [tilespmem:s11+$0x0];
	_ =	sdelay $0x7  }
0x16: {  	[tilespmem:v2+s7+$0x0] =	vst.idx.add.f32.msk $0xffff, v1  }
0x17: {  	v2 =	vld [tilespmem:s11+$0x10];
	_ =	sdelay $0x7  }
0x18: {  	[tilespmem:v2+s7+$0x0] =	vst.idx.add.f32.msk $0xffff, v1  }
0x19: {  	v2 =	vld [tilespmem:s11+$0x20];
	_ =	sdelay $0x7  }
0x1a: {  	[tilespmem:v2+s7+$0x0] =	vst.idx.add.f32.msk $0xffff, v1  }
0x1b: {  	v2 =	vld [tilespmem:s11+$0x30];
	_ =	sdelay $0x7  }
0x1c: {  	[tilespmem:v2+s7+$0x0] =	vst.idx.add.f32.msk $0xffff, v1  }
0x1d: {  	v2 =	vld [tilespmem:s11+$0x40];
	_ =	sdelay $0x7  }
0x1e: {  	[tilespmem:v2+s7+$0x0] =	vst.idx.add.f32.msk $0xffff, v1  }
0x1f: {  	v2 =	vld [tilespmem:s11+$0x50];
	_ =	sdelay $0x7  }
0x20: {  	[tilespmem:v2+s7+$0x0] =	vst.idx.add.f32.msk $0xffff, v1  }
0x21: {  	v2 =	vld [tilespmem:s11+$0x60];
	_ =	sdelay $0x7  }
0x22: {  	[tilespmem:v2+s7+$0x0] =	vst.idx.add.f32.msk $0xffff, v1  }
0x23: {  	v2 =	vld [tilespmem:s11+$0x70];
	_ =	sdelay $0x7  }
0x24: {  	[tilespmem:v2+s7+$0x0] =	vst.idx.add.f32.msk $0xffff, v1  }
0x25: {  	v2 =	vld [tilespmem:s11+$0x80];
	_ =	sdelay $0x7  }
0x26: {  	[tilespmem:v2+s7+$0x0] =	vst.idx.add.f32.msk $0xffff, v1  }
0x27: {  	v2 =	vld [tilespmem:s11+$0x90];
	_ =	sdelay $0x2  }
0x28: {  	p0 =	sne.s32 s10, $0x13600  }
.Ltmp1:
0x29: {  	_ = 	snop;
	(pc) =	sbr.rel @p0 .LBB2_4-.Ltmp1, $2  }
0x2a: {  	_ =	sdelay $0x2  }
0x2b: {  	s10 =	sadd.s32 $0x280, s10;
	[tilespmem:v2+s7+$0x0] =	vst.idx.add.f32.msk $0xffff, v1  }
0x2c: {  	s9 =	sadd.s32 $0x1, s9  }
0x2d: {  	p0 =	sne.s32 s9, s5  }
.Ltmp2:
0x2e: {  	_ = 	snop;
	(pc) =	sbr.rel @p0 .LBB2_1-.Ltmp2, $4  }
0x2f: {  	[hbm4b:s4+s2] =	stream.linear.scatter [tilespmem:s7], [sflag:$0x2], $0x2710, $0x38;
	[tilespmem:$0x7530] =	vst v63  }
0x30: {  	_ =	swait.ge [sflag:s8], $0x2710  }
0x31: {  	[sflag:s8] =	ssyncset.done $0x0  }
0x32: {  	[sflag:s8] =	ssyncadd.s32 $0xFFFFD8F0  }
0x33: {  	_ =	sfence.sel $0x180000  }
0x34: {  	[bflag:$0x0] =	sbarrier.arrive $0xFFFF  }
0x35: {  	p0 =	sne.s32 s0, $0x0;
	_ =	strace $0x90000047  }
0x36: {  	s0 =	sadd.s32 @!p0 $0x100000, s1;
	[bflag:$0x2] =	sbarrier.arrive $0xFFFF  }
0x37: {  	[sflag:s0] =	ssyncadd.tile.s32 @!p0 $0x1;
	_ =	shalt  }
.Lfunc_end2:
_tile_overlayer_lowered:
.L_overlay_start_2:
0x38: {  	(tag) =	ssettag $0x2  }
0x39: {  	s0 =	rddreg [dreg:$0x0];
	s2 =	stileid.u32  }
0x3a: {  	s1 =	rddreg [dreg:$0x1];
	p0 =	sne.s32 s2, $0x0  }
0x3b: {  	s3 =	rddreg [dreg:$0x2];
	[bflag:$0x3] =	sbarrier.arrive $0xFFFF;
	s2 =	simm.s32 @!p0 $0x1C02  }
0x3c: {  	[timem:s3], [sflag:s2] =	dma.local @!p0 [hbm:s0], s1  }
0x3d: {  	s0 =	simm.s32 @!p0 $0x2  }
0x3e: {  	_ =	swait.ge @!p0 [sflag:s0], s1  }
0x3f: {  	s1 =	ssub.s32 @!p0 $0x0, s1;
	[sflag:s0] =	ssyncset.done @!p0 $0x0  }
0x40: {  	[sflag:s0] =	ssyncadd.s32 @!p0 s1  }
0x41: {  	[bflag:$0x3] =	sbarrier.arrive $0xFFFF  }
0x42: {  	_ =	shalt  }

</sc_bundles>
